<compile_context>
chip_gen: v7x
topology: tpu7x:2x2x1
jax: 0.10.2.dev20260603
libtpu: 0.0.44.dev20260713+nightly
codegen_flags: <defaults>
</compile_context>

<pallas_src>
import functools

import jax
import jax.numpy as jnp
from jax import lax
from jax.experimental import pallas as pl
from jax.experimental.pallas import tpu as pltpu
from jax.experimental.pallas import tpu_sc as plsc

N_NODES = 50000
N_EDGES = 1600000
IN_FEATS = 1433
HID = 16
OUT = 7

LANES = 16
N_CORES = 2
N_SUBCORES = 16
N_TILES = N_CORES * N_SUBCORES
GRAN = 128
N_GRAN = N_EDGES // GRAN
CHUNK = 10
N_CHUNKS = N_GRAN // CHUNK
CHUNK_ITERS = -(-N_CHUNKS // N_TILES)
N_PAD = 50048
ROWS_PER_SUB = N_PAD // N_SUBCORES
ZROWS = 136
PK_ROWS = N_PAD * HID // 128
DG_ROWS = N_TILES * N_PAD // 128
NB = N_PAD // 128

_vector_mesh = plsc.VectorSubcoreMesh(core_axis_name="c", subcore_axis_name="s")

_sc_params = pltpu.CompilerParams(
    needs_layout_passes=False,
    use_tc_tiling_on_sc=False,
)


def _sc_degrees(e3d):

    @functools.partial(
        pl.kernel,
        out_type=(jax.ShapeDtypeStruct((N_TILES, N_PAD), jnp.float32),
                  jax.ShapeDtypeStruct((N_TILES, N_PAD), jnp.float32)),
        mesh=_vector_mesh,
        scratch_types=[
            pltpu.VMEM((N_PAD,), jnp.float32),
            pltpu.VMEM((N_PAD,), jnp.float32),
            pltpu.VMEM((2, CHUNK, 2, GRAN), jnp.int32),
            pltpu.SemaphoreType.DMA((2,)),
        ],
        compiler_params=_sc_params,
    )
    def deg_kernel(e_hbm, out0_hbm, out1_hbm, acc0, acc1, ebuf, isem):
        cidx = lax.axis_index("c")
        sidx = lax.axis_index("s")
        wid = sidx * N_CORES + cidx

        zeros = jnp.zeros((LANES,), jnp.float32)
        ones = jnp.ones((LANES,), jnp.float32)

        @pl.loop(0, N_PAD // LANES)
        def _(i):
            acc0[pl.ds(i * LANES, LANES)] = zeros
            acc1[pl.ds(i * LANES, LANES)] = zeros

        def issue_idx(it, slot):
            c = wid + it * N_TILES

            @pl.when(c < N_CHUNKS)
            def _():
                pltpu.async_copy(e_hbm.at[pl.ds(c * CHUNK, CHUNK)],
                                 ebuf.at[slot], isem.at[slot])

        def drain_idx(it, slot):
            c = wid + it * N_TILES

            @pl.when(c < N_CHUNKS)
            def _():
                pltpu.make_async_copy(e_hbm.at[pl.ds(0, CHUNK)],
                                      ebuf.at[slot], isem.at[slot]).wait()

        def process(it, slot):
            c = wid + it * N_TILES

            @pl.when(c < N_CHUNKS)
            def _():
                @pl.loop(0, CHUNK)
                def _(j):
                    for k in range(GRAN // LANES):
                        i16s = ebuf[slot, j, 0, pl.ds(k * LANES, LANES)]
                        plsc.addupdate_scatter(acc0, [i16s], ones)
                        i16d = ebuf[slot, j, 1, pl.ds(k * LANES, LANES)]
                        plsc.addupdate_scatter(acc1, [i16d], ones)

        issue_idx(0, 0)

        @pl.loop(0, CHUNK_ITERS // 2)
        def _(h):
            it = h * 2
            drain_idx(it, 0)
            issue_idx(it + 1, 1)
            process(it, 0)
            drain_idx(it + 1, 1)
            issue_idx(it + 2, 0)
            process(it + 1, 1)

        pltpu.sync_copy(acc0, out0_hbm.at[wid])
        pltpu.sync_copy(acc1, out1_hbm.at[wid])

    return deg_kernel(e3d)


def _sc_propagate(h, e3d):

    @functools.partial(
        pl.kernel,
        out_type=jax.ShapeDtypeStruct((N_CORES, N_PAD, HID), jnp.float32),
        mesh=_vector_mesh,
        scratch_types=[
            pltpu.VMEM_SHARED((N_PAD, HID), jnp.float32),
            pltpu.VMEM((2, CHUNK, 2, GRAN), jnp.int32),
            pltpu.VMEM((2, CHUNK * GRAN, HID), jnp.float32),
            pltpu.VMEM((ZROWS, HID), jnp.float32),
            pltpu.SemaphoreType.DMA((2,)),
            pltpu.SemaphoreType.DMA((2,)),
            pltpu.SemaphoreType.DMA((2,)),
        ],
        compiler_params=_sc_params,
    )
    def prop_kernel(h_hbm, e_hbm, out_hbm, acc, ebuf, msgs, zbuf,
                    isem, gsem, ssem):
        cidx = lax.axis_index("c")
        sidx = lax.axis_index("s")
        wid = sidx * N_CORES + cidx

        zeros = jnp.zeros((LANES,), jnp.float32)

        @pl.loop(0, ZROWS)
        def _(i):
            zbuf[i, :] = zeros

        @pl.loop(0, ROWS_PER_SUB // ZROWS)
        def _(t):
            pltpu.sync_copy(zbuf, acc.at[pl.ds(sidx * ROWS_PER_SUB + t * ZROWS, ZROWS)])

        plsc.subcore_barrier()

        def issue_idx(it, slot):
            c = wid + it * N_TILES

            @pl.when(c < N_CHUNKS)
            def _():
                pltpu.async_copy(e_hbm.at[pl.ds(c * CHUNK, CHUNK)],
                                 ebuf.at[slot], isem.at[slot])

        def body(it, slot):
            c = wid + it * N_TILES
            cp = wid + (it - 1) * N_TILES

            @pl.when(c < N_CHUNKS)
            def _():
                pltpu.make_async_copy(e_hbm.at[pl.ds(0, CHUNK)],
                                      ebuf.at[slot], isem.at[slot]).wait()
                for j in range(CHUNK):
                    pltpu.async_copy(h_hbm.at[ebuf.at[slot, j, 0]],
                                     msgs.at[slot, pl.ds(j * GRAN, GRAN)],
                                     gsem.at[slot])

            @pl.when((it >= 1) & (cp < N_CHUNKS))
            def _():
                pltpu.make_async_copy(h_hbm.at[pl.ds(0, CHUNK * GRAN)],
                                      msgs.at[slot ^ 1],
                                      ssem.at[slot ^ 1]).wait()

            issue_idx(it + 1, slot ^ 1)

            @pl.when(c < N_CHUNKS)
            def _():
                pltpu.make_async_copy(h_hbm.at[pl.ds(0, CHUNK * GRAN)],
                                      msgs.at[slot], gsem.at[slot]).wait()
                for j in range(CHUNK):
                    pltpu.async_copy(msgs.at[slot, pl.ds(j * GRAN, GRAN)],
                                     acc.at[ebuf.at[slot, j, 1]],
                                     ssem.at[slot], add=True)

        issue_idx(0, 0)

        @pl.loop(0, CHUNK_ITERS // 2)
        def _(h2):
            it = h2 * 2
            body(it, 0)
            body(it + 1, 1)

        clast = wid + (CHUNK_ITERS - 1) * N_TILES

        @pl.when(clast < N_CHUNKS)
        def _():
            pltpu.make_async_copy(h_hbm.at[pl.ds(0, CHUNK * GRAN)],
                                  msgs.at[(CHUNK_ITERS - 1) % 2],
                                  ssem.at[(CHUNK_ITERS - 1) % 2]).wait()

        plsc.subcore_barrier()
        pltpu.sync_copy(
            acc.at[pl.ds(sidx * ROWS_PER_SUB, ROWS_PER_SUB)],
            out_hbm.at[cidx, pl.ds(sidx * ROWS_PER_SUB, ROWS_PER_SUB)],
        )

    return prop_kernel(h, e3d)


def _tc_norms(d0, d1, kexp):

    def expand(n, k):
        e = lax.dot_general(n, k, (((1,), (0,)), ((), ())),
                            preferred_element_type=jnp.float32)
        return e.reshape(NB, LANES, 128).reshape(PK_ROWS, 128)

    def body(d0_ref, d1_ref, k_ref, ne0_ref, ne1_ref):
        s0 = jnp.sum(d0_ref[...].reshape(N_TILES, NB, 128), axis=0)
        s1 = jnp.sum(d1_ref[...].reshape(N_TILES, NB, 128), axis=0)
        k = k_ref[...]
        ne0_ref[...] = expand(lax.rsqrt(jnp.maximum(s0, 1.0)), k)
        ne1_ref[...] = expand(lax.rsqrt(jnp.maximum(s1, 1.0)), k)

    return pl.pallas_call(
        body,
        out_shape=(jax.ShapeDtypeStruct((PK_ROWS, 128), jnp.float32),
                   jax.ShapeDtypeStruct((PK_ROWS, 128), jnp.float32)),
    )(d0, d1, kexp)


def _tc_matmul1(xt, w1):
    cb = 2048
    grid = -(-N_NODES // cb)

    def body(xt_ref, w_ref, o_ref):
        xb = xt_ref[...].astype(jnp.bfloat16)
        wb = w_ref[...].astype(jnp.bfloat16)
        prod = lax.dot_general(xb, wb, (((0,), (0,)), ((), ())),
                               preferred_element_type=jnp.float32)
        pr = prod.reshape(cb // 8, 8, HID)
        o_ref[...] = jnp.concatenate([pr[:, m, :] for m in range(8)], axis=1)

    return pl.pallas_call(
        body,
        grid=(grid,),
        in_specs=[
            pl.BlockSpec((IN_FEATS, cb), lambda i: (0, i)),
            pl.BlockSpec((IN_FEATS, HID), lambda i: (0, 0)),
        ],
        out_specs=pl.BlockSpec((cb // 8, 128), lambda i: (i, 0)),
        out_shape=jax.ShapeDtypeStruct((PK_ROWS, 128), jnp.float32),
    )(xt, w1)


def _tc_scale(xwp, ne0):

    def body(xw_ref, n_ref, o_ref):
        o_ref[...] = xw_ref[...] * n_ref[...]

    return pl.pallas_call(
        body,
        out_shape=jax.ShapeDtypeStruct((PK_ROWS, 128), jnp.float32),
    )(xwp, ne0)


def _tc_mid(p, ne0, ne1, b1e):

    def body(p_ref, n0_ref, n1_ref, b_ref, o_ref):
        pv = p_ref[...].reshape(2, PK_ROWS, 128)
        agg = (pv[0] + pv[1]) * n1_ref[...] + b_ref[...]
        o_ref[...] = jnp.maximum(agg, 0.0) * n0_ref[...]

    return pl.pallas_call(
        body,
        out_shape=jax.ShapeDtypeStruct((PK_ROWS, 128), jnp.float32),
    )(p, ne0, ne1, b1e)


def _tc_final(p, ne1, w2, b2):
    rb = 368
    grid = PK_ROWS // rb

    def body(p0_ref, p1_ref, n_ref, w_ref, b_ref, o_ref):
        agg = (p0_ref[...] + p1_ref[...]) * n_ref[...]
        un = jnp.stack([agg[:, m * HID:(m + 1) * HID] for m in range(8)],
                       axis=1).reshape(8 * rb, HID)
        res = lax.dot_general(w_ref[...], un, (((0,), (1,)), ((), ())),
                              preferred_element_type=jnp.float32)
        o_ref[...] = res + b_ref[...].reshape(OUT, 1)

    return pl.pallas_call(
        body,
        grid=(grid,),
        in_specs=[
            pl.BlockSpec((rb, 128), lambda i: (i, 0)),
            pl.BlockSpec((rb, 128), lambda i: (i + PK_ROWS // rb, 0)),
            pl.BlockSpec((rb, 128), lambda i: (i, 0)),
            pl.BlockSpec((HID, OUT), lambda i: (0, 0)),
            pl.BlockSpec((1, OUT), lambda i: (0, 0)),
        ],
        out_specs=pl.BlockSpec((OUT, 8 * rb), lambda i: (0, i)),
        out_shape=jax.ShapeDtypeStruct((OUT, N_NODES), jnp.float32),
    )(p, p, ne1, w2, b2.reshape(1, OUT))


def kernel(features_, edge_index, W1, b1, W2, b2):
    ei = edge_index.astype(jnp.int32)
    e3d = ei.reshape(2, N_GRAN, GRAN).transpose(1, 0, 2)

    b1e = jnp.tile(b1, 8).reshape(1, 128)
    ll = jnp.arange(LANES * 128)[None, :]
    kexp = (jnp.arange(128)[:, None] == 8 * (ll // 128) + (ll % 128) // LANES
            ).astype(jnp.float32)

    deg0, deg1 = _sc_degrees(e3d)
    ne0, ne1 = _tc_norms(deg0.reshape(DG_ROWS, 128),
                         deg1.reshape(DG_ROWS, 128), kexp)
    xw1p = _tc_matmul1(features_.T, W1)
    h1sp = _tc_scale(xw1p, ne0)
    p1 = _sc_propagate(h1sp.reshape(N_PAD, HID), e3d)
    yp = _tc_mid(p1.reshape(DG_ROWS, 128), ne0, ne1, b1e)
    p2 = _sc_propagate(yp.reshape(N_PAD, HID), e3d)
    return _tc_final(p2.reshape(DG_ROWS, 128), ne1, W2, b2).T

# --- scband reference (transcript-rebuilt; emitter-appended) ---
"""Pipeline reference for scband-cnnnet-dglnetwork-18150531793006 (READ-ONLY COPY).

The authoritative reference and input builder live on the scoring server;
editing this copy changes nothing except your own understanding.
"""

import jax, jax.numpy as jnp
import numpy as np

N_NODES = 50000
N_EDGES = 1600000
IN_FEATS = 1433
HID = 16
OUT = 7

def setup_inputs(seed: int = 0) -> dict:
    key = jax.random.key(seed)
    k1, k2, k3, k4, k5, k6 = jax.random.split(key, 6)
    features_ = jax.random.normal(k1, (N_NODES, IN_FEATS), dtype=jnp.float32)
    edge_index = jax.random.randint(k2, (2, N_EDGES), 0, N_NODES, dtype=jnp.int64)
    # Glorot-uniform weights as in DGL GraphConv reset_parameters
    lim1 = float(np.sqrt(6.0 / (IN_FEATS + HID)))
    W1 = jax.random.uniform(k3, (IN_FEATS, HID), minval=-lim1, maxval=lim1, dtype=jnp.float32)
    b1 = jnp.zeros((HID,), dtype=jnp.float32)
    lim2 = float(np.sqrt(6.0 / (HID + OUT)))
    W2 = jax.random.uniform(k4, (HID, OUT), minval=-lim2, maxval=lim2, dtype=jnp.float32)
    b2 = jnp.zeros((OUT,), dtype=jnp.float32)
    return {"features_": features_, "edge_index": edge_index, "W1": W1, "b1": b1, "W2": W2, "b2": b2}

def _graph_conv(x, src, dst, deg_out_norm, deg_in_norm, W, b):
    # DGL GraphConv, norm='both': since in_feats > out_feats it multiplies by W first
    h = x @ W
    h = h * deg_out_norm[:, None]
    msgs = h[src]  # gather over edges
    agg = jax.ops.segment_sum(msgs, dst, num_segments=N_NODES)  # scatter-add
    agg = agg * deg_in_norm[:, None]
    return agg + b

def reference(features_, edge_index, W1, b1, W2, b2):
    src = edge_index[0]
    dst = edge_index[1]
    ones = jnp.ones((src.shape[0],), dtype=jnp.float32)
    deg_out = jax.ops.segment_sum(ones, src, num_segments=N_NODES)
    deg_in = jax.ops.segment_sum(ones, dst, num_segments=N_NODES)
    deg_out_norm = jnp.power(jnp.clip(deg_out, 1.0), -0.5)
    deg_in_norm = jnp.power(jnp.clip(deg_in, 1.0), -0.5)
    h = _graph_conv(features_, src, dst, deg_out_norm, deg_in_norm, W1, b1)
    h = jax.nn.relu(h)
    out = _graph_conv(h, src, dst, deg_out_norm, deg_in_norm, W2, b2)
    return out

if __name__ == "__main__":
    import jax
    _d = setup_inputs()
    print(jax.jit(kernel)(*tuple(_d.values())))

</pallas_src>

<mosaic_0001>
#map = affine_map<(d0, d1) -> (0, 0, 0)>
#map1 = affine_map<(d0, d1) -> (0, 0)>
module attributes {stable_mosaic.version = 14 : i64} {
  func.func @deg_kernel(%arg0: i32, %arg1: i32, %arg2: memref<12500x2x128xi32, #tpu.memory_space<hbm>>, %arg3: memref<32x50048xf32, #tpu.memory_space<hbm>>, %arg4: memref<32x50048xf32, #tpu.memory_space<hbm>>, %arg5: memref<50048xf32, #tpu.memory_space<vmem>>, %arg6: memref<50048xf32, #tpu.memory_space<vmem>>, %arg7: memref<2x10x2x128xi32, #tpu.memory_space<vmem>>, %arg8: memref<2x!tpu.dma_semaphore, #tpu.memory_space<semaphore_mem>>) attributes {dimension_semantics = [#tpu.dimension_semantics<core_parallel>, #tpu.dimension_semantics<subcore_parallel>], iteration_bounds = array<i64: 2, 16>, scalar_prefetch = 0 : i64, scratch_operands = 4 : i64, tpu.core_type = #tpu.core_type<sc_vector_subcore>, window_params = [{transform_indices = #map}, {transform_indices = #map1}, {transform_indices = #map1}]} {
    %mul3A = arith.constant 2 : i32
    %mul3A_0 = arith.muli %arg1, %mul3A : i32
    %add3A = arith.addi %mul3A_0, %arg0 : i32
    %broadcast_in_dim3A = arith.constant 0.000000e+00 : f32
    %broadcast_in_dim3A_1 = vector.broadcast %broadcast_in_dim3A : f32 to vector<16xf32>
    %broadcast_in_dim3A_2 = arith.constant 1.000000e+00 : f32
    %broadcast_in_dim3A_3 = vector.broadcast %broadcast_in_dim3A_2 : f32 to vector<16xf32>
    %scan3A = arith.constant 0 : i32
    %scan3A_4 = arith.constant 3128 : i32
    %scan3A_5 = arith.addi %scan3A, %scan3A_4 : i32
    %scan3A_6 = arith.constant 1 : i32
    scf.for %scan3A_17 = %scan3A to %scan3A_5 step %scan3A_6  : i32 {
      %mul3A_18 = arith.constant 1 : i32
      %mul3A_19 = arith.muli %scan3A_17, %mul3A_18 : i32
      %add3A_20 = arith.constant 0 : i32
      %add3A_21 = arith.addi %add3A_20, %mul3A_19 : i32
      %mul3A_22 = arith.constant 16 : i32
      %mul3A_23 = arith.muli %add3A_21, %mul3A_22 : i32
      %swap3A = arith.index_cast %mul3A_23 : i32 to index
      %swap3A_24 = tpu.vector_load %arg5[%swap3A] {strides = array<i32>} : memref<50048xf32, #tpu.memory_space<vmem>>, vector<16xf32>,
      tpu.vector_store %arg5[%swap3A], %broadcast_in_dim3A_1 {strides = array<i32>} : memref<50048xf32, #tpu.memory_space<vmem>>, vector<16xf32>,
      %mul3A_25 = arith.constant 16 : i32
      %mul3A_26 = arith.muli %add3A_21, %mul3A_25 : i32
      %swap3A_27 = arith.index_cast %mul3A_26 : i32 to index
      %swap3A_28 = tpu.vector_load %arg6[%swap3A_27] {strides = array<i32>} : memref<50048xf32, #tpu.memory_space<vmem>>, vector<16xf32>,
      tpu.vector_store %arg6[%swap3A_27], %broadcast_in_dim3A_1 {strides = array<i32>} : memref<50048xf32, #tpu.memory_space<vmem>>, vector<16xf32>,
    }
    %scan3A_7 = arith.constant 3128 : i32
    %add3A_8 = arith.constant 0 : i32
    %add3A_9 = arith.addi %add3A, %add3A_8 : i32
    %lt3A = arith.constant 1250 : i32
    %lt3A_10 = arith.cmpi slt, %add3A_9, %lt3A : i32
    %convert_element_type3A = arith.extui %lt3A_10 : i1 to i32
    %cond3A = arith.constant 0 : i32
    %cond3A_11 = arith.cmpi ne, %convert_element_type3A, %cond3A : i32
    scf.if %cond3A_11 {
      %mul3A_17 = arith.constant 10 : i32
      %mul3A_18 = arith.muli %add3A_9, %mul3A_17 : i32
      %dma_start3A = arith.constant 0 : i32
      %dma_start3A_19 = arith.constant 0 : i32
      %dma_start3A_20 = arith.constant 0 : i32
      %dma_start3A_21 = arith.constant 0 : i32
      %dma_start3A_22 = arith.constant 0 : i32
      %dma_start3A_23 = tpu.memref_slice %arg7[%dma_start3A, %dma_start3A_20, %dma_start3A_21, %dma_start3A_22] : memref<2x10x2x128xi32, #tpu.memory_space<vmem>> -> memref<1x10x2x128xi32, #tpu.memory_space<vmem>>
      %dma_start3A_24 = tpu.memref_squeeze %dma_start3A_23 : memref<1x10x2x128xi32, #tpu.memory_space<vmem>> -> memref<10x2x128xi32, #tpu.memory_space<vmem>>
      %dma_start3A_25 = arith.constant 0 : i32
      %dma_start3A_26 = arith.constant 0 : i32
      %dma_start3A_27 = tpu.memref_slice %arg2[%mul3A_18, %dma_start3A_25, %dma_start3A_26] : memref<12500x2x128xi32, #tpu.memory_space<hbm>> -> memref<10x2x128xi32, #tpu.memory_space<hbm>>
      %dma_start3A_28 = tpu.memref_slice %arg8[%dma_start3A_19] : memref<2x!tpu.dma_semaphore, #tpu.memory_space<semaphore_mem>> -> memref<1x!tpu.dma_semaphore, #tpu.memory_space<semaphore_mem>>
      %dma_start3A_29 = tpu.memref_squeeze %dma_start3A_28 : memref<1x!tpu.dma_semaphore, #tpu.memory_space<semaphore_mem>> -> memref<!tpu.dma_semaphore, #tpu.memory_space<semaphore_mem>>
      %dma_start3A_30 = arith.constant 0 : i32
      %dma_start3A_31 = arith.constant 0 : i32
      %dma_start3A_32 = arith.constant 0 : i32
      %dma_start3A_33 = tpu.memref_slice %arg7[%dma_start3A, %dma_start3A_30, %dma_start3A_31, %dma_start3A_32] : memref<2x10x2x128xi32, #tpu.memory_space<vmem>> -> memref<1x10x2x128xi32, #tpu.memory_space<vmem>>
      %dma_start3A_34 = tpu.memref_squeeze %dma_start3A_33 : memref<1x10x2x128xi32, #tpu.memory_space<vmem>> -> memref<10x2x128xi32, #tpu.memory_space<vmem>>
      %dma_start3A_35 = arith.constant 0 : i32
      %dma_start3A_36 = arith.constant 0 : i32
      %dma_start3A_37 = tpu.memref_slice %arg2[%mul3A_18, %dma_start3A_35, %dma_start3A_36] : memref<12500x2x128xi32, #tpu.memory_space<hbm>> -> memref<10x2x128xi32, #tpu.memory_space<hbm>>
      tpu.enqueue_dma source(%dma_start3A_37 : memref<10x2x128xi32, #tpu.memory_space<hbm>>) target(%dma_start3A_34 : memref<10x2x128xi32, #tpu.memory_space<vmem>>) target_semaphore(%dma_start3A_29 : memref<!tpu.dma_semaphore, #tpu.memory_space<semaphore_mem>>)
    } else {
    }
    %scan3A_12 = arith.constant 0 : i32
    %scan3A_13 = arith.constant 20 : i32
    %scan3A_14 = arith.addi %scan3A_12, %scan3A_13 : i32
    %scan3A_15 = arith.constant 1 : i32
    scf.for %scan3A_17 = %scan3A_12 to %scan3A_14 step %scan3A_15  : i32 {
      %mul3A_18 = arith.constant 1 : i32
      %mul3A_19 = arith.muli %scan3A_17, %mul3A_18 : i32
      %add3A_20 = arith.constant 0 : i32
      %add3A_21 = arith.addi %add3A_20, %mul3A_19 : i32
      %mul3A_22 = arith.constant 2 : i32
      %mul3A_23 = arith.muli %add3A_21, %mul3A_22 : i32
      %mul3A_24 = arith.constant 32 : i32
      %mul3A_25 = arith.muli %mul3A_23, %mul3A_24 : i32
      %add3A_26 = arith.addi %add3A, %mul3A_25 : i32
      %lt3A_27 = arith.constant 1250 : i32
      %lt3A_28 = arith.cmpi slt, %add3A_26, %lt3A_27 : i32
      %convert_element_type3A_29 = arith.extui %lt3A_28 : i1 to i32
      %cond3A_30 = arith.constant 0 : i32
      %cond3A_31 = arith.cmpi ne, %convert_element_type3A_29, %cond3A_30 : i32
      scf.if %cond3A_31 {
        %dma_wait3A = arith.constant 0 : i32
        %dma_wait3A_80 = arith.constant 0 : i32
        %dma_wait3A_81 = arith.constant 0 : i32
        %dma_wait3A_82 = arith.constant 0 : i32
        %dma_wait3A_83 = arith.constant 0 : i32
        %dma_wait3A_84 = tpu.memref_slice %arg7[%dma_wait3A, %dma_wait3A_81, %dma_wait3A_82, %dma_wait3A_83] : memref<2x10x2x128xi32, #tpu.memory_space<vmem>> -> memref<1x10x2x128xi32, #tpu.memory_space<vmem>>
        %dma_wait3A_85 = tpu.memref_squeeze %dma_wait3A_84 : memref<1x10x2x128xi32, #tpu.memory_space<vmem>> -> memref<10x2x128xi32, #tpu.memory_space<vmem>>
        %dma_wait3A_86 = arith.constant 0 : i32
        %dma_wait3A_87 = arith.constant 0 : i32
        %dma_wait3A_88 = arith.constant 0 : i32
        %dma_wait3A_89 = tpu.memref_slice %arg2[%dma_wait3A_86, %dma_wait3A_87, %dma_wait3A_88] : memref<12500x2x128xi32, #tpu.memory_space<hbm>> -> memref<10x2x128xi32, #tpu.memory_space<hbm>>
        %dma_wait3A_90 = tpu.memref_slice %arg8[%dma_wait3A_80] : memref<2x!tpu.dma_semaphore, #tpu.memory_space<semaphore_mem>> -> memref<1x!tpu.dma_semaphore, #tpu.memory_space<semaphore_mem>>
        %dma_wait3A_91 = tpu.memref_squeeze %dma_wait3A_90 : memref<1x!tpu.dma_semaphore, #tpu.memory_space<semaphore_mem>> -> memref<!tpu.dma_semaphore, #tpu.memory_space<semaphore_mem>>
        %dma_wait3A_92 = arith.constant 0 : i32
        %dma_wait3A_93 = arith.constant 0 : i32
        %dma_wait3A_94 = arith.constant 0 : i32
        %dma_wait3A_95 = tpu.memref_slice %arg7[%dma_wait3A, %dma_wait3A_92, %dma_wait3A_93, %dma_wait3A_94] : memref<2x10x2x128xi32, #tpu.memory_space<vmem>> -> memref<1x10x2x128xi32, #tpu.memory_space<vmem>>
        %dma_wait3A_96 = tpu.memref_squeeze %dma_wait3A_95 : memref<1x10x2x128xi32, #tpu.memory_space<vmem>> -> memref<10x2x128xi32, #tpu.memory_space<vmem>>
        %dma_wait3A_97 = arith.constant 0 : i32
        %dma_wait3A_98 = arith.constant 0 : i32
        %dma_wait3A_99 = arith.constant 0 : i32
        %dma_wait3A_100 = tpu.memref_slice %arg2[%dma_wait3A_97, %dma_wait3A_98, %dma_wait3A_99] : memref<12500x2x128xi32, #tpu.memory_space<hbm>> -> memref<10x2x128xi32, #tpu.memory_space<hbm>>
        tpu.wait_dma2 semaphore(%dma_wait3A_91 : memref<!tpu.dma_semaphore, #tpu.memory_space<semaphore_mem>>) src(%dma_wait3A_100 : memref<10x2x128xi32, #tpu.memory_space<hbm>>) dst(%dma_wait3A_96 : memref<10x2x128xi32, #tpu.memory_space<vmem>>)
      } else {
      }
      %add3A_32 = arith.constant 1 : i32
      %add3A_33 = arith.addi %mul3A_23, %add3A_32 : i32
      %mul3A_34 = arith.constant 32 : i32
      %mul3A_35 = arith.muli %add3A_33, %mul3A_34 : i32
      %add3A_36 = arith.addi %add3A, %mul3A_35 : i32
      %lt3A_37 = arith.constant 1250 : i32
      %lt3A_38 = arith.cmpi slt, %add3A_36, %lt3A_37 : i32
      %convert_element_type3A_39 = arith.extui %lt3A_38 : i1 to i32
      %cond3A_40 = arith.constant 0 : i32
      %cond3A_41 = arith.cmpi ne, %convert_element_type3A_39, %cond3A_40 : i32
      scf.if %cond3A_41 {
        %mul3A_80 = arith.constant 10 : i32
        %mul3A_81 = arith.muli %add3A_36, %mul3A_80 : i32
        %dma_start3A = arith.constant 1 : i32
        %dma_start3A_82 = arith.constant 1 : i32
        %dma_start3A_83 = arith.constant 0 : i32
        %dma_start3A_84 = arith.constant 0 : i32
        %dma_start3A_85 = arith.constant 0 : i32
        %dma_start3A_86 = tpu.memref_slice %arg7[%dma_start3A, %dma_start3A_83, %dma_start3A_84, %dma_start3A_85] : memref<2x10x2x128xi32, #tpu.memory_space<vmem>> -> memref<1x10x2x128xi32, #tpu.memory_space<vmem>>
        %dma_start3A_87 = tpu.memref_squeeze %dma_start3A_86 : memref<1x10x2x128xi32, #tpu.memory_space<vmem>> -> memref<10x2x128xi32, #tpu.memory_space<vmem>>
        %dma_start3A_88 = arith.constant 0 : i32
        %dma_start3A_89 = arith.constant 0 : i32
        %dma_start3A_90 = tpu.memref_slice %arg2[%mul3A_81, %dma_start3A_88, %dma_start3A_89] : memref<12500x2x128xi32, #tpu.memory_space<hbm>> -> memref<10x2x128xi32, #tpu.memory_space<hbm>>
        %dma_start3A_91 = tpu.memref_slice %arg8[%dma_start3A_82] : memref<2x!tpu.dma_semaphore, #tpu.memory_space<semaphore_mem>> -> memref<1x!tpu.dma_semaphore, #tpu.memory_space<semaphore_mem>>
        %dma_start3A_92 = tpu.memref_squeeze %dma_start3A_91 : memref<1x!tpu.dma_semaphore, #tpu.memory_space<semaphore_mem>> -> memref<!tpu.dma_semaphore, #tpu.memory_space<semaphore_mem>>
        %dma_start3A_93 = arith.constant 0 : i32
        %dma_start3A_94 = arith.constant 0 : i32
        %dma_start3A_95 = arith.constant 0 : i32
        %dma_start3A_96 = tpu.memref_slice %arg7[%dma_start3A, %dma_start3A_93, %dma_start3A_94, %dma_start3A_95] : memref<2x10x2x128xi32, #tpu.memory_space<vmem>> -> memref<1x10x2x128xi32, #tpu.memory_space<vmem>>
        %dma_start3A_97 = tpu.memref_squeeze %dma_start3A_96 : memref<1x10x2x128xi32, #tpu.memory_space<vmem>> -> memref<10x2x128xi32, #tpu.memory_space<vmem>>
        %dma_start3A_98 = arith.constant 0 : i32
        %dma_start3A_99 = arith.constant 0 : i32
        %dma_start3A_100 = tpu.memref_slice %arg2[%mul3A_81, %dma_start3A_98, %dma_start3A_99] : memref<12500x2x128xi32, #tpu.memory_space<hbm>> -> memref<10x2x128xi32, #tpu.memory_space<hbm>>
        tpu.enqueue_dma source(%dma_start3A_100 : memref<10x2x128xi32, #tpu.memory_space<hbm>>) target(%dma_start3A_97 : memref<10x2x128xi32, #tpu.memory_space<vmem>>) target_semaphore(%dma_start3A_92 : memref<!tpu.dma_semaphore, #tpu.memory_space<semaphore_mem>>)
      } else {
      }
      %mul3A_42 = arith.constant 32 : i32
      %mul3A_43 = arith.muli %mul3A_23, %mul3A_42 : i32
      %add3A_44 = arith.addi %add3A, %mul3A_43 : i32
      %lt3A_45 = arith.constant 1250 : i32
      %lt3A_46 = arith.cmpi slt, %add3A_44, %lt3A_45 : i32
      %convert_element_type3A_47 = arith.extui %lt3A_46 : i1 to i32
      %cond3A_48 = arith.constant 0 : i32
      %cond3A_49 = arith.cmpi ne, %convert_element_type3A_47, %cond3A_48 : i32
      scf.if %cond3A_49 {
        %scan3A_80 = arith.constant 0 : i32
        %scan3A_81 = arith.constant 10 : i32
        %scan3A_82 = arith.addi %scan3A_80, %scan3A_81 : i32
        %scan3A_83 = arith.constant 1 : i32
        scf.for %scan3A_85 = %scan3A_80 to %scan3A_82 step %scan3A_83  : i32 {
          %mul3A_86 = arith.constant 1 : i32
          %mul3A_87 = arith.muli %scan3A_85, %mul3A_86 : i32
          %add3A_88 = arith.constant 0 : i32
          %add3A_89 = arith.addi %add3A_88, %mul3A_87 : i32
          %get3A = arith.constant 0 : i32
          %get3A_90 = arith.constant 0 : i32
          %get3A_91 = arith.index_cast %get3A : i32 to index
          %get3A_92 = arith.index_cast %add3A_89 : i32 to index
          %get3A_93 = arith.index_cast %get3A_90 : i32 to index
          %get3A_94 = arith.constant 0 : index
          %get3A_95 = tpu.vector_load %arg7[%get3A_91, %get3A_92, %get3A_93, %get3A_94] {strides = array<i32>} : memref<2x10x2x128xi32, #tpu.memory_space<vmem>>, vector<16xi32>,
          tpu.vector_store_idx %arg5[%get3A_95], %broadcast_in_dim3A_3 {add = true} : memref<50048xf32, #tpu.memory_space<vmem>>[vector<16xi32>], vector<16xf32>,
          %get3A_96 = arith.constant 0 : i32
          %get3A_97 = arith.constant 1 : i32
          %get3A_98 = arith.index_cast %get3A_96 : i32 to index
          %get3A_99 = arith.index_cast %add3A_89 : i32 to index
          %get3A_100 = arith.index_cast %get3A_97 : i32 to index
          %get3A_101 = arith.constant 0 : index
          %get3A_102 = tpu.vector_load %arg7[%get3A_98, %get3A_99, %get3A_100, %get3A_101] {strides = array<i32>} : memref<2x10x2x128xi32, #tpu.memory_space<vmem>>, vector<16xi32>,
          tpu.vector_store_idx %arg6[%get3A_102], %broadcast_in_dim3A_3 {add = true} : memref<50048xf32, #tpu.memory_space<vmem>>[vector<16xi32>], vector<16xf32>,
          %get3A_103 = arith.constant 0 : i32
          %get3A_104 = arith.constant 0 : i32
          %get3A_105 = arith.index_cast %get3A_103 : i32 to index
          %get3A_106 = arith.index_cast %add3A_89 : i32 to index
          %get3A_107 = arith.index_cast %get3A_104 : i32 to index
          %get3A_108 = arith.constant 16 : index
          %get3A_109 = tpu.vector_load %arg7[%get3A_105, %get3A_106, %get3A_107, %get3A_108] {strides = array<i32>} : memref<2x10x2x128xi32, #tpu.memory_space<vmem>>, vector<16xi32>,
          tpu.vector_store_idx %arg5[%get3A_109], %broadcast_in_dim3A_3 {add = true} : memref<50048xf32, #tpu.memory_space<vmem>>[vector<16xi32>], vector<16xf32>,
          %get3A_110 = arith.constant 0 : i32
          %get3A_111 = arith.constant 1 : i32
          %get3A_112 = arith.index_cast %get3A_110 : i32 to index
          %get3A_113 = arith.index_cast %add3A_89 : i32 to index
          %get3A_114 = arith.index_cast %get3A_111 : i32 to index
          %get3A_115 = arith.constant 16 : index
          %get3A_116 = tpu.vector_load %arg7[%get3A_112, %get3A_113, %get3A_114, %get3A_115] {strides = array<i32>} : memref<2x10x2x128xi32, #tpu.memory_space<vmem>>, vector<16xi32>,
          tpu.vector_store_idx %arg6[%get3A_116], %broadcast_in_dim3A_3 {add = true} : memref<50048xf32, #tpu.memory_space<vmem>>[vector<16xi32>], vector<16xf32>,
          %get3A_117 = arith.constant 0 : i32
          %get3A_118 = arith.constant 0 : i32
          %get3A_119 = arith.index_cast %get3A_117 : i32 to index
          %get3A_120 = arith.index_cast %add3A_89 : i32 to index
          %get3A_121 = arith.index_cast %get3A_118 : i32 to index
          %get3A_122 = arith.constant 32 : index
          %get3A_123 = tpu.vector_load %arg7[%get3A_119, %get3A_120, %get3A_121, %get3A_122] {strides = array<i32>} : memref<2x10x2x128xi32, #tpu.memory_space<vmem>>, vector<16xi32>,
          tpu.vector_store_idx %arg5[%get3A_123], %broadcast_in_dim3A_3 {add = true} : memref<50048xf32, #tpu.memory_space<vmem>>[vector<16xi32>], vector<16xf32>,
          %get3A_124 = arith.constant 0 : i32
          %get3A_125 = arith.constant 1 : i32
          %get3A_126 = arith.index_cast %get3A_124 : i32 to index
          %get3A_127 = arith.index_cast %add3A_89 : i32 to index
          %get3A_128 = arith.index_cast %get3A_125 : i32 to index
          %get3A_129 = arith.constant 32 : index
          %get3A_130 = tpu.vector_load %arg7[%get3A_126, %get3A_127, %get3A_128, %get3A_129] {strides = array<i32>} : memref<2x10x2x128xi32, #tpu.memory_space<vmem>>, vector<16xi32>,
          tpu.vector_store_idx %arg6[%get3A_130], %broadcast_in_dim3A_3 {add = true} : memref<50048xf32, #tpu.memory_space<vmem>>[vector<16xi32>], vector<16xf32>,
          %get3A_131 = arith.constant 0 : i32
          %get3A_132 = arith.constant 0 : i32
          %get3A_133 = arith.index_cast %get3A_131 : i32 to index
          %get3A_134 = arith.index_cast %add3A_89 : i32 to index
          %get3A_135 = arith.index_cast %get3A_132 : i32 to index
          %get3A_136 = arith.constant 48 : index
          %get3A_137 = tpu.vector_load %arg7[%get3A_133, %get3A_134, %get3A_135, %get3A_136] {strides = array<i32>} : memref<2x10x2x128xi32, #tpu.memory_space<vmem>>, vector<16xi32>,
          tpu.vector_store_idx %arg5[%get3A_137], %broadcast_in_dim3A_3 {add = true} : memref<50048xf32, #tpu.memory_space<vmem>>[vector<16xi32>], vector<16xf32>,
          %get3A_138 = arith.constant 0 : i32
          %get3A_139 = arith.constant 1 : i32
          %get3A_140 = arith.index_cast %get3A_138 : i32 to index
          %get3A_141 = arith.index_cast %add3A_89 : i32 to index
          %get3A_142 = arith.index_cast %get3A_139 : i32 to index
          %get3A_143 = arith.constant 48 : index
          %get3A_144 = tpu.vector_load %arg7[%get3A_140, %get3A_141, %get3A_142, %get3A_143] {strides = array<i32>} : memref<2x10x2x128xi32, #tpu.memory_space<vmem>>, vector<16xi32>,
          tpu.vector_store_idx %arg6[%get3A_144], %broadcast_in_dim3A_3 {add = true} : memref<50048xf32, #tpu.memory_space<vmem>>[vector<16xi32>], vector<16xf32>,
          %get3A_145 = arith.constant 0 : i32
          %get3A_146 = arith.constant 0 : i32
          %get3A_147 = arith.index_cast %get3A_145 : i32 to index
          %get3A_148 = arith.index_cast %add3A_89 : i32 to index
          %get3A_149 = arith.index_cast %get3A_146 : i32 to index
          %get3A_150 = arith.constant 64 : index
          %get3A_151 = tpu.vector_load %arg7[%get3A_147, %get3A_148, %get3A_149, %get3A_150] {strides = array<i32>} : memref<2x10x2x128xi32, #tpu.memory_space<vmem>>, vector<16xi32>,
          tpu.vector_store_idx %arg5[%get3A_151], %broadcast_in_dim3A_3 {add = true} : memref<50048xf32, #tpu.memory_space<vmem>>[vector<16xi32>], vector<16xf32>,
          %get3A_152 = arith.constant 0 : i32
          %get3A_153 = arith.constant 1 : i32
          %get3A_154 = arith.index_cast %get3A_152 : i32 to index
          %get3A_155 = arith.index_cast %add3A_89 : i32 to index
          %get3A_156 = arith.index_cast %get3A_153 : i32 to index
          %get3A_157 = arith.constant 64 : index
          %get3A_158 = tpu.vector_load %arg7[%get3A_154, %get3A_155, %get3A_156, %get3A_157] {strides = array<i32>} : memref<2x10x2x128xi32, #tpu.memory_space<vmem>>, vector<16xi32>,
          tpu.vector_store_idx %arg6[%get3A_158], %broadcast_in_dim3A_3 {add = true} : memref<50048xf32, #tpu.memory_space<vmem>>[vector<16xi32>], vector<16xf32>,
          %get3A_159 = arith.constant 0 : i32
          %get3A_160 = arith.constant 0 : i32
          %get3A_161 = arith.index_cast %get3A_159 : i32 to index
          %get3A_162 = arith.index_cast %add3A_89 : i32 to index
          %get3A_163 = arith.index_cast %get3A_160 : i32 to index
          %get3A_164 = arith.constant 80 : index
          %get3A_165 = tpu.vector_load %arg7[%get3A_161, %get3A_162, %get3A_163, %get3A_164] {strides = array<i32>} : memref<2x10x2x128xi32, #tpu.memory_space<vmem>>, vector<16xi32>,
          tpu.vector_store_idx %arg5[%get3A_165], %broadcast_in_dim3A_3 {add = true} : memref<50048xf32, #tpu.memory_space<vmem>>[vector<16xi32>], vector<16xf32>,
          %get3A_166 = arith.constant 0 : i32
          %get3A_167 = arith.constant 1 : i32
          %get3A_168 = arith.index_cast %get3A_166 : i32 to index
          %get3A_169 = arith.index_cast %add3A_89 : i32 to index
          %get3A_170 = arith.index_cast %get3A_167 : i32 to index
          %get3A_171 = arith.constant 80 : index
          %get3A_172 = tpu.vector_load %arg7[%get3A_168, %get3A_169, %get3A_170, %get3A_171] {strides = array<i32>} : memref<2x10x2x128xi32, #tpu.memory_space<vmem>>, vector<16xi32>,
          tpu.vector_store_idx %arg6[%get3A_172], %broadcast_in_dim3A_3 {add = true} : memref<50048xf32, #tpu.memory_space<vmem>>[vector<16xi32>], vector<16xf32>,
          %get3A_173 = arith.constant 0 : i32
          %get3A_174 = arith.constant 0 : i32
          %get3A_175 = arith.index_cast %get3A_173 : i32 to index
          %get3A_176 = arith.index_cast %add3A_89 : i32 to index
          %get3A_177 = arith.index_cast %get3A_174 : i32 to index
          %get3A_178 = arith.constant 96 : index
          %get3A_179 = tpu.vector_load %arg7[%get3A_175, %get3A_176, %get3A_177, %get3A_178] {strides = array<i32>} : memref<2x10x2x128xi32, #tpu.memory_space<vmem>>, vector<16xi32>,
          tpu.vector_store_idx %arg5[%get3A_179], %broadcast_in_dim3A_3 {add = true} : memref<50048xf32, #tpu.memory_space<vmem>>[vector<16xi32>], vector<16xf32>,
          %get3A_180 = arith.constant 0 : i32
          %get3A_181 = arith.constant 1 : i32
          %get3A_182 = arith.index_cast %get3A_180 : i32 to index
          %get3A_183 = arith.index_cast %add3A_89 : i32 to index
          %get3A_184 = arith.index_cast %get3A_181 : i32 to index
          %get3A_185 = arith.constant 96 : index
          %get3A_186 = tpu.vector_load %arg7[%get3A_182, %get3A_183, %get3A_184, %get3A_185] {strides = array<i32>} : memref<2x10x2x128xi32, #tpu.memory_space<vmem>>, vector<16xi32>,
          tpu.vector_store_idx %arg6[%get3A_186], %broadcast_in_dim3A_3 {add = true} : memref<50048xf32, #tpu.memory_space<vmem>>[vector<16xi32>], vector<16xf32>,
          %get3A_187 = arith.constant 0 : i32
          %get3A_188 = arith.constant 0 : i32
          %get3A_189 = arith.index_cast %get3A_187 : i32 to index
          %get3A_190 = arith.index_cast %add3A_89 : i32 to index
          %get3A_191 = arith.index_cast %get3A_188 : i32 to index
          %get3A_192 = arith.constant 112 : index
          %get3A_193 = tpu.vector_load %arg7[%get3A_189, %get3A_190, %get3A_191, %get3A_192] {strides = array<i32>} : memref<2x10x2x128xi32, #tpu.memory_space<vmem>>, vector<16xi32>,
          tpu.vector_store_idx %arg5[%get3A_193], %broadcast_in_dim3A_3 {add = true} : memref<50048xf32, #tpu.memory_space<vmem>>[vector<16xi32>], vector<16xf32>,
          %get3A_194 = arith.constant 0 : i32
          %get3A_195 = arith.constant 1 : i32
          %get3A_196 = arith.index_cast %get3A_194 : i32 to index
          %get3A_197 = arith.index_cast %add3A_89 : i32 to index
          %get3A_198 = arith.index_cast %get3A_195 : i32 to index
          %get3A_199 = arith.constant 112 : index
          %get3A_200 = tpu.vector_load %arg7[%get3A_196, %get3A_197, %get3A_198, %get3A_199] {strides = array<i32>} : memref<2x10x2x128xi32, #tpu.memory_space<vmem>>, vector<16xi32>,
          tpu.vector_store_idx %arg6[%get3A_200], %broadcast_in_dim3A_3 {add = true} : memref<50048xf32, #tpu.memory_space<vmem>>[vector<16xi32>], vector<16xf32>,
        }
        %scan3A_84 = arith.constant 10 : i32
      } else {
      }
      %add3A_50 = arith.constant 1 : i32
      %add3A_51 = arith.addi %mul3A_23, %add3A_50 : i32
      %mul3A_52 = arith.constant 32 : i32
      %mul3A_53 = arith.muli %add3A_51, %mul3A_52 : i32
      %add3A_54 = arith.addi %add3A, %mul3A_53 : i32
      %lt3A_55 = arith.constant 1250 : i32
      %lt3A_56 = arith.cmpi slt, %add3A_54, %lt3A_55 : i32
      %convert_element_type3A_57 = arith.extui %lt3A_56 : i1 to i32
      %cond3A_58 = arith.constant 0 : i32
      %cond3A_59 = arith.cmpi ne, %convert_element_type3A_57, %cond3A_58 : i32
      scf.if %cond3A_59 {
        %dma_wait3A = arith.constant 1 : i32
        %dma_wait3A_80 = arith.constant 1 : i32
        %dma_wait3A_81 = arith.constant 0 : i32
        %dma_wait3A_82 = arith.constant 0 : i32
        %dma_wait3A_83 = arith.constant 0 : i32
        %dma_wait3A_84 = tpu.memref_slice %arg7[%dma_wait3A, %dma_wait3A_81, %dma_wait3A_82, %dma_wait3A_83] : memref<2x10x2x128xi32, #tpu.memory_space<vmem>> -> memref<1x10x2x128xi32, #tpu.memory_space<vmem>>
        %dma_wait3A_85 = tpu.memref_squeeze %dma_wait3A_84 : memref<1x10x2x128xi32, #tpu.memory_space<vmem>> -> memref<10x2x128xi32, #tpu.memory_space<vmem>>
        %dma_wait3A_86 = arith.constant 0 : i32
        %dma_wait3A_87 = arith.constant 0 : i32
        %dma_wait3A_88 = arith.constant 0 : i32
        %dma_wait3A_89 = tpu.memref_slice %arg2[%dma_wait3A_86, %dma_wait3A_87, %dma_wait3A_88] : memref<12500x2x128xi32, #tpu.memory_space<hbm>> -> memref<10x2x128xi32, #tpu.memory_space<hbm>>
        %dma_wait3A_90 = tpu.memref_slice %arg8[%dma_wait3A_80] : memref<2x!tpu.dma_semaphore, #tpu.memory_space<semaphore_mem>> -> memref<1x!tpu.dma_semaphore, #tpu.memory_space<semaphore_mem>>
        %dma_wait3A_91 = tpu.memref_squeeze %dma_wait3A_90 : memref<1x!tpu.dma_semaphore, #tpu.memory_space<semaphore_mem>> -> memref<!tpu.dma_semaphore, #tpu.memory_space<semaphore_mem>>
        %dma_wait3A_92 = arith.constant 0 : i32
        %dma_wait3A_93 = arith.constant 0 : i32
        %dma_wait3A_94 = arith.constant 0 : i32
        %dma_wait3A_95 = tpu.memref_slice %arg7[%dma_wait3A, %dma_wait3A_92, %dma_wait3A_93, %dma_wait3A_94] : memref<2x10x2x128xi32, #tpu.memory_space<vmem>> -> memref<1x10x2x128xi32, #tpu.memory_space<vmem>>
        %dma_wait3A_96 = tpu.memref_squeeze %dma_wait3A_95 : memref<1x10x2x128xi32, #tpu.memory_space<vmem>> -> memref<10x2x128xi32, #tpu.memory_space<vmem>>
        %dma_wait3A_97 = arith.constant 0 : i32
        %dma_wait3A_98 = arith.constant 0 : i32
        %dma_wait3A_99 = arith.constant 0 : i32
        %dma_wait3A_100 = tpu.memref_slice %arg2[%dma_wait3A_97, %dma_wait3A_98, %dma_wait3A_99] : memref<12500x2x128xi32, #tpu.memory_space<hbm>> -> memref<10x2x128xi32, #tpu.memory_space<hbm>>
        tpu.wait_dma2 semaphore(%dma_wait3A_91 : memref<!tpu.dma_semaphore, #tpu.memory_space<semaphore_mem>>) src(%dma_wait3A_100 : memref<10x2x128xi32, #tpu.memory_space<hbm>>) dst(%dma_wait3A_96 : memref<10x2x128xi32, #tpu.memory_space<vmem>>)
      } else {
      }
      %add3A_60 = arith.constant 2 : i32
      %add3A_61 = arith.addi %mul3A_23, %add3A_60 : i32
      %mul3A_62 = arith.constant 32 : i32
      %mul3A_63 = arith.muli %add3A_61, %mul3A_62 : i32
      %add3A_64 = arith.addi %add3A, %mul3A_63 : i32
      %lt3A_65 = arith.constant 1250 : i32
      %lt3A_66 = arith.cmpi slt, %add3A_64, %lt3A_65 : i32
      %convert_element_type3A_67 = arith.extui %lt3A_66 : i1 to i32
      %cond3A_68 = arith.constant 0 : i32
      %cond3A_69 = arith.cmpi ne, %convert_element_type3A_67, %cond3A_68 : i32
      scf.if %cond3A_69 {
        %mul3A_80 = arith.constant 10 : i32
        %mul3A_81 = arith.muli %add3A_64, %mul3A_80 : i32
        %dma_start3A = arith.constant 0 : i32
        %dma_start3A_82 = arith.constant 0 : i32
        %dma_start3A_83 = arith.constant 0 : i32
        %dma_start3A_84 = arith.constant 0 : i32
        %dma_start3A_85 = arith.constant 0 : i32
        %dma_start3A_86 = tpu.memref_slice %arg7[%dma_start3A, %dma_start3A_83, %dma_start3A_84, %dma_start3A_85] : memref<2x10x2x128xi32, #tpu.memory_space<vmem>> -> memref<1x10x2x128xi32, #tpu.memory_space<vmem>>
        %dma_start3A_87 = tpu.memref_squeeze %dma_start3A_86 : memref<1x10x2x128xi32, #tpu.memory_space<vmem>> -> memref<10x2x128xi32, #tpu.memory_space<vmem>>
        %dma_start3A_88 = arith.constant 0 : i32
        %dma_start3A_89 = arith.constant 0 : i32
        %dma_start3A_90 = tpu.memref_slice %arg2[%mul3A_81, %dma_start3A_88, %dma_start3A_89] : memref<12500x2x128xi32, #tpu.memory_space<hbm>> -> memref<10x2x128xi32, #tpu.memory_space<hbm>>
        %dma_start3A_91 = tpu.memref_slice %arg8[%dma_start3A_82] : memref<2x!tpu.dma_semaphore, #tpu.memory_space<semaphore_mem>> -> memref<1x!tpu.dma_semaphore, #tpu.memory_space<semaphore_mem>>
        %dma_start3A_92 = tpu.memref_squeeze %dma_start3A_91 : memref<1x!tpu.dma_semaphore, #tpu.memory_space<semaphore_mem>> -> memref<!tpu.dma_semaphore, #tpu.memory_space<semaphore_mem>>
        %dma_start3A_93 = arith.constant 0 : i32
        %dma_start3A_94 = arith.constant 0 : i32
        %dma_start3A_95 = arith.constant 0 : i32
        %dma_start3A_96 = tpu.memref_slice %arg7[%dma_start3A, %dma_start3A_93, %dma_start3A_94, %dma_start3A_95] : memref<2x10x2x128xi32, #tpu.memory_space<vmem>> -> memref<1x10x2x128xi32, #tpu.memory_space<vmem>>
        %dma_start3A_97 = tpu.memref_squeeze %dma_start3A_96 : memref<1x10x2x128xi32, #tpu.memory_space<vmem>> -> memref<10x2x128xi32, #tpu.memory_space<vmem>>
        %dma_start3A_98 = arith.constant 0 : i32
        %dma_start3A_99 = arith.constant 0 : i32
        %dma_start3A_100 = tpu.memref_slice %arg2[%mul3A_81, %dma_start3A_98, %dma_start3A_99] : memref<12500x2x128xi32, #tpu.memory_space<hbm>> -> memref<10x2x128xi32, #tpu.memory_space<hbm>>
        tpu.enqueue_dma source(%dma_start3A_100 : memref<10x2x128xi32, #tpu.memory_space<hbm>>) target(%dma_start3A_97 : memref<10x2x128xi32, #tpu.memory_space<vmem>>) target_semaphore(%dma_start3A_92 : memref<!tpu.dma_semaphore, #tpu.memory_space<semaphore_mem>>)
      } else {
      }
      %add3A_70 = arith.constant 1 : i32
      %add3A_71 = arith.addi %mul3A_23, %add3A_70 : i32
      %mul3A_72 = arith.constant 32 : i32
      %mul3A_73 = arith.muli %add3A_71, %mul3A_72 : i32
      %add3A_74 = arith.addi %add3A, %mul3A_73 : i32
      %lt3A_75 = arith.constant 1250 : i32
      %lt3A_76 = arith.cmpi slt, %add3A_74, %lt3A_75 : i32
      %convert_element_type3A_77 = arith.extui %lt3A_76 : i1 to i32
      %cond3A_78 = arith.constant 0 : i32
      %cond3A_79 = arith.cmpi ne, %convert_element_type3A_77, %cond3A_78 : i32
      scf.if %cond3A_79 {
        %scan3A_80 = arith.constant 0 : i32
        %scan3A_81 = arith.constant 10 : i32
        %scan3A_82 = arith.addi %scan3A_80, %scan3A_81 : i32
        %scan3A_83 = arith.constant 1 : i32
        scf.for %scan3A_85 = %scan3A_80 to %scan3A_82 step %scan3A_83  : i32 {
          %mul3A_86 = arith.constant 1 : i32
          %mul3A_87 = arith.muli %scan3A_85, %mul3A_86 : i32
          %add3A_88 = arith.constant 0 : i32
          %add3A_89 = arith.addi %add3A_88, %mul3A_87 : i32
          %get3A = arith.constant 1 : i32
          %get3A_90 = arith.constant 0 : i32
          %get3A_91 = arith.index_cast %get3A : i32 to index
          %get3A_92 = arith.index_cast %add3A_89 : i32 to index
          %get3A_93 = arith.index_cast %get3A_90 : i32 to index
          %get3A_94 = arith.constant 0 : index
          %get3A_95 = tpu.vector_load %arg7[%get3A_91, %get3A_92, %get3A_93, %get3A_94] {strides = array<i32>} : memref<2x10x2x128xi32, #tpu.memory_space<vmem>>, vector<16xi32>,
          tpu.vector_store_idx %arg5[%get3A_95], %broadcast_in_dim3A_3 {add = true} : memref<50048xf32, #tpu.memory_space<vmem>>[vector<16xi32>], vector<16xf32>,
          %get3A_96 = arith.constant 1 : i32
          %get3A_97 = arith.constant 1 : i32
          %get3A_98 = arith.index_cast %get3A_96 : i32 to index
          %get3A_99 = arith.index_cast %add3A_89 : i32 to index
          %get3A_100 = arith.index_cast %get3A_97 : i32 to index
          %get3A_101 = arith.constant 0 : index
          %get3A_102 = tpu.vector_load %arg7[%get3A_98, %get3A_99, %get3A_100, %get3A_101] {strides = array<i32>} : memref<2x10x2x128xi32, #tpu.memory_space<vmem>>, vector<16xi32>,
          tpu.vector_store_idx %arg6[%get3A_102], %broadcast_in_dim3A_3 {add = true} : memref<50048xf32, #tpu.memory_space<vmem>>[vector<16xi32>], vector<16xf32>,
          %get3A_103 = arith.constant 1 : i32
          %get3A_104 = arith.constant 0 : i32
          %get3A_105 = arith.index_cast %get3A_103 : i32 to index
          %get3A_106 = arith.index_cast %add3A_89 : i32 to index
          %get3A_107 = arith.index_cast %get3A_104 : i32 to index
          %get3A_108 = arith.constant 16 : index
          %get3A_109 = tpu.vector_load %arg7[%get3A_105, %get3A_106, %get3A_107, %get3A_108] {strides = array<i32>} : memref<2x10x2x128xi32, #tpu.memory_space<vmem>>, vector<16xi32>,
          tpu.vector_store_idx %arg5[%get3A_109], %broadcast_in_dim3A_3 {add = true} : memref<50048xf32, #tpu.memory_space<vmem>>[vector<16xi32>], vector<16xf32>,
          %get3A_110 = arith.constant 1 : i32
          %get3A_111 = arith.constant 1 : i32
          %get3A_112 = arith.index_cast %get3A_110 : i32 to index
          %get3A_113 = arith.index_cast %add3A_89 : i32 to index
          %get3A_114 = arith.index_cast %get3A_111 : i32 to index
          %get3A_115 = arith.constant 16 : index
          %get3A_116 = tpu.vector_load %arg7[%get3A_112, %get3A_113, %get3A_114, %get3A_115] {strides = array<i32>} : memref<2x10x2x128xi32, #tpu.memory_space<vmem>>, vector<16xi32>,
          tpu.vector_store_idx %arg6[%get3A_116], %broadcast_in_dim3A_3 {add = true} : memref<50048xf32, #tpu.memory_space<vmem>>[vector<16xi32>], vector<16xf32>,
          %get3A_117 = arith.constant 1 : i32
          %get3A_118 = arith.constant 0 : i32
          %get3A_119 = arith.index_cast %get3A_117 : i32 to index
          %get3A_120 = arith.index_cast %add3A_89 : i32 to index
          %get3A_121 = arith.index_cast %get3A_118 : i32 to index
          %get3A_122 = arith.constant 32 : index
          %get3A_123 = tpu.vector_load %arg7[%get3A_119, %get3A_120, %get3A_121, %get3A_122] {strides = array<i32>} : memref<2x10x2x128xi32, #tpu.memory_space<vmem>>, vector<16xi32>,
          tpu.vector_store_idx %arg5[%get3A_123], %broadcast_in_dim3A_3 {add = true} : memref<50048xf32, #tpu.memory_space<vmem>>[vector<16xi32>], vector<16xf32>,
          %get3A_124 = arith.constant 1 : i32
          %get3A_125 = arith.constant 1 : i32
          %get3A_126 = arith.index_cast %get3A_124 : i32 to index
          %get3A_127 = arith.index_cast %add3A_89 : i32 to index
          %get3A_128 = arith.index_cast %get3A_125 : i32 to index
          %get3A_129 = arith.constant 32 : index
          %get3A_130 = tpu.vector_load %arg7[%get3A_126, %get3A_127, %get3A_128, %get3A_129] {strides = array<i32>} : memref<2x10x2x128xi32, #tpu.memory_space<vmem>>, vector<16xi32>,
          tpu.vector_store_idx %arg6[%get3A_130], %broadcast_in_dim3A_3 {add = true} : memref<50048xf32, #tpu.memory_space<vmem>>[vector<16xi32>], vector<16xf32>,
          %get3A_131 = arith.constant 1 : i32
          %get3A_132 = arith.constant 0 : i32
          %get3A_133 = arith.index_cast %get3A_131 : i32 to index
          %get3A_134 = arith.index_cast %add3A_89 : i32 to index
          %get3A_135 = arith.index_cast %get3A_132 : i32 to index
          %get3A_136 = arith.constant 48 : index
          %get3A_137 = tpu.vector_load %arg7[%get3A_133, %get3A_134, %get3A_135, %get3A_136] {strides = array<i32>} : memref<2x10x2x128xi32, #tpu.memory_space<vmem>>, vector<16xi32>,
          tpu.vector_store_idx %arg5[%get3A_137], %broadcast_in_dim3A_3 {add = true} : memref<50048xf32, #tpu.memory_space<vmem>>[vector<16xi32>], vector<16xf32>,
          %get3A_138 = arith.constant 1 : i32
          %get3A_139 = arith.constant 1 : i32
          %get3A_140 = arith.index_cast %get3A_138 : i32 to index
          %get3A_141 = arith.index_cast %add3A_89 : i32 to index
          %get3A_142 = arith.index_cast %get3A_139 : i32 to index
          %get3A_143 = arith.constant 48 : index
          %get3A_144 = tpu.vector_load %arg7[%get3A_140, %get3A_141, %get3A_142, %get3A_143] {strides = array<i32>} : memref<2x10x2x128xi32, #tpu.memory_space<vmem>>, vector<16xi32>,
          tpu.vector_store_idx %arg6[%get3A_144], %broadcast_in_dim3A_3 {add = true} : memref<50048xf32, #tpu.memory_space<vmem>>[vector<16xi32>], vector<16xf32>,
          %get3A_145 = arith.constant 1 : i32
          %get3A_146 = arith.constant 0 : i32
          %get3A_147 = arith.index_cast %get3A_145 : i32 to index
          %get3A_148 = arith.index_cast %add3A_89 : i32 to index
          %get3A_149 = arith.index_cast %get3A_146 : i32 to index
          %get3A_150 = arith.constant 64 : index
          %get3A_151 = tpu.vector_load %arg7[%get3A_147, %get3A_148, %get3A_149, %get3A_150] {strides = array<i32>} : memref<2x10x2x128xi32, #tpu.memory_space<vmem>>, vector<16xi32>,
          tpu.vector_store_idx %arg5[%get3A_151], %broadcast_in_dim3A_3 {add = true} : memref<50048xf32, #tpu.memory_space<vmem>>[vector<16xi32>], vector<16xf32>,
          %get3A_152 = arith.constant 1 : i32
          %get3A_153 = arith.constant 1 : i32
          %get3A_154 = arith.index_cast %get3A_152 : i32 to index
          %get3A_155 = arith.index_cast %add3A_89 : i32 to index
          %get3A_156 = arith.index_cast %get3A_153 : i32 to index
          %get3A_157 = arith.constant 64 : index
          %get3A_158 = tpu.vector_load %arg7[%get3A_154, %get3A_155, %get3A_156, %get3A_157] {strides = array<i32>} : memref<2x10x2x128xi32, #tpu.memory_space<vmem>>, vector<16xi32>,
          tpu.vector_store_idx %arg6[%get3A_158], %broadcast_in_dim3A_3 {add = true} : memref<50048xf32, #tpu.memory_space<vmem>>[vector<16xi32>], vector<16xf32>,
          %get3A_159 = arith.constant 1 : i32
          %get3A_160 = arith.constant 0 : i32
          %get3A_161 = arith.index_cast %get3A_159 : i32 to index
          %get3A_162 = arith.index_cast %add3A_89 : i32 to index
          %get3A_163 = arith.index_cast %get3A_160 : i32 to index
          %get3A_164 = arith.constant 80 : index
          %get3A_165 = tpu.vector_load %arg7[%get3A_161, %get3A_162, %get3A_163, %get3A_164] {strides = array<i32>} : memref<2x10x2x128xi32, #tpu.memory_space<vmem>>, vector<16xi32>,
          tpu.vector_store_idx %arg5[%get3A_165], %broadcast_in_dim3A_3 {add = true} : memref<50048xf32, #tpu.memory_space<vmem>>[vector<16xi32>], vector<16xf32>,
          %get3A_166 = arith.constant 1 : i32
          %get3A_167 = arith.constant 1 : i32
          %get3A_168 = arith.index_cast %get3A_166 : i32 to index
          %get3A_169 = arith.index_cast %add3A_89 : i32 to index
          %get3A_170 = arith.index_cast %get3A_167 : i32 to index
          %get3A_171 = arith.constant 80 : index
          %get3A_172 = tpu.vector_load %arg7[%get3A_168, %get3A_169, %get3A_170, %get3A_171] {strides = array<i32>} : memref<2x10x2x128xi32, #tpu.memory_space<vmem>>, vector<16xi32>,
          tpu.vector_store_idx %arg6[%get3A_172], %broadcast_in_dim3A_3 {add = true} : memref<50048xf32, #tpu.memory_space<vmem>>[vector<16xi32>], vector<16xf32>,
          %get3A_173 = arith.constant 1 : i32
          %get3A_174 = arith.constant 0 : i32
          %get3A_175 = arith.index_cast %get3A_173 : i32 to index
          %get3A_176 = arith.index_cast %add3A_89 : i32 to index
          %get3A_177 = arith.index_cast %get3A_174 : i32 to index
          %get3A_178 = arith.constant 96 : index
          %get3A_179 = tpu.vector_load %arg7[%get3A_175, %get3A_176, %get3A_177, %get3A_178] {strides = array<i32>} : memref<2x10x2x128xi32, #tpu.memory_space<vmem>>, vector<16xi32>,
          tpu.vector_store_idx %arg5[%get3A_179], %broadcast_in_dim3A_3 {add = true} : memref<50048xf32, #tpu.memory_space<vmem>>[vector<16xi32>], vector<16xf32>,
          %get3A_180 = arith.constant 1 : i32
          %get3A_181 = arith.constant 1 : i32
          %get3A_182 = arith.index_cast %get3A_180 : i32 to index
          %get3A_183 = arith.index_cast %add3A_89 : i32 to index
          %get3A_184 = arith.index_cast %get3A_181 : i32 to index
          %get3A_185 = arith.constant 96 : index
          %get3A_186 = tpu.vector_load %arg7[%get3A_182, %get3A_183, %get3A_184, %get3A_185] {strides = array<i32>} : memref<2x10x2x128xi32, #tpu.memory_space<vmem>>, vector<16xi32>,
          tpu.vector_store_idx %arg6[%get3A_186], %broadcast_in_dim3A_3 {add = true} : memref<50048xf32, #tpu.memory_space<vmem>>[vector<16xi32>], vector<16xf32>,
          %get3A_187 = arith.constant 1 : i32
          %get3A_188 = arith.constant 0 : i32
          %get3A_189 = arith.index_cast %get3A_187 : i32 to index
          %get3A_190 = arith.index_cast %add3A_89 : i32 to index
          %get3A_191 = arith.index_cast %get3A_188 : i32 to index
          %get3A_192 = arith.constant 112 : index
          %get3A_193 = tpu.vector_load %arg7[%get3A_189, %get3A_190, %get3A_191, %get3A_192] {strides = array<i32>} : memref<2x10x2x128xi32, #tpu.memory_space<vmem>>, vector<16xi32>,
          tpu.vector_store_idx %arg5[%get3A_193], %broadcast_in_dim3A_3 {add = true} : memref<50048xf32, #tpu.memory_space<vmem>>[vector<16xi32>], vector<16xf32>,
          %get3A_194 = arith.constant 1 : i32
          %get3A_195 = arith.constant 1 : i32
          %get3A_196 = arith.index_cast %get3A_194 : i32 to index
          %get3A_197 = arith.index_cast %add3A_89 : i32 to index
          %get3A_198 = arith.index_cast %get3A_195 : i32 to index
          %get3A_199 = arith.constant 112 : index
          %get3A_200 = tpu.vector_load %arg7[%get3A_196, %get3A_197, %get3A_198, %get3A_199] {strides = array<i32>} : memref<2x10x2x128xi32, #tpu.memory_space<vmem>>, vector<16xi32>,
          tpu.vector_store_idx %arg6[%get3A_200], %broadcast_in_dim3A_3 {add = true} : memref<50048xf32, #tpu.memory_space<vmem>>[vector<16xi32>], vector<16xf32>,
        }
        %scan3A_84 = arith.constant 10 : i32
      } else {
      }
    }
    %scan3A_16 = arith.constant 20 : i32
    "tpu.region"() ({
      %run_scoped3A = tpu.sem_alloc : memref<!tpu.dma_semaphore, #tpu.memory_space<semaphore_mem>>
      %dma_start3A = arith.constant 0 : i32
      %dma_start3A_17 = tpu.memref_slice %arg3[%add3A, %dma_start3A] : memref<32x50048xf32, #tpu.memory_space<hbm>> -> memref<1x50048xf32, #tpu.memory_space<hbm>>
      %dma_start3A_18 = tpu.memref_squeeze %dma_start3A_17 : memref<1x50048xf32, #tpu.memory_space<hbm>> -> memref<50048xf32, #tpu.memory_space<hbm>>
      %dma_start3A_19 = arith.constant 0 : i32
      %dma_start3A_20 = tpu.memref_slice %arg3[%add3A, %dma_start3A_19] : memref<32x50048xf32, #tpu.memory_space<hbm>> -> memref<1x50048xf32, #tpu.memory_space<hbm>>
      %dma_start3A_21 = tpu.memref_squeeze %dma_start3A_20 : memref<1x50048xf32, #tpu.memory_space<hbm>> -> memref<50048xf32, #tpu.memory_space<hbm>>
      tpu.enqueue_dma source(%arg5 : memref<50048xf32, #tpu.memory_space<vmem>>) target(%dma_start3A_21 : memref<50048xf32, #tpu.memory_space<hbm>>) target_semaphore(%run_scoped3A : memref<!tpu.dma_semaphore, #tpu.memory_space<semaphore_mem>>)
      %dma_wait3A = arith.constant 0 : i32
      %dma_wait3A_22 = tpu.memref_slice %arg3[%add3A, %dma_wait3A] : memref<32x50048xf32, #tpu.memory_space<hbm>> -> memref<1x50048xf32, #tpu.memory_space<hbm>>
      %dma_wait3A_23 = tpu.memref_squeeze %dma_wait3A_22 : memref<1x50048xf32, #tpu.memory_space<hbm>> -> memref<50048xf32, #tpu.memory_space<hbm>>
      %dma_wait3A_24 = arith.constant 0 : i32
      %dma_wait3A_25 = tpu.memref_slice %arg3[%add3A, %dma_wait3A_24] : memref<32x50048xf32, #tpu.memory_space<hbm>> -> memref<1x50048xf32, #tpu.memory_space<hbm>>
      %dma_wait3A_26 = tpu.memref_squeeze %dma_wait3A_25 : memref<1x50048xf32, #tpu.memory_space<hbm>> -> memref<50048xf32, #tpu.memory_space<hbm>>
      tpu.wait_dma2 semaphore(%run_scoped3A : memref<!tpu.dma_semaphore, #tpu.memory_space<semaphore_mem>>) src(%arg5 : memref<50048xf32, #tpu.memory_space<vmem>>) dst(%dma_wait3A_26 : memref<50048xf32, #tpu.memory_space<hbm>>)
      tpu.yield
    }) : () -> ()
    "tpu.region"() ({
      %run_scoped3A = tpu.sem_alloc : memref<!tpu.dma_semaphore, #tpu.memory_space<semaphore_mem>>
      %dma_start3A = arith.constant 0 : i32
      %dma_start3A_17 = tpu.memref_slice %arg4[%add3A, %dma_start3A] : memref<32x50048xf32, #tpu.memory_space<hbm>> -> memref<1x50048xf32, #tpu.memory_space<hbm>>
      %dma_start3A_18 = tpu.memref_squeeze %dma_start3A_17 : memref<1x50048xf32, #tpu.memory_space<hbm>> -> memref<50048xf32, #tpu.memory_space<hbm>>
      %dma_start3A_19 = arith.constant 0 : i32
      %dma_start3A_20 = tpu.memref_slice %arg4[%add3A, %dma_start3A_19] : memref<32x50048xf32, #tpu.memory_space<hbm>> -> memref<1x50048xf32, #tpu.memory_space<hbm>>
      %dma_start3A_21 = tpu.memref_squeeze %dma_start3A_20 : memref<1x50048xf32, #tpu.memory_space<hbm>> -> memref<50048xf32, #tpu.memory_space<hbm>>
      tpu.enqueue_dma source(%arg6 : memref<50048xf32, #tpu.memory_space<vmem>>) target(%dma_start3A_21 : memref<50048xf32, #tpu.memory_space<hbm>>) target_semaphore(%run_scoped3A : memref<!tpu.dma_semaphore, #tpu.memory_space<semaphore_mem>>)
      %dma_wait3A = arith.constant 0 : i32
      %dma_wait3A_22 = tpu.memref_slice %arg4[%add3A, %dma_wait3A] : memref<32x50048xf32, #tpu.memory_space<hbm>> -> memref<1x50048xf32, #tpu.memory_space<hbm>>
      %dma_wait3A_23 = tpu.memref_squeeze %dma_wait3A_22 : memref<1x50048xf32, #tpu.memory_space<hbm>> -> memref<50048xf32, #tpu.memory_space<hbm>>
      %dma_wait3A_24 = arith.constant 0 : i32
      %dma_wait3A_25 = tpu.memref_slice %arg4[%add3A, %dma_wait3A_24] : memref<32x50048xf32, #tpu.memory_space<hbm>> -> memref<1x50048xf32, #tpu.memory_space<hbm>>
      %dma_wait3A_26 = tpu.memref_squeeze %dma_wait3A_25 : memref<1x50048xf32, #tpu.memory_space<hbm>> -> memref<50048xf32, #tpu.memory_space<hbm>>
      tpu.wait_dma2 semaphore(%run_scoped3A : memref<!tpu.dma_semaphore, #tpu.memory_space<semaphore_mem>>) src(%arg6 : memref<50048xf32, #tpu.memory_space<vmem>>) dst(%dma_wait3A_26 : memref<50048xf32, #tpu.memory_space<hbm>>)
      tpu.yield
    }) : () -> ()
    return
  }
}

#map = affine_map<(d0, d1) -> (0, 0)>
#map1 = affine_map<(d0, d1) -> (0, 0, 0)>
module attributes {stable_mosaic.version = 14 : i64} {
  func.func @prop_kernel(%arg0: i32, %arg1: i32, %arg2: memref<50048x16xf32, #tpu.memory_space<hbm>>, %arg3: memref<12500x2x128xi32, #tpu.memory_space<hbm>>, %arg4: memref<2x50048x16xf32, #tpu.memory_space<hbm>>, %arg5: memref<50048x16xf32, #tpu.memory_space<vmem_shared>>, %arg6: memref<2x10x2x128xi32, #tpu.memory_space<vmem>>, %arg7: memref<2x1280x16xf32, #tpu.memory_space<vmem>>, %arg8: memref<136x16xf32, #tpu.memory_space<vmem>>, %arg9: memref<2x!tpu.dma_semaphore, #tpu.memory_space<semaphore_mem>>, %arg10: memref<2x!tpu.dma_semaphore, #tpu.memory_space<semaphore_mem>>, %arg11: memref<2x!tpu.dma_semaphore, #tpu.memory_space<semaphore_mem>>) attributes {dimension_semantics = [#tpu.dimension_semantics<core_parallel>, #tpu.dimension_semantics<subcore_parallel>], iteration_bounds = array<i64: 2, 16>, scalar_prefetch = 0 : i64, scratch_operands = 7 : i64, tpu.core_type = #tpu.core_type<sc_vector_subcore>, window_params = [{transform_indices = #map}, {transform_indices = #map1}, {transform_indices = #map1}]} {
    %mul3A = arith.constant 2 : i32
    %mul3A_0 = arith.muli %arg1, %mul3A : i32
    %add3A = arith.addi %mul3A_0, %arg0 : i32
    %broadcast_in_dim3A = arith.constant 0.000000e+00 : f32
    %broadcast_in_dim3A_1 = vector.broadcast %broadcast_in_dim3A : f32 to vector<16xf32>
    %scan3A = arith.constant 0 : i32
    %scan3A_2 = arith.constant 136 : i32
    %scan3A_3 = arith.addi %scan3A, %scan3A_2 : i32
    %scan3A_4 = arith.constant 1 : i32
    scf.for %scan3A_32 = %scan3A to %scan3A_3 step %scan3A_4  : i32 {
      %mul3A_33 = arith.constant 1 : i32
      %mul3A_34 = arith.muli %scan3A_32, %mul3A_33 : i32
      %add3A_35 = arith.constant 0 : i32
      %add3A_36 = arith.addi %add3A_35, %mul3A_34 : i32
      %swap3A = arith.index_cast %add3A_36 : i32 to index
      %swap3A_37 = arith.constant 0 : index
      %swap3A_38 = tpu.vector_load %arg8[%swap3A, %swap3A_37] {strides = array<i32>} : memref<136x16xf32, #tpu.memory_space<vmem>>, vector<16xf32>,
      tpu.vector_store %arg8[%swap3A, %swap3A_37], %broadcast_in_dim3A_1 {strides = array<i32>} : memref<136x16xf32, #tpu.memory_space<vmem>>, vector<16xf32>,
    }
    %scan3A_5 = arith.constant 136 : i32
    %scan3A_6 = arith.constant 0 : i32
    %scan3A_7 = arith.constant 23 : i32
    %scan3A_8 = arith.addi %scan3A_6, %scan3A_7 : i32
    %scan3A_9 = arith.constant 1 : i32
    scf.for %scan3A_32 = %scan3A_6 to %scan3A_8 step %scan3A_9  : i32 {
      %mul3A_33 = arith.constant 1 : i32
      %mul3A_34 = arith.muli %scan3A_32, %mul3A_33 : i32
      %add3A_35 = arith.constant 0 : i32
      %add3A_36 = arith.addi %add3A_35, %mul3A_34 : i32
      %mul3A_37 = arith.constant 3128 : i32
      %mul3A_38 = arith.muli %arg1, %mul3A_37 : i32
      %mul3A_39 = arith.constant 136 : i32
      %mul3A_40 = arith.muli %add3A_36, %mul3A_39 : i32
      %add3A_41 = arith.addi %mul3A_38, %mul3A_40 : i32
      "tpu.region"() ({
        %run_scoped3A = tpu.sem_alloc : memref<!tpu.dma_semaphore, #tpu.memory_space<semaphore_mem>>
        %dma_start3A = arith.constant 0 : i32
        %dma_start3A_42 = tpu.memref_slice %arg5[%add3A_41, %dma_start3A] : memref<50048x16xf32, #tpu.memory_space<vmem_shared>> -> memref<136x16xf32, #tpu.memory_space<vmem_shared>>
        %dma_start3A_43 = arith.constant 0 : i32
        %dma_start3A_44 = tpu.memref_slice %arg5[%add3A_41, %dma_start3A_43] : memref<50048x16xf32, #tpu.memory_space<vmem_shared>> -> memref<136x16xf32, #tpu.memory_space<vmem_shared>>
        tpu.enqueue_dma source(%arg8 : memref<136x16xf32, #tpu.memory_space<vmem>>) target(%dma_start3A_44 : memref<136x16xf32, #tpu.memory_space<vmem_shared>>) target_semaphore(%run_scoped3A : memref<!tpu.dma_semaphore, #tpu.memory_space<semaphore_mem>>)
        %dma_wait3A = arith.constant 0 : i32
        %dma_wait3A_45 = tpu.memref_slice %arg5[%add3A_41, %dma_wait3A] : memref<50048x16xf32, #tpu.memory_space<vmem_shared>> -> memref<136x16xf32, #tpu.memory_space<vmem_shared>>
        %dma_wait3A_46 = arith.constant 0 : i32
        %dma_wait3A_47 = tpu.memref_slice %arg5[%add3A_41, %dma_wait3A_46] : memref<50048x16xf32, #tpu.memory_space<vmem_shared>> -> memref<136x16xf32, #tpu.memory_space<vmem_shared>>
        tpu.wait_dma2 semaphore(%run_scoped3A : memref<!tpu.dma_semaphore, #tpu.memory_space<semaphore_mem>>) src(%arg8 : memref<136x16xf32, #tpu.memory_space<vmem>>) dst(%dma_wait3A_47 : memref<136x16xf32, #tpu.memory_space<vmem_shared>>)
        tpu.yield
      }) : () -> ()
    }
    %scan3A_10 = arith.constant 23 : i32
    %barrier3A = arith.constant 0 : index
    tpu.barrier barrier_id(%barrier3A)
    %add3A_11 = arith.constant 0 : i32
    %add3A_12 = arith.addi %add3A, %add3A_11 : i32
    %lt3A = arith.constant 1250 : i32
    %lt3A_13 = arith.cmpi slt, %add3A_12, %lt3A : i32
    %convert_element_type3A = arith.extui %lt3A_13 : i1 to i32
    %cond3A = arith.constant 0 : i32
    %cond3A_14 = arith.cmpi ne, %convert_element_type3A, %cond3A : i32
    scf.if %cond3A_14 {
      %mul3A_32 = arith.constant 10 : i32
      %mul3A_33 = arith.muli %add3A_12, %mul3A_32 : i32
      %dma_start3A = arith.constant 0 : i32
      %dma_start3A_34 = arith.constant 0 : i32
      %dma_start3A_35 = arith.constant 0 : i32
      %dma_start3A_36 = arith.constant 0 : i32
      %dma_start3A_37 = arith.constant 0 : i32
      %dma_start3A_38 = tpu.memref_slice %arg6[%dma_start3A, %dma_start3A_35, %dma_start3A_36, %dma_start3A_37] : memref<2x10x2x128xi32, #tpu.memory_space<vmem>> -> memref<1x10x2x128xi32, #tpu.memory_space<vmem>>
      %dma_start3A_39 = tpu.memref_squeeze %dma_start3A_38 : memref<1x10x2x128xi32, #tpu.memory_space<vmem>> -> memref<10x2x128xi32, #tpu.memory_space<vmem>>
      %dma_start3A_40 = arith.constant 0 : i32
      %dma_start3A_41 = arith.constant 0 : i32
      %dma_start3A_42 = tpu.memref_slice %arg3[%mul3A_33, %dma_start3A_40, %dma_start3A_41] : memref<12500x2x128xi32, #tpu.memory_space<hbm>> -> memref<10x2x128xi32, #tpu.memory_space<hbm>>
      %dma_start3A_43 = tpu.memref_slice %arg9[%dma_start3A_34] : memref<2x!tpu.dma_semaphore, #tpu.memory_space<semaphore_mem>> -> memref<1x!tpu.dma_semaphore, #tpu.memory_space<semaphore_mem>>
      %dma_start3A_44 = tpu.memref_squeeze %dma_start3A_43 : memref<1x!tpu.dma_semaphore, #tpu.memory_space<semaphore_mem>> -> memref<!tpu.dma_semaphore, #tpu.memory_space<semaphore_mem>>
      %dma_start3A_45 = arith.constant 0 : i32
      %dma_start3A_46 = arith.constant 0 : i32
      %dma_start3A_47 = arith.constant 0 : i32
      %dma_start3A_48 = tpu.memref_slice %arg6[%dma_start3A, %dma_start3A_45, %dma_start3A_46, %dma_start3A_47] : memref<2x10x2x128xi32, #tpu.memory_space<vmem>> -> memref<1x10x2x128xi32, #tpu.memory_space<vmem>>
      %dma_start3A_49 = tpu.memref_squeeze %dma_start3A_48 : memref<1x10x2x128xi32, #tpu.memory_space<vmem>> -> memref<10x2x128xi32, #tpu.memory_space<vmem>>
      %dma_start3A_50 = arith.constant 0 : i32
      %dma_start3A_51 = arith.constant 0 : i32
      %dma_start3A_52 = tpu.memref_slice %arg3[%mul3A_33, %dma_start3A_50, %dma_start3A_51] : memref<12500x2x128xi32, #tpu.memory_space<hbm>> -> memref<10x2x128xi32, #tpu.memory_space<hbm>>
      tpu.enqueue_dma source(%dma_start3A_52 : memref<10x2x128xi32, #tpu.memory_space<hbm>>) target(%dma_start3A_49 : memref<10x2x128xi32, #tpu.memory_space<vmem>>) target_semaphore(%dma_start3A_44 : memref<!tpu.dma_semaphore, #tpu.memory_space<semaphore_mem>>)
    } else {
    }
    %scan3A_15 = arith.constant 0 : i32
    %scan3A_16 = arith.constant 20 : i32
    %scan3A_17 = arith.addi %scan3A_15, %scan3A_16 : i32
    %scan3A_18 = arith.constant 1 : i32
    scf.for %scan3A_32 = %scan3A_15 to %scan3A_17 step %scan3A_18  : i32 {
      %mul3A_33 = arith.constant 1 : i32
      %mul3A_34 = arith.muli %scan3A_32, %mul3A_33 : i32
      %add3A_35 = arith.constant 0 : i32
      %add3A_36 = arith.addi %add3A_35, %mul3A_34 : i32
      %mul3A_37 = arith.constant 2 : i32
      %mul3A_38 = arith.muli %add3A_36, %mul3A_37 : i32
      %mul3A_39 = arith.constant 32 : i32
      %mul3A_40 = arith.muli %mul3A_38, %mul3A_39 : i32
      %add3A_41 = arith.addi %add3A, %mul3A_40 : i32
      %sub3A = arith.constant 1 : i32
      %sub3A_42 = arith.subi %mul3A_38, %sub3A : i32
      %mul3A_43 = arith.constant 32 : i32
      %mul3A_44 = arith.muli %sub3A_42, %mul3A_43 : i32
      %add3A_45 = arith.addi %add3A, %mul3A_44 : i32
      %lt3A_46 = arith.constant 1250 : i32
      %lt3A_47 = arith.cmpi slt, %add3A_41, %lt3A_46 : i32
      %convert_element_type3A_48 = arith.extui %lt3A_47 : i1 to i32
      %cond3A_49 = arith.constant 0 : i32
      %cond3A_50 = arith.cmpi ne, %convert_element_type3A_48, %cond3A_49 : i32
      scf.if %cond3A_50 {
        %dma_wait3A = arith.constant 0 : i32
        %dma_wait3A_110 = arith.constant 0 : i32
        %dma_wait3A_111 = arith.constant 0 : i32
        %dma_wait3A_112 = arith.constant 0 : i32
        %dma_wait3A_113 = arith.constant 0 : i32
        %dma_wait3A_114 = tpu.memref_slice %arg6[%dma_wait3A, %dma_wait3A_111, %dma_wait3A_112, %dma_wait3A_113] : memref<2x10x2x128xi32, #tpu.memory_space<vmem>> -> memref<1x10x2x128xi32, #tpu.memory_space<vmem>>
        %dma_wait3A_115 = tpu.memref_squeeze %dma_wait3A_114 : memref<1x10x2x128xi32, #tpu.memory_space<vmem>> -> memref<10x2x128xi32, #tpu.memory_space<vmem>>
        %dma_wait3A_116 = arith.constant 0 : i32
        %dma_wait3A_117 = arith.constant 0 : i32
        %dma_wait3A_118 = arith.constant 0 : i32
        %dma_wait3A_119 = tpu.memref_slice %arg3[%dma_wait3A_116, %dma_wait3A_117, %dma_wait3A_118] : memref<12500x2x128xi32, #tpu.memory_space<hbm>> -> memref<10x2x128xi32, #tpu.memory_space<hbm>>
        %dma_wait3A_120 = tpu.memref_slice %arg9[%dma_wait3A_110] : memref<2x!tpu.dma_semaphore, #tpu.memory_space<semaphore_mem>> -> memref<1x!tpu.dma_semaphore, #tpu.memory_space<semaphore_mem>>
        %dma_wait3A_121 = tpu.memref_squeeze %dma_wait3A_120 : memref<1x!tpu.dma_semaphore, #tpu.memory_space<semaphore_mem>> -> memref<!tpu.dma_semaphore, #tpu.memory_space<semaphore_mem>>
        %dma_wait3A_122 = arith.constant 0 : i32
        %dma_wait3A_123 = arith.constant 0 : i32
        %dma_wait3A_124 = arith.constant 0 : i32
        %dma_wait3A_125 = tpu.memref_slice %arg6[%dma_wait3A, %dma_wait3A_122, %dma_wait3A_123, %dma_wait3A_124] : memref<2x10x2x128xi32, #tpu.memory_space<vmem>> -> memref<1x10x2x128xi32, #tpu.memory_space<vmem>>
        %dma_wait3A_126 = tpu.memref_squeeze %dma_wait3A_125 : memref<1x10x2x128xi32, #tpu.memory_space<vmem>> -> memref<10x2x128xi32, #tpu.memory_space<vmem>>
        %dma_wait3A_127 = arith.constant 0 : i32
        %dma_wait3A_128 = arith.constant 0 : i32
        %dma_wait3A_129 = arith.constant 0 : i32
        %dma_wait3A_130 = tpu.memref_slice %arg3[%dma_wait3A_127, %dma_wait3A_128, %dma_wait3A_129] : memref<12500x2x128xi32, #tpu.memory_space<hbm>> -> memref<10x2x128xi32, #tpu.memory_space<hbm>>
        tpu.wait_dma2 semaphore(%dma_wait3A_121 : memref<!tpu.dma_semaphore, #tpu.memory_space<semaphore_mem>>) src(%dma_wait3A_130 : memref<10x2x128xi32, #tpu.memory_space<hbm>>) dst(%dma_wait3A_126 : memref<10x2x128xi32, #tpu.memory_space<vmem>>)
        %dma_start3A = arith.constant 0 : i32
        %dma_start3A_131 = arith.constant 0 : i32
        %dma_start3A_132 = arith.constant 0 : i32
        %dma_start3A_133 = arith.constant 0 : i32
        %dma_start3A_134 = arith.constant 0 : i32
        %dma_start3A_135 = arith.constant 0 : i32
        %dma_start3A_136 = arith.constant 0 : i32
        %dma_start3A_137 = tpu.memref_slice %arg7[%dma_start3A_133, %dma_start3A_135, %dma_start3A_136] : memref<2x1280x16xf32, #tpu.memory_space<vmem>> -> memref<1x128x16xf32, #tpu.memory_space<vmem>>
        %dma_start3A_138 = tpu.memref_squeeze %dma_start3A_137 : memref<1x128x16xf32, #tpu.memory_space<vmem>> -> memref<128x16xf32, #tpu.memory_space<vmem>>
        %dma_start3A_139 = arith.constant 0 : i32
        %dma_start3A_140 = tpu.memref_slice %arg6[%dma_start3A, %dma_start3A_131, %dma_start3A_132, %dma_start3A_139] : memref<2x10x2x128xi32, #tpu.memory_space<vmem>> -> memref<1x1x1x128xi32, #tpu.memory_space<vmem>>
        %dma_start3A_141 = tpu.memref_squeeze %dma_start3A_140 : memref<1x1x1x128xi32, #tpu.memory_space<vmem>> -> memref<128xi32, #tpu.memory_space<vmem>>
        %dma_start3A_142 = arith.constant 0 : i32
        %dma_start3A_143 = arith.constant 0 : i32
        %dma_start3A_144 = tpu.memref_slice %arg2[%dma_start3A_142, %dma_start3A_143] : memref<50048x16xf32, #tpu.memory_space<hbm>> -> memref<50048x16xf32, #tpu.memory_space<hbm>>
        %dma_start3A_145 = tpu.memref_slice %arg10[%dma_start3A_134] : memref<2x!tpu.dma_semaphore, #tpu.memory_space<semaphore_mem>> -> memref<1x!tpu.dma_semaphore, #tpu.memory_space<semaphore_mem>>
        %dma_start3A_146 = tpu.memref_squeeze %dma_start3A_145 : memref<1x!tpu.dma_semaphore, #tpu.memory_space<semaphore_mem>> -> memref<!tpu.dma_semaphore, #tpu.memory_space<semaphore_mem>>
        tpu.enqueue_indirect_dma source(%dma_start3A_144 : memref<50048x16xf32, #tpu.memory_space<hbm>>) target(%dma_start3A_138 : memref<128x16xf32, #tpu.memory_space<vmem>>) offsets(%dma_start3A_141 : memref<128xi32, #tpu.memory_space<vmem>>) semaphore(%dma_start3A_146 : memref<!tpu.dma_semaphore, #tpu.memory_space<semaphore_mem>>)
        %dma_start3A_147 = arith.constant 0 : i32
        %dma_start3A_148 = arith.constant 1 : i32
        %dma_start3A_149 = arith.constant 0 : i32
        %dma_start3A_150 = arith.constant 0 : i32
        %dma_start3A_151 = arith.constant 0 : i32
        %dma_start3A_152 = arith.constant 128 : i32
        %dma_start3A_153 = arith.constant 0 : i32
        %dma_start3A_154 = tpu.memref_slice %arg7[%dma_start3A_150, %dma_start3A_152, %dma_start3A_153] : memref<2x1280x16xf32, #tpu.memory_space<vmem>> -> memref<1x128x16xf32, #tpu.memory_space<vmem>>
        %dma_start3A_155 = tpu.memref_squeeze %dma_start3A_154 : memref<1x128x16xf32, #tpu.memory_space<vmem>> -> memref<128x16xf32, #tpu.memory_space<vmem>>
        %dma_start3A_156 = arith.constant 0 : i32
        %dma_start3A_157 = tpu.memref_slice %arg6[%dma_start3A_147, %dma_start3A_148, %dma_start3A_149, %dma_start3A_156] : memref<2x10x2x128xi32, #tpu.memory_space<vmem>> -> memref<1x1x1x128xi32, #tpu.memory_space<vmem>>
        %dma_start3A_158 = tpu.memref_squeeze %dma_start3A_157 : memref<1x1x1x128xi32, #tpu.memory_space<vmem>> -> memref<128xi32, #tpu.memory_space<vmem>>
        %dma_start3A_159 = arith.constant 0 : i32
        %dma_start3A_160 = arith.constant 0 : i32
        %dma_start3A_161 = tpu.memref_slice %arg2[%dma_start3A_159, %dma_start3A_160] : memref<50048x16xf32, #tpu.memory_space<hbm>> -> memref<50048x16xf32, #tpu.memory_space<hbm>>
        %dma_start3A_162 = tpu.memref_slice %arg10[%dma_start3A_151] : memref<2x!tpu.dma_semaphore, #tpu.memory_space<semaphore_mem>> -> memref<1x!tpu.dma_semaphore, #tpu.memory_space<semaphore_mem>>
        %dma_start3A_163 = tpu.memref_squeeze %dma_start3A_162 : memref<1x!tpu.dma_semaphore, #tpu.memory_space<semaphore_mem>> -> memref<!tpu.dma_semaphore, #tpu.memory_space<semaphore_mem>>
        tpu.enqueue_indirect_dma source(%dma_start3A_161 : memref<50048x16xf32, #tpu.memory_space<hbm>>) target(%dma_start3A_155 : memref<128x16xf32, #tpu.memory_space<vmem>>) offsets(%dma_start3A_158 : memref<128xi32, #tpu.memory_space<vmem>>) semaphore(%dma_start3A_163 : memref<!tpu.dma_semaphore, #tpu.memory_space<semaphore_mem>>)
        %dma_start3A_164 = arith.constant 0 : i32
        %dma_start3A_165 = arith.constant 2 : i32
        %dma_start3A_166 = arith.constant 0 : i32
        %dma_start3A_167 = arith.constant 0 : i32
        %dma_start3A_168 = arith.constant 0 : i32
        %dma_start3A_169 = arith.constant 256 : i32
        %dma_start3A_170 = arith.constant 0 : i32
        %dma_start3A_171 = tpu.memref_slice %arg7[%dma_start3A_167, %dma_start3A_169, %dma_start3A_170] : memref<2x1280x16xf32, #tpu.memory_space<vmem>> -> memref<1x128x16xf32, #tpu.memory_space<vmem>>
        %dma_start3A_172 = tpu.memref_squeeze %dma_start3A_171 : memref<1x128x16xf32, #tpu.memory_space<vmem>> -> memref<128x16xf32, #tpu.memory_space<vmem>>
        %dma_start3A_173 = arith.constant 0 : i32
        %dma_start3A_174 = tpu.memref_slice %arg6[%dma_start3A_164, %dma_start3A_165, %dma_start3A_166, %dma_start3A_173] : memref<2x10x2x128xi32, #tpu.memory_space<vmem>> -> memref<1x1x1x128xi32, #tpu.memory_space<vmem>>
        %dma_start3A_175 = tpu.memref_squeeze %dma_start3A_174 : memref<1x1x1x128xi32, #tpu.memory_space<vmem>> -> memref<128xi32, #tpu.memory_space<vmem>>
        %dma_start3A_176 = arith.constant 0 : i32
        %dma_start3A_177 = arith.constant 0 : i32
        %dma_start3A_178 = tpu.memref_slice %arg2[%dma_start3A_176, %dma_start3A_177] : memref<50048x16xf32, #tpu.memory_space<hbm>> -> memref<50048x16xf32, #tpu.memory_space<hbm>>
        %dma_start3A_179 = tpu.memref_slice %arg10[%dma_start3A_168] : memref<2x!tpu.dma_semaphore, #tpu.memory_space<semaphore_mem>> -> memref<1x!tpu.dma_semaphore, #tpu.memory_space<semaphore_mem>>
        %dma_start3A_180 = tpu.memref_squeeze %dma_start3A_179 : memref<1x!tpu.dma_semaphore, #tpu.memory_space<semaphore_mem>> -> memref<!tpu.dma_semaphore, #tpu.memory_space<semaphore_mem>>
        tpu.enqueue_indirect_dma source(%dma_start3A_178 : memref<50048x16xf32, #tpu.memory_space<hbm>>) target(%dma_start3A_172 : memref<128x16xf32, #tpu.memory_space<vmem>>) offsets(%dma_start3A_175 : memref<128xi32, #tpu.memory_space<vmem>>) semaphore(%dma_start3A_180 : memref<!tpu.dma_semaphore, #tpu.memory_space<semaphore_mem>>)
        %dma_start3A_181 = arith.constant 0 : i32
        %dma_start3A_182 = arith.constant 3 : i32
        %dma_start3A_183 = arith.constant 0 : i32
        %dma_start3A_184 = arith.constant 0 : i32
        %dma_start3A_185 = arith.constant 0 : i32
        %dma_start3A_186 = arith.constant 384 : i32
        %dma_start3A_187 = arith.constant 0 : i32
        %dma_start3A_188 = tpu.memref_slice %arg7[%dma_start3A_184, %dma_start3A_186, %dma_start3A_187] : memref<2x1280x16xf32, #tpu.memory_space<vmem>> -> memref<1x128x16xf32, #tpu.memory_space<vmem>>
        %dma_start3A_189 = tpu.memref_squeeze %dma_start3A_188 : memref<1x128x16xf32, #tpu.memory_space<vmem>> -> memref<128x16xf32, #tpu.memory_space<vmem>>
        %dma_start3A_190 = arith.constant 0 : i32
        %dma_start3A_191 = tpu.memref_slice %arg6[%dma_start3A_181, %dma_start3A_182, %dma_start3A_183, %dma_start3A_190] : memref<2x10x2x128xi32, #tpu.memory_space<vmem>> -> memref<1x1x1x128xi32, #tpu.memory_space<vmem>>
        %dma_start3A_192 = tpu.memref_squeeze %dma_start3A_191 : memref<1x1x1x128xi32, #tpu.memory_space<vmem>> -> memref<128xi32, #tpu.memory_space<vmem>>
        %dma_start3A_193 = arith.constant 0 : i32
        %dma_start3A_194 = arith.constant 0 : i32
        %dma_start3A_195 = tpu.memref_slice %arg2[%dma_start3A_193, %dma_start3A_194] : memref<50048x16xf32, #tpu.memory_space<hbm>> -> memref<50048x16xf32, #tpu.memory_space<hbm>>
        %dma_start3A_196 = tpu.memref_slice %arg10[%dma_start3A_185] : memref<2x!tpu.dma_semaphore, #tpu.memory_space<semaphore_mem>> -> memref<1x!tpu.dma_semaphore, #tpu.memory_space<semaphore_mem>>
        %dma_start3A_197 = tpu.memref_squeeze %dma_start3A_196 : memref<1x!tpu.dma_semaphore, #tpu.memory_space<semaphore_mem>> -> memref<!tpu.dma_semaphore, #tpu.memory_space<semaphore_mem>>
        tpu.enqueue_indirect_dma source(%dma_start3A_195 : memref<50048x16xf32, #tpu.memory_space<hbm>>) target(%dma_start3A_189 : memref<128x16xf32, #tpu.memory_space<vmem>>) offsets(%dma_start3A_192 : memref<128xi32, #tpu.memory_space<vmem>>) semaphore(%dma_start3A_197 : memref<!tpu.dma_semaphore, #tpu.memory_space<semaphore_mem>>)
        %dma_start3A_198 = arith.constant 0 : i32
        %dma_start3A_199 = arith.constant 4 : i32
        %dma_start3A_200 = arith.constant 0 : i32
        %dma_start3A_201 = arith.constant 0 : i32
        %dma_start3A_202 = arith.constant 0 : i32
        %dma_start3A_203 = arith.constant 512 : i32
        %dma_start3A_204 = arith.constant 0 : i32
        %dma_start3A_205 = tpu.memref_slice %arg7[%dma_start3A_201, %dma_start3A_203, %dma_start3A_204] : memref<2x1280x16xf32, #tpu.memory_space<vmem>> -> memref<1x128x16xf32, #tpu.memory_space<vmem>>
        %dma_start3A_206 = tpu.memref_squeeze %dma_start3A_205 : memref<1x128x16xf32, #tpu.memory_space<vmem>> -> memref<128x16xf32, #tpu.memory_space<vmem>>
        %dma_start3A_207 = arith.constant 0 : i32
        %dma_start3A_208 = tpu.memref_slice %arg6[%dma_start3A_198, %dma_start3A_199, %dma_start3A_200, %dma_start3A_207] : memref<2x10x2x128xi32, #tpu.memory_space<vmem>> -> memref<1x1x1x128xi32, #tpu.memory_space<vmem>>
        %dma_start3A_209 = tpu.memref_squeeze %dma_start3A_208 : memref<1x1x1x128xi32, #tpu.memory_space<vmem>> -> memref<128xi32, #tpu.memory_space<vmem>>
        %dma_start3A_210 = arith.constant 0 : i32
        %dma_start3A_211 = arith.constant 0 : i32
        %dma_start3A_212 = tpu.memref_slice %arg2[%dma_start3A_210, %dma_start3A_211] : memref<50048x16xf32, #tpu.memory_space<hbm>> -> memref<50048x16xf32, #tpu.memory_space<hbm>>
        %dma_start3A_213 = tpu.memref_slice %arg10[%dma_start3A_202] : memref<2x!tpu.dma_semaphore, #tpu.memory_space<semaphore_mem>> -> memref<1x!tpu.dma_semaphore, #tpu.memory_space<semaphore_mem>>
        %dma_start3A_214 = tpu.memref_squeeze %dma_start3A_213 : memref<1x!tpu.dma_semaphore, #tpu.memory_space<semaphore_mem>> -> memref<!tpu.dma_semaphore, #tpu.memory_space<semaphore_mem>>
        tpu.enqueue_indirect_dma source(%dma_start3A_212 : memref<50048x16xf32, #tpu.memory_space<hbm>>) target(%dma_start3A_206 : memref<128x16xf32, #tpu.memory_space<vmem>>) offsets(%dma_start3A_209 : memref<128xi32, #tpu.memory_space<vmem>>) semaphore(%dma_start3A_214 : memref<!tpu.dma_semaphore, #tpu.memory_space<semaphore_mem>>)
        %dma_start3A_215 = arith.constant 0 : i32
        %dma_start3A_216 = arith.constant 5 : i32
        %dma_start3A_217 = arith.constant 0 : i32
        %dma_start3A_218 = arith.constant 0 : i32
        %dma_start3A_219 = arith.constant 0 : i32
        %dma_start3A_220 = arith.constant 640 : i32
        %dma_start3A_221 = arith.constant 0 : i32
        %dma_start3A_222 = tpu.memref_slice %arg7[%dma_start3A_218, %dma_start3A_220, %dma_start3A_221] : memref<2x1280x16xf32, #tpu.memory_space<vmem>> -> memref<1x128x16xf32, #tpu.memory_space<vmem>>
        %dma_start3A_223 = tpu.memref_squeeze %dma_start3A_222 : memref<1x128x16xf32, #tpu.memory_space<vmem>> -> memref<128x16xf32, #tpu.memory_space<vmem>>
        %dma_start3A_224 = arith.constant 0 : i32
        %dma_start3A_225 = tpu.memref_slice %arg6[%dma_start3A_215, %dma_start3A_216, %dma_start3A_217, %dma_start3A_224] : memref<2x10x2x128xi32, #tpu.memory_space<vmem>> -> memref<1x1x1x128xi32, #tpu.memory_space<vmem>>
        %dma_start3A_226 = tpu.memref_squeeze %dma_start3A_225 : memref<1x1x1x128xi32, #tpu.memory_space<vmem>> -> memref<128xi32, #tpu.memory_space<vmem>>
        %dma_start3A_227 = arith.constant 0 : i32
        %dma_start3A_228 = arith.constant 0 : i32
        %dma_start3A_229 = tpu.memref_slice %arg2[%dma_start3A_227, %dma_start3A_228] : memref<50048x16xf32, #tpu.memory_space<hbm>> -> memref<50048x16xf32, #tpu.memory_space<hbm>>
        %dma_start3A_230 = tpu.memref_slice %arg10[%dma_start3A_219] : memref<2x!tpu.dma_semaphore, #tpu.memory_space<semaphore_mem>> -> memref<1x!tpu.dma_semaphore, #tpu.memory_space<semaphore_mem>>
        %dma_start3A_231 = tpu.memref_squeeze %dma_start3A_230 : memref<1x!tpu.dma_semaphore, #tpu.memory_space<semaphore_mem>> -> memref<!tpu.dma_semaphore, #tpu.memory_space<semaphore_mem>>
        tpu.enqueue_indirect_dma source(%dma_start3A_229 : memref<50048x16xf32, #tpu.memory_space<hbm>>) target(%dma_start3A_223 : memref<128x16xf32, #tpu.memory_space<vmem>>) offsets(%dma_start3A_226 : memref<128xi32, #tpu.memory_space<vmem>>) semaphore(%dma_start3A_231 : memref<!tpu.dma_semaphore, #tpu.memory_space<semaphore_mem>>)
        %dma_start3A_232 = arith.constant 0 : i32
        %dma_start3A_233 = arith.constant 6 : i32
        %dma_start3A_234 = arith.constant 0 : i32
        %dma_start3A_235 = arith.constant 0 : i32
        %dma_start3A_236 = arith.constant 0 : i32
        %dma_start3A_237 = arith.constant 768 : i32
        %dma_start3A_238 = arith.constant 0 : i32
        %dma_start3A_239 = tpu.memref_slice %arg7[%dma_start3A_235, %dma_start3A_237, %dma_start3A_238] : memref<2x1280x16xf32, #tpu.memory_space<vmem>> -> memref<1x128x16xf32, #tpu.memory_space<vmem>>
        %dma_start3A_240 = tpu.memref_squeeze %dma_start3A_239 : memref<1x128x16xf32, #tpu.memory_space<vmem>> -> memref<128x16xf32, #tpu.memory_space<vmem>>
        %dma_start3A_241 = arith.constant 0 : i32
        %dma_start3A_242 = tpu.memref_slice %arg6[%dma_start3A_232, %dma_start3A_233, %dma_start3A_234, %dma_start3A_241] : memref<2x10x2x128xi32, #tpu.memory_space<vmem>> -> memref<1x1x1x128xi32, #tpu.memory_space<vmem>>
        %dma_start3A_243 = tpu.memref_squeeze %dma_start3A_242 : memref<1x1x1x128xi32, #tpu.memory_space<vmem>> -> memref<128xi32, #tpu.memory_space<vmem>>
        %dma_start3A_244 = arith.constant 0 : i32
        %dma_start3A_245 = arith.constant 0 : i32
        %dma_start3A_246 = tpu.memref_slice %arg2[%dma_start3A_244, %dma_start3A_245] : memref<50048x16xf32, #tpu.memory_space<hbm>> -> memref<50048x16xf32, #tpu.memory_space<hbm>>
        %dma_start3A_247 = tpu.memref_slice %arg10[%dma_start3A_236] : memref<2x!tpu.dma_semaphore, #tpu.memory_space<semaphore_mem>> -> memref<1x!tpu.dma_semaphore, #tpu.memory_space<semaphore_mem>>
        %dma_start3A_248 = tpu.memref_squeeze %dma_start3A_247 : memref<1x!tpu.dma_semaphore, #tpu.memory_space<semaphore_mem>> -> memref<!tpu.dma_semaphore, #tpu.memory_space<semaphore_mem>>
        tpu.enqueue_indirect_dma source(%dma_start3A_246 : memref<50048x16xf32, #tpu.memory_space<hbm>>) target(%dma_start3A_240 : memref<128x16xf32, #tpu.memory_space<vmem>>) offsets(%dma_start3A_243 : memref<128xi32, #tpu.memory_space<vmem>>) semaphore(%dma_start3A_248 : memref<!tpu.dma_semaphore, #tpu.memory_space<semaphore_mem>>)
        %dma_start3A_249 = arith.constant 0 : i32
        %dma_start3A_250 = arith.constant 7 : i32
        %dma_start3A_251 = arith.constant 0 : i32
        %dma_start3A_252 = arith.constant 0 : i32
        %dma_start3A_253 = arith.constant 0 : i32
        %dma_start3A_254 = arith.constant 896 : i32
        %dma_start3A_255 = arith.constant 0 : i32
        %dma_start3A_256 = tpu.memref_slice %arg7[%dma_start3A_252, %dma_start3A_254, %dma_start3A_255] : memref<2x1280x16xf32, #tpu.memory_space<vmem>> -> memref<1x128x16xf32, #tpu.memory_space<vmem>>
        %dma_start3A_257 = tpu.memref_squeeze %dma_start3A_256 : memref<1x128x16xf32, #tpu.memory_space<vmem>> -> memref<128x16xf32, #tpu.memory_space<vmem>>
        %dma_start3A_258 = arith.constant 0 : i32
        %dma_start3A_259 = tpu.memref_slice %arg6[%dma_start3A_249, %dma_start3A_250, %dma_start3A_251, %dma_start3A_258] : memref<2x10x2x128xi32, #tpu.memory_space<vmem>> -> memref<1x1x1x128xi32, #tpu.memory_space<vmem>>
        %dma_start3A_260 = tpu.memref_squeeze %dma_start3A_259 : memref<1x1x1x128xi32, #tpu.memory_space<vmem>> -> memref<128xi32, #tpu.memory_space<vmem>>
        %dma_start3A_261 = arith.constant 0 : i32
        %dma_start3A_262 = arith.constant 0 : i32
        %dma_start3A_263 = tpu.memref_slice %arg2[%dma_start3A_261, %dma_start3A_262] : memref<50048x16xf32, #tpu.memory_space<hbm>> -> memref<50048x16xf32, #tpu.memory_space<hbm>>
        %dma_start3A_264 = tpu.memref_slice %arg10[%dma_start3A_253] : memref<2x!tpu.dma_semaphore, #tpu.memory_space<semaphore_mem>> -> memref<1x!tpu.dma_semaphore, #tpu.memory_space<semaphore_mem>>
        %dma_start3A_265 = tpu.memref_squeeze %dma_start3A_264 : memref<1x!tpu.dma_semaphore, #tpu.memory_space<semaphore_mem>> -> memref<!tpu.dma_semaphore, #tpu.memory_space<semaphore_mem>>
        tpu.enqueue_indirect_dma source(%dma_start3A_263 : memref<50048x16xf32, #tpu.memory_space<hbm>>) target(%dma_start3A_257 : memref<128x16xf32, #tpu.memory_space<vmem>>) offsets(%dma_start3A_260 : memref<128xi32, #tpu.memory_space<vmem>>) semaphore(%dma_start3A_265 : memref<!tpu.dma_semaphore, #tpu.memory_space<semaphore_mem>>)
        %dma_start3A_266 = arith.constant 0 : i32
        %dma_start3A_267 = arith.constant 8 : i32
        %dma_start3A_268 = arith.constant 0 : i32
        %dma_start3A_269 = arith.constant 0 : i32
        %dma_start3A_270 = arith.constant 0 : i32
        %dma_start3A_271 = arith.constant 1024 : i32
        %dma_start3A_272 = arith.constant 0 : i32
        %dma_start3A_273 = tpu.memref_slice %arg7[%dma_start3A_269, %dma_start3A_271, %dma_start3A_272] : memref<2x1280x16xf32, #tpu.memory_space<vmem>> -> memref<1x128x16xf32, #tpu.memory_space<vmem>>
        %dma_start3A_274 = tpu.memref_squeeze %dma_start3A_273 : memref<1x128x16xf32, #tpu.memory_space<vmem>> -> memref<128x16xf32, #tpu.memory_space<vmem>>
        %dma_start3A_275 = arith.constant 0 : i32
        %dma_start3A_276 = tpu.memref_slice %arg6[%dma_start3A_266, %dma_start3A_267, %dma_start3A_268, %dma_start3A_275] : memref<2x10x2x128xi32, #tpu.memory_space<vmem>> -> memref<1x1x1x128xi32, #tpu.memory_space<vmem>>
        %dma_start3A_277 = tpu.memref_squeeze %dma_start3A_276 : memref<1x1x1x128xi32, #tpu.memory_space<vmem>> -> memref<128xi32, #tpu.memory_space<vmem>>
        %dma_start3A_278 = arith.constant 0 : i32
        %dma_start3A_279 = arith.constant 0 : i32
        %dma_start3A_280 = tpu.memref_slice %arg2[%dma_start3A_278, %dma_start3A_279] : memref<50048x16xf32, #tpu.memory_space<hbm>> -> memref<50048x16xf32, #tpu.memory_space<hbm>>
        %dma_start3A_281 = tpu.memref_slice %arg10[%dma_start3A_270] : memref<2x!tpu.dma_semaphore, #tpu.memory_space<semaphore_mem>> -> memref<1x!tpu.dma_semaphore, #tpu.memory_space<semaphore_mem>>
        %dma_start3A_282 = tpu.memref_squeeze %dma_start3A_281 : memref<1x!tpu.dma_semaphore, #tpu.memory_space<semaphore_mem>> -> memref<!tpu.dma_semaphore, #tpu.memory_space<semaphore_mem>>
        tpu.enqueue_indirect_dma source(%dma_start3A_280 : memref<50048x16xf32, #tpu.memory_space<hbm>>) target(%dma_start3A_274 : memref<128x16xf32, #tpu.memory_space<vmem>>) offsets(%dma_start3A_277 : memref<128xi32, #tpu.memory_space<vmem>>) semaphore(%dma_start3A_282 : memref<!tpu.dma_semaphore, #tpu.memory_space<semaphore_mem>>)
        %dma_start3A_283 = arith.constant 0 : i32
        %dma_start3A_284 = arith.constant 9 : i32
        %dma_start3A_285 = arith.constant 0 : i32
        %dma_start3A_286 = arith.constant 0 : i32
        %dma_start3A_287 = arith.constant 0 : i32
        %dma_start3A_288 = arith.constant 1152 : i32
        %dma_start3A_289 = arith.constant 0 : i32
        %dma_start3A_290 = tpu.memref_slice %arg7[%dma_start3A_286, %dma_start3A_288, %dma_start3A_289] : memref<2x1280x16xf32, #tpu.memory_space<vmem>> -> memref<1x128x16xf32, #tpu.memory_space<vmem>>
        %dma_start3A_291 = tpu.memref_squeeze %dma_start3A_290 : memref<1x128x16xf32, #tpu.memory_space<vmem>> -> memref<128x16xf32, #tpu.memory_space<vmem>>
        %dma_start3A_292 = arith.constant 0 : i32
        %dma_start3A_293 = tpu.memref_slice %arg6[%dma_start3A_283, %dma_start3A_284, %dma_start3A_285, %dma_start3A_292] : memref<2x10x2x128xi32, #tpu.memory_space<vmem>> -> memref<1x1x1x128xi32, #tpu.memory_space<vmem>>
        %dma_start3A_294 = tpu.memref_squeeze %dma_start3A_293 : memref<1x1x1x128xi32, #tpu.memory_space<vmem>> -> memref<128xi32, #tpu.memory_space<vmem>>
        %dma_start3A_295 = arith.constant 0 : i32
        %dma_start3A_296 = arith.constant 0 : i32
        %dma_start3A_297 = tpu.memref_slice %arg2[%dma_start3A_295, %dma_start3A_296] : memref<50048x16xf32, #tpu.memory_space<hbm>> -> memref<50048x16xf32, #tpu.memory_space<hbm>>
        %dma_start3A_298 = tpu.memref_slice %arg10[%dma_start3A_287] : memref<2x!tpu.dma_semaphore, #tpu.memory_space<semaphore_mem>> -> memref<1x!tpu.dma_semaphore, #tpu.memory_space<semaphore_mem>>
        %dma_start3A_299 = tpu.memref_squeeze %dma_start3A_298 : memref<1x!tpu.dma_semaphore, #tpu.memory_space<semaphore_mem>> -> memref<!tpu.dma_semaphore, #tpu.memory_space<semaphore_mem>>
        tpu.enqueue_indirect_dma source(%dma_start3A_297 : memref<50048x16xf32, #tpu.memory_space<hbm>>) target(%dma_start3A_291 : memref<128x16xf32, #tpu.memory_space<vmem>>) offsets(%dma_start3A_294 : memref<128xi32, #tpu.memory_space<vmem>>) semaphore(%dma_start3A_299 : memref<!tpu.dma_semaphore, #tpu.memory_space<semaphore_mem>>)
      } else {
      }
      %ge3A = arith.constant 1 : i32
      %ge3A_51 = arith.cmpi sge, %mul3A_38, %ge3A : i32
      %lt3A_52 = arith.constant 1250 : i32
      %lt3A_53 = arith.cmpi slt, %add3A_45, %lt3A_52 : i32
      %and3A = arith.andi %ge3A_51, %lt3A_53 : i1
      %convert_element_type3A_54 = arith.extui %and3A : i1 to i32
      %cond3A_55 = arith.constant 0 : i32
      %cond3A_56 = arith.cmpi ne, %convert_element_type3A_54, %cond3A_55 : i32
      scf.if %cond3A_56 {
        %dma_wait3A = arith.constant 1 : i32
        %dma_wait3A_110 = arith.constant 1 : i32
        %dma_wait3A_111 = arith.constant 0 : i32
        %dma_wait3A_112 = arith.constant 0 : i32
        %dma_wait3A_113 = tpu.memref_slice %arg7[%dma_wait3A, %dma_wait3A_111, %dma_wait3A_112] : memref<2x1280x16xf32, #tpu.memory_space<vmem>> -> memref<1x1280x16xf32, #tpu.memory_space<vmem>>
        %dma_wait3A_114 = tpu.memref_squeeze %dma_wait3A_113 : memref<1x1280x16xf32, #tpu.memory_space<vmem>> -> memref<1280x16xf32, #tpu.memory_space<vmem>>
        %dma_wait3A_115 = arith.constant 0 : i32
        %dma_wait3A_116 = arith.constant 0 : i32
        %dma_wait3A_117 = tpu.memref_slice %arg2[%dma_wait3A_115, %dma_wait3A_116] : memref<50048x16xf32, #tpu.memory_space<hbm>> -> memref<1280x16xf32, #tpu.memory_space<hbm>>
        %dma_wait3A_118 = tpu.memref_slice %arg11[%dma_wait3A_110] : memref<2x!tpu.dma_semaphore, #tpu.memory_space<semaphore_mem>> -> memref<1x!tpu.dma_semaphore, #tpu.memory_space<semaphore_mem>>
        %dma_wait3A_119 = tpu.memref_squeeze %dma_wait3A_118 : memref<1x!tpu.dma_semaphore, #tpu.memory_space<semaphore_mem>> -> memref<!tpu.dma_semaphore, #tpu.memory_space<semaphore_mem>>
        %dma_wait3A_120 = arith.constant 0 : i32
        %dma_wait3A_121 = arith.constant 0 : i32
        %dma_wait3A_122 = tpu.memref_slice %arg7[%dma_wait3A, %dma_wait3A_120, %dma_wait3A_121] : memref<2x1280x16xf32, #tpu.memory_space<vmem>> -> memref<1x1280x16xf32, #tpu.memory_space<vmem>>
        %dma_wait3A_123 = tpu.memref_squeeze %dma_wait3A_122 : memref<1x1280x16xf32, #tpu.memory_space<vmem>> -> memref<1280x16xf32, #tpu.memory_space<vmem>>
        %dma_wait3A_124 = arith.constant 0 : i32
        %dma_wait3A_125 = arith.constant 0 : i32
        %dma_wait3A_126 = tpu.memref_slice %arg2[%dma_wait3A_124, %dma_wait3A_125] : memref<50048x16xf32, #tpu.memory_space<hbm>> -> memref<1280x16xf32, #tpu.memory_space<hbm>>
        tpu.wait_dma2 semaphore(%dma_wait3A_119 : memref<!tpu.dma_semaphore, #tpu.memory_space<semaphore_mem>>) src(%dma_wait3A_126 : memref<1280x16xf32, #tpu.memory_space<hbm>>) dst(%dma_wait3A_123 : memref<1280x16xf32, #tpu.memory_space<vmem>>)
      } else {
      }
      %add3A_57 = arith.constant 1 : i32
      %add3A_58 = arith.addi %mul3A_38, %add3A_57 : i32
      %mul3A_59 = arith.constant 32 : i32
      %mul3A_60 = arith.muli %add3A_58, %mul3A_59 : i32
      %add3A_61 = arith.addi %add3A, %mul3A_60 : i32
      %lt3A_62 = arith.constant 1250 : i32
      %lt3A_63 = arith.cmpi slt, %add3A_61, %lt3A_62 : i32
      %convert_element_type3A_64 = arith.extui %lt3A_63 : i1 to i32
      %cond3A_65 = arith.constant 0 : i32
      %cond3A_66 = arith.cmpi ne, %convert_element_type3A_64, %cond3A_65 : i32
      scf.if %cond3A_66 {
        %mul3A_110 = arith.constant 10 : i32
        %mul3A_111 = arith.muli %add3A_61, %mul3A_110 : i32
        %dma_start3A = arith.constant 1 : i32
        %dma_start3A_112 = arith.constant 1 : i32
        %dma_start3A_113 = arith.constant 0 : i32
        %dma_start3A_114 = arith.constant 0 : i32
        %dma_start3A_115 = arith.constant 0 : i32
        %dma_start3A_116 = tpu.memref_slice %arg6[%dma_start3A, %dma_start3A_113, %dma_start3A_114, %dma_start3A_115] : memref<2x10x2x128xi32, #tpu.memory_space<vmem>> -> memref<1x10x2x128xi32, #tpu.memory_space<vmem>>
        %dma_start3A_117 = tpu.memref_squeeze %dma_start3A_116 : memref<1x10x2x128xi32, #tpu.memory_space<vmem>> -> memref<10x2x128xi32, #tpu.memory_space<vmem>>
        %dma_start3A_118 = arith.constant 0 : i32
        %dma_start3A_119 = arith.constant 0 : i32
        %dma_start3A_120 = tpu.memref_slice %arg3[%mul3A_111, %dma_start3A_118, %dma_start3A_119] : memref<12500x2x128xi32, #tpu.memory_space<hbm>> -> memref<10x2x128xi32, #tpu.memory_space<hbm>>
        %dma_start3A_121 = tpu.memref_slice %arg9[%dma_start3A_112] : memref<2x!tpu.dma_semaphore, #tpu.memory_space<semaphore_mem>> -> memref<1x!tpu.dma_semaphore, #tpu.memory_space<semaphore_mem>>
        %dma_start3A_122 = tpu.memref_squeeze %dma_start3A_121 : memref<1x!tpu.dma_semaphore, #tpu.memory_space<semaphore_mem>> -> memref<!tpu.dma_semaphore, #tpu.memory_space<semaphore_mem>>
        %dma_start3A_123 = arith.constant 0 : i32
        %dma_start3A_124 = arith.constant 0 : i32
        %dma_start3A_125 = arith.constant 0 : i32
        %dma_start3A_126 = tpu.memref_slice %arg6[%dma_start3A, %dma_start3A_123, %dma_start3A_124, %dma_start3A_125] : memref<2x10x2x128xi32, #tpu.memory_space<vmem>> -> memref<1x10x2x128xi32, #tpu.memory_space<vmem>>
        %dma_start3A_127 = tpu.memref_squeeze %dma_start3A_126 : memref<1x10x2x128xi32, #tpu.memory_space<vmem>> -> memref<10x2x128xi32, #tpu.memory_space<vmem>>
        %dma_start3A_128 = arith.constant 0 : i32
        %dma_start3A_129 = arith.constant 0 : i32
        %dma_start3A_130 = tpu.memref_slice %arg3[%mul3A_111, %dma_start3A_128, %dma_start3A_129] : memref<12500x2x128xi32, #tpu.memory_space<hbm>> -> memref<10x2x128xi32, #tpu.memory_space<hbm>>
        tpu.enqueue_dma source(%dma_start3A_130 : memref<10x2x128xi32, #tpu.memory_space<hbm>>) target(%dma_start3A_127 : memref<10x2x128xi32, #tpu.memory_space<vmem>>) target_semaphore(%dma_start3A_122 : memref<!tpu.dma_semaphore, #tpu.memory_space<semaphore_mem>>)
      } else {
      }
      %lt3A_67 = arith.constant 1250 : i32
      %lt3A_68 = arith.cmpi slt, %add3A_41, %lt3A_67 : i32
      %convert_element_type3A_69 = arith.extui %lt3A_68 : i1 to i32
      %cond3A_70 = arith.constant 0 : i32
      %cond3A_71 = arith.cmpi ne, %convert_element_type3A_69, %cond3A_70 : i32
      scf.if %cond3A_71 {
        %dma_wait3A = arith.constant 0 : i32
        %dma_wait3A_110 = arith.constant 0 : i32
        %dma_wait3A_111 = arith.constant 0 : i32
        %dma_wait3A_112 = arith.constant 0 : i32
        %dma_wait3A_113 = tpu.memref_slice %arg7[%dma_wait3A, %dma_wait3A_111, %dma_wait3A_112] : memref<2x1280x16xf32, #tpu.memory_space<vmem>> -> memref<1x1280x16xf32, #tpu.memory_space<vmem>>
        %dma_wait3A_114 = tpu.memref_squeeze %dma_wait3A_113 : memref<1x1280x16xf32, #tpu.memory_space<vmem>> -> memref<1280x16xf32, #tpu.memory_space<vmem>>
        %dma_wait3A_115 = arith.constant 0 : i32
        %dma_wait3A_116 = arith.constant 0 : i32
        %dma_wait3A_117 = tpu.memref_slice %arg2[%dma_wait3A_115, %dma_wait3A_116] : memref<50048x16xf32, #tpu.memory_space<hbm>> -> memref<1280x16xf32, #tpu.memory_space<hbm>>
        %dma_wait3A_118 = tpu.memref_slice %arg10[%dma_wait3A_110] : memref<2x!tpu.dma_semaphore, #tpu.memory_space<semaphore_mem>> -> memref<1x!tpu.dma_semaphore, #tpu.memory_space<semaphore_mem>>
        %dma_wait3A_119 = tpu.memref_squeeze %dma_wait3A_118 : memref<1x!tpu.dma_semaphore, #tpu.memory_space<semaphore_mem>> -> memref<!tpu.dma_semaphore, #tpu.memory_space<semaphore_mem>>
        %dma_wait3A_120 = arith.constant 0 : i32
        %dma_wait3A_121 = arith.constant 0 : i32
        %dma_wait3A_122 = tpu.memref_slice %arg7[%dma_wait3A, %dma_wait3A_120, %dma_wait3A_121] : memref<2x1280x16xf32, #tpu.memory_space<vmem>> -> memref<1x1280x16xf32, #tpu.memory_space<vmem>>
        %dma_wait3A_123 = tpu.memref_squeeze %dma_wait3A_122 : memref<1x1280x16xf32, #tpu.memory_space<vmem>> -> memref<1280x16xf32, #tpu.memory_space<vmem>>
        %dma_wait3A_124 = arith.constant 0 : i32
        %dma_wait3A_125 = arith.constant 0 : i32
        %dma_wait3A_126 = tpu.memref_slice %arg2[%dma_wait3A_124, %dma_wait3A_125] : memref<50048x16xf32, #tpu.memory_space<hbm>> -> memref<1280x16xf32, #tpu.memory_space<hbm>>
        tpu.wait_dma2 semaphore(%dma_wait3A_119 : memref<!tpu.dma_semaphore, #tpu.memory_space<semaphore_mem>>) src(%dma_wait3A_126 : memref<1280x16xf32, #tpu.memory_space<hbm>>) dst(%dma_wait3A_123 : memref<1280x16xf32, #tpu.memory_space<vmem>>)
        %dma_start3A = arith.constant 0 : i32
        %dma_start3A_127 = arith.constant 0 : i32
        %dma_start3A_128 = arith.constant 0 : i32
        %dma_start3A_129 = arith.constant 1 : i32
        %dma_start3A_130 = arith.constant 0 : i32
        %dma_start3A_131 = arith.constant 0 : i32
        %dma_start3A_132 = arith.constant 0 : i32
        %dma_start3A_133 = tpu.memref_slice %arg7[%dma_start3A, %dma_start3A_131, %dma_start3A_132] : memref<2x1280x16xf32, #tpu.memory_space<vmem>> -> memref<1x128x16xf32, #tpu.memory_space<vmem>>
        %dma_start3A_134 = tpu.memref_squeeze %dma_start3A_133 : memref<1x128x16xf32, #tpu.memory_space<vmem>> -> memref<128x16xf32, #tpu.memory_space<vmem>>
        %dma_start3A_135 = arith.constant 0 : i32
        %dma_start3A_136 = tpu.memref_slice %arg6[%dma_start3A_127, %dma_start3A_128, %dma_start3A_129, %dma_start3A_135] : memref<2x10x2x128xi32, #tpu.memory_space<vmem>> -> memref<1x1x1x128xi32, #tpu.memory_space<vmem>>
        %dma_start3A_137 = tpu.memref_squeeze %dma_start3A_136 : memref<1x1x1x128xi32, #tpu.memory_space<vmem>> -> memref<128xi32, #tpu.memory_space<vmem>>
        %dma_start3A_138 = arith.constant 0 : i32
        %dma_start3A_139 = arith.constant 0 : i32
        %dma_start3A_140 = tpu.memref_slice %arg5[%dma_start3A_138, %dma_start3A_139] : memref<50048x16xf32, #tpu.memory_space<vmem_shared>> -> memref<50048x16xf32, #tpu.memory_space<vmem_shared>>
        %dma_start3A_141 = tpu.memref_slice %arg11[%dma_start3A_130] : memref<2x!tpu.dma_semaphore, #tpu.memory_space<semaphore_mem>> -> memref<1x!tpu.dma_semaphore, #tpu.memory_space<semaphore_mem>>
        %dma_start3A_142 = tpu.memref_squeeze %dma_start3A_141 : memref<1x!tpu.dma_semaphore, #tpu.memory_space<semaphore_mem>> -> memref<!tpu.dma_semaphore, #tpu.memory_space<semaphore_mem>>
        tpu.enqueue_indirect_dma source(%dma_start3A_134 : memref<128x16xf32, #tpu.memory_space<vmem>>) target(%dma_start3A_140 : memref<50048x16xf32, #tpu.memory_space<vmem_shared>>) offsets(%dma_start3A_137 : memref<128xi32, #tpu.memory_space<vmem>>) semaphore(%dma_start3A_142 : memref<!tpu.dma_semaphore, #tpu.memory_space<semaphore_mem>>) {add = true}
        %dma_start3A_143 = arith.constant 0 : i32
        %dma_start3A_144 = arith.constant 0 : i32
        %dma_start3A_145 = arith.constant 1 : i32
        %dma_start3A_146 = arith.constant 1 : i32
        %dma_start3A_147 = arith.constant 0 : i32
        %dma_start3A_148 = arith.constant 128 : i32
        %dma_start3A_149 = arith.constant 0 : i32
        %dma_start3A_150 = tpu.memref_slice %arg7[%dma_start3A_143, %dma_start3A_148, %dma_start3A_149] : memref<2x1280x16xf32, #tpu.memory_space<vmem>> -> memref<1x128x16xf32, #tpu.memory_space<vmem>>
        %dma_start3A_151 = tpu.memref_squeeze %dma_start3A_150 : memref<1x128x16xf32, #tpu.memory_space<vmem>> -> memref<128x16xf32, #tpu.memory_space<vmem>>
        %dma_start3A_152 = arith.constant 0 : i32
        %dma_start3A_153 = tpu.memref_slice %arg6[%dma_start3A_144, %dma_start3A_145, %dma_start3A_146, %dma_start3A_152] : memref<2x10x2x128xi32, #tpu.memory_space<vmem>> -> memref<1x1x1x128xi32, #tpu.memory_space<vmem>>
        %dma_start3A_154 = tpu.memref_squeeze %dma_start3A_153 : memref<1x1x1x128xi32, #tpu.memory_space<vmem>> -> memref<128xi32, #tpu.memory_space<vmem>>
        %dma_start3A_155 = arith.constant 0 : i32
        %dma_start3A_156 = arith.constant 0 : i32
        %dma_start3A_157 = tpu.memref_slice %arg5[%dma_start3A_155, %dma_start3A_156] : memref<50048x16xf32, #tpu.memory_space<vmem_shared>> -> memref<50048x16xf32, #tpu.memory_space<vmem_shared>>
        %dma_start3A_158 = tpu.memref_slice %arg11[%dma_start3A_147] : memref<2x!tpu.dma_semaphore, #tpu.memory_space<semaphore_mem>> -> memref<1x!tpu.dma_semaphore, #tpu.memory_space<semaphore_mem>>
        %dma_start3A_159 = tpu.memref_squeeze %dma_start3A_158 : memref<1x!tpu.dma_semaphore, #tpu.memory_space<semaphore_mem>> -> memref<!tpu.dma_semaphore, #tpu.memory_space<semaphore_mem>>
        tpu.enqueue_indirect_dma source(%dma_start3A_151 : memref<128x16xf32, #tpu.memory_space<vmem>>) target(%dma_start3A_157 : memref<50048x16xf32, #tpu.memory_space<vmem_shared>>) offsets(%dma_start3A_154 : memref<128xi32, #tpu.memory_space<vmem>>) semaphore(%dma_start3A_159 : memref<!tpu.dma_semaphore, #tpu.memory_space<semaphore_mem>>) {add = true}
        %dma_start3A_160 = arith.constant 0 : i32
        %dma_start3A_161 = arith.constant 0 : i32
        %dma_start3A_162 = arith.constant 2 : i32
        %dma_start3A_163 = arith.constant 1 : i32
        %dma_start3A_164 = arith.constant 0 : i32
        %dma_start3A_165 = arith.constant 256 : i32
        %dma_start3A_166 = arith.constant 0 : i32
        %dma_start3A_167 = tpu.memref_slice %arg7[%dma_start3A_160, %dma_start3A_165, %dma_start3A_166] : memref<2x1280x16xf32, #tpu.memory_space<vmem>> -> memref<1x128x16xf32, #tpu.memory_space<vmem>>
        %dma_start3A_168 = tpu.memref_squeeze %dma_start3A_167 : memref<1x128x16xf32, #tpu.memory_space<vmem>> -> memref<128x16xf32, #tpu.memory_space<vmem>>
        %dma_start3A_169 = arith.constant 0 : i32
        %dma_start3A_170 = tpu.memref_slice %arg6[%dma_start3A_161, %dma_start3A_162, %dma_start3A_163, %dma_start3A_169] : memref<2x10x2x128xi32, #tpu.memory_space<vmem>> -> memref<1x1x1x128xi32, #tpu.memory_space<vmem>>
        %dma_start3A_171 = tpu.memref_squeeze %dma_start3A_170 : memref<1x1x1x128xi32, #tpu.memory_space<vmem>> -> memref<128xi32, #tpu.memory_space<vmem>>
        %dma_start3A_172 = arith.constant 0 : i32
        %dma_start3A_173 = arith.constant 0 : i32
        %dma_start3A_174 = tpu.memref_slice %arg5[%dma_start3A_172, %dma_start3A_173] : memref<50048x16xf32, #tpu.memory_space<vmem_shared>> -> memref<50048x16xf32, #tpu.memory_space<vmem_shared>>
        %dma_start3A_175 = tpu.memref_slice %arg11[%dma_start3A_164] : memref<2x!tpu.dma_semaphore, #tpu.memory_space<semaphore_mem>> -> memref<1x!tpu.dma_semaphore, #tpu.memory_space<semaphore_mem>>
        %dma_start3A_176 = tpu.memref_squeeze %dma_start3A_175 : memref<1x!tpu.dma_semaphore, #tpu.memory_space<semaphore_mem>> -> memref<!tpu.dma_semaphore, #tpu.memory_space<semaphore_mem>>
        tpu.enqueue_indirect_dma source(%dma_start3A_168 : memref<128x16xf32, #tpu.memory_space<vmem>>) target(%dma_start3A_174 : memref<50048x16xf32, #tpu.memory_space<vmem_shared>>) offsets(%dma_start3A_171 : memref<128xi32, #tpu.memory_space<vmem>>) semaphore(%dma_start3A_176 : memref<!tpu.dma_semaphore, #tpu.memory_space<semaphore_mem>>) {add = true}
        %dma_start3A_177 = arith.constant 0 : i32
        %dma_start3A_178 = arith.constant 0 : i32
        %dma_start3A_179 = arith.constant 3 : i32
        %dma_start3A_180 = arith.constant 1 : i32
        %dma_start3A_181 = arith.constant 0 : i32
        %dma_start3A_182 = arith.constant 384 : i32
        %dma_start3A_183 = arith.constant 0 : i32
        %dma_start3A_184 = tpu.memref_slice %arg7[%dma_start3A_177, %dma_start3A_182, %dma_start3A_183] : memref<2x1280x16xf32, #tpu.memory_space<vmem>> -> memref<1x128x16xf32, #tpu.memory_space<vmem>>
        %dma_start3A_185 = tpu.memref_squeeze %dma_start3A_184 : memref<1x128x16xf32, #tpu.memory_space<vmem>> -> memref<128x16xf32, #tpu.memory_space<vmem>>
        %dma_start3A_186 = arith.constant 0 : i32
        %dma_start3A_187 = tpu.memref_slice %arg6[%dma_start3A_178, %dma_start3A_179, %dma_start3A_180, %dma_start3A_186] : memref<2x10x2x128xi32, #tpu.memory_space<vmem>> -> memref<1x1x1x128xi32, #tpu.memory_space<vmem>>
        %dma_start3A_188 = tpu.memref_squeeze %dma_start3A_187 : memref<1x1x1x128xi32, #tpu.memory_space<vmem>> -> memref<128xi32, #tpu.memory_space<vmem>>
        %dma_start3A_189 = arith.constant 0 : i32
        %dma_start3A_190 = arith.constant 0 : i32
        %dma_start3A_191 = tpu.memref_slice %arg5[%dma_start3A_189, %dma_start3A_190] : memref<50048x16xf32, #tpu.memory_space<vmem_shared>> -> memref<50048x16xf32, #tpu.memory_space<vmem_shared>>
        %dma_start3A_192 = tpu.memref_slice %arg11[%dma_start3A_181] : memref<2x!tpu.dma_semaphore, #tpu.memory_space<semaphore_mem>> -> memref<1x!tpu.dma_semaphore, #tpu.memory_space<semaphore_mem>>
        %dma_start3A_193 = tpu.memref_squeeze %dma_start3A_192 : memref<1x!tpu.dma_semaphore, #tpu.memory_space<semaphore_mem>> -> memref<!tpu.dma_semaphore, #tpu.memory_space<semaphore_mem>>
        tpu.enqueue_indirect_dma source(%dma_start3A_185 : memref<128x16xf32, #tpu.memory_space<vmem>>) target(%dma_start3A_191 : memref<50048x16xf32, #tpu.memory_space<vmem_shared>>) offsets(%dma_start3A_188 : memref<128xi32, #tpu.memory_space<vmem>>) semaphore(%dma_start3A_193 : memref<!tpu.dma_semaphore, #tpu.memory_space<semaphore_mem>>) {add = true}
        %dma_start3A_194 = arith.constant 0 : i32
        %dma_start3A_195 = arith.constant 0 : i32
        %dma_start3A_196 = arith.constant 4 : i32
        %dma_start3A_197 = arith.constant 1 : i32
        %dma_start3A_198 = arith.constant 0 : i32
        %dma_start3A_199 = arith.constant 512 : i32
        %dma_start3A_200 = arith.constant 0 : i32
        %dma_start3A_201 = tpu.memref_slice %arg7[%dma_start3A_194, %dma_start3A_199, %dma_start3A_200] : memref<2x1280x16xf32, #tpu.memory_space<vmem>> -> memref<1x128x16xf32, #tpu.memory_space<vmem>>
        %dma_start3A_202 = tpu.memref_squeeze %dma_start3A_201 : memref<1x128x16xf32, #tpu.memory_space<vmem>> -> memref<128x16xf32, #tpu.memory_space<vmem>>
        %dma_start3A_203 = arith.constant 0 : i32
        %dma_start3A_204 = tpu.memref_slice %arg6[%dma_start3A_195, %dma_start3A_196, %dma_start3A_197, %dma_start3A_203] : memref<2x10x2x128xi32, #tpu.memory_space<vmem>> -> memref<1x1x1x128xi32, #tpu.memory_space<vmem>>
        %dma_start3A_205 = tpu.memref_squeeze %dma_start3A_204 : memref<1x1x1x128xi32, #tpu.memory_space<vmem>> -> memref<128xi32, #tpu.memory_space<vmem>>
        %dma_start3A_206 = arith.constant 0 : i32
        %dma_start3A_207 = arith.constant 0 : i32
        %dma_start3A_208 = tpu.memref_slice %arg5[%dma_start3A_206, %dma_start3A_207] : memref<50048x16xf32, #tpu.memory_space<vmem_shared>> -> memref<50048x16xf32, #tpu.memory_space<vmem_shared>>
        %dma_start3A_209 = tpu.memref_slice %arg11[%dma_start3A_198] : memref<2x!tpu.dma_semaphore, #tpu.memory_space<semaphore_mem>> -> memref<1x!tpu.dma_semaphore, #tpu.memory_space<semaphore_mem>>
        %dma_start3A_210 = tpu.memref_squeeze %dma_start3A_209 : memref<1x!tpu.dma_semaphore, #tpu.memory_space<semaphore_mem>> -> memref<!tpu.dma_semaphore, #tpu.memory_space<semaphore_mem>>
        tpu.enqueue_indirect_dma source(%dma_start3A_202 : memref<128x16xf32, #tpu.memory_space<vmem>>) target(%dma_start3A_208 : memref<50048x16xf32, #tpu.memory_space<vmem_shared>>) offsets(%dma_start3A_205 : memref<128xi32, #tpu.memory_space<vmem>>) semaphore(%dma_start3A_210 : memref<!tpu.dma_semaphore, #tpu.memory_space<semaphore_mem>>) {add = true}
        %dma_start3A_211 = arith.constant 0 : i32
        %dma_start3A_212 = arith.constant 0 : i32
        %dma_start3A_213 = arith.constant 5 : i32
        %dma_start3A_214 = arith.constant 1 : i32
        %dma_start3A_215 = arith.constant 0 : i32
        %dma_start3A_216 = arith.constant 640 : i32
        %dma_start3A_217 = arith.constant 0 : i32
        %dma_start3A_218 = tpu.memref_slice %arg7[%dma_start3A_211, %dma_start3A_216, %dma_start3A_217] : memref<2x1280x16xf32, #tpu.memory_space<vmem>> -> memref<1x128x16xf32, #tpu.memory_space<vmem>>
        %dma_start3A_219 = tpu.memref_squeeze %dma_start3A_218 : memref<1x128x16xf32, #tpu.memory_space<vmem>> -> memref<128x16xf32, #tpu.memory_space<vmem>>
        %dma_start3A_220 = arith.constant 0 : i32
        %dma_start3A_221 = tpu.memref_slice %arg6[%dma_start3A_212, %dma_start3A_213, %dma_start3A_214, %dma_start3A_220] : memref<2x10x2x128xi32, #tpu.memory_space<vmem>> -> memref<1x1x1x128xi32, #tpu.memory_space<vmem>>
        %dma_start3A_222 = tpu.memref_squeeze %dma_start3A_221 : memref<1x1x1x128xi32, #tpu.memory_space<vmem>> -> memref<128xi32, #tpu.memory_space<vmem>>
        %dma_start3A_223 = arith.constant 0 : i32
        %dma_start3A_224 = arith.constant 0 : i32
        %dma_start3A_225 = tpu.memref_slice %arg5[%dma_start3A_223, %dma_start3A_224] : memref<50048x16xf32, #tpu.memory_space<vmem_shared>> -> memref<50048x16xf32, #tpu.memory_space<vmem_shared>>
        %dma_start3A_226 = tpu.memref_slice %arg11[%dma_start3A_215] : memref<2x!tpu.dma_semaphore, #tpu.memory_space<semaphore_mem>> -> memref<1x!tpu.dma_semaphore, #tpu.memory_space<semaphore_mem>>
        %dma_start3A_227 = tpu.memref_squeeze %dma_start3A_226 : memref<1x!tpu.dma_semaphore, #tpu.memory_space<semaphore_mem>> -> memref<!tpu.dma_semaphore, #tpu.memory_space<semaphore_mem>>
        tpu.enqueue_indirect_dma source(%dma_start3A_219 : memref<128x16xf32, #tpu.memory_space<vmem>>) target(%dma_start3A_225 : memref<50048x16xf32, #tpu.memory_space<vmem_shared>>) offsets(%dma_start3A_222 : memref<128xi32, #tpu.memory_space<vmem>>) semaphore(%dma_start3A_227 : memref<!tpu.dma_semaphore, #tpu.memory_space<semaphore_mem>>) {add = true}
        %dma_start3A_228 = arith.constant 0 : i32
        %dma_start3A_229 = arith.constant 0 : i32
        %dma_start3A_230 = arith.constant 6 : i32
        %dma_start3A_231 = arith.constant 1 : i32
        %dma_start3A_232 = arith.constant 0 : i32
        %dma_start3A_233 = arith.constant 768 : i32
        %dma_start3A_234 = arith.constant 0 : i32
        %dma_start3A_235 = tpu.memref_slice %arg7[%dma_start3A_228, %dma_start3A_233, %dma_start3A_234] : memref<2x1280x16xf32, #tpu.memory_space<vmem>> -> memref<1x128x16xf32, #tpu.memory_space<vmem>>
        %dma_start3A_236 = tpu.memref_squeeze %dma_start3A_235 : memref<1x128x16xf32, #tpu.memory_space<vmem>> -> memref<128x16xf32, #tpu.memory_space<vmem>>
        %dma_start3A_237 = arith.constant 0 : i32
        %dma_start3A_238 = tpu.memref_slice %arg6[%dma_start3A_229, %dma_start3A_230, %dma_start3A_231, %dma_start3A_237] : memref<2x10x2x128xi32, #tpu.memory_space<vmem>> -> memref<1x1x1x128xi32, #tpu.memory_space<vmem>>
        %dma_start3A_239 = tpu.memref_squeeze %dma_start3A_238 : memref<1x1x1x128xi32, #tpu.memory_space<vmem>> -> memref<128xi32, #tpu.memory_space<vmem>>
        %dma_start3A_240 = arith.constant 0 : i32
        %dma_start3A_241 = arith.constant 0 : i32
        %dma_start3A_242 = tpu.memref_slice %arg5[%dma_start3A_240, %dma_start3A_241] : memref<50048x16xf32, #tpu.memory_space<vmem_shared>> -> memref<50048x16xf32, #tpu.memory_space<vmem_shared>>
        %dma_start3A_243 = tpu.memref_slice %arg11[%dma_start3A_232] : memref<2x!tpu.dma_semaphore, #tpu.memory_space<semaphore_mem>> -> memref<1x!tpu.dma_semaphore, #tpu.memory_space<semaphore_mem>>
        %dma_start3A_244 = tpu.memref_squeeze %dma_start3A_243 : memref<1x!tpu.dma_semaphore, #tpu.memory_space<semaphore_mem>> -> memref<!tpu.dma_semaphore, #tpu.memory_space<semaphore_mem>>
        tpu.enqueue_indirect_dma source(%dma_start3A_236 : memref<128x16xf32, #tpu.memory_space<vmem>>) target(%dma_start3A_242 : memref<50048x16xf32, #tpu.memory_space<vmem_shared>>) offsets(%dma_start3A_239 : memref<128xi32, #tpu.memory_space<vmem>>) semaphore(%dma_start3A_244 : memref<!tpu.dma_semaphore, #tpu.memory_space<semaphore_mem>>) {add = true}
        %dma_start3A_245 = arith.constant 0 : i32
        %dma_start3A_246 = arith.constant 0 : i32
        %dma_start3A_247 = arith.constant 7 : i32
        %dma_start3A_248 = arith.constant 1 : i32
        %dma_start3A_249 = arith.constant 0 : i32
        %dma_start3A_250 = arith.constant 896 : i32
        %dma_start3A_251 = arith.constant 0 : i32
        %dma_start3A_252 = tpu.memref_slice %arg7[%dma_start3A_245, %dma_start3A_250, %dma_start3A_251] : memref<2x1280x16xf32, #tpu.memory_space<vmem>> -> memref<1x128x16xf32, #tpu.memory_space<vmem>>
        %dma_start3A_253 = tpu.memref_squeeze %dma_start3A_252 : memref<1x128x16xf32, #tpu.memory_space<vmem>> -> memref<128x16xf32, #tpu.memory_space<vmem>>
        %dma_start3A_254 = arith.constant 0 : i32
        %dma_start3A_255 = tpu.memref_slice %arg6[%dma_start3A_246, %dma_start3A_247, %dma_start3A_248, %dma_start3A_254] : memref<2x10x2x128xi32, #tpu.memory_space<vmem>> -> memref<1x1x1x128xi32, #tpu.memory_space<vmem>>
        %dma_start3A_256 = tpu.memref_squeeze %dma_start3A_255 : memref<1x1x1x128xi32, #tpu.memory_space<vmem>> -> memref<128xi32, #tpu.memory_space<vmem>>
        %dma_start3A_257 = arith.constant 0 : i32
        %dma_start3A_258 = arith.constant 0 : i32
        %dma_start3A_259 = tpu.memref_slice %arg5[%dma_start3A_257, %dma_start3A_258] : memref<50048x16xf32, #tpu.memory_space<vmem_shared>> -> memref<50048x16xf32, #tpu.memory_space<vmem_shared>>
        %dma_start3A_260 = tpu.memref_slice %arg11[%dma_start3A_249] : memref<2x!tpu.dma_semaphore, #tpu.memory_space<semaphore_mem>> -> memref<1x!tpu.dma_semaphore, #tpu.memory_space<semaphore_mem>>
        %dma_start3A_261 = tpu.memref_squeeze %dma_start3A_260 : memref<1x!tpu.dma_semaphore, #tpu.memory_space<semaphore_mem>> -> memref<!tpu.dma_semaphore, #tpu.memory_space<semaphore_mem>>
        tpu.enqueue_indirect_dma source(%dma_start3A_253 : memref<128x16xf32, #tpu.memory_space<vmem>>) target(%dma_start3A_259 : memref<50048x16xf32, #tpu.memory_space<vmem_shared>>) offsets(%dma_start3A_256 : memref<128xi32, #tpu.memory_space<vmem>>) semaphore(%dma_start3A_261 : memref<!tpu.dma_semaphore, #tpu.memory_space<semaphore_mem>>) {add = true}
        %dma_start3A_262 = arith.constant 0 : i32
        %dma_start3A_263 = arith.constant 0 : i32
        %dma_start3A_264 = arith.constant 8 : i32
        %dma_start3A_265 = arith.constant 1 : i32
        %dma_start3A_266 = arith.constant 0 : i32
        %dma_start3A_267 = arith.constant 1024 : i32
        %dma_start3A_268 = arith.constant 0 : i32
        %dma_start3A_269 = tpu.memref_slice %arg7[%dma_start3A_262, %dma_start3A_267, %dma_start3A_268] : memref<2x1280x16xf32, #tpu.memory_space<vmem>> -> memref<1x128x16xf32, #tpu.memory_space<vmem>>
        %dma_start3A_270 = tpu.memref_squeeze %dma_start3A_269 : memref<1x128x16xf32, #tpu.memory_space<vmem>> -> memref<128x16xf32, #tpu.memory_space<vmem>>
        %dma_start3A_271 = arith.constant 0 : i32
        %dma_start3A_272 = tpu.memref_slice %arg6[%dma_start3A_263, %dma_start3A_264, %dma_start3A_265, %dma_start3A_271] : memref<2x10x2x128xi32, #tpu.memory_space<vmem>> -> memref<1x1x1x128xi32, #tpu.memory_space<vmem>>
        %dma_start3A_273 = tpu.memref_squeeze %dma_start3A_272 : memref<1x1x1x128xi32, #tpu.memory_space<vmem>> -> memref<128xi32, #tpu.memory_space<vmem>>
        %dma_start3A_274 = arith.constant 0 : i32
        %dma_start3A_275 = arith.constant 0 : i32
        %dma_start3A_276 = tpu.memref_slice %arg5[%dma_start3A_274, %dma_start3A_275] : memref<50048x16xf32, #tpu.memory_space<vmem_shared>> -> memref<50048x16xf32, #tpu.memory_space<vmem_shared>>
        %dma_start3A_277 = tpu.memref_slice %arg11[%dma_start3A_266] : memref<2x!tpu.dma_semaphore, #tpu.memory_space<semaphore_mem>> -> memref<1x!tpu.dma_semaphore, #tpu.memory_space<semaphore_mem>>
        %dma_start3A_278 = tpu.memref_squeeze %dma_start3A_277 : memref<1x!tpu.dma_semaphore, #tpu.memory_space<semaphore_mem>> -> memref<!tpu.dma_semaphore, #tpu.memory_space<semaphore_mem>>
        tpu.enqueue_indirect_dma source(%dma_start3A_270 : memref<128x16xf32, #tpu.memory_space<vmem>>) target(%dma_start3A_276 : memref<50048x16xf32, #tpu.memory_space<vmem_shared>>) offsets(%dma_start3A_273 : memref<128xi32, #tpu.memory_space<vmem>>) semaphore(%dma_start3A_278 : memref<!tpu.dma_semaphore, #tpu.memory_space<semaphore_mem>>) {add = true}
        %dma_start3A_279 = arith.constant 0 : i32
        %dma_start3A_280 = arith.constant 0 : i32
        %dma_start3A_281 = arith.constant 9 : i32
        %dma_start3A_282 = arith.constant 1 : i32
        %dma_start3A_283 = arith.constant 0 : i32
        %dma_start3A_284 = arith.constant 1152 : i32
        %dma_start3A_285 = arith.constant 0 : i32
        %dma_start3A_286 = tpu.memref_slice %arg7[%dma_start3A_279, %dma_start3A_284, %dma_start3A_285] : memref<2x1280x16xf32, #tpu.memory_space<vmem>> -> memref<1x128x16xf32, #tpu.memory_space<vmem>>
        %dma_start3A_287 = tpu.memref_squeeze %dma_start3A_286 : memref<1x128x16xf32, #tpu.memory_space<vmem>> -> memref<128x16xf32, #tpu.memory_space<vmem>>
        %dma_start3A_288 = arith.constant 0 : i32
        %dma_start3A_289 = tpu.memref_slice %arg6[%dma_start3A_280, %dma_start3A_281, %dma_start3A_282, %dma_start3A_288] : memref<2x10x2x128xi32, #tpu.memory_space<vmem>> -> memref<1x1x1x128xi32, #tpu.memory_space<vmem>>
        %dma_start3A_290 = tpu.memref_squeeze %dma_start3A_289 : memref<1x1x1x128xi32, #tpu.memory_space<vmem>> -> memref<128xi32, #tpu.memory_space<vmem>>
        %dma_start3A_291 = arith.constant 0 : i32
        %dma_start3A_292 = arith.constant 0 : i32
        %dma_start3A_293 = tpu.memref_slice %arg5[%dma_start3A_291, %dma_start3A_292] : memref<50048x16xf32, #tpu.memory_space<vmem_shared>> -> memref<50048x16xf32, #tpu.memory_space<vmem_shared>>
        %dma_start3A_294 = tpu.memref_slice %arg11[%dma_start3A_283] : memref<2x!tpu.dma_semaphore, #tpu.memory_space<semaphore_mem>> -> memref<1x!tpu.dma_semaphore, #tpu.memory_space<semaphore_mem>>
        %dma_start3A_295 = tpu.memref_squeeze %dma_start3A_294 : memref<1x!tpu.dma_semaphore, #tpu.memory_space<semaphore_mem>> -> memref<!tpu.dma_semaphore, #tpu.memory_space<semaphore_mem>>
        tpu.enqueue_indirect_dma source(%dma_start3A_287 : memref<128x16xf32, #tpu.memory_space<vmem>>) target(%dma_start3A_293 : memref<50048x16xf32, #tpu.memory_space<vmem_shared>>) offsets(%dma_start3A_290 : memref<128xi32, #tpu.memory_space<vmem>>) semaphore(%dma_start3A_295 : memref<!tpu.dma_semaphore, #tpu.memory_space<semaphore_mem>>) {add = true}
      } else {
      }
      %add3A_72 = arith.constant 1 : i32
      %add3A_73 = arith.addi %mul3A_38, %add3A_72 : i32
      %mul3A_74 = arith.constant 32 : i32
      %mul3A_75 = arith.muli %add3A_73, %mul3A_74 : i32
      %add3A_76 = arith.addi %add3A, %mul3A_75 : i32
      %sub3A_77 = arith.constant 1 : i32
      %sub3A_78 = arith.subi %add3A_73, %sub3A_77 : i32
      %mul3A_79 = arith.constant 32 : i32
      %mul3A_80 = arith.muli %sub3A_78, %mul3A_79 : i32
      %add3A_81 = arith.addi %add3A, %mul3A_80 : i32
      %lt3A_82 = arith.constant 1250 : i32
      %lt3A_83 = arith.cmpi slt, %add3A_76, %lt3A_82 : i32
      %convert_element_type3A_84 = arith.extui %lt3A_83 : i1 to i32
      %cond3A_85 = arith.constant 0 : i32
      %cond3A_86 = arith.cmpi ne, %convert_element_type3A_84, %cond3A_85 : i32
      scf.if %cond3A_86 {
        %dma_wait3A = arith.constant 1 : i32
        %dma_wait3A_110 = arith.constant 1 : i32
        %dma_wait3A_111 = arith.constant 0 : i32
        %dma_wait3A_112 = arith.constant 0 : i32
        %dma_wait3A_113 = arith.constant 0 : i32
        %dma_wait3A_114 = tpu.memref_slice %arg6[%dma_wait3A, %dma_wait3A_111, %dma_wait3A_112, %dma_wait3A_113] : memref<2x10x2x128xi32, #tpu.memory_space<vmem>> -> memref<1x10x2x128xi32, #tpu.memory_space<vmem>>
        %dma_wait3A_115 = tpu.memref_squeeze %dma_wait3A_114 : memref<1x10x2x128xi32, #tpu.memory_space<vmem>> -> memref<10x2x128xi32, #tpu.memory_space<vmem>>
        %dma_wait3A_116 = arith.constant 0 : i32
        %dma_wait3A_117 = arith.constant 0 : i32
        %dma_wait3A_118 = arith.constant 0 : i32
        %dma_wait3A_119 = tpu.memref_slice %arg3[%dma_wait3A_116, %dma_wait3A_117, %dma_wait3A_118] : memref<12500x2x128xi32, #tpu.memory_space<hbm>> -> memref<10x2x128xi32, #tpu.memory_space<hbm>>
        %dma_wait3A_120 = tpu.memref_slice %arg9[%dma_wait3A_110] : memref<2x!tpu.dma_semaphore, #tpu.memory_space<semaphore_mem>> -> memref<1x!tpu.dma_semaphore, #tpu.memory_space<semaphore_mem>>
        %dma_wait3A_121 = tpu.memref_squeeze %dma_wait3A_120 : memref<1x!tpu.dma_semaphore, #tpu.memory_space<semaphore_mem>> -> memref<!tpu.dma_semaphore, #tpu.memory_space<semaphore_mem>>
        %dma_wait3A_122 = arith.constant 0 : i32
        %dma_wait3A_123 = arith.constant 0 : i32
        %dma_wait3A_124 = arith.constant 0 : i32
        %dma_wait3A_125 = tpu.memref_slice %arg6[%dma_wait3A, %dma_wait3A_122, %dma_wait3A_123, %dma_wait3A_124] : memref<2x10x2x128xi32, #tpu.memory_space<vmem>> -> memref<1x10x2x128xi32, #tpu.memory_space<vmem>>
        %dma_wait3A_126 = tpu.memref_squeeze %dma_wait3A_125 : memref<1x10x2x128xi32, #tpu.memory_space<vmem>> -> memref<10x2x128xi32, #tpu.memory_space<vmem>>
        %dma_wait3A_127 = arith.constant 0 : i32
        %dma_wait3A_128 = arith.constant 0 : i32
        %dma_wait3A_129 = arith.constant 0 : i32
        %dma_wait3A_130 = tpu.memref_slice %arg3[%dma_wait3A_127, %dma_wait3A_128, %dma_wait3A_129] : memref<12500x2x128xi32, #tpu.memory_space<hbm>> -> memref<10x2x128xi32, #tpu.memory_space<hbm>>
        tpu.wait_dma2 semaphore(%dma_wait3A_121 : memref<!tpu.dma_semaphore, #tpu.memory_space<semaphore_mem>>) src(%dma_wait3A_130 : memref<10x2x128xi32, #tpu.memory_space<hbm>>) dst(%dma_wait3A_126 : memref<10x2x128xi32, #tpu.memory_space<vmem>>)
        %dma_start3A = arith.constant 1 : i32
        %dma_start3A_131 = arith.constant 0 : i32
        %dma_start3A_132 = arith.constant 0 : i32
        %dma_start3A_133 = arith.constant 1 : i32
        %dma_start3A_134 = arith.constant 1 : i32
        %dma_start3A_135 = arith.constant 0 : i32
        %dma_start3A_136 = arith.constant 0 : i32
        %dma_start3A_137 = tpu.memref_slice %arg7[%dma_start3A_133, %dma_start3A_135, %dma_start3A_136] : memref<2x1280x16xf32, #tpu.memory_space<vmem>> -> memref<1x128x16xf32, #tpu.memory_space<vmem>>
        %dma_start3A_138 = tpu.memref_squeeze %dma_start3A_137 : memref<1x128x16xf32, #tpu.memory_space<vmem>> -> memref<128x16xf32, #tpu.memory_space<vmem>>
        %dma_start3A_139 = arith.constant 0 : i32
        %dma_start3A_140 = tpu.memref_slice %arg6[%dma_start3A, %dma_start3A_131, %dma_start3A_132, %dma_start3A_139] : memref<2x10x2x128xi32, #tpu.memory_space<vmem>> -> memref<1x1x1x128xi32, #tpu.memory_space<vmem>>
        %dma_start3A_141 = tpu.memref_squeeze %dma_start3A_140 : memref<1x1x1x128xi32, #tpu.memory_space<vmem>> -> memref<128xi32, #tpu.memory_space<vmem>>
        %dma_start3A_142 = arith.constant 0 : i32
        %dma_start3A_143 = arith.constant 0 : i32
        %dma_start3A_144 = tpu.memref_slice %arg2[%dma_start3A_142, %dma_start3A_143] : memref<50048x16xf32, #tpu.memory_space<hbm>> -> memref<50048x16xf32, #tpu.memory_space<hbm>>
        %dma_start3A_145 = tpu.memref_slice %arg10[%dma_start3A_134] : memref<2x!tpu.dma_semaphore, #tpu.memory_space<semaphore_mem>> -> memref<1x!tpu.dma_semaphore, #tpu.memory_space<semaphore_mem>>
        %dma_start3A_146 = tpu.memref_squeeze %dma_start3A_145 : memref<1x!tpu.dma_semaphore, #tpu.memory_space<semaphore_mem>> -> memref<!tpu.dma_semaphore, #tpu.memory_space<semaphore_mem>>
        tpu.enqueue_indirect_dma source(%dma_start3A_144 : memref<50048x16xf32, #tpu.memory_space<hbm>>) target(%dma_start3A_138 : memref<128x16xf32, #tpu.memory_space<vmem>>) offsets(%dma_start3A_141 : memref<128xi32, #tpu.memory_space<vmem>>) semaphore(%dma_start3A_146 : memref<!tpu.dma_semaphore, #tpu.memory_space<semaphore_mem>>)
        %dma_start3A_147 = arith.constant 1 : i32
        %dma_start3A_148 = arith.constant 1 : i32
        %dma_start3A_149 = arith.constant 0 : i32
        %dma_start3A_150 = arith.constant 1 : i32
        %dma_start3A_151 = arith.constant 1 : i32
        %dma_start3A_152 = arith.constant 128 : i32
        %dma_start3A_153 = arith.constant 0 : i32
        %dma_start3A_154 = tpu.memref_slice %arg7[%dma_start3A_150, %dma_start3A_152, %dma_start3A_153] : memref<2x1280x16xf32, #tpu.memory_space<vmem>> -> memref<1x128x16xf32, #tpu.memory_space<vmem>>
        %dma_start3A_155 = tpu.memref_squeeze %dma_start3A_154 : memref<1x128x16xf32, #tpu.memory_space<vmem>> -> memref<128x16xf32, #tpu.memory_space<vmem>>
        %dma_start3A_156 = arith.constant 0 : i32
        %dma_start3A_157 = tpu.memref_slice %arg6[%dma_start3A_147, %dma_start3A_148, %dma_start3A_149, %dma_start3A_156] : memref<2x10x2x128xi32, #tpu.memory_space<vmem>> -> memref<1x1x1x128xi32, #tpu.memory_space<vmem>>
        %dma_start3A_158 = tpu.memref_squeeze %dma_start3A_157 : memref<1x1x1x128xi32, #tpu.memory_space<vmem>> -> memref<128xi32, #tpu.memory_space<vmem>>
        %dma_start3A_159 = arith.constant 0 : i32
        %dma_start3A_160 = arith.constant 0 : i32
        %dma_start3A_161 = tpu.memref_slice %arg2[%dma_start3A_159, %dma_start3A_160] : memref<50048x16xf32, #tpu.memory_space<hbm>> -> memref<50048x16xf32, #tpu.memory_space<hbm>>
        %dma_start3A_162 = tpu.memref_slice %arg10[%dma_start3A_151] : memref<2x!tpu.dma_semaphore, #tpu.memory_space<semaphore_mem>> -> memref<1x!tpu.dma_semaphore, #tpu.memory_space<semaphore_mem>>
        %dma_start3A_163 = tpu.memref_squeeze %dma_start3A_162 : memref<1x!tpu.dma_semaphore, #tpu.memory_space<semaphore_mem>> -> memref<!tpu.dma_semaphore, #tpu.memory_space<semaphore_mem>>
        tpu.enqueue_indirect_dma source(%dma_start3A_161 : memref<50048x16xf32, #tpu.memory_space<hbm>>) target(%dma_start3A_155 : memref<128x16xf32, #tpu.memory_space<vmem>>) offsets(%dma_start3A_158 : memref<128xi32, #tpu.memory_space<vmem>>) semaphore(%dma_start3A_163 : memref<!tpu.dma_semaphore, #tpu.memory_space<semaphore_mem>>)
        %dma_start3A_164 = arith.constant 1 : i32
        %dma_start3A_165 = arith.constant 2 : i32
        %dma_start3A_166 = arith.constant 0 : i32
        %dma_start3A_167 = arith.constant 1 : i32
        %dma_start3A_168 = arith.constant 1 : i32
        %dma_start3A_169 = arith.constant 256 : i32
        %dma_start3A_170 = arith.constant 0 : i32
        %dma_start3A_171 = tpu.memref_slice %arg7[%dma_start3A_167, %dma_start3A_169, %dma_start3A_170] : memref<2x1280x16xf32, #tpu.memory_space<vmem>> -> memref<1x128x16xf32, #tpu.memory_space<vmem>>
        %dma_start3A_172 = tpu.memref_squeeze %dma_start3A_171 : memref<1x128x16xf32, #tpu.memory_space<vmem>> -> memref<128x16xf32, #tpu.memory_space<vmem>>
        %dma_start3A_173 = arith.constant 0 : i32
        %dma_start3A_174 = tpu.memref_slice %arg6[%dma_start3A_164, %dma_start3A_165, %dma_start3A_166, %dma_start3A_173] : memref<2x10x2x128xi32, #tpu.memory_space<vmem>> -> memref<1x1x1x128xi32, #tpu.memory_space<vmem>>
        %dma_start3A_175 = tpu.memref_squeeze %dma_start3A_174 : memref<1x1x1x128xi32, #tpu.memory_space<vmem>> -> memref<128xi32, #tpu.memory_space<vmem>>
        %dma_start3A_176 = arith.constant 0 : i32
        %dma_start3A_177 = arith.constant 0 : i32
        %dma_start3A_178 = tpu.memref_slice %arg2[%dma_start3A_176, %dma_start3A_177] : memref<50048x16xf32, #tpu.memory_space<hbm>> -> memref<50048x16xf32, #tpu.memory_space<hbm>>
        %dma_start3A_179 = tpu.memref_slice %arg10[%dma_start3A_168] : memref<2x!tpu.dma_semaphore, #tpu.memory_space<semaphore_mem>> -> memref<1x!tpu.dma_semaphore, #tpu.memory_space<semaphore_mem>>
        %dma_start3A_180 = tpu.memref_squeeze %dma_start3A_179 : memref<1x!tpu.dma_semaphore, #tpu.memory_space<semaphore_mem>> -> memref<!tpu.dma_semaphore, #tpu.memory_space<semaphore_mem>>
        tpu.enqueue_indirect_dma source(%dma_start3A_178 : memref<50048x16xf32, #tpu.memory_space<hbm>>) target(%dma_start3A_172 : memref<128x16xf32, #tpu.memory_space<vmem>>) offsets(%dma_start3A_175 : memref<128xi32, #tpu.memory_space<vmem>>) semaphore(%dma_start3A_180 : memref<!tpu.dma_semaphore, #tpu.memory_space<semaphore_mem>>)
        %dma_start3A_181 = arith.constant 1 : i32
        %dma_start3A_182 = arith.constant 3 : i32
        %dma_start3A_183 = arith.constant 0 : i32
        %dma_start3A_184 = arith.constant 1 : i32
        %dma_start3A_185 = arith.constant 1 : i32
        %dma_start3A_186 = arith.constant 384 : i32
        %dma_start3A_187 = arith.constant 0 : i32
        %dma_start3A_188 = tpu.memref_slice %arg7[%dma_start3A_184, %dma_start3A_186, %dma_start3A_187] : memref<2x1280x16xf32, #tpu.memory_space<vmem>> -> memref<1x128x16xf32, #tpu.memory_space<vmem>>
        %dma_start3A_189 = tpu.memref_squeeze %dma_start3A_188 : memref<1x128x16xf32, #tpu.memory_space<vmem>> -> memref<128x16xf32, #tpu.memory_space<vmem>>
        %dma_start3A_190 = arith.constant 0 : i32
        %dma_start3A_191 = tpu.memref_slice %arg6[%dma_start3A_181, %dma_start3A_182, %dma_start3A_183, %dma_start3A_190] : memref<2x10x2x128xi32, #tpu.memory_space<vmem>> -> memref<1x1x1x128xi32, #tpu.memory_space<vmem>>
        %dma_start3A_192 = tpu.memref_squeeze %dma_start3A_191 : memref<1x1x1x128xi32, #tpu.memory_space<vmem>> -> memref<128xi32, #tpu.memory_space<vmem>>
        %dma_start3A_193 = arith.constant 0 : i32
        %dma_start3A_194 = arith.constant 0 : i32
        %dma_start3A_195 = tpu.memref_slice %arg2[%dma_start3A_193, %dma_start3A_194] : memref<50048x16xf32, #tpu.memory_space<hbm>> -> memref<50048x16xf32, #tpu.memory_space<hbm>>
        %dma_start3A_196 = tpu.memref_slice %arg10[%dma_start3A_185] : memref<2x!tpu.dma_semaphore, #tpu.memory_space<semaphore_mem>> -> memref<1x!tpu.dma_semaphore, #tpu.memory_space<semaphore_mem>>
        %dma_start3A_197 = tpu.memref_squeeze %dma_start3A_196 : memref<1x!tpu.dma_semaphore, #tpu.memory_space<semaphore_mem>> -> memref<!tpu.dma_semaphore, #tpu.memory_space<semaphore_mem>>
        tpu.enqueue_indirect_dma source(%dma_start3A_195 : memref<50048x16xf32, #tpu.memory_space<hbm>>) target(%dma_start3A_189 : memref<128x16xf32, #tpu.memory_space<vmem>>) offsets(%dma_start3A_192 : memref<128xi32, #tpu.memory_space<vmem>>) semaphore(%dma_start3A_197 : memref<!tpu.dma_semaphore, #tpu.memory_space<semaphore_mem>>)
        %dma_start3A_198 = arith.constant 1 : i32
        %dma_start3A_199 = arith.constant 4 : i32
        %dma_start3A_200 = arith.constant 0 : i32
        %dma_start3A_201 = arith.constant 1 : i32
        %dma_start3A_202 = arith.constant 1 : i32
        %dma_start3A_203 = arith.constant 512 : i32
        %dma_start3A_204 = arith.constant 0 : i32
        %dma_start3A_205 = tpu.memref_slice %arg7[%dma_start3A_201, %dma_start3A_203, %dma_start3A_204] : memref<2x1280x16xf32, #tpu.memory_space<vmem>> -> memref<1x128x16xf32, #tpu.memory_space<vmem>>
        %dma_start3A_206 = tpu.memref_squeeze %dma_start3A_205 : memref<1x128x16xf32, #tpu.memory_space<vmem>> -> memref<128x16xf32, #tpu.memory_space<vmem>>
        %dma_start3A_207 = arith.constant 0 : i32
        %dma_start3A_208 = tpu.memref_slice %arg6[%dma_start3A_198, %dma_start3A_199, %dma_start3A_200, %dma_start3A_207] : memref<2x10x2x128xi32, #tpu.memory_space<vmem>> -> memref<1x1x1x128xi32, #tpu.memory_space<vmem>>
        %dma_start3A_209 = tpu.memref_squeeze %dma_start3A_208 : memref<1x1x1x128xi32, #tpu.memory_space<vmem>> -> memref<128xi32, #tpu.memory_space<vmem>>
        %dma_start3A_210 = arith.constant 0 : i32
        %dma_start3A_211 = arith.constant 0 : i32
        %dma_start3A_212 = tpu.memref_slice %arg2[%dma_start3A_210, %dma_start3A_211] : memref<50048x16xf32, #tpu.memory_space<hbm>> -> memref<50048x16xf32, #tpu.memory_space<hbm>>
        %dma_start3A_213 = tpu.memref_slice %arg10[%dma_start3A_202] : memref<2x!tpu.dma_semaphore, #tpu.memory_space<semaphore_mem>> -> memref<1x!tpu.dma_semaphore, #tpu.memory_space<semaphore_mem>>
        %dma_start3A_214 = tpu.memref_squeeze %dma_start3A_213 : memref<1x!tpu.dma_semaphore, #tpu.memory_space<semaphore_mem>> -> memref<!tpu.dma_semaphore, #tpu.memory_space<semaphore_mem>>
        tpu.enqueue_indirect_dma source(%dma_start3A_212 : memref<50048x16xf32, #tpu.memory_space<hbm>>) target(%dma_start3A_206 : memref<128x16xf32, #tpu.memory_space<vmem>>) offsets(%dma_start3A_209 : memref<128xi32, #tpu.memory_space<vmem>>) semaphore(%dma_start3A_214 : memref<!tpu.dma_semaphore, #tpu.memory_space<semaphore_mem>>)
        %dma_start3A_215 = arith.constant 1 : i32
        %dma_start3A_216 = arith.constant 5 : i32
        %dma_start3A_217 = arith.constant 0 : i32
        %dma_start3A_218 = arith.constant 1 : i32
        %dma_start3A_219 = arith.constant 1 : i32
        %dma_start3A_220 = arith.constant 640 : i32
        %dma_start3A_221 = arith.constant 0 : i32
        %dma_start3A_222 = tpu.memref_slice %arg7[%dma_start3A_218, %dma_start3A_220, %dma_start3A_221] : memref<2x1280x16xf32, #tpu.memory_space<vmem>> -> memref<1x128x16xf32, #tpu.memory_space<vmem>>
        %dma_start3A_223 = tpu.memref_squeeze %dma_start3A_222 : memref<1x128x16xf32, #tpu.memory_space<vmem>> -> memref<128x16xf32, #tpu.memory_space<vmem>>
        %dma_start3A_224 = arith.constant 0 : i32
        %dma_start3A_225 = tpu.memref_slice %arg6[%dma_start3A_215, %dma_start3A_216, %dma_start3A_217, %dma_start3A_224] : memref<2x10x2x128xi32, #tpu.memory_space<vmem>> -> memref<1x1x1x128xi32, #tpu.memory_space<vmem>>
        %dma_start3A_226 = tpu.memref_squeeze %dma_start3A_225 : memref<1x1x1x128xi32, #tpu.memory_space<vmem>> -> memref<128xi32, #tpu.memory_space<vmem>>
        %dma_start3A_227 = arith.constant 0 : i32
        %dma_start3A_228 = arith.constant 0 : i32
        %dma_start3A_229 = tpu.memref_slice %arg2[%dma_start3A_227, %dma_start3A_228] : memref<50048x16xf32, #tpu.memory_space<hbm>> -> memref<50048x16xf32, #tpu.memory_space<hbm>>
        %dma_start3A_230 = tpu.memref_slice %arg10[%dma_start3A_219] : memref<2x!tpu.dma_semaphore, #tpu.memory_space<semaphore_mem>> -> memref<1x!tpu.dma_semaphore, #tpu.memory_space<semaphore_mem>>
        %dma_start3A_231 = tpu.memref_squeeze %dma_start3A_230 : memref<1x!tpu.dma_semaphore, #tpu.memory_space<semaphore_mem>> -> memref<!tpu.dma_semaphore, #tpu.memory_space<semaphore_mem>>
        tpu.enqueue_indirect_dma source(%dma_start3A_229 : memref<50048x16xf32, #tpu.memory_space<hbm>>) target(%dma_start3A_223 : memref<128x16xf32, #tpu.memory_space<vmem>>) offsets(%dma_start3A_226 : memref<128xi32, #tpu.memory_space<vmem>>) semaphore(%dma_start3A_231 : memref<!tpu.dma_semaphore, #tpu.memory_space<semaphore_mem>>)
        %dma_start3A_232 = arith.constant 1 : i32
        %dma_start3A_233 = arith.constant 6 : i32
        %dma_start3A_234 = arith.constant 0 : i32
        %dma_start3A_235 = arith.constant 1 : i32
        %dma_start3A_236 = arith.constant 1 : i32
        %dma_start3A_237 = arith.constant 768 : i32
        %dma_start3A_238 = arith.constant 0 : i32
        %dma_start3A_239 = tpu.memref_slice %arg7[%dma_start3A_235, %dma_start3A_237, %dma_start3A_238] : memref<2x1280x16xf32, #tpu.memory_space<vmem>> -> memref<1x128x16xf32, #tpu.memory_space<vmem>>
        %dma_start3A_240 = tpu.memref_squeeze %dma_start3A_239 : memref<1x128x16xf32, #tpu.memory_space<vmem>> -> memref<128x16xf32, #tpu.memory_space<vmem>>
        %dma_start3A_241 = arith.constant 0 : i32
        %dma_start3A_242 = tpu.memref_slice %arg6[%dma_start3A_232, %dma_start3A_233, %dma_start3A_234, %dma_start3A_241] : memref<2x10x2x128xi32, #tpu.memory_space<vmem>> -> memref<1x1x1x128xi32, #tpu.memory_space<vmem>>
        %dma_start3A_243 = tpu.memref_squeeze %dma_start3A_242 : memref<1x1x1x128xi32, #tpu.memory_space<vmem>> -> memref<128xi32, #tpu.memory_space<vmem>>
        %dma_start3A_244 = arith.constant 0 : i32
        %dma_start3A_245 = arith.constant 0 : i32
        %dma_start3A_246 = tpu.memref_slice %arg2[%dma_start3A_244, %dma_start3A_245] : memref<50048x16xf32, #tpu.memory_space<hbm>> -> memref<50048x16xf32, #tpu.memory_space<hbm>>
        %dma_start3A_247 = tpu.memref_slice %arg10[%dma_start3A_236] : memref<2x!tpu.dma_semaphore, #tpu.memory_space<semaphore_mem>> -> memref<1x!tpu.dma_semaphore, #tpu.memory_space<semaphore_mem>>
        %dma_start3A_248 = tpu.memref_squeeze %dma_start3A_247 : memref<1x!tpu.dma_semaphore, #tpu.memory_space<semaphore_mem>> -> memref<!tpu.dma_semaphore, #tpu.memory_space<semaphore_mem>>
        tpu.enqueue_indirect_dma source(%dma_start3A_246 : memref<50048x16xf32, #tpu.memory_space<hbm>>) target(%dma_start3A_240 : memref<128x16xf32, #tpu.memory_space<vmem>>) offsets(%dma_start3A_243 : memref<128xi32, #tpu.memory_space<vmem>>) semaphore(%dma_start3A_248 : memref<!tpu.dma_semaphore, #tpu.memory_space<semaphore_mem>>)
        %dma_start3A_249 = arith.constant 1 : i32
        %dma_start3A_250 = arith.constant 7 : i32
        %dma_start3A_251 = arith.constant 0 : i32
        %dma_start3A_252 = arith.constant 1 : i32
        %dma_start3A_253 = arith.constant 1 : i32
        %dma_start3A_254 = arith.constant 896 : i32
        %dma_start3A_255 = arith.constant 0 : i32
        %dma_start3A_256 = tpu.memref_slice %arg7[%dma_start3A_252, %dma_start3A_254, %dma_start3A_255] : memref<2x1280x16xf32, #tpu.memory_space<vmem>> -> memref<1x128x16xf32, #tpu.memory_space<vmem>>
        %dma_start3A_257 = tpu.memref_squeeze %dma_start3A_256 : memref<1x128x16xf32, #tpu.memory_space<vmem>> -> memref<128x16xf32, #tpu.memory_space<vmem>>
        %dma_start3A_258 = arith.constant 0 : i32
        %dma_start3A_259 = tpu.memref_slice %arg6[%dma_start3A_249, %dma_start3A_250, %dma_start3A_251, %dma_start3A_258] : memref<2x10x2x128xi32, #tpu.memory_space<vmem>> -> memref<1x1x1x128xi32, #tpu.memory_space<vmem>>
        %dma_start3A_260 = tpu.memref_squeeze %dma_start3A_259 : memref<1x1x1x128xi32, #tpu.memory_space<vmem>> -> memref<128xi32, #tpu.memory_space<vmem>>
        %dma_start3A_261 = arith.constant 0 : i32
        %dma_start3A_262 = arith.constant 0 : i32
        %dma_start3A_263 = tpu.memref_slice %arg2[%dma_start3A_261, %dma_start3A_262] : memref<50048x16xf32, #tpu.memory_space<hbm>> -> memref<50048x16xf32, #tpu.memory_space<hbm>>
        %dma_start3A_264 = tpu.memref_slice %arg10[%dma_start3A_253] : memref<2x!tpu.dma_semaphore, #tpu.memory_space<semaphore_mem>> -> memref<1x!tpu.dma_semaphore, #tpu.memory_space<semaphore_mem>>
        %dma_start3A_265 = tpu.memref_squeeze %dma_start3A_264 : memref<1x!tpu.dma_semaphore, #tpu.memory_space<semaphore_mem>> -> memref<!tpu.dma_semaphore, #tpu.memory_space<semaphore_mem>>
        tpu.enqueue_indirect_dma source(%dma_start3A_263 : memref<50048x16xf32, #tpu.memory_space<hbm>>) target(%dma_start3A_257 : memref<128x16xf32, #tpu.memory_space<vmem>>) offsets(%dma_start3A_260 : memref<128xi32, #tpu.memory_space<vmem>>) semaphore(%dma_start3A_265 : memref<!tpu.dma_semaphore, #tpu.memory_space<semaphore_mem>>)
        %dma_start3A_266 = arith.constant 1 : i32
        %dma_start3A_267 = arith.constant 8 : i32
        %dma_start3A_268 = arith.constant 0 : i32
        %dma_start3A_269 = arith.constant 1 : i32
        %dma_start3A_270 = arith.constant 1 : i32
        %dma_start3A_271 = arith.constant 1024 : i32
        %dma_start3A_272 = arith.constant 0 : i32
        %dma_start3A_273 = tpu.memref_slice %arg7[%dma_start3A_269, %dma_start3A_271, %dma_start3A_272] : memref<2x1280x16xf32, #tpu.memory_space<vmem>> -> memref<1x128x16xf32, #tpu.memory_space<vmem>>
        %dma_start3A_274 = tpu.memref_squeeze %dma_start3A_273 : memref<1x128x16xf32, #tpu.memory_space<vmem>> -> memref<128x16xf32, #tpu.memory_space<vmem>>
        %dma_start3A_275 = arith.constant 0 : i32
        %dma_start3A_276 = tpu.memref_slice %arg6[%dma_start3A_266, %dma_start3A_267, %dma_start3A_268, %dma_start3A_275] : memref<2x10x2x128xi32, #tpu.memory_space<vmem>> -> memref<1x1x1x128xi32, #tpu.memory_space<vmem>>
        %dma_start3A_277 = tpu.memref_squeeze %dma_start3A_276 : memref<1x1x1x128xi32, #tpu.memory_space<vmem>> -> memref<128xi32, #tpu.memory_space<vmem>>
        %dma_start3A_278 = arith.constant 0 : i32
        %dma_start3A_279 = arith.constant 0 : i32
        %dma_start3A_280 = tpu.memref_slice %arg2[%dma_start3A_278, %dma_start3A_279] : memref<50048x16xf32, #tpu.memory_space<hbm>> -> memref<50048x16xf32, #tpu.memory_space<hbm>>
        %dma_start3A_281 = tpu.memref_slice %arg10[%dma_start3A_270] : memref<2x!tpu.dma_semaphore, #tpu.memory_space<semaphore_mem>> -> memref<1x!tpu.dma_semaphore, #tpu.memory_space<semaphore_mem>>
        %dma_start3A_282 = tpu.memref_squeeze %dma_start3A_281 : memref<1x!tpu.dma_semaphore, #tpu.memory_space<semaphore_mem>> -> memref<!tpu.dma_semaphore, #tpu.memory_space<semaphore_mem>>
        tpu.enqueue_indirect_dma source(%dma_start3A_280 : memref<50048x16xf32, #tpu.memory_space<hbm>>) target(%dma_start3A_274 : memref<128x16xf32, #tpu.memory_space<vmem>>) offsets(%dma_start3A_277 : memref<128xi32, #tpu.memory_space<vmem>>) semaphore(%dma_start3A_282 : memref<!tpu.dma_semaphore, #tpu.memory_space<semaphore_mem>>)
        %dma_start3A_283 = arith.constant 1 : i32
        %dma_start3A_284 = arith.constant 9 : i32
        %dma_start3A_285 = arith.constant 0 : i32
        %dma_start3A_286 = arith.constant 1 : i32
        %dma_start3A_287 = arith.constant 1 : i32
        %dma_start3A_288 = arith.constant 1152 : i32
        %dma_start3A_289 = arith.constant 0 : i32
        %dma_start3A_290 = tpu.memref_slice %arg7[%dma_start3A_286, %dma_start3A_288, %dma_start3A_289] : memref<2x1280x16xf32, #tpu.memory_space<vmem>> -> memref<1x128x16xf32, #tpu.memory_space<vmem>>
        %dma_start3A_291 = tpu.memref_squeeze %dma_start3A_290 : memref<1x128x16xf32, #tpu.memory_space<vmem>> -> memref<128x16xf32, #tpu.memory_space<vmem>>
        %dma_start3A_292 = arith.constant 0 : i32
        %dma_start3A_293 = tpu.memref_slice %arg6[%dma_start3A_283, %dma_start3A_284, %dma_start3A_285, %dma_start3A_292] : memref<2x10x2x128xi32, #tpu.memory_space<vmem>> -> memref<1x1x1x128xi32, #tpu.memory_space<vmem>>
        %dma_start3A_294 = tpu.memref_squeeze %dma_start3A_293 : memref<1x1x1x128xi32, #tpu.memory_space<vmem>> -> memref<128xi32, #tpu.memory_space<vmem>>
        %dma_start3A_295 = arith.constant 0 : i32
        %dma_start3A_296 = arith.constant 0 : i32
        %dma_start3A_297 = tpu.memref_slice %arg2[%dma_start3A_295, %dma_start3A_296] : memref<50048x16xf32, #tpu.memory_space<hbm>> -> memref<50048x16xf32, #tpu.memory_space<hbm>>
        %dma_start3A_298 = tpu.memref_slice %arg10[%dma_start3A_287] : memref<2x!tpu.dma_semaphore, #tpu.memory_space<semaphore_mem>> -> memref<1x!tpu.dma_semaphore, #tpu.memory_space<semaphore_mem>>
        %dma_start3A_299 = tpu.memref_squeeze %dma_start3A_298 : memref<1x!tpu.dma_semaphore, #tpu.memory_space<semaphore_mem>> -> memref<!tpu.dma_semaphore, #tpu.memory_space<semaphore_mem>>
        tpu.enqueue_indirect_dma source(%dma_start3A_297 : memref<50048x16xf32, #tpu.memory_space<hbm>>) target(%dma_start3A_291 : memref<128x16xf32, #tpu.memory_space<vmem>>) offsets(%dma_start3A_294 : memref<128xi32, #tpu.memory_space<vmem>>) semaphore(%dma_start3A_299 : memref<!tpu.dma_semaphore, #tpu.memory_space<semaphore_mem>>)
      } else {
      }
      %ge3A_87 = arith.constant 1 : i32
      %ge3A_88 = arith.cmpi sge, %add3A_73, %ge3A_87 : i32
      %lt3A_89 = arith.constant 1250 : i32
      %lt3A_90 = arith.cmpi slt, %add3A_81, %lt3A_89 : i32
      %and3A_91 = arith.andi %ge3A_88, %lt3A_90 : i1
      %convert_element_type3A_92 = arith.extui %and3A_91 : i1 to i32
      %cond3A_93 = arith.constant 0 : i32
      %cond3A_94 = arith.cmpi ne, %convert_element_type3A_92, %cond3A_93 : i32
      scf.if %cond3A_94 {
        %dma_wait3A = arith.constant 0 : i32
        %dma_wait3A_110 = arith.constant 0 : i32
        %dma_wait3A_111 = arith.constant 0 : i32
        %dma_wait3A_112 = arith.constant 0 : i32
        %dma_wait3A_113 = tpu.memref_slice %arg7[%dma_wait3A, %dma_wait3A_111, %dma_wait3A_112] : memref<2x1280x16xf32, #tpu.memory_space<vmem>> -> memref<1x1280x16xf32, #tpu.memory_space<vmem>>
        %dma_wait3A_114 = tpu.memref_squeeze %dma_wait3A_113 : memref<1x1280x16xf32, #tpu.memory_space<vmem>> -> memref<1280x16xf32, #tpu.memory_space<vmem>>
        %dma_wait3A_115 = arith.constant 0 : i32
        %dma_wait3A_116 = arith.constant 0 : i32
        %dma_wait3A_117 = tpu.memref_slice %arg2[%dma_wait3A_115, %dma_wait3A_116] : memref<50048x16xf32, #tpu.memory_space<hbm>> -> memref<1280x16xf32, #tpu.memory_space<hbm>>
        %dma_wait3A_118 = tpu.memref_slice %arg11[%dma_wait3A_110] : memref<2x!tpu.dma_semaphore, #tpu.memory_space<semaphore_mem>> -> memref<1x!tpu.dma_semaphore, #tpu.memory_space<semaphore_mem>>
        %dma_wait3A_119 = tpu.memref_squeeze %dma_wait3A_118 : memref<1x!tpu.dma_semaphore, #tpu.memory_space<semaphore_mem>> -> memref<!tpu.dma_semaphore, #tpu.memory_space<semaphore_mem>>
        %dma_wait3A_120 = arith.constant 0 : i32
        %dma_wait3A_121 = arith.constant 0 : i32
        %dma_wait3A_122 = tpu.memref_slice %arg7[%dma_wait3A, %dma_wait3A_120, %dma_wait3A_121] : memref<2x1280x16xf32, #tpu.memory_space<vmem>> -> memref<1x1280x16xf32, #tpu.memory_space<vmem>>
        %dma_wait3A_123 = tpu.memref_squeeze %dma_wait3A_122 : memref<1x1280x16xf32, #tpu.memory_space<vmem>> -> memref<1280x16xf32, #tpu.memory_space<vmem>>
        %dma_wait3A_124 = arith.constant 0 : i32
        %dma_wait3A_125 = arith.constant 0 : i32
        %dma_wait3A_126 = tpu.memref_slice %arg2[%dma_wait3A_124, %dma_wait3A_125] : memref<50048x16xf32, #tpu.memory_space<hbm>> -> memref<1280x16xf32, #tpu.memory_space<hbm>>
        tpu.wait_dma2 semaphore(%dma_wait3A_119 : memref<!tpu.dma_semaphore, #tpu.memory_space<semaphore_mem>>) src(%dma_wait3A_126 : memref<1280x16xf32, #tpu.memory_space<hbm>>) dst(%dma_wait3A_123 : memref<1280x16xf32, #tpu.memory_space<vmem>>)
      } else {
      }
      %add3A_95 = arith.constant 1 : i32
      %add3A_96 = arith.addi %add3A_73, %add3A_95 : i32
      %mul3A_97 = arith.constant 32 : i32
      %mul3A_98 = arith.muli %add3A_96, %mul3A_97 : i32
      %add3A_99 = arith.addi %add3A, %mul3A_98 : i32
      %lt3A_100 = arith.constant 1250 : i32
      %lt3A_101 = arith.cmpi slt, %add3A_99, %lt3A_100 : i32
      %convert_element_type3A_102 = arith.extui %lt3A_101 : i1 to i32
      %cond3A_103 = arith.constant 0 : i32
      %cond3A_104 = arith.cmpi ne, %convert_element_type3A_102, %cond3A_103 : i32
      scf.if %cond3A_104 {
        %mul3A_110 = arith.constant 10 : i32
        %mul3A_111 = arith.muli %add3A_99, %mul3A_110 : i32
        %dma_start3A = arith.constant 0 : i32
        %dma_start3A_112 = arith.constant 0 : i32
        %dma_start3A_113 = arith.constant 0 : i32
        %dma_start3A_114 = arith.constant 0 : i32
        %dma_start3A_115 = arith.constant 0 : i32
        %dma_start3A_116 = tpu.memref_slice %arg6[%dma_start3A, %dma_start3A_113, %dma_start3A_114, %dma_start3A_115] : memref<2x10x2x128xi32, #tpu.memory_space<vmem>> -> memref<1x10x2x128xi32, #tpu.memory_space<vmem>>
        %dma_start3A_117 = tpu.memref_squeeze %dma_start3A_116 : memref<1x10x2x128xi32, #tpu.memory_space<vmem>> -> memref<10x2x128xi32, #tpu.memory_space<vmem>>
        %dma_start3A_118 = arith.constant 0 : i32
        %dma_start3A_119 = arith.constant 0 : i32
        %dma_start3A_120 = tpu.memref_slice %arg3[%mul3A_111, %dma_start3A_118, %dma_start3A_119] : memref<12500x2x128xi32, #tpu.memory_space<hbm>> -> memref<10x2x128xi32, #tpu.memory_space<hbm>>
        %dma_start3A_121 = tpu.memref_slice %arg9[%dma_start3A_112] : memref<2x!tpu.dma_semaphore, #tpu.memory_space<semaphore_mem>> -> memref<1x!tpu.dma_semaphore, #tpu.memory_space<semaphore_mem>>
        %dma_start3A_122 = tpu.memref_squeeze %dma_start3A_121 : memref<1x!tpu.dma_semaphore, #tpu.memory_space<semaphore_mem>> -> memref<!tpu.dma_semaphore, #tpu.memory_space<semaphore_mem>>
        %dma_start3A_123 = arith.constant 0 : i32
        %dma_start3A_124 = arith.constant 0 : i32
        %dma_start3A_125 = arith.constant 0 : i32
        %dma_start3A_126 = tpu.memref_slice %arg6[%dma_start3A, %dma_start3A_123, %dma_start3A_124, %dma_start3A_125] : memref<2x10x2x128xi32, #tpu.memory_space<vmem>> -> memref<1x10x2x128xi32, #tpu.memory_space<vmem>>
        %dma_start3A_127 = tpu.memref_squeeze %dma_start3A_126 : memref<1x10x2x128xi32, #tpu.memory_space<vmem>> -> memref<10x2x128xi32, #tpu.memory_space<vmem>>
        %dma_start3A_128 = arith.constant 0 : i32
        %dma_start3A_129 = arith.constant 0 : i32
        %dma_start3A_130 = tpu.memref_slice %arg3[%mul3A_111, %dma_start3A_128, %dma_start3A_129] : memref<12500x2x128xi32, #tpu.memory_space<hbm>> -> memref<10x2x128xi32, #tpu.memory_space<hbm>>
        tpu.enqueue_dma source(%dma_start3A_130 : memref<10x2x128xi32, #tpu.memory_space<hbm>>) target(%dma_start3A_127 : memref<10x2x128xi32, #tpu.memory_space<vmem>>) target_semaphore(%dma_start3A_122 : memref<!tpu.dma_semaphore, #tpu.memory_space<semaphore_mem>>)
      } else {
      }
      %lt3A_105 = arith.constant 1250 : i32
      %lt3A_106 = arith.cmpi slt, %add3A_76, %lt3A_105 : i32
      %convert_element_type3A_107 = arith.extui %lt3A_106 : i1 to i32
      %cond3A_108 = arith.constant 0 : i32
      %cond3A_109 = arith.cmpi ne, %convert_element_type3A_107, %cond3A_108 : i32
      scf.if %cond3A_109 {
        %dma_wait3A = arith.constant 1 : i32
        %dma_wait3A_110 = arith.constant 1 : i32
        %dma_wait3A_111 = arith.constant 0 : i32
        %dma_wait3A_112 = arith.constant 0 : i32
        %dma_wait3A_113 = tpu.memref_slice %arg7[%dma_wait3A, %dma_wait3A_111, %dma_wait3A_112] : memref<2x1280x16xf32, #tpu.memory_space<vmem>> -> memref<1x1280x16xf32, #tpu.memory_space<vmem>>
        %dma_wait3A_114 = tpu.memref_squeeze %dma_wait3A_113 : memref<1x1280x16xf32, #tpu.memory_space<vmem>> -> memref<1280x16xf32, #tpu.memory_space<vmem>>
        %dma_wait3A_115 = arith.constant 0 : i32
        %dma_wait3A_116 = arith.constant 0 : i32
        %dma_wait3A_117 = tpu.memref_slice %arg2[%dma_wait3A_115, %dma_wait3A_116] : memref<50048x16xf32, #tpu.memory_space<hbm>> -> memref<1280x16xf32, #tpu.memory_space<hbm>>
        %dma_wait3A_118 = tpu.memref_slice %arg10[%dma_wait3A_110] : memref<2x!tpu.dma_semaphore, #tpu.memory_space<semaphore_mem>> -> memref<1x!tpu.dma_semaphore, #tpu.memory_space<semaphore_mem>>
        %dma_wait3A_119 = tpu.memref_squeeze %dma_wait3A_118 : memref<1x!tpu.dma_semaphore, #tpu.memory_space<semaphore_mem>> -> memref<!tpu.dma_semaphore, #tpu.memory_space<semaphore_mem>>
        %dma_wait3A_120 = arith.constant 0 : i32
        %dma_wait3A_121 = arith.constant 0 : i32
        %dma_wait3A_122 = tpu.memref_slice %arg7[%dma_wait3A, %dma_wait3A_120, %dma_wait3A_121] : memref<2x1280x16xf32, #tpu.memory_space<vmem>> -> memref<1x1280x16xf32, #tpu.memory_space<vmem>>
        %dma_wait3A_123 = tpu.memref_squeeze %dma_wait3A_122 : memref<1x1280x16xf32, #tpu.memory_space<vmem>> -> memref<1280x16xf32, #tpu.memory_space<vmem>>
        %dma_wait3A_124 = arith.constant 0 : i32
        %dma_wait3A_125 = arith.constant 0 : i32
        %dma_wait3A_126 = tpu.memref_slice %arg2[%dma_wait3A_124, %dma_wait3A_125] : memref<50048x16xf32, #tpu.memory_space<hbm>> -> memref<1280x16xf32, #tpu.memory_space<hbm>>
        tpu.wait_dma2 semaphore(%dma_wait3A_119 : memref<!tpu.dma_semaphore, #tpu.memory_space<semaphore_mem>>) src(%dma_wait3A_126 : memref<1280x16xf32, #tpu.memory_space<hbm>>) dst(%dma_wait3A_123 : memref<1280x16xf32, #tpu.memory_space<vmem>>)
        %dma_start3A = arith.constant 1 : i32
        %dma_start3A_127 = arith.constant 1 : i32
        %dma_start3A_128 = arith.constant 0 : i32
        %dma_start3A_129 = arith.constant 1 : i32
        %dma_start3A_130 = arith.constant 1 : i32
        %dma_start3A_131 = arith.constant 0 : i32
        %dma_start3A_132 = arith.constant 0 : i32
        %dma_start3A_133 = tpu.memref_slice %arg7[%dma_start3A, %dma_start3A_131, %dma_start3A_132] : memref<2x1280x16xf32, #tpu.memory_space<vmem>> -> memref<1x128x16xf32, #tpu.memory_space<vmem>>
        %dma_start3A_134 = tpu.memref_squeeze %dma_start3A_133 : memref<1x128x16xf32, #tpu.memory_space<vmem>> -> memref<128x16xf32, #tpu.memory_space<vmem>>
        %dma_start3A_135 = arith.constant 0 : i32
        %dma_start3A_136 = tpu.memref_slice %arg6[%dma_start3A_127, %dma_start3A_128, %dma_start3A_129, %dma_start3A_135] : memref<2x10x2x128xi32, #tpu.memory_space<vmem>> -> memref<1x1x1x128xi32, #tpu.memory_space<vmem>>
        %dma_start3A_137 = tpu.memref_squeeze %dma_start3A_136 : memref<1x1x1x128xi32, #tpu.memory_space<vmem>> -> memref<128xi32, #tpu.memory_space<vmem>>
        %dma_start3A_138 = arith.constant 0 : i32
        %dma_start3A_139 = arith.constant 0 : i32
        %dma_start3A_140 = tpu.memref_slice %arg5[%dma_start3A_138, %dma_start3A_139] : memref<50048x16xf32, #tpu.memory_space<vmem_shared>> -> memref<50048x16xf32, #tpu.memory_space<vmem_shared>>
        %dma_start3A_141 = tpu.memref_slice %arg11[%dma_start3A_130] : memref<2x!tpu.dma_semaphore, #tpu.memory_space<semaphore_mem>> -> memref<1x!tpu.dma_semaphore, #tpu.memory_space<semaphore_mem>>
        %dma_start3A_142 = tpu.memref_squeeze %dma_start3A_141 : memref<1x!tpu.dma_semaphore, #tpu.memory_space<semaphore_mem>> -> memref<!tpu.dma_semaphore, #tpu.memory_space<semaphore_mem>>
        tpu.enqueue_indirect_dma source(%dma_start3A_134 : memref<128x16xf32, #tpu.memory_space<vmem>>) target(%dma_start3A_140 : memref<50048x16xf32, #tpu.memory_space<vmem_shared>>) offsets(%dma_start3A_137 : memref<128xi32, #tpu.memory_space<vmem>>) semaphore(%dma_start3A_142 : memref<!tpu.dma_semaphore, #tpu.memory_space<semaphore_mem>>) {add = true}
        %dma_start3A_143 = arith.constant 1 : i32
        %dma_start3A_144 = arith.constant 1 : i32
        %dma_start3A_145 = arith.constant 1 : i32
        %dma_start3A_146 = arith.constant 1 : i32
        %dma_start3A_147 = arith.constant 1 : i32
        %dma_start3A_148 = arith.constant 128 : i32
        %dma_start3A_149 = arith.constant 0 : i32
        %dma_start3A_150 = tpu.memref_slice %arg7[%dma_start3A_143, %dma_start3A_148, %dma_start3A_149] : memref<2x1280x16xf32, #tpu.memory_space<vmem>> -> memref<1x128x16xf32, #tpu.memory_space<vmem>>
        %dma_start3A_151 = tpu.memref_squeeze %dma_start3A_150 : memref<1x128x16xf32, #tpu.memory_space<vmem>> -> memref<128x16xf32, #tpu.memory_space<vmem>>
        %dma_start3A_152 = arith.constant 0 : i32
        %dma_start3A_153 = tpu.memref_slice %arg6[%dma_start3A_144, %dma_start3A_145, %dma_start3A_146, %dma_start3A_152] : memref<2x10x2x128xi32, #tpu.memory_space<vmem>> -> memref<1x1x1x128xi32, #tpu.memory_space<vmem>>
        %dma_start3A_154 = tpu.memref_squeeze %dma_start3A_153 : memref<1x1x1x128xi32, #tpu.memory_space<vmem>> -> memref<128xi32, #tpu.memory_space<vmem>>
        %dma_start3A_155 = arith.constant 0 : i32
        %dma_start3A_156 = arith.constant 0 : i32
        %dma_start3A_157 = tpu.memref_slice %arg5[%dma_start3A_155, %dma_start3A_156] : memref<50048x16xf32, #tpu.memory_space<vmem_shared>> -> memref<50048x16xf32, #tpu.memory_space<vmem_shared>>
        %dma_start3A_158 = tpu.memref_slice %arg11[%dma_start3A_147] : memref<2x!tpu.dma_semaphore, #tpu.memory_space<semaphore_mem>> -> memref<1x!tpu.dma_semaphore, #tpu.memory_space<semaphore_mem>>
        %dma_start3A_159 = tpu.memref_squeeze %dma_start3A_158 : memref<1x!tpu.dma_semaphore, #tpu.memory_space<semaphore_mem>> -> memref<!tpu.dma_semaphore, #tpu.memory_space<semaphore_mem>>
        tpu.enqueue_indirect_dma source(%dma_start3A_151 : memref<128x16xf32, #tpu.memory_space<vmem>>) target(%dma_start3A_157 : memref<50048x16xf32, #tpu.memory_space<vmem_shared>>) offsets(%dma_start3A_154 : memref<128xi32, #tpu.memory_space<vmem>>) semaphore(%dma_start3A_159 : memref<!tpu.dma_semaphore, #tpu.memory_space<semaphore_mem>>) {add = true}
        %dma_start3A_160 = arith.constant 1 : i32
        %dma_start3A_161 = arith.constant 1 : i32
        %dma_start3A_162 = arith.constant 2 : i32
        %dma_start3A_163 = arith.constant 1 : i32
        %dma_start3A_164 = arith.constant 1 : i32
        %dma_start3A_165 = arith.constant 256 : i32
        %dma_start3A_166 = arith.constant 0 : i32
        %dma_start3A_167 = tpu.memref_slice %arg7[%dma_start3A_160, %dma_start3A_165, %dma_start3A_166] : memref<2x1280x16xf32, #tpu.memory_space<vmem>> -> memref<1x128x16xf32, #tpu.memory_space<vmem>>
        %dma_start3A_168 = tpu.memref_squeeze %dma_start3A_167 : memref<1x128x16xf32, #tpu.memory_space<vmem>> -> memref<128x16xf32, #tpu.memory_space<vmem>>
        %dma_start3A_169 = arith.constant 0 : i32
        %dma_start3A_170 = tpu.memref_slice %arg6[%dma_start3A_161, %dma_start3A_162, %dma_start3A_163, %dma_start3A_169] : memref<2x10x2x128xi32, #tpu.memory_space<vmem>> -> memref<1x1x1x128xi32, #tpu.memory_space<vmem>>
        %dma_start3A_171 = tpu.memref_squeeze %dma_start3A_170 : memref<1x1x1x128xi32, #tpu.memory_space<vmem>> -> memref<128xi32, #tpu.memory_space<vmem>>
        %dma_start3A_172 = arith.constant 0 : i32
        %dma_start3A_173 = arith.constant 0 : i32
        %dma_start3A_174 = tpu.memref_slice %arg5[%dma_start3A_172, %dma_start3A_173] : memref<50048x16xf32, #tpu.memory_space<vmem_shared>> -> memref<50048x16xf32, #tpu.memory_space<vmem_shared>>
        %dma_start3A_175 = tpu.memref_slice %arg11[%dma_start3A_164] : memref<2x!tpu.dma_semaphore, #tpu.memory_space<semaphore_mem>> -> memref<1x!tpu.dma_semaphore, #tpu.memory_space<semaphore_mem>>
        %dma_start3A_176 = tpu.memref_squeeze %dma_start3A_175 : memref<1x!tpu.dma_semaphore, #tpu.memory_space<semaphore_mem>> -> memref<!tpu.dma_semaphore, #tpu.memory_space<semaphore_mem>>
        tpu.enqueue_indirect_dma source(%dma_start3A_168 : memref<128x16xf32, #tpu.memory_space<vmem>>) target(%dma_start3A_174 : memref<50048x16xf32, #tpu.memory_space<vmem_shared>>) offsets(%dma_start3A_171 : memref<128xi32, #tpu.memory_space<vmem>>) semaphore(%dma_start3A_176 : memref<!tpu.dma_semaphore, #tpu.memory_space<semaphore_mem>>) {add = true}
        %dma_start3A_177 = arith.constant 1 : i32
        %dma_start3A_178 = arith.constant 1 : i32
        %dma_start3A_179 = arith.constant 3 : i32
        %dma_start3A_180 = arith.constant 1 : i32
        %dma_start3A_181 = arith.constant 1 : i32
        %dma_start3A_182 = arith.constant 384 : i32
        %dma_start3A_183 = arith.constant 0 : i32
        %dma_start3A_184 = tpu.memref_slice %arg7[%dma_start3A_177, %dma_start3A_182, %dma_start3A_183] : memref<2x1280x16xf32, #tpu.memory_space<vmem>> -> memref<1x128x16xf32, #tpu.memory_space<vmem>>
        %dma_start3A_185 = tpu.memref_squeeze %dma_start3A_184 : memref<1x128x16xf32, #tpu.memory_space<vmem>> -> memref<128x16xf32, #tpu.memory_space<vmem>>
        %dma_start3A_186 = arith.constant 0 : i32
        %dma_start3A_187 = tpu.memref_slice %arg6[%dma_start3A_178, %dma_start3A_179, %dma_start3A_180, %dma_start3A_186] : memref<2x10x2x128xi32, #tpu.memory_space<vmem>> -> memref<1x1x1x128xi32, #tpu.memory_space<vmem>>
        %dma_start3A_188 = tpu.memref_squeeze %dma_start3A_187 : memref<1x1x1x128xi32, #tpu.memory_space<vmem>> -> memref<128xi32, #tpu.memory_space<vmem>>
        %dma_start3A_189 = arith.constant 0 : i32
        %dma_start3A_190 = arith.constant 0 : i32
        %dma_start3A_191 = tpu.memref_slice %arg5[%dma_start3A_189, %dma_start3A_190] : memref<50048x16xf32, #tpu.memory_space<vmem_shared>> -> memref<50048x16xf32, #tpu.memory_space<vmem_shared>>
        %dma_start3A_192 = tpu.memref_slice %arg11[%dma_start3A_181] : memref<2x!tpu.dma_semaphore, #tpu.memory_space<semaphore_mem>> -> memref<1x!tpu.dma_semaphore, #tpu.memory_space<semaphore_mem>>
        %dma_start3A_193 = tpu.memref_squeeze %dma_start3A_192 : memref<1x!tpu.dma_semaphore, #tpu.memory_space<semaphore_mem>> -> memref<!tpu.dma_semaphore, #tpu.memory_space<semaphore_mem>>
        tpu.enqueue_indirect_dma source(%dma_start3A_185 : memref<128x16xf32, #tpu.memory_space<vmem>>) target(%dma_start3A_191 : memref<50048x16xf32, #tpu.memory_space<vmem_shared>>) offsets(%dma_start3A_188 : memref<128xi32, #tpu.memory_space<vmem>>) semaphore(%dma_start3A_193 : memref<!tpu.dma_semaphore, #tpu.memory_space<semaphore_mem>>) {add = true}
        %dma_start3A_194 = arith.constant 1 : i32
        %dma_start3A_195 = arith.constant 1 : i32
        %dma_start3A_196 = arith.constant 4 : i32
        %dma_start3A_197 = arith.constant 1 : i32
        %dma_start3A_198 = arith.constant 1 : i32
        %dma_start3A_199 = arith.constant 512 : i32
        %dma_start3A_200 = arith.constant 0 : i32
        %dma_start3A_201 = tpu.memref_slice %arg7[%dma_start3A_194, %dma_start3A_199, %dma_start3A_200] : memref<2x1280x16xf32, #tpu.memory_space<vmem>> -> memref<1x128x16xf32, #tpu.memory_space<vmem>>
        %dma_start3A_202 = tpu.memref_squeeze %dma_start3A_201 : memref<1x128x16xf32, #tpu.memory_space<vmem>> -> memref<128x16xf32, #tpu.memory_space<vmem>>
        %dma_start3A_203 = arith.constant 0 : i32
        %dma_start3A_204 = tpu.memref_slice %arg6[%dma_start3A_195, %dma_start3A_196, %dma_start3A_197, %dma_start3A_203] : memref<2x10x2x128xi32, #tpu.memory_space<vmem>> -> memref<1x1x1x128xi32, #tpu.memory_space<vmem>>
        %dma_start3A_205 = tpu.memref_squeeze %dma_start3A_204 : memref<1x1x1x128xi32, #tpu.memory_space<vmem>> -> memref<128xi32, #tpu.memory_space<vmem>>
        %dma_start3A_206 = arith.constant 0 : i32
        %dma_start3A_207 = arith.constant 0 : i32
        %dma_start3A_208 = tpu.memref_slice %arg5[%dma_start3A_206, %dma_start3A_207] : memref<50048x16xf32, #tpu.memory_space<vmem_shared>> -> memref<50048x16xf32, #tpu.memory_space<vmem_shared>>
        %dma_start3A_209 = tpu.memref_slice %arg11[%dma_start3A_198] : memref<2x!tpu.dma_semaphore, #tpu.memory_space<semaphore_mem>> -> memref<1x!tpu.dma_semaphore, #tpu.memory_space<semaphore_mem>>
        %dma_start3A_210 = tpu.memref_squeeze %dma_start3A_209 : memref<1x!tpu.dma_semaphore, #tpu.memory_space<semaphore_mem>> -> memref<!tpu.dma_semaphore, #tpu.memory_space<semaphore_mem>>
        tpu.enqueue_indirect_dma source(%dma_start3A_202 : memref<128x16xf32, #tpu.memory_space<vmem>>) target(%dma_start3A_208 : memref<50048x16xf32, #tpu.memory_space<vmem_shared>>) offsets(%dma_start3A_205 : memref<128xi32, #tpu.memory_space<vmem>>) semaphore(%dma_start3A_210 : memref<!tpu.dma_semaphore, #tpu.memory_space<semaphore_mem>>) {add = true}
        %dma_start3A_211 = arith.constant 1 : i32
        %dma_start3A_212 = arith.constant 1 : i32
        %dma_start3A_213 = arith.constant 5 : i32
        %dma_start3A_214 = arith.constant 1 : i32
        %dma_start3A_215 = arith.constant 1 : i32
        %dma_start3A_216 = arith.constant 640 : i32
        %dma_start3A_217 = arith.constant 0 : i32
        %dma_start3A_218 = tpu.memref_slice %arg7[%dma_start3A_211, %dma_start3A_216, %dma_start3A_217] : memref<2x1280x16xf32, #tpu.memory_space<vmem>> -> memref<1x128x16xf32, #tpu.memory_space<vmem>>
        %dma_start3A_219 = tpu.memref_squeeze %dma_start3A_218 : memref<1x128x16xf32, #tpu.memory_space<vmem>> -> memref<128x16xf32, #tpu.memory_space<vmem>>
        %dma_start3A_220 = arith.constant 0 : i32
        %dma_start3A_221 = tpu.memref_slice %arg6[%dma_start3A_212, %dma_start3A_213, %dma_start3A_214, %dma_start3A_220] : memref<2x10x2x128xi32, #tpu.memory_space<vmem>> -> memref<1x1x1x128xi32, #tpu.memory_space<vmem>>
        %dma_start3A_222 = tpu.memref_squeeze %dma_start3A_221 : memref<1x1x1x128xi32, #tpu.memory_space<vmem>> -> memref<128xi32, #tpu.memory_space<vmem>>
        %dma_start3A_223 = arith.constant 0 : i32
        %dma_start3A_224 = arith.constant 0 : i32
        %dma_start3A_225 = tpu.memref_slice %arg5[%dma_start3A_223, %dma_start3A_224] : memref<50048x16xf32, #tpu.memory_space<vmem_shared>> -> memref<50048x16xf32, #tpu.memory_space<vmem_shared>>
        %dma_start3A_226 = tpu.memref_slice %arg11[%dma_start3A_215] : memref<2x!tpu.dma_semaphore, #tpu.memory_space<semaphore_mem>> -> memref<1x!tpu.dma_semaphore, #tpu.memory_space<semaphore_mem>>
        %dma_start3A_227 = tpu.memref_squeeze %dma_start3A_226 : memref<1x!tpu.dma_semaphore, #tpu.memory_space<semaphore_mem>> -> memref<!tpu.dma_semaphore, #tpu.memory_space<semaphore_mem>>
        tpu.enqueue_indirect_dma source(%dma_start3A_219 : memref<128x16xf32, #tpu.memory_space<vmem>>) target(%dma_start3A_225 : memref<50048x16xf32, #tpu.memory_space<vmem_shared>>) offsets(%dma_start3A_222 : memref<128xi32, #tpu.memory_space<vmem>>) semaphore(%dma_start3A_227 : memref<!tpu.dma_semaphore, #tpu.memory_space<semaphore_mem>>) {add = true}
        %dma_start3A_228 = arith.constant 1 : i32
        %dma_start3A_229 = arith.constant 1 : i32
        %dma_start3A_230 = arith.constant 6 : i32
        %dma_start3A_231 = arith.constant 1 : i32
        %dma_start3A_232 = arith.constant 1 : i32
        %dma_start3A_233 = arith.constant 768 : i32
        %dma_start3A_234 = arith.constant 0 : i32
        %dma_start3A_235 = tpu.memref_slice %arg7[%dma_start3A_228, %dma_start3A_233, %dma_start3A_234] : memref<2x1280x16xf32, #tpu.memory_space<vmem>> -> memref<1x128x16xf32, #tpu.memory_space<vmem>>
        %dma_start3A_236 = tpu.memref_squeeze %dma_start3A_235 : memref<1x128x16xf32, #tpu.memory_space<vmem>> -> memref<128x16xf32, #tpu.memory_space<vmem>>
        %dma_start3A_237 = arith.constant 0 : i32
        %dma_start3A_238 = tpu.memref_slice %arg6[%dma_start3A_229, %dma_start3A_230, %dma_start3A_231, %dma_start3A_237] : memref<2x10x2x128xi32, #tpu.memory_space<vmem>> -> memref<1x1x1x128xi32, #tpu.memory_space<vmem>>
        %dma_start3A_239 = tpu.memref_squeeze %dma_start3A_238 : memref<1x1x1x128xi32, #tpu.memory_space<vmem>> -> memref<128xi32, #tpu.memory_space<vmem>>
        %dma_start3A_240 = arith.constant 0 : i32
        %dma_start3A_241 = arith.constant 0 : i32
        %dma_start3A_242 = tpu.memref_slice %arg5[%dma_start3A_240, %dma_start3A_241] : memref<50048x16xf32, #tpu.memory_space<vmem_shared>> -> memref<50048x16xf32, #tpu.memory_space<vmem_shared>>
        %dma_start3A_243 = tpu.memref_slice %arg11[%dma_start3A_232] : memref<2x!tpu.dma_semaphore, #tpu.memory_space<semaphore_mem>> -> memref<1x!tpu.dma_semaphore, #tpu.memory_space<semaphore_mem>>
        %dma_start3A_244 = tpu.memref_squeeze %dma_start3A_243 : memref<1x!tpu.dma_semaphore, #tpu.memory_space<semaphore_mem>> -> memref<!tpu.dma_semaphore, #tpu.memory_space<semaphore_mem>>
        tpu.enqueue_indirect_dma source(%dma_start3A_236 : memref<128x16xf32, #tpu.memory_space<vmem>>) target(%dma_start3A_242 : memref<50048x16xf32, #tpu.memory_space<vmem_shared>>) offsets(%dma_start3A_239 : memref<128xi32, #tpu.memory_space<vmem>>) semaphore(%dma_start3A_244 : memref<!tpu.dma_semaphore, #tpu.memory_space<semaphore_mem>>) {add = true}
        %dma_start3A_245 = arith.constant 1 : i32
        %dma_start3A_246 = arith.constant 1 : i32
        %dma_start3A_247 = arith.constant 7 : i32
        %dma_start3A_248 = arith.constant 1 : i32
        %dma_start3A_249 = arith.constant 1 : i32
        %dma_start3A_250 = arith.constant 896 : i32
        %dma_start3A_251 = arith.constant 0 : i32
        %dma_start3A_252 = tpu.memref_slice %arg7[%dma_start3A_245, %dma_start3A_250, %dma_start3A_251] : memref<2x1280x16xf32, #tpu.memory_space<vmem>> -> memref<1x128x16xf32, #tpu.memory_space<vmem>>
        %dma_start3A_253 = tpu.memref_squeeze %dma_start3A_252 : memref<1x128x16xf32, #tpu.memory_space<vmem>> -> memref<128x16xf32, #tpu.memory_space<vmem>>
        %dma_start3A_254 = arith.constant 0 : i32
        %dma_start3A_255 = tpu.memref_slice %arg6[%dma_start3A_246, %dma_start3A_247, %dma_start3A_248, %dma_start3A_254] : memref<2x10x2x128xi32, #tpu.memory_space<vmem>> -> memref<1x1x1x128xi32, #tpu.memory_space<vmem>>
        %dma_start3A_256 = tpu.memref_squeeze %dma_start3A_255 : memref<1x1x1x128xi32, #tpu.memory_space<vmem>> -> memref<128xi32, #tpu.memory_space<vmem>>
        %dma_start3A_257 = arith.constant 0 : i32
        %dma_start3A_258 = arith.constant 0 : i32
        %dma_start3A_259 = tpu.memref_slice %arg5[%dma_start3A_257, %dma_start3A_258] : memref<50048x16xf32, #tpu.memory_space<vmem_shared>> -> memref<50048x16xf32, #tpu.memory_space<vmem_shared>>
        %dma_start3A_260 = tpu.memref_slice %arg11[%dma_start3A_249] : memref<2x!tpu.dma_semaphore, #tpu.memory_space<semaphore_mem>> -> memref<1x!tpu.dma_semaphore, #tpu.memory_space<semaphore_mem>>
        %dma_start3A_261 = tpu.memref_squeeze %dma_start3A_260 : memref<1x!tpu.dma_semaphore, #tpu.memory_space<semaphore_mem>> -> memref<!tpu.dma_semaphore, #tpu.memory_space<semaphore_mem>>
        tpu.enqueue_indirect_dma source(%dma_start3A_253 : memref<128x16xf32, #tpu.memory_space<vmem>>) target(%dma_start3A_259 : memref<50048x16xf32, #tpu.memory_space<vmem_shared>>) offsets(%dma_start3A_256 : memref<128xi32, #tpu.memory_space<vmem>>) semaphore(%dma_start3A_261 : memref<!tpu.dma_semaphore, #tpu.memory_space<semaphore_mem>>) {add = true}
        %dma_start3A_262 = arith.constant 1 : i32
        %dma_start3A_263 = arith.constant 1 : i32
        %dma_start3A_264 = arith.constant 8 : i32
        %dma_start3A_265 = arith.constant 1 : i32
        %dma_start3A_266 = arith.constant 1 : i32
        %dma_start3A_267 = arith.constant 1024 : i32
        %dma_start3A_268 = arith.constant 0 : i32
        %dma_start3A_269 = tpu.memref_slice %arg7[%dma_start3A_262, %dma_start3A_267, %dma_start3A_268] : memref<2x1280x16xf32, #tpu.memory_space<vmem>> -> memref<1x128x16xf32, #tpu.memory_space<vmem>>
        %dma_start3A_270 = tpu.memref_squeeze %dma_start3A_269 : memref<1x128x16xf32, #tpu.memory_space<vmem>> -> memref<128x16xf32, #tpu.memory_space<vmem>>
        %dma_start3A_271 = arith.constant 0 : i32
        %dma_start3A_272 = tpu.memref_slice %arg6[%dma_start3A_263, %dma_start3A_264, %dma_start3A_265, %dma_start3A_271] : memref<2x10x2x128xi32, #tpu.memory_space<vmem>> -> memref<1x1x1x128xi32, #tpu.memory_space<vmem>>
        %dma_start3A_273 = tpu.memref_squeeze %dma_start3A_272 : memref<1x1x1x128xi32, #tpu.memory_space<vmem>> -> memref<128xi32, #tpu.memory_space<vmem>>
        %dma_start3A_274 = arith.constant 0 : i32
        %dma_start3A_275 = arith.constant 0 : i32
        %dma_start3A_276 = tpu.memref_slice %arg5[%dma_start3A_274, %dma_start3A_275] : memref<50048x16xf32, #tpu.memory_space<vmem_shared>> -> memref<50048x16xf32, #tpu.memory_space<vmem_shared>>
        %dma_start3A_277 = tpu.memref_slice %arg11[%dma_start3A_266] : memref<2x!tpu.dma_semaphore, #tpu.memory_space<semaphore_mem>> -> memref<1x!tpu.dma_semaphore, #tpu.memory_space<semaphore_mem>>
        %dma_start3A_278 = tpu.memref_squeeze %dma_start3A_277 : memref<1x!tpu.dma_semaphore, #tpu.memory_space<semaphore_mem>> -> memref<!tpu.dma_semaphore, #tpu.memory_space<semaphore_mem>>
        tpu.enqueue_indirect_dma source(%dma_start3A_270 : memref<128x16xf32, #tpu.memory_space<vmem>>) target(%dma_start3A_276 : memref<50048x16xf32, #tpu.memory_space<vmem_shared>>) offsets(%dma_start3A_273 : memref<128xi32, #tpu.memory_space<vmem>>) semaphore(%dma_start3A_278 : memref<!tpu.dma_semaphore, #tpu.memory_space<semaphore_mem>>) {add = true}
        %dma_start3A_279 = arith.constant 1 : i32
        %dma_start3A_280 = arith.constant 1 : i32
        %dma_start3A_281 = arith.constant 9 : i32
        %dma_start3A_282 = arith.constant 1 : i32
        %dma_start3A_283 = arith.constant 1 : i32
        %dma_start3A_284 = arith.constant 1152 : i32
        %dma_start3A_285 = arith.constant 0 : i32
        %dma_start3A_286 = tpu.memref_slice %arg7[%dma_start3A_279, %dma_start3A_284, %dma_start3A_285] : memref<2x1280x16xf32, #tpu.memory_space<vmem>> -> memref<1x128x16xf32, #tpu.memory_space<vmem>>
        %dma_start3A_287 = tpu.memref_squeeze %dma_start3A_286 : memref<1x128x16xf32, #tpu.memory_space<vmem>> -> memref<128x16xf32, #tpu.memory_space<vmem>>
        %dma_start3A_288 = arith.constant 0 : i32
        %dma_start3A_289 = tpu.memref_slice %arg6[%dma_start3A_280, %dma_start3A_281, %dma_start3A_282, %dma_start3A_288] : memref<2x10x2x128xi32, #tpu.memory_space<vmem>> -> memref<1x1x1x128xi32, #tpu.memory_space<vmem>>
        %dma_start3A_290 = tpu.memref_squeeze %dma_start3A_289 : memref<1x1x1x128xi32, #tpu.memory_space<vmem>> -> memref<128xi32, #tpu.memory_space<vmem>>
        %dma_start3A_291 = arith.constant 0 : i32
        %dma_start3A_292 = arith.constant 0 : i32
        %dma_start3A_293 = tpu.memref_slice %arg5[%dma_start3A_291, %dma_start3A_292] : memref<50048x16xf32, #tpu.memory_space<vmem_shared>> -> memref<50048x16xf32, #tpu.memory_space<vmem_shared>>
        %dma_start3A_294 = tpu.memref_slice %arg11[%dma_start3A_283] : memref<2x!tpu.dma_semaphore, #tpu.memory_space<semaphore_mem>> -> memref<1x!tpu.dma_semaphore, #tpu.memory_space<semaphore_mem>>
        %dma_start3A_295 = tpu.memref_squeeze %dma_start3A_294 : memref<1x!tpu.dma_semaphore, #tpu.memory_space<semaphore_mem>> -> memref<!tpu.dma_semaphore, #tpu.memory_space<semaphore_mem>>
        tpu.enqueue_indirect_dma source(%dma_start3A_287 : memref<128x16xf32, #tpu.memory_space<vmem>>) target(%dma_start3A_293 : memref<50048x16xf32, #tpu.memory_space<vmem_shared>>) offsets(%dma_start3A_290 : memref<128xi32, #tpu.memory_space<vmem>>) semaphore(%dma_start3A_295 : memref<!tpu.dma_semaphore, #tpu.memory_space<semaphore_mem>>) {add = true}
      } else {
      }
    }
    %scan3A_19 = arith.constant 20 : i32
    %add3A_20 = arith.constant 1248 : i32
    %add3A_21 = arith.addi %add3A, %add3A_20 : i32
    %lt3A_22 = arith.constant 1250 : i32
    %lt3A_23 = arith.cmpi slt, %add3A_21, %lt3A_22 : i32
    %convert_element_type3A_24 = arith.extui %lt3A_23 : i1 to i32
    %cond3A_25 = arith.constant 0 : i32
    %cond3A_26 = arith.cmpi ne, %convert_element_type3A_24, %cond3A_25 : i32
    scf.if %cond3A_26 {
      %dma_wait3A = arith.constant 1 : i32
      %dma_wait3A_32 = arith.constant 1 : i32
      %dma_wait3A_33 = arith.constant 0 : i32
      %dma_wait3A_34 = arith.constant 0 : i32
      %dma_wait3A_35 = tpu.memref_slice %arg7[%dma_wait3A, %dma_wait3A_33, %dma_wait3A_34] : memref<2x1280x16xf32, #tpu.memory_space<vmem>> -> memref<1x1280x16xf32, #tpu.memory_space<vmem>>
      %dma_wait3A_36 = tpu.memref_squeeze %dma_wait3A_35 : memref<1x1280x16xf32, #tpu.memory_space<vmem>> -> memref<1280x16xf32, #tpu.memory_space<vmem>>
      %dma_wait3A_37 = arith.constant 0 : i32
      %dma_wait3A_38 = arith.constant 0 : i32
      %dma_wait3A_39 = tpu.memref_slice %arg2[%dma_wait3A_37, %dma_wait3A_38] : memref<50048x16xf32, #tpu.memory_space<hbm>> -> memref<1280x16xf32, #tpu.memory_space<hbm>>
      %dma_wait3A_40 = tpu.memref_slice %arg11[%dma_wait3A_32] : memref<2x!tpu.dma_semaphore, #tpu.memory_space<semaphore_mem>> -> memref<1x!tpu.dma_semaphore, #tpu.memory_space<semaphore_mem>>
      %dma_wait3A_41 = tpu.memref_squeeze %dma_wait3A_40 : memref<1x!tpu.dma_semaphore, #tpu.memory_space<semaphore_mem>> -> memref<!tpu.dma_semaphore, #tpu.memory_space<semaphore_mem>>
      %dma_wait3A_42 = arith.constant 0 : i32
      %dma_wait3A_43 = arith.constant 0 : i32
      %dma_wait3A_44 = tpu.memref_slice %arg7[%dma_wait3A, %dma_wait3A_42, %dma_wait3A_43] : memref<2x1280x16xf32, #tpu.memory_space<vmem>> -> memref<1x1280x16xf32, #tpu.memory_space<vmem>>
      %dma_wait3A_45 = tpu.memref_squeeze %dma_wait3A_44 : memref<1x1280x16xf32, #tpu.memory_space<vmem>> -> memref<1280x16xf32, #tpu.memory_space<vmem>>
      %dma_wait3A_46 = arith.constant 0 : i32
      %dma_wait3A_47 = arith.constant 0 : i32
      %dma_wait3A_48 = tpu.memref_slice %arg2[%dma_wait3A_46, %dma_wait3A_47] : memref<50048x16xf32, #tpu.memory_space<hbm>> -> memref<1280x16xf32, #tpu.memory_space<hbm>>
      tpu.wait_dma2 semaphore(%dma_wait3A_41 : memref<!tpu.dma_semaphore, #tpu.memory_space<semaphore_mem>>) src(%dma_wait3A_48 : memref<1280x16xf32, #tpu.memory_space<hbm>>) dst(%dma_wait3A_45 : memref<1280x16xf32, #tpu.memory_space<vmem>>)
    } else {
    }
    %barrier3A_27 = arith.constant 0 : index
    tpu.barrier barrier_id(%barrier3A_27)
    %mul3A_28 = arith.constant 3128 : i32
    %mul3A_29 = arith.muli %arg1, %mul3A_28 : i32
    %mul3A_30 = arith.constant 3128 : i32
    %mul3A_31 = arith.muli %arg1, %mul3A_30 : i32
    "tpu.region"() ({
      %run_scoped3A = tpu.sem_alloc : memref<!tpu.dma_semaphore, #tpu.memory_space<semaphore_mem>>
      %dma_start3A = arith.constant 0 : i32
      %dma_start3A_32 = tpu.memref_slice %arg4[%arg0, %mul3A_31, %dma_start3A] : memref<2x50048x16xf32, #tpu.memory_space<hbm>> -> memref<1x3128x16xf32, #tpu.memory_space<hbm>>
      %dma_start3A_33 = tpu.memref_squeeze %dma_start3A_32 : memref<1x3128x16xf32, #tpu.memory_space<hbm>> -> memref<3128x16xf32, #tpu.memory_space<hbm>>
      %dma_start3A_34 = arith.constant 0 : i32
      %dma_start3A_35 = tpu.memref_slice %arg5[%mul3A_29, %dma_start3A_34] : memref<50048x16xf32, #tpu.memory_space<vmem_shared>> -> memref<3128x16xf32, #tpu.memory_space<vmem_shared>>
      tpu.enqueue_dma source(%dma_start3A_35 : memref<3128x16xf32, #tpu.memory_space<vmem_shared>>) target(%dma_start3A_33 : memref<3128x16xf32, #tpu.memory_space<hbm>>) target_semaphore(%run_scoped3A : memref<!tpu.dma_semaphore, #tpu.memory_space<semaphore_mem>>)
      %dma_wait3A = arith.constant 0 : i32
      %dma_wait3A_36 = tpu.memref_slice %arg4[%arg0, %mul3A_31, %dma_wait3A] : memref<2x50048x16xf32, #tpu.memory_space<hbm>> -> memref<1x3128x16xf32, #tpu.memory_space<hbm>>
      %dma_wait3A_37 = tpu.memref_squeeze %dma_wait3A_36 : memref<1x3128x16xf32, #tpu.memory_space<hbm>> -> memref<3128x16xf32, #tpu.memory_space<hbm>>
      %dma_wait3A_38 = arith.constant 0 : i32
      %dma_wait3A_39 = tpu.memref_slice %arg5[%mul3A_29, %dma_wait3A_38] : memref<50048x16xf32, #tpu.memory_space<vmem_shared>> -> memref<3128x16xf32, #tpu.memory_space<vmem_shared>>
      tpu.wait_dma2 semaphore(%run_scoped3A : memref<!tpu.dma_semaphore, #tpu.memory_space<semaphore_mem>>) src(%dma_wait3A_39 : memref<3128x16xf32, #tpu.memory_space<vmem_shared>>) dst(%dma_wait3A_37 : memref<3128x16xf32, #tpu.memory_space<hbm>>)
      tpu.yield
    }) : () -> ()
    return
  }
}

#map = affine_map<(d0, d1) -> (0, 0)>
#map1 = affine_map<(d0, d1) -> (0, 0, 0)>
module attributes {stable_mosaic.version = 14 : i64} {
  func.func @prop_kernel(%arg0: i32, %arg1: i32, %arg2: memref<50048x16xf32, #tpu.memory_space<hbm>>, %arg3: memref<12500x2x128xi32, #tpu.memory_space<hbm>>, %arg4: memref<2x50048x16xf32, #tpu.memory_space<hbm>>, %arg5: memref<50048x16xf32, #tpu.memory_space<vmem_shared>>, %arg6: memref<2x10x2x128xi32, #tpu.memory_space<vmem>>, %arg7: memref<2x1280x16xf32, #tpu.memory_space<vmem>>, %arg8: memref<136x16xf32, #tpu.memory_space<vmem>>, %arg9: memref<2x!tpu.dma_semaphore, #tpu.memory_space<semaphore_mem>>, %arg10: memref<2x!tpu.dma_semaphore, #tpu.memory_space<semaphore_mem>>, %arg11: memref<2x!tpu.dma_semaphore, #tpu.memory_space<semaphore_mem>>) attributes {dimension_semantics = [#tpu.dimension_semantics<core_parallel>, #tpu.dimension_semantics<subcore_parallel>], iteration_bounds = array<i64: 2, 16>, scalar_prefetch = 0 : i64, scratch_operands = 7 : i64, tpu.core_type = #tpu.core_type<sc_vector_subcore>, window_params = [{transform_indices = #map}, {transform_indices = #map1}, {transform_indices = #map1}]} {
    %mul3A = arith.constant 2 : i32
    %mul3A_0 = arith.muli %arg1, %mul3A : i32
    %add3A = arith.addi %mul3A_0, %arg0 : i32
    %broadcast_in_dim3A = arith.constant 0.000000e+00 : f32
    %broadcast_in_dim3A_1 = vector.broadcast %broadcast_in_dim3A : f32 to vector<16xf32>
    %scan3A = arith.constant 0 : i32
    %scan3A_2 = arith.constant 136 : i32
    %scan3A_3 = arith.addi %scan3A, %scan3A_2 : i32
    %scan3A_4 = arith.constant 1 : i32
    scf.for %scan3A_32 = %scan3A to %scan3A_3 step %scan3A_4  : i32 {
      %mul3A_33 = arith.constant 1 : i32
      %mul3A_34 = arith.muli %scan3A_32, %mul3A_33 : i32
      %add3A_35 = arith.constant 0 : i32
      %add3A_36 = arith.addi %add3A_35, %mul3A_34 : i32
      %swap3A = arith.index_cast %add3A_36 : i32 to index
      %swap3A_37 = arith.constant 0 : index
      %swap3A_38 = tpu.vector_load %arg8[%swap3A, %swap3A_37] {strides = array<i32>} : memref<136x16xf32, #tpu.memory_space<vmem>>, vector<16xf32>,
      tpu.vector_store %arg8[%swap3A, %swap3A_37], %broadcast_in_dim3A_1 {strides = array<i32>} : memref<136x16xf32, #tpu.memory_space<vmem>>, vector<16xf32>,
    }
    %scan3A_5 = arith.constant 136 : i32
    %scan3A_6 = arith.constant 0 : i32
    %scan3A_7 = arith.constant 23 : i32
    %scan3A_8 = arith.addi %scan3A_6, %scan3A_7 : i32
    %scan3A_9 = arith.constant 1 : i32
    scf.for %scan3A_32 = %scan3A_6 to %scan3A_8 step %scan3A_9  : i32 {
      %mul3A_33 = arith.constant 1 : i32
      %mul3A_34 = arith.muli %scan3A_32, %mul3A_33 : i32
      %add3A_35 = arith.constant 0 : i32
      %add3A_36 = arith.addi %add3A_35, %mul3A_34 : i32
      %mul3A_37 = arith.constant 3128 : i32
      %mul3A_38 = arith.muli %arg1, %mul3A_37 : i32
      %mul3A_39 = arith.constant 136 : i32
      %mul3A_40 = arith.muli %add3A_36, %mul3A_39 : i32
      %add3A_41 = arith.addi %mul3A_38, %mul3A_40 : i32
      "tpu.region"() ({
        %run_scoped3A = tpu.sem_alloc : memref<!tpu.dma_semaphore, #tpu.memory_space<semaphore_mem>>
        %dma_start3A = arith.constant 0 : i32
        %dma_start3A_42 = tpu.memref_slice %arg5[%add3A_41, %dma_start3A] : memref<50048x16xf32, #tpu.memory_space<vmem_shared>> -> memref<136x16xf32, #tpu.memory_space<vmem_shared>>
        %dma_start3A_43 = arith.constant 0 : i32
        %dma_start3A_44 = tpu.memref_slice %arg5[%add3A_41, %dma_start3A_43] : memref<50048x16xf32, #tpu.memory_space<vmem_shared>> -> memref<136x16xf32, #tpu.memory_space<vmem_shared>>
        tpu.enqueue_dma source(%arg8 : memref<136x16xf32, #tpu.memory_space<vmem>>) target(%dma_start3A_44 : memref<136x16xf32, #tpu.memory_space<vmem_shared>>) target_semaphore(%run_scoped3A : memref<!tpu.dma_semaphore, #tpu.memory_space<semaphore_mem>>)
        %dma_wait3A = arith.constant 0 : i32
        %dma_wait3A_45 = tpu.memref_slice %arg5[%add3A_41, %dma_wait3A] : memref<50048x16xf32, #tpu.memory_space<vmem_shared>> -> memref<136x16xf32, #tpu.memory_space<vmem_shared>>
        %dma_wait3A_46 = arith.constant 0 : i32
        %dma_wait3A_47 = tpu.memref_slice %arg5[%add3A_41, %dma_wait3A_46] : memref<50048x16xf32, #tpu.memory_space<vmem_shared>> -> memref<136x16xf32, #tpu.memory_space<vmem_shared>>
        tpu.wait_dma2 semaphore(%run_scoped3A : memref<!tpu.dma_semaphore, #tpu.memory_space<semaphore_mem>>) src(%arg8 : memref<136x16xf32, #tpu.memory_space<vmem>>) dst(%dma_wait3A_47 : memref<136x16xf32, #tpu.memory_space<vmem_shared>>)
        tpu.yield
      }) : () -> ()
    }
    %scan3A_10 = arith.constant 23 : i32
    %barrier3A = arith.constant 0 : index
    tpu.barrier barrier_id(%barrier3A)
    %add3A_11 = arith.constant 0 : i32
    %add3A_12 = arith.addi %add3A, %add3A_11 : i32
    %lt3A = arith.constant 1250 : i32
    %lt3A_13 = arith.cmpi slt, %add3A_12, %lt3A : i32
    %convert_element_type3A = arith.extui %lt3A_13 : i1 to i32
    %cond3A = arith.constant 0 : i32
    %cond3A_14 = arith.cmpi ne, %convert_element_type3A, %cond3A : i32
    scf.if %cond3A_14 {
      %mul3A_32 = arith.constant 10 : i32
      %mul3A_33 = arith.muli %add3A_12, %mul3A_32 : i32
      %dma_start3A = arith.constant 0 : i32
      %dma_start3A_34 = arith.constant 0 : i32
      %dma_start3A_35 = arith.constant 0 : i32
      %dma_start3A_36 = arith.constant 0 : i32
      %dma_start3A_37 = arith.constant 0 : i32
      %dma_start3A_38 = tpu.memref_slice %arg6[%dma_start3A, %dma_start3A_35, %dma_start3A_36, %dma_start3A_37] : memref<2x10x2x128xi32, #tpu.memory_space<vmem>> -> memref<1x10x2x128xi32, #tpu.memory_space<vmem>>
      %dma_start3A_39 = tpu.memref_squeeze %dma_start3A_38 : memref<1x10x2x128xi32, #tpu.memory_space<vmem>> -> memref<10x2x128xi32, #tpu.memory_space<vmem>>
      %dma_start3A_40 = arith.constant 0 : i32
      %dma_start3A_41 = arith.constant 0 : i32
      %dma_start3A_42 = tpu.memref_slice %arg3[%mul3A_33, %dma_start3A_40, %dma_start3A_41] : memref<12500x2x128xi32, #tpu.memory_space<hbm>> -> memref<10x2x128xi32, #tpu.memory_space<hbm>>
      %dma_start3A_43 = tpu.memref_slice %arg9[%dma_start3A_34] : memref<2x!tpu.dma_semaphore, #tpu.memory_space<semaphore_mem>> -> memref<1x!tpu.dma_semaphore, #tpu.memory_space<semaphore_mem>>
      %dma_start3A_44 = tpu.memref_squeeze %dma_start3A_43 : memref<1x!tpu.dma_semaphore, #tpu.memory_space<semaphore_mem>> -> memref<!tpu.dma_semaphore, #tpu.memory_space<semaphore_mem>>
      %dma_start3A_45 = arith.constant 0 : i32
      %dma_start3A_46 = arith.constant 0 : i32
      %dma_start3A_47 = arith.constant 0 : i32
      %dma_start3A_48 = tpu.memref_slice %arg6[%dma_start3A, %dma_start3A_45, %dma_start3A_46, %dma_start3A_47] : memref<2x10x2x128xi32, #tpu.memory_space<vmem>> -> memref<1x10x2x128xi32, #tpu.memory_space<vmem>>
      %dma_start3A_49 = tpu.memref_squeeze %dma_start3A_48 : memref<1x10x2x128xi32, #tpu.memory_space<vmem>> -> memref<10x2x128xi32, #tpu.memory_space<vmem>>
      %dma_start3A_50 = arith.constant 0 : i32
      %dma_start3A_51 = arith.constant 0 : i32
      %dma_start3A_52 = tpu.memref_slice %arg3[%mul3A_33, %dma_start3A_50, %dma_start3A_51] : memref<12500x2x128xi32, #tpu.memory_space<hbm>> -> memref<10x2x128xi32, #tpu.memory_space<hbm>>
      tpu.enqueue_dma source(%dma_start3A_52 : memref<10x2x128xi32, #tpu.memory_space<hbm>>) target(%dma_start3A_49 : memref<10x2x128xi32, #tpu.memory_space<vmem>>) target_semaphore(%dma_start3A_44 : memref<!tpu.dma_semaphore, #tpu.memory_space<semaphore_mem>>)
    } else {
    }
    %scan3A_15 = arith.constant 0 : i32
    %scan3A_16 = arith.constant 20 : i32
    %scan3A_17 = arith.addi %scan3A_15, %scan3A_16 : i32
    %scan3A_18 = arith.constant 1 : i32
    scf.for %scan3A_32 = %scan3A_15 to %scan3A_17 step %scan3A_18  : i32 {
      %mul3A_33 = arith.constant 1 : i32
      %mul3A_34 = arith.muli %scan3A_32, %mul3A_33 : i32
      %add3A_35 = arith.constant 0 : i32
      %add3A_36 = arith.addi %add3A_35, %mul3A_34 : i32
      %mul3A_37 = arith.constant 2 : i32
      %mul3A_38 = arith.muli %add3A_36, %mul3A_37 : i32
      %mul3A_39 = arith.constant 32 : i32
      %mul3A_40 = arith.muli %mul3A_38, %mul3A_39 : i32
      %add3A_41 = arith.addi %add3A, %mul3A_40 : i32
      %sub3A = arith.constant 1 : i32
      %sub3A_42 = arith.subi %mul3A_38, %sub3A : i32
      %mul3A_43 = arith.constant 32 : i32
      %mul3A_44 = arith.muli %sub3A_42, %mul3A_43 : i32
      %add3A_45 = arith.addi %add3A, %mul3A_44 : i32
      %lt3A_46 = arith.constant 1250 : i32
      %lt3A_47 = arith.cmpi slt, %add3A_41, %lt3A_46 : i32
      %convert_element_type3A_48 = arith.extui %lt3A_47 : i1 to i32
      %cond3A_49 = arith.constant 0 : i32
      %cond3A_50 = arith.cmpi ne, %convert_element_type3A_48, %cond3A_49 : i32
      scf.if %cond3A_50 {
        %dma_wait3A = arith.constant 0 : i32
        %dma_wait3A_110 = arith.constant 0 : i32
        %dma_wait3A_111 = arith.constant 0 : i32
        %dma_wait3A_112 = arith.constant 0 : i32
        %dma_wait3A_113 = arith.constant 0 : i32
        %dma_wait3A_114 = tpu.memref_slice %arg6[%dma_wait3A, %dma_wait3A_111, %dma_wait3A_112, %dma_wait3A_113] : memref<2x10x2x128xi32, #tpu.memory_space<vmem>> -> memref<1x10x2x128xi32, #tpu.memory_space<vmem>>
        %dma_wait3A_115 = tpu.memref_squeeze %dma_wait3A_114 : memref<1x10x2x128xi32, #tpu.memory_space<vmem>> -> memref<10x2x128xi32, #tpu.memory_space<vmem>>
        %dma_wait3A_116 = arith.constant 0 : i32
        %dma_wait3A_117 = arith.constant 0 : i32
        %dma_wait3A_118 = arith.constant 0 : i32
        %dma_wait3A_119 = tpu.memref_slice %arg3[%dma_wait3A_116, %dma_wait3A_117, %dma_wait3A_118] : memref<12500x2x128xi32, #tpu.memory_space<hbm>> -> memref<10x2x128xi32, #tpu.memory_space<hbm>>
        %dma_wait3A_120 = tpu.memref_slice %arg9[%dma_wait3A_110] : memref<2x!tpu.dma_semaphore, #tpu.memory_space<semaphore_mem>> -> memref<1x!tpu.dma_semaphore, #tpu.memory_space<semaphore_mem>>
        %dma_wait3A_121 = tpu.memref_squeeze %dma_wait3A_120 : memref<1x!tpu.dma_semaphore, #tpu.memory_space<semaphore_mem>> -> memref<!tpu.dma_semaphore, #tpu.memory_space<semaphore_mem>>
        %dma_wait3A_122 = arith.constant 0 : i32
        %dma_wait3A_123 = arith.constant 0 : i32
        %dma_wait3A_124 = arith.constant 0 : i32
        %dma_wait3A_125 = tpu.memref_slice %arg6[%dma_wait3A, %dma_wait3A_122, %dma_wait3A_123, %dma_wait3A_124] : memref<2x10x2x128xi32, #tpu.memory_space<vmem>> -> memref<1x10x2x128xi32, #tpu.memory_space<vmem>>
        %dma_wait3A_126 = tpu.memref_squeeze %dma_wait3A_125 : memref<1x10x2x128xi32, #tpu.memory_space<vmem>> -> memref<10x2x128xi32, #tpu.memory_space<vmem>>
        %dma_wait3A_127 = arith.constant 0 : i32
        %dma_wait3A_128 = arith.constant 0 : i32
        %dma_wait3A_129 = arith.constant 0 : i32
        %dma_wait3A_130 = tpu.memref_slice %arg3[%dma_wait3A_127, %dma_wait3A_128, %dma_wait3A_129] : memref<12500x2x128xi32, #tpu.memory_space<hbm>> -> memref<10x2x128xi32, #tpu.memory_space<hbm>>
        tpu.wait_dma2 semaphore(%dma_wait3A_121 : memref<!tpu.dma_semaphore, #tpu.memory_space<semaphore_mem>>) src(%dma_wait3A_130 : memref<10x2x128xi32, #tpu.memory_space<hbm>>) dst(%dma_wait3A_126 : memref<10x2x128xi32, #tpu.memory_space<vmem>>)
        %dma_start3A = arith.constant 0 : i32
        %dma_start3A_131 = arith.constant 0 : i32
        %dma_start3A_132 = arith.constant 0 : i32
        %dma_start3A_133 = arith.constant 0 : i32
        %dma_start3A_134 = arith.constant 0 : i32
        %dma_start3A_135 = arith.constant 0 : i32
        %dma_start3A_136 = arith.constant 0 : i32
        %dma_start3A_137 = tpu.memref_slice %arg7[%dma_start3A_133, %dma_start3A_135, %dma_start3A_136] : memref<2x1280x16xf32, #tpu.memory_space<vmem>> -> memref<1x128x16xf32, #tpu.memory_space<vmem>>
        %dma_start3A_138 = tpu.memref_squeeze %dma_start3A_137 : memref<1x128x16xf32, #tpu.memory_space<vmem>> -> memref<128x16xf32, #tpu.memory_space<vmem>>
        %dma_start3A_139 = arith.constant 0 : i32
        %dma_start3A_140 = tpu.memref_slice %arg6[%dma_start3A, %dma_start3A_131, %dma_start3A_132, %dma_start3A_139] : memref<2x10x2x128xi32, #tpu.memory_space<vmem>> -> memref<1x1x1x128xi32, #tpu.memory_space<vmem>>
        %dma_start3A_141 = tpu.memref_squeeze %dma_start3A_140 : memref<1x1x1x128xi32, #tpu.memory_space<vmem>> -> memref<128xi32, #tpu.memory_space<vmem>>
        %dma_start3A_142 = arith.constant 0 : i32
        %dma_start3A_143 = arith.constant 0 : i32
        %dma_start3A_144 = tpu.memref_slice %arg2[%dma_start3A_142, %dma_start3A_143] : memref<50048x16xf32, #tpu.memory_space<hbm>> -> memref<50048x16xf32, #tpu.memory_space<hbm>>
        %dma_start3A_145 = tpu.memref_slice %arg10[%dma_start3A_134] : memref<2x!tpu.dma_semaphore, #tpu.memory_space<semaphore_mem>> -> memref<1x!tpu.dma_semaphore, #tpu.memory_space<semaphore_mem>>
        %dma_start3A_146 = tpu.memref_squeeze %dma_start3A_145 : memref<1x!tpu.dma_semaphore, #tpu.memory_space<semaphore_mem>> -> memref<!tpu.dma_semaphore, #tpu.memory_space<semaphore_mem>>
        tpu.enqueue_indirect_dma source(%dma_start3A_144 : memref<50048x16xf32, #tpu.memory_space<hbm>>) target(%dma_start3A_138 : memref<128x16xf32, #tpu.memory_space<vmem>>) offsets(%dma_start3A_141 : memref<128xi32, #tpu.memory_space<vmem>>) semaphore(%dma_start3A_146 : memref<!tpu.dma_semaphore, #tpu.memory_space<semaphore_mem>>)
        %dma_start3A_147 = arith.constant 0 : i32
        %dma_start3A_148 = arith.constant 1 : i32
        %dma_start3A_149 = arith.constant 0 : i32
        %dma_start3A_150 = arith.constant 0 : i32
        %dma_start3A_151 = arith.constant 0 : i32
        %dma_start3A_152 = arith.constant 128 : i32
        %dma_start3A_153 = arith.constant 0 : i32
        %dma_start3A_154 = tpu.memref_slice %arg7[%dma_start3A_150, %dma_start3A_152, %dma_start3A_153] : memref<2x1280x16xf32, #tpu.memory_space<vmem>> -> memref<1x128x16xf32, #tpu.memory_space<vmem>>
        %dma_start3A_155 = tpu.memref_squeeze %dma_start3A_154 : memref<1x128x16xf32, #tpu.memory_space<vmem>> -> memref<128x16xf32, #tpu.memory_space<vmem>>
        %dma_start3A_156 = arith.constant 0 : i32
        %dma_start3A_157 = tpu.memref_slice %arg6[%dma_start3A_147, %dma_start3A_148, %dma_start3A_149, %dma_start3A_156] : memref<2x10x2x128xi32, #tpu.memory_space<vmem>> -> memref<1x1x1x128xi32, #tpu.memory_space<vmem>>
        %dma_start3A_158 = tpu.memref_squeeze %dma_start3A_157 : memref<1x1x1x128xi32, #tpu.memory_space<vmem>> -> memref<128xi32, #tpu.memory_space<vmem>>
        %dma_start3A_159 = arith.constant 0 : i32
        %dma_start3A_160 = arith.constant 0 : i32
        %dma_start3A_161 = tpu.memref_slice %arg2[%dma_start3A_159, %dma_start3A_160] : memref<50048x16xf32, #tpu.memory_space<hbm>> -> memref<50048x16xf32, #tpu.memory_space<hbm>>
        %dma_start3A_162 = tpu.memref_slice %arg10[%dma_start3A_151] : memref<2x!tpu.dma_semaphore, #tpu.memory_space<semaphore_mem>> -> memref<1x!tpu.dma_semaphore, #tpu.memory_space<semaphore_mem>>
        %dma_start3A_163 = tpu.memref_squeeze %dma_start3A_162 : memref<1x!tpu.dma_semaphore, #tpu.memory_space<semaphore_mem>> -> memref<!tpu.dma_semaphore, #tpu.memory_space<semaphore_mem>>
        tpu.enqueue_indirect_dma source(%dma_start3A_161 : memref<50048x16xf32, #tpu.memory_space<hbm>>) target(%dma_start3A_155 : memref<128x16xf32, #tpu.memory_space<vmem>>) offsets(%dma_start3A_158 : memref<128xi32, #tpu.memory_space<vmem>>) semaphore(%dma_start3A_163 : memref<!tpu.dma_semaphore, #tpu.memory_space<semaphore_mem>>)
        %dma_start3A_164 = arith.constant 0 : i32
        %dma_start3A_165 = arith.constant 2 : i32
        %dma_start3A_166 = arith.constant 0 : i32
        %dma_start3A_167 = arith.constant 0 : i32
        %dma_start3A_168 = arith.constant 0 : i32
        %dma_start3A_169 = arith.constant 256 : i32
        %dma_start3A_170 = arith.constant 0 : i32
        %dma_start3A_171 = tpu.memref_slice %arg7[%dma_start3A_167, %dma_start3A_169, %dma_start3A_170] : memref<2x1280x16xf32, #tpu.memory_space<vmem>> -> memref<1x128x16xf32, #tpu.memory_space<vmem>>
        %dma_start3A_172 = tpu.memref_squeeze %dma_start3A_171 : memref<1x128x16xf32, #tpu.memory_space<vmem>> -> memref<128x16xf32, #tpu.memory_space<vmem>>
        %dma_start3A_173 = arith.constant 0 : i32
        %dma_start3A_174 = tpu.memref_slice %arg6[%dma_start3A_164, %dma_start3A_165, %dma_start3A_166, %dma_start3A_173] : memref<2x10x2x128xi32, #tpu.memory_space<vmem>> -> memref<1x1x1x128xi32, #tpu.memory_space<vmem>>
        %dma_start3A_175 = tpu.memref_squeeze %dma_start3A_174 : memref<1x1x1x128xi32, #tpu.memory_space<vmem>> -> memref<128xi32, #tpu.memory_space<vmem>>
        %dma_start3A_176 = arith.constant 0 : i32
        %dma_start3A_177 = arith.constant 0 : i32
        %dma_start3A_178 = tpu.memref_slice %arg2[%dma_start3A_176, %dma_start3A_177] : memref<50048x16xf32, #tpu.memory_space<hbm>> -> memref<50048x16xf32, #tpu.memory_space<hbm>>
        %dma_start3A_179 = tpu.memref_slice %arg10[%dma_start3A_168] : memref<2x!tpu.dma_semaphore, #tpu.memory_space<semaphore_mem>> -> memref<1x!tpu.dma_semaphore, #tpu.memory_space<semaphore_mem>>
        %dma_start3A_180 = tpu.memref_squeeze %dma_start3A_179 : memref<1x!tpu.dma_semaphore, #tpu.memory_space<semaphore_mem>> -> memref<!tpu.dma_semaphore, #tpu.memory_space<semaphore_mem>>
        tpu.enqueue_indirect_dma source(%dma_start3A_178 : memref<50048x16xf32, #tpu.memory_space<hbm>>) target(%dma_start3A_172 : memref<128x16xf32, #tpu.memory_space<vmem>>) offsets(%dma_start3A_175 : memref<128xi32, #tpu.memory_space<vmem>>) semaphore(%dma_start3A_180 : memref<!tpu.dma_semaphore, #tpu.memory_space<semaphore_mem>>)
        %dma_start3A_181 = arith.constant 0 : i32
        %dma_start3A_182 = arith.constant 3 : i32
        %dma_start3A_183 = arith.constant 0 : i32
        %dma_start3A_184 = arith.constant 0 : i32
        %dma_start3A_185 = arith.constant 0 : i32
        %dma_start3A_186 = arith.constant 384 : i32
        %dma_start3A_187 = arith.constant 0 : i32
        %dma_start3A_188 = tpu.memref_slice %arg7[%dma_start3A_184, %dma_start3A_186, %dma_start3A_187] : memref<2x1280x16xf32, #tpu.memory_space<vmem>> -> memref<1x128x16xf32, #tpu.memory_space<vmem>>
        %dma_start3A_189 = tpu.memref_squeeze %dma_start3A_188 : memref<1x128x16xf32, #tpu.memory_space<vmem>> -> memref<128x16xf32, #tpu.memory_space<vmem>>
        %dma_start3A_190 = arith.constant 0 : i32
        %dma_start3A_191 = tpu.memref_slice %arg6[%dma_start3A_181, %dma_start3A_182, %dma_start3A_183, %dma_start3A_190] : memref<2x10x2x128xi32, #tpu.memory_space<vmem>> -> memref<1x1x1x128xi32, #tpu.memory_space<vmem>>
        %dma_start3A_192 = tpu.memref_squeeze %dma_start3A_191 : memref<1x1x1x128xi32, #tpu.memory_space<vmem>> -> memref<128xi32, #tpu.memory_space<vmem>>
        %dma_start3A_193 = arith.constant 0 : i32
        %dma_start3A_194 = arith.constant 0 : i32
        %dma_start3A_195 = tpu.memref_slice %arg2[%dma_start3A_193, %dma_start3A_194] : memref<50048x16xf32, #tpu.memory_space<hbm>> -> memref<50048x16xf32, #tpu.memory_space<hbm>>
        %dma_start3A_196 = tpu.memref_slice %arg10[%dma_start3A_185] : memref<2x!tpu.dma_semaphore, #tpu.memory_space<semaphore_mem>> -> memref<1x!tpu.dma_semaphore, #tpu.memory_space<semaphore_mem>>
        %dma_start3A_197 = tpu.memref_squeeze %dma_start3A_196 : memref<1x!tpu.dma_semaphore, #tpu.memory_space<semaphore_mem>> -> memref<!tpu.dma_semaphore, #tpu.memory_space<semaphore_mem>>
        tpu.enqueue_indirect_dma source(%dma_start3A_195 : memref<50048x16xf32, #tpu.memory_space<hbm>>) target(%dma_start3A_189 : memref<128x16xf32, #tpu.memory_space<vmem>>) offsets(%dma_start3A_192 : memref<128xi32, #tpu.memory_space<vmem>>) semaphore(%dma_start3A_197 : memref<!tpu.dma_semaphore, #tpu.memory_space<semaphore_mem>>)
        %dma_start3A_198 = arith.constant 0 : i32
        %dma_start3A_199 = arith.constant 4 : i32
        %dma_start3A_200 = arith.constant 0 : i32
        %dma_start3A_201 = arith.constant 0 : i32
        %dma_start3A_202 = arith.constant 0 : i32
        %dma_start3A_203 = arith.constant 512 : i32
        %dma_start3A_204 = arith.constant 0 : i32
        %dma_start3A_205 = tpu.memref_slice %arg7[%dma_start3A_201, %dma_start3A_203, %dma_start3A_204] : memref<2x1280x16xf32, #tpu.memory_space<vmem>> -> memref<1x128x16xf32, #tpu.memory_space<vmem>>
        %dma_start3A_206 = tpu.memref_squeeze %dma_start3A_205 : memref<1x128x16xf32, #tpu.memory_space<vmem>> -> memref<128x16xf32, #tpu.memory_space<vmem>>
        %dma_start3A_207 = arith.constant 0 : i32
        %dma_start3A_208 = tpu.memref_slice %arg6[%dma_start3A_198, %dma_start3A_199, %dma_start3A_200, %dma_start3A_207] : memref<2x10x2x128xi32, #tpu.memory_space<vmem>> -> memref<1x1x1x128xi32, #tpu.memory_space<vmem>>
        %dma_start3A_209 = tpu.memref_squeeze %dma_start3A_208 : memref<1x1x1x128xi32, #tpu.memory_space<vmem>> -> memref<128xi32, #tpu.memory_space<vmem>>
        %dma_start3A_210 = arith.constant 0 : i32
        %dma_start3A_211 = arith.constant 0 : i32
        %dma_start3A_212 = tpu.memref_slice %arg2[%dma_start3A_210, %dma_start3A_211] : memref<50048x16xf32, #tpu.memory_space<hbm>> -> memref<50048x16xf32, #tpu.memory_space<hbm>>
        %dma_start3A_213 = tpu.memref_slice %arg10[%dma_start3A_202] : memref<2x!tpu.dma_semaphore, #tpu.memory_space<semaphore_mem>> -> memref<1x!tpu.dma_semaphore, #tpu.memory_space<semaphore_mem>>
        %dma_start3A_214 = tpu.memref_squeeze %dma_start3A_213 : memref<1x!tpu.dma_semaphore, #tpu.memory_space<semaphore_mem>> -> memref<!tpu.dma_semaphore, #tpu.memory_space<semaphore_mem>>
        tpu.enqueue_indirect_dma source(%dma_start3A_212 : memref<50048x16xf32, #tpu.memory_space<hbm>>) target(%dma_start3A_206 : memref<128x16xf32, #tpu.memory_space<vmem>>) offsets(%dma_start3A_209 : memref<128xi32, #tpu.memory_space<vmem>>) semaphore(%dma_start3A_214 : memref<!tpu.dma_semaphore, #tpu.memory_space<semaphore_mem>>)
        %dma_start3A_215 = arith.constant 0 : i32
        %dma_start3A_216 = arith.constant 5 : i32
        %dma_start3A_217 = arith.constant 0 : i32
        %dma_start3A_218 = arith.constant 0 : i32
        %dma_start3A_219 = arith.constant 0 : i32
        %dma_start3A_220 = arith.constant 640 : i32
        %dma_start3A_221 = arith.constant 0 : i32
        %dma_start3A_222 = tpu.memref_slice %arg7[%dma_start3A_218, %dma_start3A_220, %dma_start3A_221] : memref<2x1280x16xf32, #tpu.memory_space<vmem>> -> memref<1x128x16xf32, #tpu.memory_space<vmem>>
        %dma_start3A_223 = tpu.memref_squeeze %dma_start3A_222 : memref<1x128x16xf32, #tpu.memory_space<vmem>> -> memref<128x16xf32, #tpu.memory_space<vmem>>
        %dma_start3A_224 = arith.constant 0 : i32
        %dma_start3A_225 = tpu.memref_slice %arg6[%dma_start3A_215, %dma_start3A_216, %dma_start3A_217, %dma_start3A_224] : memref<2x10x2x128xi32, #tpu.memory_space<vmem>> -> memref<1x1x1x128xi32, #tpu.memory_space<vmem>>
        %dma_start3A_226 = tpu.memref_squeeze %dma_start3A_225 : memref<1x1x1x128xi32, #tpu.memory_space<vmem>> -> memref<128xi32, #tpu.memory_space<vmem>>
        %dma_start3A_227 = arith.constant 0 : i32
        %dma_start3A_228 = arith.constant 0 : i32
        %dma_start3A_229 = tpu.memref_slice %arg2[%dma_start3A_227, %dma_start3A_228] : memref<50048x16xf32, #tpu.memory_space<hbm>> -> memref<50048x16xf32, #tpu.memory_space<hbm>>
        %dma_start3A_230 = tpu.memref_slice %arg10[%dma_start3A_219] : memref<2x!tpu.dma_semaphore, #tpu.memory_space<semaphore_mem>> -> memref<1x!tpu.dma_semaphore, #tpu.memory_space<semaphore_mem>>
        %dma_start3A_231 = tpu.memref_squeeze %dma_start3A_230 : memref<1x!tpu.dma_semaphore, #tpu.memory_space<semaphore_mem>> -> memref<!tpu.dma_semaphore, #tpu.memory_space<semaphore_mem>>
        tpu.enqueue_indirect_dma source(%dma_start3A_229 : memref<50048x16xf32, #tpu.memory_space<hbm>>) target(%dma_start3A_223 : memref<128x16xf32, #tpu.memory_space<vmem>>) offsets(%dma_start3A_226 : memref<128xi32, #tpu.memory_space<vmem>>) semaphore(%dma_start3A_231 : memref<!tpu.dma_semaphore, #tpu.memory_space<semaphore_mem>>)
        %dma_start3A_232 = arith.constant 0 : i32
        %dma_start3A_233 = arith.constant 6 : i32
        %dma_start3A_234 = arith.constant 0 : i32
        %dma_start3A_235 = arith.constant 0 : i32
        %dma_start3A_236 = arith.constant 0 : i32
        %dma_start3A_237 = arith.constant 768 : i32
        %dma_start3A_238 = arith.constant 0 : i32
        %dma_start3A_239 = tpu.memref_slice %arg7[%dma_start3A_235, %dma_start3A_237, %dma_start3A_238] : memref<2x1280x16xf32, #tpu.memory_space<vmem>> -> memref<1x128x16xf32, #tpu.memory_space<vmem>>
        %dma_start3A_240 = tpu.memref_squeeze %dma_start3A_239 : memref<1x128x16xf32, #tpu.memory_space<vmem>> -> memref<128x16xf32, #tpu.memory_space<vmem>>
        %dma_start3A_241 = arith.constant 0 : i32
        %dma_start3A_242 = tpu.memref_slice %arg6[%dma_start3A_232, %dma_start3A_233, %dma_start3A_234, %dma_start3A_241] : memref<2x10x2x128xi32, #tpu.memory_space<vmem>> -> memref<1x1x1x128xi32, #tpu.memory_space<vmem>>
        %dma_start3A_243 = tpu.memref_squeeze %dma_start3A_242 : memref<1x1x1x128xi32, #tpu.memory_space<vmem>> -> memref<128xi32, #tpu.memory_space<vmem>>
        %dma_start3A_244 = arith.constant 0 : i32
        %dma_start3A_245 = arith.constant 0 : i32
        %dma_start3A_246 = tpu.memref_slice %arg2[%dma_start3A_244, %dma_start3A_245] : memref<50048x16xf32, #tpu.memory_space<hbm>> -> memref<50048x16xf32, #tpu.memory_space<hbm>>
        %dma_start3A_247 = tpu.memref_slice %arg10[%dma_start3A_236] : memref<2x!tpu.dma_semaphore, #tpu.memory_space<semaphore_mem>> -> memref<1x!tpu.dma_semaphore, #tpu.memory_space<semaphore_mem>>
        %dma_start3A_248 = tpu.memref_squeeze %dma_start3A_247 : memref<1x!tpu.dma_semaphore, #tpu.memory_space<semaphore_mem>> -> memref<!tpu.dma_semaphore, #tpu.memory_space<semaphore_mem>>
        tpu.enqueue_indirect_dma source(%dma_start3A_246 : memref<50048x16xf32, #tpu.memory_space<hbm>>) target(%dma_start3A_240 : memref<128x16xf32, #tpu.memory_space<vmem>>) offsets(%dma_start3A_243 : memref<128xi32, #tpu.memory_space<vmem>>) semaphore(%dma_start3A_248 : memref<!tpu.dma_semaphore, #tpu.memory_space<semaphore_mem>>)
        %dma_start3A_249 = arith.constant 0 : i32
        %dma_start3A_250 = arith.constant 7 : i32
        %dma_start3A_251 = arith.constant 0 : i32
        %dma_start3A_252 = arith.constant 0 : i32
        %dma_start3A_253 = arith.constant 0 : i32
        %dma_start3A_254 = arith.constant 896 : i32
        %dma_start3A_255 = arith.constant 0 : i32
        %dma_start3A_256 = tpu.memref_slice %arg7[%dma_start3A_252, %dma_start3A_254, %dma_start3A_255] : memref<2x1280x16xf32, #tpu.memory_space<vmem>> -> memref<1x128x16xf32, #tpu.memory_space<vmem>>
        %dma_start3A_257 = tpu.memref_squeeze %dma_start3A_256 : memref<1x128x16xf32, #tpu.memory_space<vmem>> -> memref<128x16xf32, #tpu.memory_space<vmem>>
        %dma_start3A_258 = arith.constant 0 : i32
        %dma_start3A_259 = tpu.memref_slice %arg6[%dma_start3A_249, %dma_start3A_250, %dma_start3A_251, %dma_start3A_258] : memref<2x10x2x128xi32, #tpu.memory_space<vmem>> -> memref<1x1x1x128xi32, #tpu.memory_space<vmem>>
        %dma_start3A_260 = tpu.memref_squeeze %dma_start3A_259 : memref<1x1x1x128xi32, #tpu.memory_space<vmem>> -> memref<128xi32, #tpu.memory_space<vmem>>
        %dma_start3A_261 = arith.constant 0 : i32
        %dma_start3A_262 = arith.constant 0 : i32
        %dma_start3A_263 = tpu.memref_slice %arg2[%dma_start3A_261, %dma_start3A_262] : memref<50048x16xf32, #tpu.memory_space<hbm>> -> memref<50048x16xf32, #tpu.memory_space<hbm>>
        %dma_start3A_264 = tpu.memref_slice %arg10[%dma_start3A_253] : memref<2x!tpu.dma_semaphore, #tpu.memory_space<semaphore_mem>> -> memref<1x!tpu.dma_semaphore, #tpu.memory_space<semaphore_mem>>
        %dma_start3A_265 = tpu.memref_squeeze %dma_start3A_264 : memref<1x!tpu.dma_semaphore, #tpu.memory_space<semaphore_mem>> -> memref<!tpu.dma_semaphore, #tpu.memory_space<semaphore_mem>>
        tpu.enqueue_indirect_dma source(%dma_start3A_263 : memref<50048x16xf32, #tpu.memory_space<hbm>>) target(%dma_start3A_257 : memref<128x16xf32, #tpu.memory_space<vmem>>) offsets(%dma_start3A_260 : memref<128xi32, #tpu.memory_space<vmem>>) semaphore(%dma_start3A_265 : memref<!tpu.dma_semaphore, #tpu.memory_space<semaphore_mem>>)
        %dma_start3A_266 = arith.constant 0 : i32
        %dma_start3A_267 = arith.constant 8 : i32
        %dma_start3A_268 = arith.constant 0 : i32
        %dma_start3A_269 = arith.constant 0 : i32
        %dma_start3A_270 = arith.constant 0 : i32
        %dma_start3A_271 = arith.constant 1024 : i32
        %dma_start3A_272 = arith.constant 0 : i32
        %dma_start3A_273 = tpu.memref_slice %arg7[%dma_start3A_269, %dma_start3A_271, %dma_start3A_272] : memref<2x1280x16xf32, #tpu.memory_space<vmem>> -> memref<1x128x16xf32, #tpu.memory_space<vmem>>
        %dma_start3A_274 = tpu.memref_squeeze %dma_start3A_273 : memref<1x128x16xf32, #tpu.memory_space<vmem>> -> memref<128x16xf32, #tpu.memory_space<vmem>>
        %dma_start3A_275 = arith.constant 0 : i32
        %dma_start3A_276 = tpu.memref_slice %arg6[%dma_start3A_266, %dma_start3A_267, %dma_start3A_268, %dma_start3A_275] : memref<2x10x2x128xi32, #tpu.memory_space<vmem>> -> memref<1x1x1x128xi32, #tpu.memory_space<vmem>>
        %dma_start3A_277 = tpu.memref_squeeze %dma_start3A_276 : memref<1x1x1x128xi32, #tpu.memory_space<vmem>> -> memref<128xi32, #tpu.memory_space<vmem>>
        %dma_start3A_278 = arith.constant 0 : i32
        %dma_start3A_279 = arith.constant 0 : i32
        %dma_start3A_280 = tpu.memref_slice %arg2[%dma_start3A_278, %dma_start3A_279] : memref<50048x16xf32, #tpu.memory_space<hbm>> -> memref<50048x16xf32, #tpu.memory_space<hbm>>
        %dma_start3A_281 = tpu.memref_slice %arg10[%dma_start3A_270] : memref<2x!tpu.dma_semaphore, #tpu.memory_space<semaphore_mem>> -> memref<1x!tpu.dma_semaphore, #tpu.memory_space<semaphore_mem>>
        %dma_start3A_282 = tpu.memref_squeeze %dma_start3A_281 : memref<1x!tpu.dma_semaphore, #tpu.memory_space<semaphore_mem>> -> memref<!tpu.dma_semaphore, #tpu.memory_space<semaphore_mem>>
        tpu.enqueue_indirect_dma source(%dma_start3A_280 : memref<50048x16xf32, #tpu.memory_space<hbm>>) target(%dma_start3A_274 : memref<128x16xf32, #tpu.memory_space<vmem>>) offsets(%dma_start3A_277 : memref<128xi32, #tpu.memory_space<vmem>>) semaphore(%dma_start3A_282 : memref<!tpu.dma_semaphore, #tpu.memory_space<semaphore_mem>>)
        %dma_start3A_283 = arith.constant 0 : i32
        %dma_start3A_284 = arith.constant 9 : i32
        %dma_start3A_285 = arith.constant 0 : i32
        %dma_start3A_286 = arith.constant 0 : i32
        %dma_start3A_287 = arith.constant 0 : i32
        %dma_start3A_288 = arith.constant 1152 : i32
        %dma_start3A_289 = arith.constant 0 : i32
        %dma_start3A_290 = tpu.memref_slice %arg7[%dma_start3A_286, %dma_start3A_288, %dma_start3A_289] : memref<2x1280x16xf32, #tpu.memory_space<vmem>> -> memref<1x128x16xf32, #tpu.memory_space<vmem>>
        %dma_start3A_291 = tpu.memref_squeeze %dma_start3A_290 : memref<1x128x16xf32, #tpu.memory_space<vmem>> -> memref<128x16xf32, #tpu.memory_space<vmem>>
        %dma_start3A_292 = arith.constant 0 : i32
        %dma_start3A_293 = tpu.memref_slice %arg6[%dma_start3A_283, %dma_start3A_284, %dma_start3A_285, %dma_start3A_292] : memref<2x10x2x128xi32, #tpu.memory_space<vmem>> -> memref<1x1x1x128xi32, #tpu.memory_space<vmem>>
        %dma_start3A_294 = tpu.memref_squeeze %dma_start3A_293 : memref<1x1x1x128xi32, #tpu.memory_space<vmem>> -> memref<128xi32, #tpu.memory_space<vmem>>
        %dma_start3A_295 = arith.constant 0 : i32
        %dma_start3A_296 = arith.constant 0 : i32
        %dma_start3A_297 = tpu.memref_slice %arg2[%dma_start3A_295, %dma_start3A_296] : memref<50048x16xf32, #tpu.memory_space<hbm>> -> memref<50048x16xf32, #tpu.memory_space<hbm>>
        %dma_start3A_298 = tpu.memref_slice %arg10[%dma_start3A_287] : memref<2x!tpu.dma_semaphore, #tpu.memory_space<semaphore_mem>> -> memref<1x!tpu.dma_semaphore, #tpu.memory_space<semaphore_mem>>
        %dma_start3A_299 = tpu.memref_squeeze %dma_start3A_298 : memref<1x!tpu.dma_semaphore, #tpu.memory_space<semaphore_mem>> -> memref<!tpu.dma_semaphore, #tpu.memory_space<semaphore_mem>>
        tpu.enqueue_indirect_dma source(%dma_start3A_297 : memref<50048x16xf32, #tpu.memory_space<hbm>>) target(%dma_start3A_291 : memref<128x16xf32, #tpu.memory_space<vmem>>) offsets(%dma_start3A_294 : memref<128xi32, #tpu.memory_space<vmem>>) semaphore(%dma_start3A_299 : memref<!tpu.dma_semaphore, #tpu.memory_space<semaphore_mem>>)
      } else {
      }
      %ge3A = arith.constant 1 : i32
      %ge3A_51 = arith.cmpi sge, %mul3A_38, %ge3A : i32
      %lt3A_52 = arith.constant 1250 : i32
      %lt3A_53 = arith.cmpi slt, %add3A_45, %lt3A_52 : i32
      %and3A = arith.andi %ge3A_51, %lt3A_53 : i1
      %convert_element_type3A_54 = arith.extui %and3A : i1 to i32
      %cond3A_55 = arith.constant 0 : i32
      %cond3A_56 = arith.cmpi ne, %convert_element_type3A_54, %cond3A_55 : i32
      scf.if %cond3A_56 {
        %dma_wait3A = arith.constant 1 : i32
        %dma_wait3A_110 = arith.constant 1 : i32
        %dma_wait3A_111 = arith.constant 0 : i32
        %dma_wait3A_112 = arith.constant 0 : i32
        %dma_wait3A_113 = tpu.memref_slice %arg7[%dma_wait3A, %dma_wait3A_111, %dma_wait3A_112] : memref<2x1280x16xf32, #tpu.memory_space<vmem>> -> memref<1x1280x16xf32, #tpu.memory_space<vmem>>
        %dma_wait3A_114 = tpu.memref_squeeze %dma_wait3A_113 : memref<1x1280x16xf32, #tpu.memory_space<vmem>> -> memref<1280x16xf32, #tpu.memory_space<vmem>>
        %dma_wait3A_115 = arith.constant 0 : i32
        %dma_wait3A_116 = arith.constant 0 : i32
        %dma_wait3A_117 = tpu.memref_slice %arg2[%dma_wait3A_115, %dma_wait3A_116] : memref<50048x16xf32, #tpu.memory_space<hbm>> -> memref<1280x16xf32, #tpu.memory_space<hbm>>
        %dma_wait3A_118 = tpu.memref_slice %arg11[%dma_wait3A_110] : memref<2x!tpu.dma_semaphore, #tpu.memory_space<semaphore_mem>> -> memref<1x!tpu.dma_semaphore, #tpu.memory_space<semaphore_mem>>
        %dma_wait3A_119 = tpu.memref_squeeze %dma_wait3A_118 : memref<1x!tpu.dma_semaphore, #tpu.memory_space<semaphore_mem>> -> memref<!tpu.dma_semaphore, #tpu.memory_space<semaphore_mem>>
        %dma_wait3A_120 = arith.constant 0 : i32
        %dma_wait3A_121 = arith.constant 0 : i32
        %dma_wait3A_122 = tpu.memref_slice %arg7[%dma_wait3A, %dma_wait3A_120, %dma_wait3A_121] : memref<2x1280x16xf32, #tpu.memory_space<vmem>> -> memref<1x1280x16xf32, #tpu.memory_space<vmem>>
        %dma_wait3A_123 = tpu.memref_squeeze %dma_wait3A_122 : memref<1x1280x16xf32, #tpu.memory_space<vmem>> -> memref<1280x16xf32, #tpu.memory_space<vmem>>
        %dma_wait3A_124 = arith.constant 0 : i32
        %dma_wait3A_125 = arith.constant 0 : i32
        %dma_wait3A_126 = tpu.memref_slice %arg2[%dma_wait3A_124, %dma_wait3A_125] : memref<50048x16xf32, #tpu.memory_space<hbm>> -> memref<1280x16xf32, #tpu.memory_space<hbm>>
        tpu.wait_dma2 semaphore(%dma_wait3A_119 : memref<!tpu.dma_semaphore, #tpu.memory_space<semaphore_mem>>) src(%dma_wait3A_126 : memref<1280x16xf32, #tpu.memory_space<hbm>>) dst(%dma_wait3A_123 : memref<1280x16xf32, #tpu.memory_space<vmem>>)
      } else {
      }
      %add3A_57 = arith.constant 1 : i32
      %add3A_58 = arith.addi %mul3A_38, %add3A_57 : i32
      %mul3A_59 = arith.constant 32 : i32
      %mul3A_60 = arith.muli %add3A_58, %mul3A_59 : i32
      %add3A_61 = arith.addi %add3A, %mul3A_60 : i32
      %lt3A_62 = arith.constant 1250 : i32
      %lt3A_63 = arith.cmpi slt, %add3A_61, %lt3A_62 : i32
      %convert_element_type3A_64 = arith.extui %lt3A_63 : i1 to i32
      %cond3A_65 = arith.constant 0 : i32
      %cond3A_66 = arith.cmpi ne, %convert_element_type3A_64, %cond3A_65 : i32
      scf.if %cond3A_66 {
        %mul3A_110 = arith.constant 10 : i32
        %mul3A_111 = arith.muli %add3A_61, %mul3A_110 : i32
        %dma_start3A = arith.constant 1 : i32
        %dma_start3A_112 = arith.constant 1 : i32
        %dma_start3A_113 = arith.constant 0 : i32
        %dma_start3A_114 = arith.constant 0 : i32
        %dma_start3A_115 = arith.constant 0 : i32
        %dma_start3A_116 = tpu.memref_slice %arg6[%dma_start3A, %dma_start3A_113, %dma_start3A_114, %dma_start3A_115] : memref<2x10x2x128xi32, #tpu.memory_space<vmem>> -> memref<1x10x2x128xi32, #tpu.memory_space<vmem>>
        %dma_start3A_117 = tpu.memref_squeeze %dma_start3A_116 : memref<1x10x2x128xi32, #tpu.memory_space<vmem>> -> memref<10x2x128xi32, #tpu.memory_space<vmem>>
        %dma_start3A_118 = arith.constant 0 : i32
        %dma_start3A_119 = arith.constant 0 : i32
        %dma_start3A_120 = tpu.memref_slice %arg3[%mul3A_111, %dma_start3A_118, %dma_start3A_119] : memref<12500x2x128xi32, #tpu.memory_space<hbm>> -> memref<10x2x128xi32, #tpu.memory_space<hbm>>
        %dma_start3A_121 = tpu.memref_slice %arg9[%dma_start3A_112] : memref<2x!tpu.dma_semaphore, #tpu.memory_space<semaphore_mem>> -> memref<1x!tpu.dma_semaphore, #tpu.memory_space<semaphore_mem>>
        %dma_start3A_122 = tpu.memref_squeeze %dma_start3A_121 : memref<1x!tpu.dma_semaphore, #tpu.memory_space<semaphore_mem>> -> memref<!tpu.dma_semaphore, #tpu.memory_space<semaphore_mem>>
        %dma_start3A_123 = arith.constant 0 : i32
        %dma_start3A_124 = arith.constant 0 : i32
        %dma_start3A_125 = arith.constant 0 : i32
        %dma_start3A_126 = tpu.memref_slice %arg6[%dma_start3A, %dma_start3A_123, %dma_start3A_124, %dma_start3A_125] : memref<2x10x2x128xi32, #tpu.memory_space<vmem>> -> memref<1x10x2x128xi32, #tpu.memory_space<vmem>>
        %dma_start3A_127 = tpu.memref_squeeze %dma_start3A_126 : memref<1x10x2x128xi32, #tpu.memory_space<vmem>> -> memref<10x2x128xi32, #tpu.memory_space<vmem>>
        %dma_start3A_128 = arith.constant 0 : i32
        %dma_start3A_129 = arith.constant 0 : i32
        %dma_start3A_130 = tpu.memref_slice %arg3[%mul3A_111, %dma_start3A_128, %dma_start3A_129] : memref<12500x2x128xi32, #tpu.memory_space<hbm>> -> memref<10x2x128xi32, #tpu.memory_space<hbm>>
        tpu.enqueue_dma source(%dma_start3A_130 : memref<10x2x128xi32, #tpu.memory_space<hbm>>) target(%dma_start3A_127 : memref<10x2x128xi32, #tpu.memory_space<vmem>>) target_semaphore(%dma_start3A_122 : memref<!tpu.dma_semaphore, #tpu.memory_space<semaphore_mem>>)
      } else {
      }
      %lt3A_67 = arith.constant 1250 : i32
      %lt3A_68 = arith.cmpi slt, %add3A_41, %lt3A_67 : i32
      %convert_element_type3A_69 = arith.extui %lt3A_68 : i1 to i32
      %cond3A_70 = arith.constant 0 : i32
      %cond3A_71 = arith.cmpi ne, %convert_element_type3A_69, %cond3A_70 : i32
      scf.if %cond3A_71 {
        %dma_wait3A = arith.constant 0 : i32
        %dma_wait3A_110 = arith.constant 0 : i32
        %dma_wait3A_111 = arith.constant 0 : i32
        %dma_wait3A_112 = arith.constant 0 : i32
        %dma_wait3A_113 = tpu.memref_slice %arg7[%dma_wait3A, %dma_wait3A_111, %dma_wait3A_112] : memref<2x1280x16xf32, #tpu.memory_space<vmem>> -> memref<1x1280x16xf32, #tpu.memory_space<vmem>>
        %dma_wait3A_114 = tpu.memref_squeeze %dma_wait3A_113 : memref<1x1280x16xf32, #tpu.memory_space<vmem>> -> memref<1280x16xf32, #tpu.memory_space<vmem>>
        %dma_wait3A_115 = arith.constant 0 : i32
        %dma_wait3A_116 = arith.constant 0 : i32
        %dma_wait3A_117 = tpu.memref_slice %arg2[%dma_wait3A_115, %dma_wait3A_116] : memref<50048x16xf32, #tpu.memory_space<hbm>> -> memref<1280x16xf32, #tpu.memory_space<hbm>>
        %dma_wait3A_118 = tpu.memref_slice %arg10[%dma_wait3A_110] : memref<2x!tpu.dma_semaphore, #tpu.memory_space<semaphore_mem>> -> memref<1x!tpu.dma_semaphore, #tpu.memory_space<semaphore_mem>>
        %dma_wait3A_119 = tpu.memref_squeeze %dma_wait3A_118 : memref<1x!tpu.dma_semaphore, #tpu.memory_space<semaphore_mem>> -> memref<!tpu.dma_semaphore, #tpu.memory_space<semaphore_mem>>
        %dma_wait3A_120 = arith.constant 0 : i32
        %dma_wait3A_121 = arith.constant 0 : i32
        %dma_wait3A_122 = tpu.memref_slice %arg7[%dma_wait3A, %dma_wait3A_120, %dma_wait3A_121] : memref<2x1280x16xf32, #tpu.memory_space<vmem>> -> memref<1x1280x16xf32, #tpu.memory_space<vmem>>
        %dma_wait3A_123 = tpu.memref_squeeze %dma_wait3A_122 : memref<1x1280x16xf32, #tpu.memory_space<vmem>> -> memref<1280x16xf32, #tpu.memory_space<vmem>>
        %dma_wait3A_124 = arith.constant 0 : i32
        %dma_wait3A_125 = arith.constant 0 : i32
        %dma_wait3A_126 = tpu.memref_slice %arg2[%dma_wait3A_124, %dma_wait3A_125] : memref<50048x16xf32, #tpu.memory_space<hbm>> -> memref<1280x16xf32, #tpu.memory_space<hbm>>
        tpu.wait_dma2 semaphore(%dma_wait3A_119 : memref<!tpu.dma_semaphore, #tpu.memory_space<semaphore_mem>>) src(%dma_wait3A_126 : memref<1280x16xf32, #tpu.memory_space<hbm>>) dst(%dma_wait3A_123 : memref<1280x16xf32, #tpu.memory_space<vmem>>)
        %dma_start3A = arith.constant 0 : i32
        %dma_start3A_127 = arith.constant 0 : i32
        %dma_start3A_128 = arith.constant 0 : i32
        %dma_start3A_129 = arith.constant 1 : i32
        %dma_start3A_130 = arith.constant 0 : i32
        %dma_start3A_131 = arith.constant 0 : i32
        %dma_start3A_132 = arith.constant 0 : i32
        %dma_start3A_133 = tpu.memref_slice %arg7[%dma_start3A, %dma_start3A_131, %dma_start3A_132] : memref<2x1280x16xf32, #tpu.memory_space<vmem>> -> memref<1x128x16xf32, #tpu.memory_space<vmem>>
        %dma_start3A_134 = tpu.memref_squeeze %dma_start3A_133 : memref<1x128x16xf32, #tpu.memory_space<vmem>> -> memref<128x16xf32, #tpu.memory_space<vmem>>
        %dma_start3A_135 = arith.constant 0 : i32
        %dma_start3A_136 = tpu.memref_slice %arg6[%dma_start3A_127, %dma_start3A_128, %dma_start3A_129, %dma_start3A_135] : memref<2x10x2x128xi32, #tpu.memory_space<vmem>> -> memref<1x1x1x128xi32, #tpu.memory_space<vmem>>
        %dma_start3A_137 = tpu.memref_squeeze %dma_start3A_136 : memref<1x1x1x128xi32, #tpu.memory_space<vmem>> -> memref<128xi32, #tpu.memory_space<vmem>>
        %dma_start3A_138 = arith.constant 0 : i32
        %dma_start3A_139 = arith.constant 0 : i32
        %dma_start3A_140 = tpu.memref_slice %arg5[%dma_start3A_138, %dma_start3A_139] : memref<50048x16xf32, #tpu.memory_space<vmem_shared>> -> memref<50048x16xf32, #tpu.memory_space<vmem_shared>>
        %dma_start3A_141 = tpu.memref_slice %arg11[%dma_start3A_130] : memref<2x!tpu.dma_semaphore, #tpu.memory_space<semaphore_mem>> -> memref<1x!tpu.dma_semaphore, #tpu.memory_space<semaphore_mem>>
        %dma_start3A_142 = tpu.memref_squeeze %dma_start3A_141 : memref<1x!tpu.dma_semaphore, #tpu.memory_space<semaphore_mem>> -> memref<!tpu.dma_semaphore, #tpu.memory_space<semaphore_mem>>
        tpu.enqueue_indirect_dma source(%dma_start3A_134 : memref<128x16xf32, #tpu.memory_space<vmem>>) target(%dma_start3A_140 : memref<50048x16xf32, #tpu.memory_space<vmem_shared>>) offsets(%dma_start3A_137 : memref<128xi32, #tpu.memory_space<vmem>>) semaphore(%dma_start3A_142 : memref<!tpu.dma_semaphore, #tpu.memory_space<semaphore_mem>>) {add = true}
        %dma_start3A_143 = arith.constant 0 : i32
        %dma_start3A_144 = arith.constant 0 : i32
        %dma_start3A_145 = arith.constant 1 : i32
        %dma_start3A_146 = arith.constant 1 : i32
        %dma_start3A_147 = arith.constant 0 : i32
        %dma_start3A_148 = arith.constant 128 : i32
        %dma_start3A_149 = arith.constant 0 : i32
        %dma_start3A_150 = tpu.memref_slice %arg7[%dma_start3A_143, %dma_start3A_148, %dma_start3A_149] : memref<2x1280x16xf32, #tpu.memory_space<vmem>> -> memref<1x128x16xf32, #tpu.memory_space<vmem>>
        %dma_start3A_151 = tpu.memref_squeeze %dma_start3A_150 : memref<1x128x16xf32, #tpu.memory_space<vmem>> -> memref<128x16xf32, #tpu.memory_space<vmem>>
        %dma_start3A_152 = arith.constant 0 : i32
        %dma_start3A_153 = tpu.memref_slice %arg6[%dma_start3A_144, %dma_start3A_145, %dma_start3A_146, %dma_start3A_152] : memref<2x10x2x128xi32, #tpu.memory_space<vmem>> -> memref<1x1x1x128xi32, #tpu.memory_space<vmem>>
        %dma_start3A_154 = tpu.memref_squeeze %dma_start3A_153 : memref<1x1x1x128xi32, #tpu.memory_space<vmem>> -> memref<128xi32, #tpu.memory_space<vmem>>
        %dma_start3A_155 = arith.constant 0 : i32
        %dma_start3A_156 = arith.constant 0 : i32
        %dma_start3A_157 = tpu.memref_slice %arg5[%dma_start3A_155, %dma_start3A_156] : memref<50048x16xf32, #tpu.memory_space<vmem_shared>> -> memref<50048x16xf32, #tpu.memory_space<vmem_shared>>
        %dma_start3A_158 = tpu.memref_slice %arg11[%dma_start3A_147] : memref<2x!tpu.dma_semaphore, #tpu.memory_space<semaphore_mem>> -> memref<1x!tpu.dma_semaphore, #tpu.memory_space<semaphore_mem>>
        %dma_start3A_159 = tpu.memref_squeeze %dma_start3A_158 : memref<1x!tpu.dma_semaphore, #tpu.memory_space<semaphore_mem>> -> memref<!tpu.dma_semaphore, #tpu.memory_space<semaphore_mem>>
        tpu.enqueue_indirect_dma source(%dma_start3A_151 : memref<128x16xf32, #tpu.memory_space<vmem>>) target(%dma_start3A_157 : memref<50048x16xf32, #tpu.memory_space<vmem_shared>>) offsets(%dma_start3A_154 : memref<128xi32, #tpu.memory_space<vmem>>) semaphore(%dma_start3A_159 : memref<!tpu.dma_semaphore, #tpu.memory_space<semaphore_mem>>) {add = true}
        %dma_start3A_160 = arith.constant 0 : i32
        %dma_start3A_161 = arith.constant 0 : i32
        %dma_start3A_162 = arith.constant 2 : i32
        %dma_start3A_163 = arith.constant 1 : i32
        %dma_start3A_164 = arith.constant 0 : i32
        %dma_start3A_165 = arith.constant 256 : i32
        %dma_start3A_166 = arith.constant 0 : i32
        %dma_start3A_167 = tpu.memref_slice %arg7[%dma_start3A_160, %dma_start3A_165, %dma_start3A_166] : memref<2x1280x16xf32, #tpu.memory_space<vmem>> -> memref<1x128x16xf32, #tpu.memory_space<vmem>>
        %dma_start3A_168 = tpu.memref_squeeze %dma_start3A_167 : memref<1x128x16xf32, #tpu.memory_space<vmem>> -> memref<128x16xf32, #tpu.memory_space<vmem>>
        %dma_start3A_169 = arith.constant 0 : i32
        %dma_start3A_170 = tpu.memref_slice %arg6[%dma_start3A_161, %dma_start3A_162, %dma_start3A_163, %dma_start3A_169] : memref<2x10x2x128xi32, #tpu.memory_space<vmem>> -> memref<1x1x1x128xi32, #tpu.memory_space<vmem>>
        %dma_start3A_171 = tpu.memref_squeeze %dma_start3A_170 : memref<1x1x1x128xi32, #tpu.memory_space<vmem>> -> memref<128xi32, #tpu.memory_space<vmem>>
        %dma_start3A_172 = arith.constant 0 : i32
        %dma_start3A_173 = arith.constant 0 : i32
        %dma_start3A_174 = tpu.memref_slice %arg5[%dma_start3A_172, %dma_start3A_173] : memref<50048x16xf32, #tpu.memory_space<vmem_shared>> -> memref<50048x16xf32, #tpu.memory_space<vmem_shared>>
        %dma_start3A_175 = tpu.memref_slice %arg11[%dma_start3A_164] : memref<2x!tpu.dma_semaphore, #tpu.memory_space<semaphore_mem>> -> memref<1x!tpu.dma_semaphore, #tpu.memory_space<semaphore_mem>>
        %dma_start3A_176 = tpu.memref_squeeze %dma_start3A_175 : memref<1x!tpu.dma_semaphore, #tpu.memory_space<semaphore_mem>> -> memref<!tpu.dma_semaphore, #tpu.memory_space<semaphore_mem>>
        tpu.enqueue_indirect_dma source(%dma_start3A_168 : memref<128x16xf32, #tpu.memory_space<vmem>>) target(%dma_start3A_174 : memref<50048x16xf32, #tpu.memory_space<vmem_shared>>) offsets(%dma_start3A_171 : memref<128xi32, #tpu.memory_space<vmem>>) semaphore(%dma_start3A_176 : memref<!tpu.dma_semaphore, #tpu.memory_space<semaphore_mem>>) {add = true}
        %dma_start3A_177 = arith.constant 0 : i32
        %dma_start3A_178 = arith.constant 0 : i32
        %dma_start3A_179 = arith.constant 3 : i32
        %dma_start3A_180 = arith.constant 1 : i32
        %dma_start3A_181 = arith.constant 0 : i32
        %dma_start3A_182 = arith.constant 384 : i32
        %dma_start3A_183 = arith.constant 0 : i32
        %dma_start3A_184 = tpu.memref_slice %arg7[%dma_start3A_177, %dma_start3A_182, %dma_start3A_183] : memref<2x1280x16xf32, #tpu.memory_space<vmem>> -> memref<1x128x16xf32, #tpu.memory_space<vmem>>
        %dma_start3A_185 = tpu.memref_squeeze %dma_start3A_184 : memref<1x128x16xf32, #tpu.memory_space<vmem>> -> memref<128x16xf32, #tpu.memory_space<vmem>>
        %dma_start3A_186 = arith.constant 0 : i32
        %dma_start3A_187 = tpu.memref_slice %arg6[%dma_start3A_178, %dma_start3A_179, %dma_start3A_180, %dma_start3A_186] : memref<2x10x2x128xi32, #tpu.memory_space<vmem>> -> memref<1x1x1x128xi32, #tpu.memory_space<vmem>>
        %dma_start3A_188 = tpu.memref_squeeze %dma_start3A_187 : memref<1x1x1x128xi32, #tpu.memory_space<vmem>> -> memref<128xi32, #tpu.memory_space<vmem>>
        %dma_start3A_189 = arith.constant 0 : i32
        %dma_start3A_190 = arith.constant 0 : i32
        %dma_start3A_191 = tpu.memref_slice %arg5[%dma_start3A_189, %dma_start3A_190] : memref<50048x16xf32, #tpu.memory_space<vmem_shared>> -> memref<50048x16xf32, #tpu.memory_space<vmem_shared>>
        %dma_start3A_192 = tpu.memref_slice %arg11[%dma_start3A_181] : memref<2x!tpu.dma_semaphore, #tpu.memory_space<semaphore_mem>> -> memref<1x!tpu.dma_semaphore, #tpu.memory_space<semaphore_mem>>
        %dma_start3A_193 = tpu.memref_squeeze %dma_start3A_192 : memref<1x!tpu.dma_semaphore, #tpu.memory_space<semaphore_mem>> -> memref<!tpu.dma_semaphore, #tpu.memory_space<semaphore_mem>>
        tpu.enqueue_indirect_dma source(%dma_start3A_185 : memref<128x16xf32, #tpu.memory_space<vmem>>) target(%dma_start3A_191 : memref<50048x16xf32, #tpu.memory_space<vmem_shared>>) offsets(%dma_start3A_188 : memref<128xi32, #tpu.memory_space<vmem>>) semaphore(%dma_start3A_193 : memref<!tpu.dma_semaphore, #tpu.memory_space<semaphore_mem>>) {add = true}
        %dma_start3A_194 = arith.constant 0 : i32
        %dma_start3A_195 = arith.constant 0 : i32
        %dma_start3A_196 = arith.constant 4 : i32
        %dma_start3A_197 = arith.constant 1 : i32
        %dma_start3A_198 = arith.constant 0 : i32
        %dma_start3A_199 = arith.constant 512 : i32
        %dma_start3A_200 = arith.constant 0 : i32
        %dma_start3A_201 = tpu.memref_slice %arg7[%dma_start3A_194, %dma_start3A_199, %dma_start3A_200] : memref<2x1280x16xf32, #tpu.memory_space<vmem>> -> memref<1x128x16xf32, #tpu.memory_space<vmem>>
        %dma_start3A_202 = tpu.memref_squeeze %dma_start3A_201 : memref<1x128x16xf32, #tpu.memory_space<vmem>> -> memref<128x16xf32, #tpu.memory_space<vmem>>
        %dma_start3A_203 = arith.constant 0 : i32
        %dma_start3A_204 = tpu.memref_slice %arg6[%dma_start3A_195, %dma_start3A_196, %dma_start3A_197, %dma_start3A_203] : memref<2x10x2x128xi32, #tpu.memory_space<vmem>> -> memref<1x1x1x128xi32, #tpu.memory_space<vmem>>
        %dma_start3A_205 = tpu.memref_squeeze %dma_start3A_204 : memref<1x1x1x128xi32, #tpu.memory_space<vmem>> -> memref<128xi32, #tpu.memory_space<vmem>>
        %dma_start3A_206 = arith.constant 0 : i32
        %dma_start3A_207 = arith.constant 0 : i32
        %dma_start3A_208 = tpu.memref_slice %arg5[%dma_start3A_206, %dma_start3A_207] : memref<50048x16xf32, #tpu.memory_space<vmem_shared>> -> memref<50048x16xf32, #tpu.memory_space<vmem_shared>>
        %dma_start3A_209 = tpu.memref_slice %arg11[%dma_start3A_198] : memref<2x!tpu.dma_semaphore, #tpu.memory_space<semaphore_mem>> -> memref<1x!tpu.dma_semaphore, #tpu.memory_space<semaphore_mem>>
        %dma_start3A_210 = tpu.memref_squeeze %dma_start3A_209 : memref<1x!tpu.dma_semaphore, #tpu.memory_space<semaphore_mem>> -> memref<!tpu.dma_semaphore, #tpu.memory_space<semaphore_mem>>
        tpu.enqueue_indirect_dma source(%dma_start3A_202 : memref<128x16xf32, #tpu.memory_space<vmem>>) target(%dma_start3A_208 : memref<50048x16xf32, #tpu.memory_space<vmem_shared>>) offsets(%dma_start3A_205 : memref<128xi32, #tpu.memory_space<vmem>>) semaphore(%dma_start3A_210 : memref<!tpu.dma_semaphore, #tpu.memory_space<semaphore_mem>>) {add = true}
        %dma_start3A_211 = arith.constant 0 : i32
        %dma_start3A_212 = arith.constant 0 : i32
        %dma_start3A_213 = arith.constant 5 : i32
        %dma_start3A_214 = arith.constant 1 : i32
        %dma_start3A_215 = arith.constant 0 : i32
        %dma_start3A_216 = arith.constant 640 : i32
        %dma_start3A_217 = arith.constant 0 : i32
        %dma_start3A_218 = tpu.memref_slice %arg7[%dma_start3A_211, %dma_start3A_216, %dma_start3A_217] : memref<2x1280x16xf32, #tpu.memory_space<vmem>> -> memref<1x128x16xf32, #tpu.memory_space<vmem>>
        %dma_start3A_219 = tpu.memref_squeeze %dma_start3A_218 : memref<1x128x16xf32, #tpu.memory_space<vmem>> -> memref<128x16xf32, #tpu.memory_space<vmem>>
        %dma_start3A_220 = arith.constant 0 : i32
        %dma_start3A_221 = tpu.memref_slice %arg6[%dma_start3A_212, %dma_start3A_213, %dma_start3A_214, %dma_start3A_220] : memref<2x10x2x128xi32, #tpu.memory_space<vmem>> -> memref<1x1x1x128xi32, #tpu.memory_space<vmem>>
        %dma_start3A_222 = tpu.memref_squeeze %dma_start3A_221 : memref<1x1x1x128xi32, #tpu.memory_space<vmem>> -> memref<128xi32, #tpu.memory_space<vmem>>
        %dma_start3A_223 = arith.constant 0 : i32
        %dma_start3A_224 = arith.constant 0 : i32
        %dma_start3A_225 = tpu.memref_slice %arg5[%dma_start3A_223, %dma_start3A_224] : memref<50048x16xf32, #tpu.memory_space<vmem_shared>> -> memref<50048x16xf32, #tpu.memory_space<vmem_shared>>
        %dma_start3A_226 = tpu.memref_slice %arg11[%dma_start3A_215] : memref<2x!tpu.dma_semaphore, #tpu.memory_space<semaphore_mem>> -> memref<1x!tpu.dma_semaphore, #tpu.memory_space<semaphore_mem>>
        %dma_start3A_227 = tpu.memref_squeeze %dma_start3A_226 : memref<1x!tpu.dma_semaphore, #tpu.memory_space<semaphore_mem>> -> memref<!tpu.dma_semaphore, #tpu.memory_space<semaphore_mem>>
        tpu.enqueue_indirect_dma source(%dma_start3A_219 : memref<128x16xf32, #tpu.memory_space<vmem>>) target(%dma_start3A_225 : memref<50048x16xf32, #tpu.memory_space<vmem_shared>>) offsets(%dma_start3A_222 : memref<128xi32, #tpu.memory_space<vmem>>) semaphore(%dma_start3A_227 : memref<!tpu.dma_semaphore, #tpu.memory_space<semaphore_mem>>) {add = true}
        %dma_start3A_228 = arith.constant 0 : i32
        %dma_start3A_229 = arith.constant 0 : i32
        %dma_start3A_230 = arith.constant 6 : i32
        %dma_start3A_231 = arith.constant 1 : i32
        %dma_start3A_232 = arith.constant 0 : i32
        %dma_start3A_233 = arith.constant 768 : i32
        %dma_start3A_234 = arith.constant 0 : i32
        %dma_start3A_235 = tpu.memref_slice %arg7[%dma_start3A_228, %dma_start3A_233, %dma_start3A_234] : memref<2x1280x16xf32, #tpu.memory_space<vmem>> -> memref<1x128x16xf32, #tpu.memory_space<vmem>>
        %dma_start3A_236 = tpu.memref_squeeze %dma_start3A_235 : memref<1x128x16xf32, #tpu.memory_space<vmem>> -> memref<128x16xf32, #tpu.memory_space<vmem>>
        %dma_start3A_237 = arith.constant 0 : i32
        %dma_start3A_238 = tpu.memref_slice %arg6[%dma_start3A_229, %dma_start3A_230, %dma_start3A_231, %dma_start3A_237] : memref<2x10x2x128xi32, #tpu.memory_space<vmem>> -> memref<1x1x1x128xi32, #tpu.memory_space<vmem>>
        %dma_start3A_239 = tpu.memref_squeeze %dma_start3A_238 : memref<1x1x1x128xi32, #tpu.memory_space<vmem>> -> memref<128xi32, #tpu.memory_space<vmem>>
        %dma_start3A_240 = arith.constant 0 : i32
        %dma_start3A_241 = arith.constant 0 : i32
        %dma_start3A_242 = tpu.memref_slice %arg5[%dma_start3A_240, %dma_start3A_241] : memref<50048x16xf32, #tpu.memory_space<vmem_shared>> -> memref<50048x16xf32, #tpu.memory_space<vmem_shared>>
        %dma_start3A_243 = tpu.memref_slice %arg11[%dma_start3A_232] : memref<2x!tpu.dma_semaphore, #tpu.memory_space<semaphore_mem>> -> memref<1x!tpu.dma_semaphore, #tpu.memory_space<semaphore_mem>>
        %dma_start3A_244 = tpu.memref_squeeze %dma_start3A_243 : memref<1x!tpu.dma_semaphore, #tpu.memory_space<semaphore_mem>> -> memref<!tpu.dma_semaphore, #tpu.memory_space<semaphore_mem>>
        tpu.enqueue_indirect_dma source(%dma_start3A_236 : memref<128x16xf32, #tpu.memory_space<vmem>>) target(%dma_start3A_242 : memref<50048x16xf32, #tpu.memory_space<vmem_shared>>) offsets(%dma_start3A_239 : memref<128xi32, #tpu.memory_space<vmem>>) semaphore(%dma_start3A_244 : memref<!tpu.dma_semaphore, #tpu.memory_space<semaphore_mem>>) {add = true}
        %dma_start3A_245 = arith.constant 0 : i32
        %dma_start3A_246 = arith.constant 0 : i32
        %dma_start3A_247 = arith.constant 7 : i32
        %dma_start3A_248 = arith.constant 1 : i32
        %dma_start3A_249 = arith.constant 0 : i32
        %dma_start3A_250 = arith.constant 896 : i32
        %dma_start3A_251 = arith.constant 0 : i32
        %dma_start3A_252 = tpu.memref_slice %arg7[%dma_start3A_245, %dma_start3A_250, %dma_start3A_251] : memref<2x1280x16xf32, #tpu.memory_space<vmem>> -> memref<1x128x16xf32, #tpu.memory_space<vmem>>
        %dma_start3A_253 = tpu.memref_squeeze %dma_start3A_252 : memref<1x128x16xf32, #tpu.memory_space<vmem>> -> memref<128x16xf32, #tpu.memory_space<vmem>>
        %dma_start3A_254 = arith.constant 0 : i32
        %dma_start3A_255 = tpu.memref_slice %arg6[%dma_start3A_246, %dma_start3A_247, %dma_start3A_248, %dma_start3A_254] : memref<2x10x2x128xi32, #tpu.memory_space<vmem>> -> memref<1x1x1x128xi32, #tpu.memory_space<vmem>>
        %dma_start3A_256 = tpu.memref_squeeze %dma_start3A_255 : memref<1x1x1x128xi32, #tpu.memory_space<vmem>> -> memref<128xi32, #tpu.memory_space<vmem>>
        %dma_start3A_257 = arith.constant 0 : i32
        %dma_start3A_258 = arith.constant 0 : i32
        %dma_start3A_259 = tpu.memref_slice %arg5[%dma_start3A_257, %dma_start3A_258] : memref<50048x16xf32, #tpu.memory_space<vmem_shared>> -> memref<50048x16xf32, #tpu.memory_space<vmem_shared>>
        %dma_start3A_260 = tpu.memref_slice %arg11[%dma_start3A_249] : memref<2x!tpu.dma_semaphore, #tpu.memory_space<semaphore_mem>> -> memref<1x!tpu.dma_semaphore, #tpu.memory_space<semaphore_mem>>
        %dma_start3A_261 = tpu.memref_squeeze %dma_start3A_260 : memref<1x!tpu.dma_semaphore, #tpu.memory_space<semaphore_mem>> -> memref<!tpu.dma_semaphore, #tpu.memory_space<semaphore_mem>>
        tpu.enqueue_indirect_dma source(%dma_start3A_253 : memref<128x16xf32, #tpu.memory_space<vmem>>) target(%dma_start3A_259 : memref<50048x16xf32, #tpu.memory_space<vmem_shared>>) offsets(%dma_start3A_256 : memref<128xi32, #tpu.memory_space<vmem>>) semaphore(%dma_start3A_261 : memref<!tpu.dma_semaphore, #tpu.memory_space<semaphore_mem>>) {add = true}
        %dma_start3A_262 = arith.constant 0 : i32
        %dma_start3A_263 = arith.constant 0 : i32
        %dma_start3A_264 = arith.constant 8 : i32
        %dma_start3A_265 = arith.constant 1 : i32
        %dma_start3A_266 = arith.constant 0 : i32
        %dma_start3A_267 = arith.constant 1024 : i32
        %dma_start3A_268 = arith.constant 0 : i32
        %dma_start3A_269 = tpu.memref_slice %arg7[%dma_start3A_262, %dma_start3A_267, %dma_start3A_268] : memref<2x1280x16xf32, #tpu.memory_space<vmem>> -> memref<1x128x16xf32, #tpu.memory_space<vmem>>
        %dma_start3A_270 = tpu.memref_squeeze %dma_start3A_269 : memref<1x128x16xf32, #tpu.memory_space<vmem>> -> memref<128x16xf32, #tpu.memory_space<vmem>>
        %dma_start3A_271 = arith.constant 0 : i32
        %dma_start3A_272 = tpu.memref_slice %arg6[%dma_start3A_263, %dma_start3A_264, %dma_start3A_265, %dma_start3A_271] : memref<2x10x2x128xi32, #tpu.memory_space<vmem>> -> memref<1x1x1x128xi32, #tpu.memory_space<vmem>>
        %dma_start3A_273 = tpu.memref_squeeze %dma_start3A_272 : memref<1x1x1x128xi32, #tpu.memory_space<vmem>> -> memref<128xi32, #tpu.memory_space<vmem>>
        %dma_start3A_274 = arith.constant 0 : i32
        %dma_start3A_275 = arith.constant 0 : i32
        %dma_start3A_276 = tpu.memref_slice %arg5[%dma_start3A_274, %dma_start3A_275] : memref<50048x16xf32, #tpu.memory_space<vmem_shared>> -> memref<50048x16xf32, #tpu.memory_space<vmem_shared>>
        %dma_start3A_277 = tpu.memref_slice %arg11[%dma_start3A_266] : memref<2x!tpu.dma_semaphore, #tpu.memory_space<semaphore_mem>> -> memref<1x!tpu.dma_semaphore, #tpu.memory_space<semaphore_mem>>
        %dma_start3A_278 = tpu.memref_squeeze %dma_start3A_277 : memref<1x!tpu.dma_semaphore, #tpu.memory_space<semaphore_mem>> -> memref<!tpu.dma_semaphore, #tpu.memory_space<semaphore_mem>>
        tpu.enqueue_indirect_dma source(%dma_start3A_270 : memref<128x16xf32, #tpu.memory_space<vmem>>) target(%dma_start3A_276 : memref<50048x16xf32, #tpu.memory_space<vmem_shared>>) offsets(%dma_start3A_273 : memref<128xi32, #tpu.memory_space<vmem>>) semaphore(%dma_start3A_278 : memref<!tpu.dma_semaphore, #tpu.memory_space<semaphore_mem>>) {add = true}
        %dma_start3A_279 = arith.constant 0 : i32
        %dma_start3A_280 = arith.constant 0 : i32
        %dma_start3A_281 = arith.constant 9 : i32
        %dma_start3A_282 = arith.constant 1 : i32
        %dma_start3A_283 = arith.constant 0 : i32
        %dma_start3A_284 = arith.constant 1152 : i32
        %dma_start3A_285 = arith.constant 0 : i32
        %dma_start3A_286 = tpu.memref_slice %arg7[%dma_start3A_279, %dma_start3A_284, %dma_start3A_285] : memref<2x1280x16xf32, #tpu.memory_space<vmem>> -> memref<1x128x16xf32, #tpu.memory_space<vmem>>
        %dma_start3A_287 = tpu.memref_squeeze %dma_start3A_286 : memref<1x128x16xf32, #tpu.memory_space<vmem>> -> memref<128x16xf32, #tpu.memory_space<vmem>>
        %dma_start3A_288 = arith.constant 0 : i32
        %dma_start3A_289 = tpu.memref_slice %arg6[%dma_start3A_280, %dma_start3A_281, %dma_start3A_282, %dma_start3A_288] : memref<2x10x2x128xi32, #tpu.memory_space<vmem>> -> memref<1x1x1x128xi32, #tpu.memory_space<vmem>>
        %dma_start3A_290 = tpu.memref_squeeze %dma_start3A_289 : memref<1x1x1x128xi32, #tpu.memory_space<vmem>> -> memref<128xi32, #tpu.memory_space<vmem>>
        %dma_start3A_291 = arith.constant 0 : i32
        %dma_start3A_292 = arith.constant 0 : i32
        %dma_start3A_293 = tpu.memref_slice %arg5[%dma_start3A_291, %dma_start3A_292] : memref<50048x16xf32, #tpu.memory_space<vmem_shared>> -> memref<50048x16xf32, #tpu.memory_space<vmem_shared>>
        %dma_start3A_294 = tpu.memref_slice %arg11[%dma_start3A_283] : memref<2x!tpu.dma_semaphore, #tpu.memory_space<semaphore_mem>> -> memref<1x!tpu.dma_semaphore, #tpu.memory_space<semaphore_mem>>
        %dma_start3A_295 = tpu.memref_squeeze %dma_start3A_294 : memref<1x!tpu.dma_semaphore, #tpu.memory_space<semaphore_mem>> -> memref<!tpu.dma_semaphore, #tpu.memory_space<semaphore_mem>>
        tpu.enqueue_indirect_dma source(%dma_start3A_287 : memref<128x16xf32, #tpu.memory_space<vmem>>) target(%dma_start3A_293 : memref<50048x16xf32, #tpu.memory_space<vmem_shared>>) offsets(%dma_start3A_290 : memref<128xi32, #tpu.memory_space<vmem>>) semaphore(%dma_start3A_295 : memref<!tpu.dma_semaphore, #tpu.memory_space<semaphore_mem>>) {add = true}
      } else {
      }
      %add3A_72 = arith.constant 1 : i32
      %add3A_73 = arith.addi %mul3A_38, %add3A_72 : i32
      %mul3A_74 = arith.constant 32 : i32
      %mul3A_75 = arith.muli %add3A_73, %mul3A_74 : i32
      %add3A_76 = arith.addi %add3A, %mul3A_75 : i32
      %sub3A_77 = arith.constant 1 : i32
      %sub3A_78 = arith.subi %add3A_73, %sub3A_77 : i32
      %mul3A_79 = arith.constant 32 : i32
      %mul3A_80 = arith.muli %sub3A_78, %mul3A_79 : i32
      %add3A_81 = arith.addi %add3A, %mul3A_80 : i32
      %lt3A_82 = arith.constant 1250 : i32
      %lt3A_83 = arith.cmpi slt, %add3A_76, %lt3A_82 : i32
      %convert_element_type3A_84 = arith.extui %lt3A_83 : i1 to i32
      %cond3A_85 = arith.constant 0 : i32
      %cond3A_86 = arith.cmpi ne, %convert_element_type3A_84, %cond3A_85 : i32
      scf.if %cond3A_86 {
        %dma_wait3A = arith.constant 1 : i32
        %dma_wait3A_110 = arith.constant 1 : i32
        %dma_wait3A_111 = arith.constant 0 : i32
        %dma_wait3A_112 = arith.constant 0 : i32
        %dma_wait3A_113 = arith.constant 0 : i32
        %dma_wait3A_114 = tpu.memref_slice %arg6[%dma_wait3A, %dma_wait3A_111, %dma_wait3A_112, %dma_wait3A_113] : memref<2x10x2x128xi32, #tpu.memory_space<vmem>> -> memref<1x10x2x128xi32, #tpu.memory_space<vmem>>
        %dma_wait3A_115 = tpu.memref_squeeze %dma_wait3A_114 : memref<1x10x2x128xi32, #tpu.memory_space<vmem>> -> memref<10x2x128xi32, #tpu.memory_space<vmem>>
        %dma_wait3A_116 = arith.constant 0 : i32
        %dma_wait3A_117 = arith.constant 0 : i32
        %dma_wait3A_118 = arith.constant 0 : i32
        %dma_wait3A_119 = tpu.memref_slice %arg3[%dma_wait3A_116, %dma_wait3A_117, %dma_wait3A_118] : memref<12500x2x128xi32, #tpu.memory_space<hbm>> -> memref<10x2x128xi32, #tpu.memory_space<hbm>>
        %dma_wait3A_120 = tpu.memref_slice %arg9[%dma_wait3A_110] : memref<2x!tpu.dma_semaphore, #tpu.memory_space<semaphore_mem>> -> memref<1x!tpu.dma_semaphore, #tpu.memory_space<semaphore_mem>>
        %dma_wait3A_121 = tpu.memref_squeeze %dma_wait3A_120 : memref<1x!tpu.dma_semaphore, #tpu.memory_space<semaphore_mem>> -> memref<!tpu.dma_semaphore, #tpu.memory_space<semaphore_mem>>
        %dma_wait3A_122 = arith.constant 0 : i32
        %dma_wait3A_123 = arith.constant 0 : i32
        %dma_wait3A_124 = arith.constant 0 : i32
        %dma_wait3A_125 = tpu.memref_slice %arg6[%dma_wait3A, %dma_wait3A_122, %dma_wait3A_123, %dma_wait3A_124] : memref<2x10x2x128xi32, #tpu.memory_space<vmem>> -> memref<1x10x2x128xi32, #tpu.memory_space<vmem>>
        %dma_wait3A_126 = tpu.memref_squeeze %dma_wait3A_125 : memref<1x10x2x128xi32, #tpu.memory_space<vmem>> -> memref<10x2x128xi32, #tpu.memory_space<vmem>>
        %dma_wait3A_127 = arith.constant 0 : i32
        %dma_wait3A_128 = arith.constant 0 : i32
        %dma_wait3A_129 = arith.constant 0 : i32
        %dma_wait3A_130 = tpu.memref_slice %arg3[%dma_wait3A_127, %dma_wait3A_128, %dma_wait3A_129] : memref<12500x2x128xi32, #tpu.memory_space<hbm>> -> memref<10x2x128xi32, #tpu.memory_space<hbm>>
        tpu.wait_dma2 semaphore(%dma_wait3A_121 : memref<!tpu.dma_semaphore, #tpu.memory_space<semaphore_mem>>) src(%dma_wait3A_130 : memref<10x2x128xi32, #tpu.memory_space<hbm>>) dst(%dma_wait3A_126 : memref<10x2x128xi32, #tpu.memory_space<vmem>>)
        %dma_start3A = arith.constant 1 : i32
        %dma_start3A_131 = arith.constant 0 : i32
        %dma_start3A_132 = arith.constant 0 : i32
        %dma_start3A_133 = arith.constant 1 : i32
        %dma_start3A_134 = arith.constant 1 : i32
        %dma_start3A_135 = arith.constant 0 : i32
        %dma_start3A_136 = arith.constant 0 : i32
        %dma_start3A_137 = tpu.memref_slice %arg7[%dma_start3A_133, %dma_start3A_135, %dma_start3A_136] : memref<2x1280x16xf32, #tpu.memory_space<vmem>> -> memref<1x128x16xf32, #tpu.memory_space<vmem>>
        %dma_start3A_138 = tpu.memref_squeeze %dma_start3A_137 : memref<1x128x16xf32, #tpu.memory_space<vmem>> -> memref<128x16xf32, #tpu.memory_space<vmem>>
        %dma_start3A_139 = arith.constant 0 : i32
        %dma_start3A_140 = tpu.memref_slice %arg6[%dma_start3A, %dma_start3A_131, %dma_start3A_132, %dma_start3A_139] : memref<2x10x2x128xi32, #tpu.memory_space<vmem>> -> memref<1x1x1x128xi32, #tpu.memory_space<vmem>>
        %dma_start3A_141 = tpu.memref_squeeze %dma_start3A_140 : memref<1x1x1x128xi32, #tpu.memory_space<vmem>> -> memref<128xi32, #tpu.memory_space<vmem>>
        %dma_start3A_142 = arith.constant 0 : i32
        %dma_start3A_143 = arith.constant 0 : i32
        %dma_start3A_144 = tpu.memref_slice %arg2[%dma_start3A_142, %dma_start3A_143] : memref<50048x16xf32, #tpu.memory_space<hbm>> -> memref<50048x16xf32, #tpu.memory_space<hbm>>
        %dma_start3A_145 = tpu.memref_slice %arg10[%dma_start3A_134] : memref<2x!tpu.dma_semaphore, #tpu.memory_space<semaphore_mem>> -> memref<1x!tpu.dma_semaphore, #tpu.memory_space<semaphore_mem>>
        %dma_start3A_146 = tpu.memref_squeeze %dma_start3A_145 : memref<1x!tpu.dma_semaphore, #tpu.memory_space<semaphore_mem>> -> memref<!tpu.dma_semaphore, #tpu.memory_space<semaphore_mem>>
        tpu.enqueue_indirect_dma source(%dma_start3A_144 : memref<50048x16xf32, #tpu.memory_space<hbm>>) target(%dma_start3A_138 : memref<128x16xf32, #tpu.memory_space<vmem>>) offsets(%dma_start3A_141 : memref<128xi32, #tpu.memory_space<vmem>>) semaphore(%dma_start3A_146 : memref<!tpu.dma_semaphore, #tpu.memory_space<semaphore_mem>>)
        %dma_start3A_147 = arith.constant 1 : i32
        %dma_start3A_148 = arith.constant 1 : i32
        %dma_start3A_149 = arith.constant 0 : i32
        %dma_start3A_150 = arith.constant 1 : i32
        %dma_start3A_151 = arith.constant 1 : i32
        %dma_start3A_152 = arith.constant 128 : i32
        %dma_start3A_153 = arith.constant 0 : i32
        %dma_start3A_154 = tpu.memref_slice %arg7[%dma_start3A_150, %dma_start3A_152, %dma_start3A_153] : memref<2x1280x16xf32, #tpu.memory_space<vmem>> -> memref<1x128x16xf32, #tpu.memory_space<vmem>>
        %dma_start3A_155 = tpu.memref_squeeze %dma_start3A_154 : memref<1x128x16xf32, #tpu.memory_space<vmem>> -> memref<128x16xf32, #tpu.memory_space<vmem>>
        %dma_start3A_156 = arith.constant 0 : i32
        %dma_start3A_157 = tpu.memref_slice %arg6[%dma_start3A_147, %dma_start3A_148, %dma_start3A_149, %dma_start3A_156] : memref<2x10x2x128xi32, #tpu.memory_space<vmem>> -> memref<1x1x1x128xi32, #tpu.memory_space<vmem>>
        %dma_start3A_158 = tpu.memref_squeeze %dma_start3A_157 : memref<1x1x1x128xi32, #tpu.memory_space<vmem>> -> memref<128xi32, #tpu.memory_space<vmem>>
        %dma_start3A_159 = arith.constant 0 : i32
        %dma_start3A_160 = arith.constant 0 : i32
        %dma_start3A_161 = tpu.memref_slice %arg2[%dma_start3A_159, %dma_start3A_160] : memref<50048x16xf32, #tpu.memory_space<hbm>> -> memref<50048x16xf32, #tpu.memory_space<hbm>>
        %dma_start3A_162 = tpu.memref_slice %arg10[%dma_start3A_151] : memref<2x!tpu.dma_semaphore, #tpu.memory_space<semaphore_mem>> -> memref<1x!tpu.dma_semaphore, #tpu.memory_space<semaphore_mem>>
        %dma_start3A_163 = tpu.memref_squeeze %dma_start3A_162 : memref<1x!tpu.dma_semaphore, #tpu.memory_space<semaphore_mem>> -> memref<!tpu.dma_semaphore, #tpu.memory_space<semaphore_mem>>
        tpu.enqueue_indirect_dma source(%dma_start3A_161 : memref<50048x16xf32, #tpu.memory_space<hbm>>) target(%dma_start3A_155 : memref<128x16xf32, #tpu.memory_space<vmem>>) offsets(%dma_start3A_158 : memref<128xi32, #tpu.memory_space<vmem>>) semaphore(%dma_start3A_163 : memref<!tpu.dma_semaphore, #tpu.memory_space<semaphore_mem>>)
        %dma_start3A_164 = arith.constant 1 : i32
        %dma_start3A_165 = arith.constant 2 : i32
        %dma_start3A_166 = arith.constant 0 : i32
        %dma_start3A_167 = arith.constant 1 : i32
        %dma_start3A_168 = arith.constant 1 : i32
        %dma_start3A_169 = arith.constant 256 : i32
        %dma_start3A_170 = arith.constant 0 : i32
        %dma_start3A_171 = tpu.memref_slice %arg7[%dma_start3A_167, %dma_start3A_169, %dma_start3A_170] : memref<2x1280x16xf32, #tpu.memory_space<vmem>> -> memref<1x128x16xf32, #tpu.memory_space<vmem>>
        %dma_start3A_172 = tpu.memref_squeeze %dma_start3A_171 : memref<1x128x16xf32, #tpu.memory_space<vmem>> -> memref<128x16xf32, #tpu.memory_space<vmem>>
        %dma_start3A_173 = arith.constant 0 : i32
        %dma_start3A_174 = tpu.memref_slice %arg6[%dma_start3A_164, %dma_start3A_165, %dma_start3A_166, %dma_start3A_173] : memref<2x10x2x128xi32, #tpu.memory_space<vmem>> -> memref<1x1x1x128xi32, #tpu.memory_space<vmem>>
        %dma_start3A_175 = tpu.memref_squeeze %dma_start3A_174 : memref<1x1x1x128xi32, #tpu.memory_space<vmem>> -> memref<128xi32, #tpu.memory_space<vmem>>
        %dma_start3A_176 = arith.constant 0 : i32
        %dma_start3A_177 = arith.constant 0 : i32
        %dma_start3A_178 = tpu.memref_slice %arg2[%dma_start3A_176, %dma_start3A_177] : memref<50048x16xf32, #tpu.memory_space<hbm>> -> memref<50048x16xf32, #tpu.memory_space<hbm>>
        %dma_start3A_179 = tpu.memref_slice %arg10[%dma_start3A_168] : memref<2x!tpu.dma_semaphore, #tpu.memory_space<semaphore_mem>> -> memref<1x!tpu.dma_semaphore, #tpu.memory_space<semaphore_mem>>
        %dma_start3A_180 = tpu.memref_squeeze %dma_start3A_179 : memref<1x!tpu.dma_semaphore, #tpu.memory_space<semaphore_mem>> -> memref<!tpu.dma_semaphore, #tpu.memory_space<semaphore_mem>>
        tpu.enqueue_indirect_dma source(%dma_start3A_178 : memref<50048x16xf32, #tpu.memory_space<hbm>>) target(%dma_start3A_172 : memref<128x16xf32, #tpu.memory_space<vmem>>) offsets(%dma_start3A_175 : memref<128xi32, #tpu.memory_space<vmem>>) semaphore(%dma_start3A_180 : memref<!tpu.dma_semaphore, #tpu.memory_space<semaphore_mem>>)
        %dma_start3A_181 = arith.constant 1 : i32
        %dma_start3A_182 = arith.constant 3 : i32
        %dma_start3A_183 = arith.constant 0 : i32
        %dma_start3A_184 = arith.constant 1 : i32
        %dma_start3A_185 = arith.constant 1 : i32
        %dma_start3A_186 = arith.constant 384 : i32
        %dma_start3A_187 = arith.constant 0 : i32
        %dma_start3A_188 = tpu.memref_slice %arg7[%dma_start3A_184, %dma_start3A_186, %dma_start3A_187] : memref<2x1280x16xf32, #tpu.memory_space<vmem>> -> memref<1x128x16xf32, #tpu.memory_space<vmem>>
        %dma_start3A_189 = tpu.memref_squeeze %dma_start3A_188 : memref<1x128x16xf32, #tpu.memory_space<vmem>> -> memref<128x16xf32, #tpu.memory_space<vmem>>
        %dma_start3A_190 = arith.constant 0 : i32
        %dma_start3A_191 = tpu.memref_slice %arg6[%dma_start3A_181, %dma_start3A_182, %dma_start3A_183, %dma_start3A_190] : memref<2x10x2x128xi32, #tpu.memory_space<vmem>> -> memref<1x1x1x128xi32, #tpu.memory_space<vmem>>
        %dma_start3A_192 = tpu.memref_squeeze %dma_start3A_191 : memref<1x1x1x128xi32, #tpu.memory_space<vmem>> -> memref<128xi32, #tpu.memory_space<vmem>>
        %dma_start3A_193 = arith.constant 0 : i32
        %dma_start3A_194 = arith.constant 0 : i32
        %dma_start3A_195 = tpu.memref_slice %arg2[%dma_start3A_193, %dma_start3A_194] : memref<50048x16xf32, #tpu.memory_space<hbm>> -> memref<50048x16xf32, #tpu.memory_space<hbm>>
        %dma_start3A_196 = tpu.memref_slice %arg10[%dma_start3A_185] : memref<2x!tpu.dma_semaphore, #tpu.memory_space<semaphore_mem>> -> memref<1x!tpu.dma_semaphore, #tpu.memory_space<semaphore_mem>>
        %dma_start3A_197 = tpu.memref_squeeze %dma_start3A_196 : memref<1x!tpu.dma_semaphore, #tpu.memory_space<semaphore_mem>> -> memref<!tpu.dma_semaphore, #tpu.memory_space<semaphore_mem>>
        tpu.enqueue_indirect_dma source(%dma_start3A_195 : memref<50048x16xf32, #tpu.memory_space<hbm>>) target(%dma_start3A_189 : memref<128x16xf32, #tpu.memory_space<vmem>>) offsets(%dma_start3A_192 : memref<128xi32, #tpu.memory_space<vmem>>) semaphore(%dma_start3A_197 : memref<!tpu.dma_semaphore, #tpu.memory_space<semaphore_mem>>)
        %dma_start3A_198 = arith.constant 1 : i32
        %dma_start3A_199 = arith.constant 4 : i32
        %dma_start3A_200 = arith.constant 0 : i32
        %dma_start3A_201 = arith.constant 1 : i32
        %dma_start3A_202 = arith.constant 1 : i32
        %dma_start3A_203 = arith.constant 512 : i32
        %dma_start3A_204 = arith.constant 0 : i32
        %dma_start3A_205 = tpu.memref_slice %arg7[%dma_start3A_201, %dma_start3A_203, %dma_start3A_204] : memref<2x1280x16xf32, #tpu.memory_space<vmem>> -> memref<1x128x16xf32, #tpu.memory_space<vmem>>
        %dma_start3A_206 = tpu.memref_squeeze %dma_start3A_205 : memref<1x128x16xf32, #tpu.memory_space<vmem>> -> memref<128x16xf32, #tpu.memory_space<vmem>>
        %dma_start3A_207 = arith.constant 0 : i32
        %dma_start3A_208 = tpu.memref_slice %arg6[%dma_start3A_198, %dma_start3A_199, %dma_start3A_200, %dma_start3A_207] : memref<2x10x2x128xi32, #tpu.memory_space<vmem>> -> memref<1x1x1x128xi32, #tpu.memory_space<vmem>>
        %dma_start3A_209 = tpu.memref_squeeze %dma_start3A_208 : memref<1x1x1x128xi32, #tpu.memory_space<vmem>> -> memref<128xi32, #tpu.memory_space<vmem>>
        %dma_start3A_210 = arith.constant 0 : i32
        %dma_start3A_211 = arith.constant 0 : i32
        %dma_start3A_212 = tpu.memref_slice %arg2[%dma_start3A_210, %dma_start3A_211] : memref<50048x16xf32, #tpu.memory_space<hbm>> -> memref<50048x16xf32, #tpu.memory_space<hbm>>
        %dma_start3A_213 = tpu.memref_slice %arg10[%dma_start3A_202] : memref<2x!tpu.dma_semaphore, #tpu.memory_space<semaphore_mem>> -> memref<1x!tpu.dma_semaphore, #tpu.memory_space<semaphore_mem>>
        %dma_start3A_214 = tpu.memref_squeeze %dma_start3A_213 : memref<1x!tpu.dma_semaphore, #tpu.memory_space<semaphore_mem>> -> memref<!tpu.dma_semaphore, #tpu.memory_space<semaphore_mem>>
        tpu.enqueue_indirect_dma source(%dma_start3A_212 : memref<50048x16xf32, #tpu.memory_space<hbm>>) target(%dma_start3A_206 : memref<128x16xf32, #tpu.memory_space<vmem>>) offsets(%dma_start3A_209 : memref<128xi32, #tpu.memory_space<vmem>>) semaphore(%dma_start3A_214 : memref<!tpu.dma_semaphore, #tpu.memory_space<semaphore_mem>>)
        %dma_start3A_215 = arith.constant 1 : i32
        %dma_start3A_216 = arith.constant 5 : i32
        %dma_start3A_217 = arith.constant 0 : i32
        %dma_start3A_218 = arith.constant 1 : i32
        %dma_start3A_219 = arith.constant 1 : i32
        %dma_start3A_220 = arith.constant 640 : i32
        %dma_start3A_221 = arith.constant 0 : i32
        %dma_start3A_222 = tpu.memref_slice %arg7[%dma_start3A_218, %dma_start3A_220, %dma_start3A_221] : memref<2x1280x16xf32, #tpu.memory_space<vmem>> -> memref<1x128x16xf32, #tpu.memory_space<vmem>>
        %dma_start3A_223 = tpu.memref_squeeze %dma_start3A_222 : memref<1x128x16xf32, #tpu.memory_space<vmem>> -> memref<128x16xf32, #tpu.memory_space<vmem>>
        %dma_start3A_224 = arith.constant 0 : i32
        %dma_start3A_225 = tpu.memref_slice %arg6[%dma_start3A_215, %dma_start3A_216, %dma_start3A_217, %dma_start3A_224] : memref<2x10x2x128xi32, #tpu.memory_space<vmem>> -> memref<1x1x1x128xi32, #tpu.memory_space<vmem>>
        %dma_start3A_226 = tpu.memref_squeeze %dma_start3A_225 : memref<1x1x1x128xi32, #tpu.memory_space<vmem>> -> memref<128xi32, #tpu.memory_space<vmem>>
        %dma_start3A_227 = arith.constant 0 : i32
        %dma_start3A_228 = arith.constant 0 : i32
        %dma_start3A_229 = tpu.memref_slice %arg2[%dma_start3A_227, %dma_start3A_228] : memref<50048x16xf32, #tpu.memory_space<hbm>> -> memref<50048x16xf32, #tpu.memory_space<hbm>>
        %dma_start3A_230 = tpu.memref_slice %arg10[%dma_start3A_219] : memref<2x!tpu.dma_semaphore, #tpu.memory_space<semaphore_mem>> -> memref<1x!tpu.dma_semaphore, #tpu.memory_space<semaphore_mem>>
        %dma_start3A_231 = tpu.memref_squeeze %dma_start3A_230 : memref<1x!tpu.dma_semaphore, #tpu.memory_space<semaphore_mem>> -> memref<!tpu.dma_semaphore, #tpu.memory_space<semaphore_mem>>
        tpu.enqueue_indirect_dma source(%dma_start3A_229 : memref<50048x16xf32, #tpu.memory_space<hbm>>) target(%dma_start3A_223 : memref<128x16xf32, #tpu.memory_space<vmem>>) offsets(%dma_start3A_226 : memref<128xi32, #tpu.memory_space<vmem>>) semaphore(%dma_start3A_231 : memref<!tpu.dma_semaphore, #tpu.memory_space<semaphore_mem>>)
        %dma_start3A_232 = arith.constant 1 : i32
        %dma_start3A_233 = arith.constant 6 : i32
        %dma_start3A_234 = arith.constant 0 : i32
        %dma_start3A_235 = arith.constant 1 : i32
        %dma_start3A_236 = arith.constant 1 : i32
        %dma_start3A_237 = arith.constant 768 : i32
        %dma_start3A_238 = arith.constant 0 : i32
        %dma_start3A_239 = tpu.memref_slice %arg7[%dma_start3A_235, %dma_start3A_237, %dma_start3A_238] : memref<2x1280x16xf32, #tpu.memory_space<vmem>> -> memref<1x128x16xf32, #tpu.memory_space<vmem>>
        %dma_start3A_240 = tpu.memref_squeeze %dma_start3A_239 : memref<1x128x16xf32, #tpu.memory_space<vmem>> -> memref<128x16xf32, #tpu.memory_space<vmem>>
        %dma_start3A_241 = arith.constant 0 : i32
        %dma_start3A_242 = tpu.memref_slice %arg6[%dma_start3A_232, %dma_start3A_233, %dma_start3A_234, %dma_start3A_241] : memref<2x10x2x128xi32, #tpu.memory_space<vmem>> -> memref<1x1x1x128xi32, #tpu.memory_space<vmem>>
        %dma_start3A_243 = tpu.memref_squeeze %dma_start3A_242 : memref<1x1x1x128xi32, #tpu.memory_space<vmem>> -> memref<128xi32, #tpu.memory_space<vmem>>
        %dma_start3A_244 = arith.constant 0 : i32
        %dma_start3A_245 = arith.constant 0 : i32
        %dma_start3A_246 = tpu.memref_slice %arg2[%dma_start3A_244, %dma_start3A_245] : memref<50048x16xf32, #tpu.memory_space<hbm>> -> memref<50048x16xf32, #tpu.memory_space<hbm>>
        %dma_start3A_247 = tpu.memref_slice %arg10[%dma_start3A_236] : memref<2x!tpu.dma_semaphore, #tpu.memory_space<semaphore_mem>> -> memref<1x!tpu.dma_semaphore, #tpu.memory_space<semaphore_mem>>
        %dma_start3A_248 = tpu.memref_squeeze %dma_start3A_247 : memref<1x!tpu.dma_semaphore, #tpu.memory_space<semaphore_mem>> -> memref<!tpu.dma_semaphore, #tpu.memory_space<semaphore_mem>>
        tpu.enqueue_indirect_dma source(%dma_start3A_246 : memref<50048x16xf32, #tpu.memory_space<hbm>>) target(%dma_start3A_240 : memref<128x16xf32, #tpu.memory_space<vmem>>) offsets(%dma_start3A_243 : memref<128xi32, #tpu.memory_space<vmem>>) semaphore(%dma_start3A_248 : memref<!tpu.dma_semaphore, #tpu.memory_space<semaphore_mem>>)
        %dma_start3A_249 = arith.constant 1 : i32
        %dma_start3A_250 = arith.constant 7 : i32
        %dma_start3A_251 = arith.constant 0 : i32
        %dma_start3A_252 = arith.constant 1 : i32
        %dma_start3A_253 = arith.constant 1 : i32
        %dma_start3A_254 = arith.constant 896 : i32
        %dma_start3A_255 = arith.constant 0 : i32
        %dma_start3A_256 = tpu.memref_slice %arg7[%dma_start3A_252, %dma_start3A_254, %dma_start3A_255] : memref<2x1280x16xf32, #tpu.memory_space<vmem>> -> memref<1x128x16xf32, #tpu.memory_space<vmem>>
        %dma_start3A_257 = tpu.memref_squeeze %dma_start3A_256 : memref<1x128x16xf32, #tpu.memory_space<vmem>> -> memref<128x16xf32, #tpu.memory_space<vmem>>
        %dma_start3A_258 = arith.constant 0 : i32
        %dma_start3A_259 = tpu.memref_slice %arg6[%dma_start3A_249, %dma_start3A_250, %dma_start3A_251, %dma_start3A_258] : memref<2x10x2x128xi32, #tpu.memory_space<vmem>> -> memref<1x1x1x128xi32, #tpu.memory_space<vmem>>
        %dma_start3A_260 = tpu.memref_squeeze %dma_start3A_259 : memref<1x1x1x128xi32, #tpu.memory_space<vmem>> -> memref<128xi32, #tpu.memory_space<vmem>>
        %dma_start3A_261 = arith.constant 0 : i32
        %dma_start3A_262 = arith.constant 0 : i32
        %dma_start3A_263 = tpu.memref_slice %arg2[%dma_start3A_261, %dma_start3A_262] : memref<50048x16xf32, #tpu.memory_space<hbm>> -> memref<50048x16xf32, #tpu.memory_space<hbm>>
        %dma_start3A_264 = tpu.memref_slice %arg10[%dma_start3A_253] : memref<2x!tpu.dma_semaphore, #tpu.memory_space<semaphore_mem>> -> memref<1x!tpu.dma_semaphore, #tpu.memory_space<semaphore_mem>>
        %dma_start3A_265 = tpu.memref_squeeze %dma_start3A_264 : memref<1x!tpu.dma_semaphore, #tpu.memory_space<semaphore_mem>> -> memref<!tpu.dma_semaphore, #tpu.memory_space<semaphore_mem>>
        tpu.enqueue_indirect_dma source(%dma_start3A_263 : memref<50048x16xf32, #tpu.memory_space<hbm>>) target(%dma_start3A_257 : memref<128x16xf32, #tpu.memory_space<vmem>>) offsets(%dma_start3A_260 : memref<128xi32, #tpu.memory_space<vmem>>) semaphore(%dma_start3A_265 : memref<!tpu.dma_semaphore, #tpu.memory_space<semaphore_mem>>)
        %dma_start3A_266 = arith.constant 1 : i32
        %dma_start3A_267 = arith.constant 8 : i32
        %dma_start3A_268 = arith.constant 0 : i32
        %dma_start3A_269 = arith.constant 1 : i32
        %dma_start3A_270 = arith.constant 1 : i32
        %dma_start3A_271 = arith.constant 1024 : i32
        %dma_start3A_272 = arith.constant 0 : i32
        %dma_start3A_273 = tpu.memref_slice %arg7[%dma_start3A_269, %dma_start3A_271, %dma_start3A_272] : memref<2x1280x16xf32, #tpu.memory_space<vmem>> -> memref<1x128x16xf32, #tpu.memory_space<vmem>>
        %dma_start3A_274 = tpu.memref_squeeze %dma_start3A_273 : memref<1x128x16xf32, #tpu.memory_space<vmem>> -> memref<128x16xf32, #tpu.memory_space<vmem>>
        %dma_start3A_275 = arith.constant 0 : i32
        %dma_start3A_276 = tpu.memref_slice %arg6[%dma_start3A_266, %dma_start3A_267, %dma_start3A_268, %dma_start3A_275] : memref<2x10x2x128xi32, #tpu.memory_space<vmem>> -> memref<1x1x1x128xi32, #tpu.memory_space<vmem>>
        %dma_start3A_277 = tpu.memref_squeeze %dma_start3A_276 : memref<1x1x1x128xi32, #tpu.memory_space<vmem>> -> memref<128xi32, #tpu.memory_space<vmem>>
        %dma_start3A_278 = arith.constant 0 : i32
        %dma_start3A_279 = arith.constant 0 : i32
        %dma_start3A_280 = tpu.memref_slice %arg2[%dma_start3A_278, %dma_start3A_279] : memref<50048x16xf32, #tpu.memory_space<hbm>> -> memref<50048x16xf32, #tpu.memory_space<hbm>>
        %dma_start3A_281 = tpu.memref_slice %arg10[%dma_start3A_270] : memref<2x!tpu.dma_semaphore, #tpu.memory_space<semaphore_mem>> -> memref<1x!tpu.dma_semaphore, #tpu.memory_space<semaphore_mem>>
        %dma_start3A_282 = tpu.memref_squeeze %dma_start3A_281 : memref<1x!tpu.dma_semaphore, #tpu.memory_space<semaphore_mem>> -> memref<!tpu.dma_semaphore, #tpu.memory_space<semaphore_mem>>
        tpu.enqueue_indirect_dma source(%dma_start3A_280 : memref<50048x16xf32, #tpu.memory_space<hbm>>) target(%dma_start3A_274 : memref<128x16xf32, #tpu.memory_space<vmem>>) offsets(%dma_start3A_277 : memref<128xi32, #tpu.memory_space<vmem>>) semaphore(%dma_start3A_282 : memref<!tpu.dma_semaphore, #tpu.memory_space<semaphore_mem>>)
        %dma_start3A_283 = arith.constant 1 : i32
        %dma_start3A_284 = arith.constant 9 : i32
        %dma_start3A_285 = arith.constant 0 : i32
        %dma_start3A_286 = arith.constant 1 : i32
        %dma_start3A_287 = arith.constant 1 : i32
        %dma_start3A_288 = arith.constant 1152 : i32
        %dma_start3A_289 = arith.constant 0 : i32
        %dma_start3A_290 = tpu.memref_slice %arg7[%dma_start3A_286, %dma_start3A_288, %dma_start3A_289] : memref<2x1280x16xf32, #tpu.memory_space<vmem>> -> memref<1x128x16xf32, #tpu.memory_space<vmem>>
        %dma_start3A_291 = tpu.memref_squeeze %dma_start3A_290 : memref<1x128x16xf32, #tpu.memory_space<vmem>> -> memref<128x16xf32, #tpu.memory_space<vmem>>
        %dma_start3A_292 = arith.constant 0 : i32
        %dma_start3A_293 = tpu.memref_slice %arg6[%dma_start3A_283, %dma_start3A_284, %dma_start3A_285, %dma_start3A_292] : memref<2x10x2x128xi32, #tpu.memory_space<vmem>> -> memref<1x1x1x128xi32, #tpu.memory_space<vmem>>
        %dma_start3A_294 = tpu.memref_squeeze %dma_start3A_293 : memref<1x1x1x128xi32, #tpu.memory_space<vmem>> -> memref<128xi32, #tpu.memory_space<vmem>>
        %dma_start3A_295 = arith.constant 0 : i32
        %dma_start3A_296 = arith.constant 0 : i32
        %dma_start3A_297 = tpu.memref_slice %arg2[%dma_start3A_295, %dma_start3A_296] : memref<50048x16xf32, #tpu.memory_space<hbm>> -> memref<50048x16xf32, #tpu.memory_space<hbm>>
        %dma_start3A_298 = tpu.memref_slice %arg10[%dma_start3A_287] : memref<2x!tpu.dma_semaphore, #tpu.memory_space<semaphore_mem>> -> memref<1x!tpu.dma_semaphore, #tpu.memory_space<semaphore_mem>>
        %dma_start3A_299 = tpu.memref_squeeze %dma_start3A_298 : memref<1x!tpu.dma_semaphore, #tpu.memory_space<semaphore_mem>> -> memref<!tpu.dma_semaphore, #tpu.memory_space<semaphore_mem>>
        tpu.enqueue_indirect_dma source(%dma_start3A_297 : memref<50048x16xf32, #tpu.memory_space<hbm>>) target(%dma_start3A_291 : memref<128x16xf32, #tpu.memory_space<vmem>>) offsets(%dma_start3A_294 : memref<128xi32, #tpu.memory_space<vmem>>) semaphore(%dma_start3A_299 : memref<!tpu.dma_semaphore, #tpu.memory_space<semaphore_mem>>)
      } else {
      }
      %ge3A_87 = arith.constant 1 : i32
      %ge3A_88 = arith.cmpi sge, %add3A_73, %ge3A_87 : i32
      %lt3A_89 = arith.constant 1250 : i32
      %lt3A_90 = arith.cmpi slt, %add3A_81, %lt3A_89 : i32
      %and3A_91 = arith.andi %ge3A_88, %lt3A_90 : i1
      %convert_element_type3A_92 = arith.extui %and3A_91 : i1 to i32
      %cond3A_93 = arith.constant 0 : i32
      %cond3A_94 = arith.cmpi ne, %convert_element_type3A_92, %cond3A_93 : i32
      scf.if %cond3A_94 {
        %dma_wait3A = arith.constant 0 : i32
        %dma_wait3A_110 = arith.constant 0 : i32
        %dma_wait3A_111 = arith.constant 0 : i32
        %dma_wait3A_112 = arith.constant 0 : i32
        %dma_wait3A_113 = tpu.memref_slice %arg7[%dma_wait3A, %dma_wait3A_111, %dma_wait3A_112] : memref<2x1280x16xf32, #tpu.memory_space<vmem>> -> memref<1x1280x16xf32, #tpu.memory_space<vmem>>
        %dma_wait3A_114 = tpu.memref_squeeze %dma_wait3A_113 : memref<1x1280x16xf32, #tpu.memory_space<vmem>> -> memref<1280x16xf32, #tpu.memory_space<vmem>>
        %dma_wait3A_115 = arith.constant 0 : i32
        %dma_wait3A_116 = arith.constant 0 : i32
        %dma_wait3A_117 = tpu.memref_slice %arg2[%dma_wait3A_115, %dma_wait3A_116] : memref<50048x16xf32, #tpu.memory_space<hbm>> -> memref<1280x16xf32, #tpu.memory_space<hbm>>
        %dma_wait3A_118 = tpu.memref_slice %arg11[%dma_wait3A_110] : memref<2x!tpu.dma_semaphore, #tpu.memory_space<semaphore_mem>> -> memref<1x!tpu.dma_semaphore, #tpu.memory_space<semaphore_mem>>
        %dma_wait3A_119 = tpu.memref_squeeze %dma_wait3A_118 : memref<1x!tpu.dma_semaphore, #tpu.memory_space<semaphore_mem>> -> memref<!tpu.dma_semaphore, #tpu.memory_space<semaphore_mem>>
        %dma_wait3A_120 = arith.constant 0 : i32
        %dma_wait3A_121 = arith.constant 0 : i32
        %dma_wait3A_122 = tpu.memref_slice %arg7[%dma_wait3A, %dma_wait3A_120, %dma_wait3A_121] : memref<2x1280x16xf32, #tpu.memory_space<vmem>> -> memref<1x1280x16xf32, #tpu.memory_space<vmem>>
        %dma_wait3A_123 = tpu.memref_squeeze %dma_wait3A_122 : memref<1x1280x16xf32, #tpu.memory_space<vmem>> -> memref<1280x16xf32, #tpu.memory_space<vmem>>
        %dma_wait3A_124 = arith.constant 0 : i32
        %dma_wait3A_125 = arith.constant 0 : i32
        %dma_wait3A_126 = tpu.memref_slice %arg2[%dma_wait3A_124, %dma_wait3A_125] : memref<50048x16xf32, #tpu.memory_space<hbm>> -> memref<1280x16xf32, #tpu.memory_space<hbm>>
        tpu.wait_dma2 semaphore(%dma_wait3A_119 : memref<!tpu.dma_semaphore, #tpu.memory_space<semaphore_mem>>) src(%dma_wait3A_126 : memref<1280x16xf32, #tpu.memory_space<hbm>>) dst(%dma_wait3A_123 : memref<1280x16xf32, #tpu.memory_space<vmem>>)
      } else {
      }
      %add3A_95 = arith.constant 1 : i32
      %add3A_96 = arith.addi %add3A_73, %add3A_95 : i32
      %mul3A_97 = arith.constant 32 : i32
      %mul3A_98 = arith.muli %add3A_96, %mul3A_97 : i32
      %add3A_99 = arith.addi %add3A, %mul3A_98 : i32
      %lt3A_100 = arith.constant 1250 : i32
      %lt3A_101 = arith.cmpi slt, %add3A_99, %lt3A_100 : i32
      %convert_element_type3A_102 = arith.extui %lt3A_101 : i1 to i32
      %cond3A_103 = arith.constant 0 : i32
      %cond3A_104 = arith.cmpi ne, %convert_element_type3A_102, %cond3A_103 : i32
      scf.if %cond3A_104 {
        %mul3A_110 = arith.constant 10 : i32
        %mul3A_111 = arith.muli %add3A_99, %mul3A_110 : i32
        %dma_start3A = arith.constant 0 : i32
        %dma_start3A_112 = arith.constant 0 : i32
        %dma_start3A_113 = arith.constant 0 : i32
        %dma_start3A_114 = arith.constant 0 : i32
        %dma_start3A_115 = arith.constant 0 : i32
        %dma_start3A_116 = tpu.memref_slice %arg6[%dma_start3A, %dma_start3A_113, %dma_start3A_114, %dma_start3A_115] : memref<2x10x2x128xi32, #tpu.memory_space<vmem>> -> memref<1x10x2x128xi32, #tpu.memory_space<vmem>>
        %dma_start3A_117 = tpu.memref_squeeze %dma_start3A_116 : memref<1x10x2x128xi32, #tpu.memory_space<vmem>> -> memref<10x2x128xi32, #tpu.memory_space<vmem>>
        %dma_start3A_118 = arith.constant 0 : i32
        %dma_start3A_119 = arith.constant 0 : i32
        %dma_start3A_120 = tpu.memref_slice %arg3[%mul3A_111, %dma_start3A_118, %dma_start3A_119] : memref<12500x2x128xi32, #tpu.memory_space<hbm>> -> memref<10x2x128xi32, #tpu.memory_space<hbm>>
        %dma_start3A_121 = tpu.memref_slice %arg9[%dma_start3A_112] : memref<2x!tpu.dma_semaphore, #tpu.memory_space<semaphore_mem>> -> memref<1x!tpu.dma_semaphore, #tpu.memory_space<semaphore_mem>>
        %dma_start3A_122 = tpu.memref_squeeze %dma_start3A_121 : memref<1x!tpu.dma_semaphore, #tpu.memory_space<semaphore_mem>> -> memref<!tpu.dma_semaphore, #tpu.memory_space<semaphore_mem>>
        %dma_start3A_123 = arith.constant 0 : i32
        %dma_start3A_124 = arith.constant 0 : i32
        %dma_start3A_125 = arith.constant 0 : i32
        %dma_start3A_126 = tpu.memref_slice %arg6[%dma_start3A, %dma_start3A_123, %dma_start3A_124, %dma_start3A_125] : memref<2x10x2x128xi32, #tpu.memory_space<vmem>> -> memref<1x10x2x128xi32, #tpu.memory_space<vmem>>
        %dma_start3A_127 = tpu.memref_squeeze %dma_start3A_126 : memref<1x10x2x128xi32, #tpu.memory_space<vmem>> -> memref<10x2x128xi32, #tpu.memory_space<vmem>>
        %dma_start3A_128 = arith.constant 0 : i32
        %dma_start3A_129 = arith.constant 0 : i32
        %dma_start3A_130 = tpu.memref_slice %arg3[%mul3A_111, %dma_start3A_128, %dma_start3A_129] : memref<12500x2x128xi32, #tpu.memory_space<hbm>> -> memref<10x2x128xi32, #tpu.memory_space<hbm>>
        tpu.enqueue_dma source(%dma_start3A_130 : memref<10x2x128xi32, #tpu.memory_space<hbm>>) target(%dma_start3A_127 : memref<10x2x128xi32, #tpu.memory_space<vmem>>) target_semaphore(%dma_start3A_122 : memref<!tpu.dma_semaphore, #tpu.memory_space<semaphore_mem>>)
      } else {
      }
      %lt3A_105 = arith.constant 1250 : i32
      %lt3A_106 = arith.cmpi slt, %add3A_76, %lt3A_105 : i32
      %convert_element_type3A_107 = arith.extui %lt3A_106 : i1 to i32
      %cond3A_108 = arith.constant 0 : i32
      %cond3A_109 = arith.cmpi ne, %convert_element_type3A_107, %cond3A_108 : i32
      scf.if %cond3A_109 {
        %dma_wait3A = arith.constant 1 : i32
        %dma_wait3A_110 = arith.constant 1 : i32
        %dma_wait3A_111 = arith.constant 0 : i32
        %dma_wait3A_112 = arith.constant 0 : i32
        %dma_wait3A_113 = tpu.memref_slice %arg7[%dma_wait3A, %dma_wait3A_111, %dma_wait3A_112] : memref<2x1280x16xf32, #tpu.memory_space<vmem>> -> memref<1x1280x16xf32, #tpu.memory_space<vmem>>
        %dma_wait3A_114 = tpu.memref_squeeze %dma_wait3A_113 : memref<1x1280x16xf32, #tpu.memory_space<vmem>> -> memref<1280x16xf32, #tpu.memory_space<vmem>>
        %dma_wait3A_115 = arith.constant 0 : i32
        %dma_wait3A_116 = arith.constant 0 : i32
        %dma_wait3A_117 = tpu.memref_slice %arg2[%dma_wait3A_115, %dma_wait3A_116] : memref<50048x16xf32, #tpu.memory_space<hbm>> -> memref<1280x16xf32, #tpu.memory_space<hbm>>
        %dma_wait3A_118 = tpu.memref_slice %arg10[%dma_wait3A_110] : memref<2x!tpu.dma_semaphore, #tpu.memory_space<semaphore_mem>> -> memref<1x!tpu.dma_semaphore, #tpu.memory_space<semaphore_mem>>
        %dma_wait3A_119 = tpu.memref_squeeze %dma_wait3A_118 : memref<1x!tpu.dma_semaphore, #tpu.memory_space<semaphore_mem>> -> memref<!tpu.dma_semaphore, #tpu.memory_space<semaphore_mem>>
        %dma_wait3A_120 = arith.constant 0 : i32
        %dma_wait3A_121 = arith.constant 0 : i32
        %dma_wait3A_122 = tpu.memref_slice %arg7[%dma_wait3A, %dma_wait3A_120, %dma_wait3A_121] : memref<2x1280x16xf32, #tpu.memory_space<vmem>> -> memref<1x1280x16xf32, #tpu.memory_space<vmem>>
        %dma_wait3A_123 = tpu.memref_squeeze %dma_wait3A_122 : memref<1x1280x16xf32, #tpu.memory_space<vmem>> -> memref<1280x16xf32, #tpu.memory_space<vmem>>
        %dma_wait3A_124 = arith.constant 0 : i32
        %dma_wait3A_125 = arith.constant 0 : i32
        %dma_wait3A_126 = tpu.memref_slice %arg2[%dma_wait3A_124, %dma_wait3A_125] : memref<50048x16xf32, #tpu.memory_space<hbm>> -> memref<1280x16xf32, #tpu.memory_space<hbm>>
        tpu.wait_dma2 semaphore(%dma_wait3A_119 : memref<!tpu.dma_semaphore, #tpu.memory_space<semaphore_mem>>) src(%dma_wait3A_126 : memref<1280x16xf32, #tpu.memory_space<hbm>>) dst(%dma_wait3A_123 : memref<1280x16xf32, #tpu.memory_space<vmem>>)
        %dma_start3A = arith.constant 1 : i32
        %dma_start3A_127 = arith.constant 1 : i32
        %dma_start3A_128 = arith.constant 0 : i32
        %dma_start3A_129 = arith.constant 1 : i32
        %dma_start3A_130 = arith.constant 1 : i32
        %dma_start3A_131 = arith.constant 0 : i32
        %dma_start3A_132 = arith.constant 0 : i32
        %dma_start3A_133 = tpu.memref_slice %arg7[%dma_start3A, %dma_start3A_131, %dma_start3A_132] : memref<2x1280x16xf32, #tpu.memory_space<vmem>> -> memref<1x128x16xf32, #tpu.memory_space<vmem>>
        %dma_start3A_134 = tpu.memref_squeeze %dma_start3A_133 : memref<1x128x16xf32, #tpu.memory_space<vmem>> -> memref<128x16xf32, #tpu.memory_space<vmem>>
        %dma_start3A_135 = arith.constant 0 : i32
        %dma_start3A_136 = tpu.memref_slice %arg6[%dma_start3A_127, %dma_start3A_128, %dma_start3A_129, %dma_start3A_135] : memref<2x10x2x128xi32, #tpu.memory_space<vmem>> -> memref<1x1x1x128xi32, #tpu.memory_space<vmem>>
        %dma_start3A_137 = tpu.memref_squeeze %dma_start3A_136 : memref<1x1x1x128xi32, #tpu.memory_space<vmem>> -> memref<128xi32, #tpu.memory_space<vmem>>
        %dma_start3A_138 = arith.constant 0 : i32
        %dma_start3A_139 = arith.constant 0 : i32
        %dma_start3A_140 = tpu.memref_slice %arg5[%dma_start3A_138, %dma_start3A_139] : memref<50048x16xf32, #tpu.memory_space<vmem_shared>> -> memref<50048x16xf32, #tpu.memory_space<vmem_shared>>
        %dma_start3A_141 = tpu.memref_slice %arg11[%dma_start3A_130] : memref<2x!tpu.dma_semaphore, #tpu.memory_space<semaphore_mem>> -> memref<1x!tpu.dma_semaphore, #tpu.memory_space<semaphore_mem>>
        %dma_start3A_142 = tpu.memref_squeeze %dma_start3A_141 : memref<1x!tpu.dma_semaphore, #tpu.memory_space<semaphore_mem>> -> memref<!tpu.dma_semaphore, #tpu.memory_space<semaphore_mem>>
        tpu.enqueue_indirect_dma source(%dma_start3A_134 : memref<128x16xf32, #tpu.memory_space<vmem>>) target(%dma_start3A_140 : memref<50048x16xf32, #tpu.memory_space<vmem_shared>>) offsets(%dma_start3A_137 : memref<128xi32, #tpu.memory_space<vmem>>) semaphore(%dma_start3A_142 : memref<!tpu.dma_semaphore, #tpu.memory_space<semaphore_mem>>) {add = true}
        %dma_start3A_143 = arith.constant 1 : i32
        %dma_start3A_144 = arith.constant 1 : i32
        %dma_start3A_145 = arith.constant 1 : i32
        %dma_start3A_146 = arith.constant 1 : i32
        %dma_start3A_147 = arith.constant 1 : i32
        %dma_start3A_148 = arith.constant 128 : i32
        %dma_start3A_149 = arith.constant 0 : i32
        %dma_start3A_150 = tpu.memref_slice %arg7[%dma_start3A_143, %dma_start3A_148, %dma_start3A_149] : memref<2x1280x16xf32, #tpu.memory_space<vmem>> -> memref<1x128x16xf32, #tpu.memory_space<vmem>>
        %dma_start3A_151 = tpu.memref_squeeze %dma_start3A_150 : memref<1x128x16xf32, #tpu.memory_space<vmem>> -> memref<128x16xf32, #tpu.memory_space<vmem>>
        %dma_start3A_152 = arith.constant 0 : i32
        %dma_start3A_153 = tpu.memref_slice %arg6[%dma_start3A_144, %dma_start3A_145, %dma_start3A_146, %dma_start3A_152] : memref<2x10x2x128xi32, #tpu.memory_space<vmem>> -> memref<1x1x1x128xi32, #tpu.memory_space<vmem>>
        %dma_start3A_154 = tpu.memref_squeeze %dma_start3A_153 : memref<1x1x1x128xi32, #tpu.memory_space<vmem>> -> memref<128xi32, #tpu.memory_space<vmem>>
        %dma_start3A_155 = arith.constant 0 : i32
        %dma_start3A_156 = arith.constant 0 : i32
        %dma_start3A_157 = tpu.memref_slice %arg5[%dma_start3A_155, %dma_start3A_156] : memref<50048x16xf32, #tpu.memory_space<vmem_shared>> -> memref<50048x16xf32, #tpu.memory_space<vmem_shared>>
        %dma_start3A_158 = tpu.memref_slice %arg11[%dma_start3A_147] : memref<2x!tpu.dma_semaphore, #tpu.memory_space<semaphore_mem>> -> memref<1x!tpu.dma_semaphore, #tpu.memory_space<semaphore_mem>>
        %dma_start3A_159 = tpu.memref_squeeze %dma_start3A_158 : memref<1x!tpu.dma_semaphore, #tpu.memory_space<semaphore_mem>> -> memref<!tpu.dma_semaphore, #tpu.memory_space<semaphore_mem>>
        tpu.enqueue_indirect_dma source(%dma_start3A_151 : memref<128x16xf32, #tpu.memory_space<vmem>>) target(%dma_start3A_157 : memref<50048x16xf32, #tpu.memory_space<vmem_shared>>) offsets(%dma_start3A_154 : memref<128xi32, #tpu.memory_space<vmem>>) semaphore(%dma_start3A_159 : memref<!tpu.dma_semaphore, #tpu.memory_space<semaphore_mem>>) {add = true}
        %dma_start3A_160 = arith.constant 1 : i32
        %dma_start3A_161 = arith.constant 1 : i32
        %dma_start3A_162 = arith.constant 2 : i32
        %dma_start3A_163 = arith.constant 1 : i32
        %dma_start3A_164 = arith.constant 1 : i32
        %dma_start3A_165 = arith.constant 256 : i32
        %dma_start3A_166 = arith.constant 0 : i32
        %dma_start3A_167 = tpu.memref_slice %arg7[%dma_start3A_160, %dma_start3A_165, %dma_start3A_166] : memref<2x1280x16xf32, #tpu.memory_space<vmem>> -> memref<1x128x16xf32, #tpu.memory_space<vmem>>
        %dma_start3A_168 = tpu.memref_squeeze %dma_start3A_167 : memref<1x128x16xf32, #tpu.memory_space<vmem>> -> memref<128x16xf32, #tpu.memory_space<vmem>>
        %dma_start3A_169 = arith.constant 0 : i32
        %dma_start3A_170 = tpu.memref_slice %arg6[%dma_start3A_161, %dma_start3A_162, %dma_start3A_163, %dma_start3A_169] : memref<2x10x2x128xi32, #tpu.memory_space<vmem>> -> memref<1x1x1x128xi32, #tpu.memory_space<vmem>>
        %dma_start3A_171 = tpu.memref_squeeze %dma_start3A_170 : memref<1x1x1x128xi32, #tpu.memory_space<vmem>> -> memref<128xi32, #tpu.memory_space<vmem>>
        %dma_start3A_172 = arith.constant 0 : i32
        %dma_start3A_173 = arith.constant 0 : i32
        %dma_start3A_174 = tpu.memref_slice %arg5[%dma_start3A_172, %dma_start3A_173] : memref<50048x16xf32, #tpu.memory_space<vmem_shared>> -> memref<50048x16xf32, #tpu.memory_space<vmem_shared>>
        %dma_start3A_175 = tpu.memref_slice %arg11[%dma_start3A_164] : memref<2x!tpu.dma_semaphore, #tpu.memory_space<semaphore_mem>> -> memref<1x!tpu.dma_semaphore, #tpu.memory_space<semaphore_mem>>
        %dma_start3A_176 = tpu.memref_squeeze %dma_start3A_175 : memref<1x!tpu.dma_semaphore, #tpu.memory_space<semaphore_mem>> -> memref<!tpu.dma_semaphore, #tpu.memory_space<semaphore_mem>>
        tpu.enqueue_indirect_dma source(%dma_start3A_168 : memref<128x16xf32, #tpu.memory_space<vmem>>) target(%dma_start3A_174 : memref<50048x16xf32, #tpu.memory_space<vmem_shared>>) offsets(%dma_start3A_171 : memref<128xi32, #tpu.memory_space<vmem>>) semaphore(%dma_start3A_176 : memref<!tpu.dma_semaphore, #tpu.memory_space<semaphore_mem>>) {add = true}
        %dma_start3A_177 = arith.constant 1 : i32
        %dma_start3A_178 = arith.constant 1 : i32
        %dma_start3A_179 = arith.constant 3 : i32
        %dma_start3A_180 = arith.constant 1 : i32
        %dma_start3A_181 = arith.constant 1 : i32
        %dma_start3A_182 = arith.constant 384 : i32
        %dma_start3A_183 = arith.constant 0 : i32
        %dma_start3A_184 = tpu.memref_slice %arg7[%dma_start3A_177, %dma_start3A_182, %dma_start3A_183] : memref<2x1280x16xf32, #tpu.memory_space<vmem>> -> memref<1x128x16xf32, #tpu.memory_space<vmem>>
        %dma_start3A_185 = tpu.memref_squeeze %dma_start3A_184 : memref<1x128x16xf32, #tpu.memory_space<vmem>> -> memref<128x16xf32, #tpu.memory_space<vmem>>
        %dma_start3A_186 = arith.constant 0 : i32
        %dma_start3A_187 = tpu.memref_slice %arg6[%dma_start3A_178, %dma_start3A_179, %dma_start3A_180, %dma_start3A_186] : memref<2x10x2x128xi32, #tpu.memory_space<vmem>> -> memref<1x1x1x128xi32, #tpu.memory_space<vmem>>
        %dma_start3A_188 = tpu.memref_squeeze %dma_start3A_187 : memref<1x1x1x128xi32, #tpu.memory_space<vmem>> -> memref<128xi32, #tpu.memory_space<vmem>>
        %dma_start3A_189 = arith.constant 0 : i32
        %dma_start3A_190 = arith.constant 0 : i32
        %dma_start3A_191 = tpu.memref_slice %arg5[%dma_start3A_189, %dma_start3A_190] : memref<50048x16xf32, #tpu.memory_space<vmem_shared>> -> memref<50048x16xf32, #tpu.memory_space<vmem_shared>>
        %dma_start3A_192 = tpu.memref_slice %arg11[%dma_start3A_181] : memref<2x!tpu.dma_semaphore, #tpu.memory_space<semaphore_mem>> -> memref<1x!tpu.dma_semaphore, #tpu.memory_space<semaphore_mem>>
        %dma_start3A_193 = tpu.memref_squeeze %dma_start3A_192 : memref<1x!tpu.dma_semaphore, #tpu.memory_space<semaphore_mem>> -> memref<!tpu.dma_semaphore, #tpu.memory_space<semaphore_mem>>
        tpu.enqueue_indirect_dma source(%dma_start3A_185 : memref<128x16xf32, #tpu.memory_space<vmem>>) target(%dma_start3A_191 : memref<50048x16xf32, #tpu.memory_space<vmem_shared>>) offsets(%dma_start3A_188 : memref<128xi32, #tpu.memory_space<vmem>>) semaphore(%dma_start3A_193 : memref<!tpu.dma_semaphore, #tpu.memory_space<semaphore_mem>>) {add = true}
        %dma_start3A_194 = arith.constant 1 : i32
        %dma_start3A_195 = arith.constant 1 : i32
        %dma_start3A_196 = arith.constant 4 : i32
        %dma_start3A_197 = arith.constant 1 : i32
        %dma_start3A_198 = arith.constant 1 : i32
        %dma_start3A_199 = arith.constant 512 : i32
        %dma_start3A_200 = arith.constant 0 : i32
        %dma_start3A_201 = tpu.memref_slice %arg7[%dma_start3A_194, %dma_start3A_199, %dma_start3A_200] : memref<2x1280x16xf32, #tpu.memory_space<vmem>> -> memref<1x128x16xf32, #tpu.memory_space<vmem>>
        %dma_start3A_202 = tpu.memref_squeeze %dma_start3A_201 : memref<1x128x16xf32, #tpu.memory_space<vmem>> -> memref<128x16xf32, #tpu.memory_space<vmem>>
        %dma_start3A_203 = arith.constant 0 : i32
        %dma_start3A_204 = tpu.memref_slice %arg6[%dma_start3A_195, %dma_start3A_196, %dma_start3A_197, %dma_start3A_203] : memref<2x10x2x128xi32, #tpu.memory_space<vmem>> -> memref<1x1x1x128xi32, #tpu.memory_space<vmem>>
        %dma_start3A_205 = tpu.memref_squeeze %dma_start3A_204 : memref<1x1x1x128xi32, #tpu.memory_space<vmem>> -> memref<128xi32, #tpu.memory_space<vmem>>
        %dma_start3A_206 = arith.constant 0 : i32
        %dma_start3A_207 = arith.constant 0 : i32
        %dma_start3A_208 = tpu.memref_slice %arg5[%dma_start3A_206, %dma_start3A_207] : memref<50048x16xf32, #tpu.memory_space<vmem_shared>> -> memref<50048x16xf32, #tpu.memory_space<vmem_shared>>
        %dma_start3A_209 = tpu.memref_slice %arg11[%dma_start3A_198] : memref<2x!tpu.dma_semaphore, #tpu.memory_space<semaphore_mem>> -> memref<1x!tpu.dma_semaphore, #tpu.memory_space<semaphore_mem>>
        %dma_start3A_210 = tpu.memref_squeeze %dma_start3A_209 : memref<1x!tpu.dma_semaphore, #tpu.memory_space<semaphore_mem>> -> memref<!tpu.dma_semaphore, #tpu.memory_space<semaphore_mem>>
        tpu.enqueue_indirect_dma source(%dma_start3A_202 : memref<128x16xf32, #tpu.memory_space<vmem>>) target(%dma_start3A_208 : memref<50048x16xf32, #tpu.memory_space<vmem_shared>>) offsets(%dma_start3A_205 : memref<128xi32, #tpu.memory_space<vmem>>) semaphore(%dma_start3A_210 : memref<!tpu.dma_semaphore, #tpu.memory_space<semaphore_mem>>) {add = true}
        %dma_start3A_211 = arith.constant 1 : i32
        %dma_start3A_212 = arith.constant 1 : i32
        %dma_start3A_213 = arith.constant 5 : i32
        %dma_start3A_214 = arith.constant 1 : i32
        %dma_start3A_215 = arith.constant 1 : i32
        %dma_start3A_216 = arith.constant 640 : i32
        %dma_start3A_217 = arith.constant 0 : i32
        %dma_start3A_218 = tpu.memref_slice %arg7[%dma_start3A_211, %dma_start3A_216, %dma_start3A_217] : memref<2x1280x16xf32, #tpu.memory_space<vmem>> -> memref<1x128x16xf32, #tpu.memory_space<vmem>>
        %dma_start3A_219 = tpu.memref_squeeze %dma_start3A_218 : memref<1x128x16xf32, #tpu.memory_space<vmem>> -> memref<128x16xf32, #tpu.memory_space<vmem>>
        %dma_start3A_220 = arith.constant 0 : i32
        %dma_start3A_221 = tpu.memref_slice %arg6[%dma_start3A_212, %dma_start3A_213, %dma_start3A_214, %dma_start3A_220] : memref<2x10x2x128xi32, #tpu.memory_space<vmem>> -> memref<1x1x1x128xi32, #tpu.memory_space<vmem>>
        %dma_start3A_222 = tpu.memref_squeeze %dma_start3A_221 : memref<1x1x1x128xi32, #tpu.memory_space<vmem>> -> memref<128xi32, #tpu.memory_space<vmem>>
        %dma_start3A_223 = arith.constant 0 : i32
        %dma_start3A_224 = arith.constant 0 : i32
        %dma_start3A_225 = tpu.memref_slice %arg5[%dma_start3A_223, %dma_start3A_224] : memref<50048x16xf32, #tpu.memory_space<vmem_shared>> -> memref<50048x16xf32, #tpu.memory_space<vmem_shared>>
        %dma_start3A_226 = tpu.memref_slice %arg11[%dma_start3A_215] : memref<2x!tpu.dma_semaphore, #tpu.memory_space<semaphore_mem>> -> memref<1x!tpu.dma_semaphore, #tpu.memory_space<semaphore_mem>>
        %dma_start3A_227 = tpu.memref_squeeze %dma_start3A_226 : memref<1x!tpu.dma_semaphore, #tpu.memory_space<semaphore_mem>> -> memref<!tpu.dma_semaphore, #tpu.memory_space<semaphore_mem>>
        tpu.enqueue_indirect_dma source(%dma_start3A_219 : memref<128x16xf32, #tpu.memory_space<vmem>>) target(%dma_start3A_225 : memref<50048x16xf32, #tpu.memory_space<vmem_shared>>) offsets(%dma_start3A_222 : memref<128xi32, #tpu.memory_space<vmem>>) semaphore(%dma_start3A_227 : memref<!tpu.dma_semaphore, #tpu.memory_space<semaphore_mem>>) {add = true}
        %dma_start3A_228 = arith.constant 1 : i32
        %dma_start3A_229 = arith.constant 1 : i32
        %dma_start3A_230 = arith.constant 6 : i32
        %dma_start3A_231 = arith.constant 1 : i32
        %dma_start3A_232 = arith.constant 1 : i32
        %dma_start3A_233 = arith.constant 768 : i32
        %dma_start3A_234 = arith.constant 0 : i32
        %dma_start3A_235 = tpu.memref_slice %arg7[%dma_start3A_228, %dma_start3A_233, %dma_start3A_234] : memref<2x1280x16xf32, #tpu.memory_space<vmem>> -> memref<1x128x16xf32, #tpu.memory_space<vmem>>
        %dma_start3A_236 = tpu.memref_squeeze %dma_start3A_235 : memref<1x128x16xf32, #tpu.memory_space<vmem>> -> memref<128x16xf32, #tpu.memory_space<vmem>>
        %dma_start3A_237 = arith.constant 0 : i32
        %dma_start3A_238 = tpu.memref_slice %arg6[%dma_start3A_229, %dma_start3A_230, %dma_start3A_231, %dma_start3A_237] : memref<2x10x2x128xi32, #tpu.memory_space<vmem>> -> memref<1x1x1x128xi32, #tpu.memory_space<vmem>>
        %dma_start3A_239 = tpu.memref_squeeze %dma_start3A_238 : memref<1x1x1x128xi32, #tpu.memory_space<vmem>> -> memref<128xi32, #tpu.memory_space<vmem>>
        %dma_start3A_240 = arith.constant 0 : i32
        %dma_start3A_241 = arith.constant 0 : i32
        %dma_start3A_242 = tpu.memref_slice %arg5[%dma_start3A_240, %dma_start3A_241] : memref<50048x16xf32, #tpu.memory_space<vmem_shared>> -> memref<50048x16xf32, #tpu.memory_space<vmem_shared>>
        %dma_start3A_243 = tpu.memref_slice %arg11[%dma_start3A_232] : memref<2x!tpu.dma_semaphore, #tpu.memory_space<semaphore_mem>> -> memref<1x!tpu.dma_semaphore, #tpu.memory_space<semaphore_mem>>
        %dma_start3A_244 = tpu.memref_squeeze %dma_start3A_243 : memref<1x!tpu.dma_semaphore, #tpu.memory_space<semaphore_mem>> -> memref<!tpu.dma_semaphore, #tpu.memory_space<semaphore_mem>>
        tpu.enqueue_indirect_dma source(%dma_start3A_236 : memref<128x16xf32, #tpu.memory_space<vmem>>) target(%dma_start3A_242 : memref<50048x16xf32, #tpu.memory_space<vmem_shared>>) offsets(%dma_start3A_239 : memref<128xi32, #tpu.memory_space<vmem>>) semaphore(%dma_start3A_244 : memref<!tpu.dma_semaphore, #tpu.memory_space<semaphore_mem>>) {add = true}
        %dma_start3A_245 = arith.constant 1 : i32
        %dma_start3A_246 = arith.constant 1 : i32
        %dma_start3A_247 = arith.constant 7 : i32
        %dma_start3A_248 = arith.constant 1 : i32
        %dma_start3A_249 = arith.constant 1 : i32
        %dma_start3A_250 = arith.constant 896 : i32
        %dma_start3A_251 = arith.constant 0 : i32
        %dma_start3A_252 = tpu.memref_slice %arg7[%dma_start3A_245, %dma_start3A_250, %dma_start3A_251] : memref<2x1280x16xf32, #tpu.memory_space<vmem>> -> memref<1x128x16xf32, #tpu.memory_space<vmem>>
        %dma_start3A_253 = tpu.memref_squeeze %dma_start3A_252 : memref<1x128x16xf32, #tpu.memory_space<vmem>> -> memref<128x16xf32, #tpu.memory_space<vmem>>
        %dma_start3A_254 = arith.constant 0 : i32
        %dma_start3A_255 = tpu.memref_slice %arg6[%dma_start3A_246, %dma_start3A_247, %dma_start3A_248, %dma_start3A_254] : memref<2x10x2x128xi32, #tpu.memory_space<vmem>> -> memref<1x1x1x128xi32, #tpu.memory_space<vmem>>
        %dma_start3A_256 = tpu.memref_squeeze %dma_start3A_255 : memref<1x1x1x128xi32, #tpu.memory_space<vmem>> -> memref<128xi32, #tpu.memory_space<vmem>>
        %dma_start3A_257 = arith.constant 0 : i32
        %dma_start3A_258 = arith.constant 0 : i32
        %dma_start3A_259 = tpu.memref_slice %arg5[%dma_start3A_257, %dma_start3A_258] : memref<50048x16xf32, #tpu.memory_space<vmem_shared>> -> memref<50048x16xf32, #tpu.memory_space<vmem_shared>>
        %dma_start3A_260 = tpu.memref_slice %arg11[%dma_start3A_249] : memref<2x!tpu.dma_semaphore, #tpu.memory_space<semaphore_mem>> -> memref<1x!tpu.dma_semaphore, #tpu.memory_space<semaphore_mem>>
        %dma_start3A_261 = tpu.memref_squeeze %dma_start3A_260 : memref<1x!tpu.dma_semaphore, #tpu.memory_space<semaphore_mem>> -> memref<!tpu.dma_semaphore, #tpu.memory_space<semaphore_mem>>
        tpu.enqueue_indirect_dma source(%dma_start3A_253 : memref<128x16xf32, #tpu.memory_space<vmem>>) target(%dma_start3A_259 : memref<50048x16xf32, #tpu.memory_space<vmem_shared>>) offsets(%dma_start3A_256 : memref<128xi32, #tpu.memory_space<vmem>>) semaphore(%dma_start3A_261 : memref<!tpu.dma_semaphore, #tpu.memory_space<semaphore_mem>>) {add = true}
        %dma_start3A_262 = arith.constant 1 : i32
        %dma_start3A_263 = arith.constant 1 : i32
        %dma_start3A_264 = arith.constant 8 : i32
        %dma_start3A_265 = arith.constant 1 : i32
        %dma_start3A_266 = arith.constant 1 : i32
        %dma_start3A_267 = arith.constant 1024 : i32
        %dma_start3A_268 = arith.constant 0 : i32
        %dma_start3A_269 = tpu.memref_slice %arg7[%dma_start3A_262, %dma_start3A_267, %dma_start3A_268] : memref<2x1280x16xf32, #tpu.memory_space<vmem>> -> memref<1x128x16xf32, #tpu.memory_space<vmem>>
        %dma_start3A_270 = tpu.memref_squeeze %dma_start3A_269 : memref<1x128x16xf32, #tpu.memory_space<vmem>> -> memref<128x16xf32, #tpu.memory_space<vmem>>
        %dma_start3A_271 = arith.constant 0 : i32
        %dma_start3A_272 = tpu.memref_slice %arg6[%dma_start3A_263, %dma_start3A_264, %dma_start3A_265, %dma_start3A_271] : memref<2x10x2x128xi32, #tpu.memory_space<vmem>> -> memref<1x1x1x128xi32, #tpu.memory_space<vmem>>
        %dma_start3A_273 = tpu.memref_squeeze %dma_start3A_272 : memref<1x1x1x128xi32, #tpu.memory_space<vmem>> -> memref<128xi32, #tpu.memory_space<vmem>>
        %dma_start3A_274 = arith.constant 0 : i32
        %dma_start3A_275 = arith.constant 0 : i32
        %dma_start3A_276 = tpu.memref_slice %arg5[%dma_start3A_274, %dma_start3A_275] : memref<50048x16xf32, #tpu.memory_space<vmem_shared>> -> memref<50048x16xf32, #tpu.memory_space<vmem_shared>>
        %dma_start3A_277 = tpu.memref_slice %arg11[%dma_start3A_266] : memref<2x!tpu.dma_semaphore, #tpu.memory_space<semaphore_mem>> -> memref<1x!tpu.dma_semaphore, #tpu.memory_space<semaphore_mem>>
        %dma_start3A_278 = tpu.memref_squeeze %dma_start3A_277 : memref<1x!tpu.dma_semaphore, #tpu.memory_space<semaphore_mem>> -> memref<!tpu.dma_semaphore, #tpu.memory_space<semaphore_mem>>
        tpu.enqueue_indirect_dma source(%dma_start3A_270 : memref<128x16xf32, #tpu.memory_space<vmem>>) target(%dma_start3A_276 : memref<50048x16xf32, #tpu.memory_space<vmem_shared>>) offsets(%dma_start3A_273 : memref<128xi32, #tpu.memory_space<vmem>>) semaphore(%dma_start3A_278 : memref<!tpu.dma_semaphore, #tpu.memory_space<semaphore_mem>>) {add = true}
        %dma_start3A_279 = arith.constant 1 : i32
        %dma_start3A_280 = arith.constant 1 : i32
        %dma_start3A_281 = arith.constant 9 : i32
        %dma_start3A_282 = arith.constant 1 : i32
        %dma_start3A_283 = arith.constant 1 : i32
        %dma_start3A_284 = arith.constant 1152 : i32
        %dma_start3A_285 = arith.constant 0 : i32
        %dma_start3A_286 = tpu.memref_slice %arg7[%dma_start3A_279, %dma_start3A_284, %dma_start3A_285] : memref<2x1280x16xf32, #tpu.memory_space<vmem>> -> memref<1x128x16xf32, #tpu.memory_space<vmem>>
        %dma_start3A_287 = tpu.memref_squeeze %dma_start3A_286 : memref<1x128x16xf32, #tpu.memory_space<vmem>> -> memref<128x16xf32, #tpu.memory_space<vmem>>
        %dma_start3A_288 = arith.constant 0 : i32
        %dma_start3A_289 = tpu.memref_slice %arg6[%dma_start3A_280, %dma_start3A_281, %dma_start3A_282, %dma_start3A_288] : memref<2x10x2x128xi32, #tpu.memory_space<vmem>> -> memref<1x1x1x128xi32, #tpu.memory_space<vmem>>
        %dma_start3A_290 = tpu.memref_squeeze %dma_start3A_289 : memref<1x1x1x128xi32, #tpu.memory_space<vmem>> -> memref<128xi32, #tpu.memory_space<vmem>>
        %dma_start3A_291 = arith.constant 0 : i32
        %dma_start3A_292 = arith.constant 0 : i32
        %dma_start3A_293 = tpu.memref_slice %arg5[%dma_start3A_291, %dma_start3A_292] : memref<50048x16xf32, #tpu.memory_space<vmem_shared>> -> memref<50048x16xf32, #tpu.memory_space<vmem_shared>>
        %dma_start3A_294 = tpu.memref_slice %arg11[%dma_start3A_283] : memref<2x!tpu.dma_semaphore, #tpu.memory_space<semaphore_mem>> -> memref<1x!tpu.dma_semaphore, #tpu.memory_space<semaphore_mem>>
        %dma_start3A_295 = tpu.memref_squeeze %dma_start3A_294 : memref<1x!tpu.dma_semaphore, #tpu.memory_space<semaphore_mem>> -> memref<!tpu.dma_semaphore, #tpu.memory_space<semaphore_mem>>
        tpu.enqueue_indirect_dma source(%dma_start3A_287 : memref<128x16xf32, #tpu.memory_space<vmem>>) target(%dma_start3A_293 : memref<50048x16xf32, #tpu.memory_space<vmem_shared>>) offsets(%dma_start3A_290 : memref<128xi32, #tpu.memory_space<vmem>>) semaphore(%dma_start3A_295 : memref<!tpu.dma_semaphore, #tpu.memory_space<semaphore_mem>>) {add = true}
      } else {
      }
    }
    %scan3A_19 = arith.constant 20 : i32
    %add3A_20 = arith.constant 1248 : i32
    %add3A_21 = arith.addi %add3A, %add3A_20 : i32
    %lt3A_22 = arith.constant 1250 : i32
    %lt3A_23 = arith.cmpi slt, %add3A_21, %lt3A_22 : i32
    %convert_element_type3A_24 = arith.extui %lt3A_23 : i1 to i32
    %cond3A_25 = arith.constant 0 : i32
    %cond3A_26 = arith.cmpi ne, %convert_element_type3A_24, %cond3A_25 : i32
    scf.if %cond3A_26 {
      %dma_wait3A = arith.constant 1 : i32
      %dma_wait3A_32 = arith.constant 1 : i32
      %dma_wait3A_33 = arith.constant 0 : i32
      %dma_wait3A_34 = arith.constant 0 : i32
      %dma_wait3A_35 = tpu.memref_slice %arg7[%dma_wait3A, %dma_wait3A_33, %dma_wait3A_34] : memref<2x1280x16xf32, #tpu.memory_space<vmem>> -> memref<1x1280x16xf32, #tpu.memory_space<vmem>>
      %dma_wait3A_36 = tpu.memref_squeeze %dma_wait3A_35 : memref<1x1280x16xf32, #tpu.memory_space<vmem>> -> memref<1280x16xf32, #tpu.memory_space<vmem>>
      %dma_wait3A_37 = arith.constant 0 : i32
      %dma_wait3A_38 = arith.constant 0 : i32
      %dma_wait3A_39 = tpu.memref_slice %arg2[%dma_wait3A_37, %dma_wait3A_38] : memref<50048x16xf32, #tpu.memory_space<hbm>> -> memref<1280x16xf32, #tpu.memory_space<hbm>>
      %dma_wait3A_40 = tpu.memref_slice %arg11[%dma_wait3A_32] : memref<2x!tpu.dma_semaphore, #tpu.memory_space<semaphore_mem>> -> memref<1x!tpu.dma_semaphore, #tpu.memory_space<semaphore_mem>>
      %dma_wait3A_41 = tpu.memref_squeeze %dma_wait3A_40 : memref<1x!tpu.dma_semaphore, #tpu.memory_space<semaphore_mem>> -> memref<!tpu.dma_semaphore, #tpu.memory_space<semaphore_mem>>
      %dma_wait3A_42 = arith.constant 0 : i32
      %dma_wait3A_43 = arith.constant 0 : i32
      %dma_wait3A_44 = tpu.memref_slice %arg7[%dma_wait3A, %dma_wait3A_42, %dma_wait3A_43] : memref<2x1280x16xf32, #tpu.memory_space<vmem>> -> memref<1x1280x16xf32, #tpu.memory_space<vmem>>
      %dma_wait3A_45 = tpu.memref_squeeze %dma_wait3A_44 : memref<1x1280x16xf32, #tpu.memory_space<vmem>> -> memref<1280x16xf32, #tpu.memory_space<vmem>>
      %dma_wait3A_46 = arith.constant 0 : i32
      %dma_wait3A_47 = arith.constant 0 : i32
      %dma_wait3A_48 = tpu.memref_slice %arg2[%dma_wait3A_46, %dma_wait3A_47] : memref<50048x16xf32, #tpu.memory_space<hbm>> -> memref<1280x16xf32, #tpu.memory_space<hbm>>
      tpu.wait_dma2 semaphore(%dma_wait3A_41 : memref<!tpu.dma_semaphore, #tpu.memory_space<semaphore_mem>>) src(%dma_wait3A_48 : memref<1280x16xf32, #tpu.memory_space<hbm>>) dst(%dma_wait3A_45 : memref<1280x16xf32, #tpu.memory_space<vmem>>)
    } else {
    }
    %barrier3A_27 = arith.constant 0 : index
    tpu.barrier barrier_id(%barrier3A_27)
    %mul3A_28 = arith.constant 3128 : i32
    %mul3A_29 = arith.muli %arg1, %mul3A_28 : i32
    %mul3A_30 = arith.constant 3128 : i32
    %mul3A_31 = arith.muli %arg1, %mul3A_30 : i32
    "tpu.region"() ({
      %run_scoped3A = tpu.sem_alloc : memref<!tpu.dma_semaphore, #tpu.memory_space<semaphore_mem>>
      %dma_start3A = arith.constant 0 : i32
      %dma_start3A_32 = tpu.memref_slice %arg4[%arg0, %mul3A_31, %dma_start3A] : memref<2x50048x16xf32, #tpu.memory_space<hbm>> -> memref<1x3128x16xf32, #tpu.memory_space<hbm>>
      %dma_start3A_33 = tpu.memref_squeeze %dma_start3A_32 : memref<1x3128x16xf32, #tpu.memory_space<hbm>> -> memref<3128x16xf32, #tpu.memory_space<hbm>>
      %dma_start3A_34 = arith.constant 0 : i32
      %dma_start3A_35 = tpu.memref_slice %arg5[%mul3A_29, %dma_start3A_34] : memref<50048x16xf32, #tpu.memory_space<vmem_shared>> -> memref<3128x16xf32, #tpu.memory_space<vmem_shared>>
      tpu.enqueue_dma source(%dma_start3A_35 : memref<3128x16xf32, #tpu.memory_space<vmem_shared>>) target(%dma_start3A_33 : memref<3128x16xf32, #tpu.memory_space<hbm>>) target_semaphore(%run_scoped3A : memref<!tpu.dma_semaphore, #tpu.memory_space<semaphore_mem>>)
      %dma_wait3A = arith.constant 0 : i32
      %dma_wait3A_36 = tpu.memref_slice %arg4[%arg0, %mul3A_31, %dma_wait3A] : memref<2x50048x16xf32, #tpu.memory_space<hbm>> -> memref<1x3128x16xf32, #tpu.memory_space<hbm>>
      %dma_wait3A_37 = tpu.memref_squeeze %dma_wait3A_36 : memref<1x3128x16xf32, #tpu.memory_space<hbm>> -> memref<3128x16xf32, #tpu.memory_space<hbm>>
      %dma_wait3A_38 = arith.constant 0 : i32
      %dma_wait3A_39 = tpu.memref_slice %arg5[%mul3A_29, %dma_wait3A_38] : memref<50048x16xf32, #tpu.memory_space<vmem_shared>> -> memref<3128x16xf32, #tpu.memory_space<vmem_shared>>
      tpu.wait_dma2 semaphore(%run_scoped3A : memref<!tpu.dma_semaphore, #tpu.memory_space<semaphore_mem>>) src(%dma_wait3A_39 : memref<3128x16xf32, #tpu.memory_space<vmem_shared>>) dst(%dma_wait3A_37 : memref<3128x16xf32, #tpu.memory_space<hbm>>)
      tpu.yield
    }) : () -> ()
    return
  }
}

module attributes {stable_mosaic.version = 14 : i64} {
  func.func @body(%arg0: i32, %arg1: memref<1433x2048xf32, #tpu.memory_space<vmem>>, %arg2: memref<1433x16xf32, #tpu.memory_space<vmem>>, %arg3: memref<256x128xf32, #tpu.memory_space<vmem>>) attributes {dimension_semantics = [#tpu.dimension_semantics<arbitrary>], iteration_bounds = array<i64: 25>, scalar_prefetch = 0 : i64, scratch_operands = 0 : i64, tpu.core_type = #tpu.core_type<tc>, window_params = [{transform_indices = @transform_0, window_bounds = array<i64: 1433, 2048>}, {pipeline_mode = #tpu.pipeline_mode<synchronous>, transform_indices = @transform_1, window_bounds = array<i64: 1433, 16>}, {transform_indices = @transform_2, window_bounds = array<i64: 256, 128>}]} {
    %get3A = arith.constant 0 : index
    %get3A_0 = arith.constant 0 : index
    %get3A_1 = vector.load %arg1[%get3A, %get3A_0] : memref<1433x2048xf32, #tpu.memory_space<vmem>>, vector<1433x2048xf32>
    %convert_element_type3A = arith.truncf %get3A_1 : vector<1433x2048xf32> to vector<1433x2048xbf16>
    %get3A_2 = arith.constant 0 : index
    %get3A_3 = arith.constant 0 : index
    %get3A_4 = vector.load %arg2[%get3A_2, %get3A_3] : memref<1433x16xf32, #tpu.memory_space<vmem>>, vector<1433x16xf32>
    %convert_element_type3A_5 = arith.truncf %get3A_4 : vector<1433x16xf32> to vector<1433x16xbf16>
    %dot_general3A = arith.constant dense<0.000000e+00> : vector<2048x16xf32>
    %dot_general3A_6 = tpu.matmul %convert_element_type3A, %convert_element_type3A_5, %dot_general3A {dimension_numbers = #tpu.dot_dimension_numbers<[0], [0], [1], [1], [0, 1, 1, 1], [], []>, transpose_lhs_hint = false} : vector<1433x2048xbf16>, vector<1433x16xbf16>, vector<2048x16xf32> -> vector<2048x16xf32>
    %reshape3A = vector.shape_cast %dot_general3A_6 : vector<2048x16xf32> to vector<256x8x16xf32>
    %slice3A = vector.extract_strided_slice %reshape3A {offsets = [0, 0, 0], sizes = [256, 1, 16], strides = [1, 1, 1]} : vector<256x8x16xf32> to vector<256x1x16xf32>
    %squeeze3A = vector.shape_cast %slice3A : vector<256x1x16xf32> to vector<256x16xf32>
    %slice3A_7 = vector.extract_strided_slice %reshape3A {offsets = [0, 1, 0], sizes = [256, 1, 16], strides = [1, 1, 1]} : vector<256x8x16xf32> to vector<256x1x16xf32>
    %squeeze3A_8 = vector.shape_cast %slice3A_7 : vector<256x1x16xf32> to vector<256x16xf32>
    %slice3A_9 = vector.extract_strided_slice %reshape3A {offsets = [0, 2, 0], sizes = [256, 1, 16], strides = [1, 1, 1]} : vector<256x8x16xf32> to vector<256x1x16xf32>
    %squeeze3A_10 = vector.shape_cast %slice3A_9 : vector<256x1x16xf32> to vector<256x16xf32>
    %slice3A_11 = vector.extract_strided_slice %reshape3A {offsets = [0, 3, 0], sizes = [256, 1, 16], strides = [1, 1, 1]} : vector<256x8x16xf32> to vector<256x1x16xf32>
    %squeeze3A_12 = vector.shape_cast %slice3A_11 : vector<256x1x16xf32> to vector<256x16xf32>
    %slice3A_13 = vector.extract_strided_slice %reshape3A {offsets = [0, 4, 0], sizes = [256, 1, 16], strides = [1, 1, 1]} : vector<256x8x16xf32> to vector<256x1x16xf32>
    %squeeze3A_14 = vector.shape_cast %slice3A_13 : vector<256x1x16xf32> to vector<256x16xf32>
    %slice3A_15 = vector.extract_strided_slice %reshape3A {offsets = [0, 5, 0], sizes = [256, 1, 16], strides = [1, 1, 1]} : vector<256x8x16xf32> to vector<256x1x16xf32>
    %squeeze3A_16 = vector.shape_cast %slice3A_15 : vector<256x1x16xf32> to vector<256x16xf32>
    %slice3A_17 = vector.extract_strided_slice %reshape3A {offsets = [0, 6, 0], sizes = [256, 1, 16], strides = [1, 1, 1]} : vector<256x8x16xf32> to vector<256x1x16xf32>
    %squeeze3A_18 = vector.shape_cast %slice3A_17 : vector<256x1x16xf32> to vector<256x16xf32>
    %slice3A_19 = vector.extract_strided_slice %reshape3A {offsets = [0, 7, 0], sizes = [256, 1, 16], strides = [1, 1, 1]} : vector<256x8x16xf32> to vector<256x1x16xf32>
    %squeeze3A_20 = vector.shape_cast %slice3A_19 : vector<256x1x16xf32> to vector<256x16xf32>
    %concatenate3A = tpu.concatenate %squeeze3A, %squeeze3A_8, %squeeze3A_10, %squeeze3A_12, %squeeze3A_14, %squeeze3A_16, %squeeze3A_18, %squeeze3A_20 in 1 : vector<256x16xf32>, vector<256x16xf32>, vector<256x16xf32>, vector<256x16xf32>, vector<256x16xf32>, vector<256x16xf32>, vector<256x16xf32>, vector<256x16xf32> -> vector<256x128xf32>
    %swap3A = arith.constant 0 : index
    %swap3A_21 = arith.constant 0 : index
    %swap3A_22 = vector.load %arg3[%swap3A, %swap3A_21] : memref<256x128xf32, #tpu.memory_space<vmem>>, vector<256x128xf32>
    tpu.vector_store %arg3[%swap3A, %swap3A_21], %concatenate3A {strides = array<i32>} : memref<256x128xf32, #tpu.memory_space<vmem>>, vector<256x128xf32>,
    return
  }
  func.func @transform_0(%arg0: i32) -> (i32, i32) {
    %c0_i32 = arith.constant 0 : i32
    %c0_i32_0 = arith.constant 0 : i32
    return %c0_i32, %arg0 : i32, i32
  }
  func.func @transform_1(%arg0: i32) -> (i32, i32) {
    %c0_i32 = arith.constant 0 : i32
    %c0_i32_0 = arith.constant 0 : i32
    %c0_i32_1 = arith.constant 0 : i32
    return %c0_i32, %c0_i32_0 : i32, i32
  }
  func.func @transform_2(%arg0: i32) -> (i32, i32) {
    %c0_i32 = arith.constant 0 : i32
    %c0_i32_0 = arith.constant 0 : i32
    return %arg0, %c0_i32 : i32, i32
  }
}

module attributes {stable_mosaic.version = 14 : i64} {
  func.func @body(%arg0: memref<12512x128xf32, #tpu.memory_space<vmem>>, %arg1: memref<12512x128xf32, #tpu.memory_space<vmem>>, %arg2: memref<128x2048xf32, #tpu.memory_space<vmem>>, %arg3: memref<6256x128xf32, #tpu.memory_space<vmem>>, %arg4: memref<6256x128xf32, #tpu.memory_space<vmem>>) attributes {dimension_semantics = [], scalar_prefetch = 0 : i64, scratch_operands = 0 : i64, tpu.core_type = #tpu.core_type<tc>} {
    %get3A = arith.constant 0 : index
    %get3A_0 = arith.constant 0 : index
    %get3A_1 = vector.load %arg0[%get3A, %get3A_0] : memref<12512x128xf32, #tpu.memory_space<vmem>>, vector<12512x128xf32>
    %reshape3A = vector.shape_cast %get3A_1 : vector<12512x128xf32> to vector<32x391x128xf32>
    %reduce_sum3A = arith.constant dense<0.000000e+00> : vector<391x128xf32>
    %reduce_sum3A_2 = vector.multi_reduction <add>, %reshape3A, %reduce_sum3A [0] : vector<32x391x128xf32> to vector<391x128xf32>
    %get3A_3 = arith.constant 0 : index
    %get3A_4 = arith.constant 0 : index
    %get3A_5 = vector.load %arg1[%get3A_3, %get3A_4] : memref<12512x128xf32, #tpu.memory_space<vmem>>, vector<12512x128xf32>
    %reshape3A_6 = vector.shape_cast %get3A_5 : vector<12512x128xf32> to vector<32x391x128xf32>
    %reduce_sum3A_7 = arith.constant dense<0.000000e+00> : vector<391x128xf32>
    %reduce_sum3A_8 = vector.multi_reduction <add>, %reshape3A_6, %reduce_sum3A_7 [0] : vector<32x391x128xf32> to vector<391x128xf32>
    %get3A_9 = arith.constant 0 : index
    %get3A_10 = arith.constant 0 : index
    %get3A_11 = vector.load %arg2[%get3A_9, %get3A_10] : memref<128x2048xf32, #tpu.memory_space<vmem>>, vector<128x2048xf32>
    %max3A = arith.constant 1.000000e+00 : f32
    %max3A_12 = vector.broadcast %max3A : f32 to vector<391x128xf32>
    %max3A_13 = arith.maximumf %reduce_sum3A_2, %max3A_12 : vector<391x128xf32>
    %rsqrt3A = math.rsqrt %max3A_13 : vector<391x128xf32>
    %dot_general3A = arith.constant dense<0.000000e+00> : vector<391x2048xf32>
    %dot_general3A_14 = tpu.matmul %rsqrt3A, %get3A_11, %dot_general3A {dimension_numbers = #tpu.dot_dimension_numbers<[1], [0], [0], [1], [0, 0, 1, 1], [], []>, transpose_lhs_hint = false} : vector<391x128xf32>, vector<128x2048xf32>, vector<391x2048xf32> -> vector<391x2048xf32>
    %reshape3A_15 = vector.shape_cast %dot_general3A_14 : vector<391x2048xf32> to vector<391x16x128xf32>
    %reshape3A_16 = vector.shape_cast %reshape3A_15 : vector<391x16x128xf32> to vector<6256x128xf32>
    %swap3A = arith.constant 0 : index
    %swap3A_17 = arith.constant 0 : index
    %swap3A_18 = vector.load %arg3[%swap3A, %swap3A_17] : memref<6256x128xf32, #tpu.memory_space<vmem>>, vector<6256x128xf32>
    tpu.vector_store %arg3[%swap3A, %swap3A_17], %reshape3A_16 {strides = array<i32>} : memref<6256x128xf32, #tpu.memory_space<vmem>>, vector<6256x128xf32>,
    %max3A_19 = arith.constant 1.000000e+00 : f32
    %max3A_20 = vector.broadcast %max3A_19 : f32 to vector<391x128xf32>
    %max3A_21 = arith.maximumf %reduce_sum3A_8, %max3A_20 : vector<391x128xf32>
    %rsqrt3A_22 = math.rsqrt %max3A_21 : vector<391x128xf32>
    %dot_general3A_23 = arith.constant dense<0.000000e+00> : vector<391x2048xf32>
    %dot_general3A_24 = tpu.matmul %rsqrt3A_22, %get3A_11, %dot_general3A_23 {dimension_numbers = #tpu.dot_dimension_numbers<[1], [0], [0], [1], [0, 0, 1, 1], [], []>, transpose_lhs_hint = false} : vector<391x128xf32>, vector<128x2048xf32>, vector<391x2048xf32> -> vector<391x2048xf32>
    %reshape3A_25 = vector.shape_cast %dot_general3A_24 : vector<391x2048xf32> to vector<391x16x128xf32>
    %reshape3A_26 = vector.shape_cast %reshape3A_25 : vector<391x16x128xf32> to vector<6256x128xf32>
    %swap3A_27 = arith.constant 0 : index
    %swap3A_28 = arith.constant 0 : index
    %swap3A_29 = vector.load %arg4[%swap3A_27, %swap3A_28] : memref<6256x128xf32, #tpu.memory_space<vmem>>, vector<6256x128xf32>
    tpu.vector_store %arg4[%swap3A_27, %swap3A_28], %reshape3A_26 {strides = array<i32>} : memref<6256x128xf32, #tpu.memory_space<vmem>>, vector<6256x128xf32>,
    return
  }
}

module attributes {stable_mosaic.version = 14 : i64} {
  func.func @body(%arg0: memref<6256x128xf32, #tpu.memory_space<vmem>>, %arg1: memref<6256x128xf32, #tpu.memory_space<vmem>>, %arg2: memref<6256x128xf32, #tpu.memory_space<vmem>>) attributes {dimension_semantics = [], scalar_prefetch = 0 : i64, scratch_operands = 0 : i64, tpu.core_type = #tpu.core_type<tc>} {
    %get3A = arith.constant 0 : index
    %get3A_0 = arith.constant 0 : index
    %get3A_1 = vector.load %arg0[%get3A, %get3A_0] : memref<6256x128xf32, #tpu.memory_space<vmem>>, vector<6256x128xf32>
    %get3A_2 = arith.constant 0 : index
    %get3A_3 = arith.constant 0 : index
    %get3A_4 = vector.load %arg1[%get3A_2, %get3A_3] : memref<6256x128xf32, #tpu.memory_space<vmem>>, vector<6256x128xf32>
    %mul3A = arith.mulf %get3A_1, %get3A_4 : vector<6256x128xf32>
    %swap3A = arith.constant 0 : index
    %swap3A_5 = arith.constant 0 : index
    %swap3A_6 = vector.load %arg2[%swap3A, %swap3A_5] : memref<6256x128xf32, #tpu.memory_space<vmem>>, vector<6256x128xf32>
    tpu.vector_store %arg2[%swap3A, %swap3A_5], %mul3A {strides = array<i32>} : memref<6256x128xf32, #tpu.memory_space<vmem>>, vector<6256x128xf32>,
    return
  }
}

module attributes {stable_mosaic.version = 14 : i64} {
  func.func @body(%arg0: memref<12512x128xf32, #tpu.memory_space<vmem>>, %arg1: memref<6256x128xf32, #tpu.memory_space<vmem>>, %arg2: memref<6256x128xf32, #tpu.memory_space<vmem>>, %arg3: memref<1x128xf32, #tpu.memory_space<vmem>>, %arg4: memref<6256x128xf32, #tpu.memory_space<vmem>>) attributes {dimension_semantics = [], scalar_prefetch = 0 : i64, scratch_operands = 0 : i64, tpu.core_type = #tpu.core_type<tc>} {
    %get3A = arith.constant 0 : index
    %get3A_0 = arith.constant 0 : index
    %get3A_1 = vector.load %arg0[%get3A, %get3A_0] : memref<12512x128xf32, #tpu.memory_space<vmem>>, vector<12512x128xf32>
    %reshape3A = vector.shape_cast %get3A_1 : vector<12512x128xf32> to vector<2x6256x128xf32>
    %slice3A = vector.extract_strided_slice %reshape3A {offsets = [0, 0, 0], sizes = [1, 6256, 128], strides = [1, 1, 1]} : vector<2x6256x128xf32> to vector<1x6256x128xf32>
    %squeeze3A = vector.shape_cast %slice3A : vector<1x6256x128xf32> to vector<6256x128xf32>
    %slice3A_2 = vector.extract_strided_slice %reshape3A {offsets = [1, 0, 0], sizes = [1, 6256, 128], strides = [1, 1, 1]} : vector<2x6256x128xf32> to vector<1x6256x128xf32>
    %squeeze3A_3 = vector.shape_cast %slice3A_2 : vector<1x6256x128xf32> to vector<6256x128xf32>
    %add3A = arith.addf %squeeze3A, %squeeze3A_3 : vector<6256x128xf32>
    %get3A_4 = arith.constant 0 : index
    %get3A_5 = arith.constant 0 : index
    %get3A_6 = vector.load %arg2[%get3A_4, %get3A_5] : memref<6256x128xf32, #tpu.memory_space<vmem>>, vector<6256x128xf32>
    %mul3A = arith.mulf %add3A, %get3A_6 : vector<6256x128xf32>
    %get3A_7 = arith.constant 0 : index
    %get3A_8 = arith.constant 0 : index
    %get3A_9 = vector.load %arg3[%get3A_7, %get3A_8] : memref<1x128xf32, #tpu.memory_space<vmem>>, vector<1x128xf32>
    %add3A_10 = vector.broadcast %get3A_9 : vector<1x128xf32> to vector<6256x128xf32>
    %add3A_11 = arith.addf %mul3A, %add3A_10 : vector<6256x128xf32>
    %max3A = arith.constant 0.000000e+00 : f32
    %max3A_12 = vector.broadcast %max3A : f32 to vector<6256x128xf32>
    %max3A_13 = arith.maximumf %add3A_11, %max3A_12 : vector<6256x128xf32>
    %get3A_14 = arith.constant 0 : index
    %get3A_15 = arith.constant 0 : index
    %get3A_16 = vector.load %arg1[%get3A_14, %get3A_15] : memref<6256x128xf32, #tpu.memory_space<vmem>>, vector<6256x128xf32>
    %mul3A_17 = arith.mulf %max3A_13, %get3A_16 : vector<6256x128xf32>
    %swap3A = arith.constant 0 : index
    %swap3A_18 = arith.constant 0 : index
    %swap3A_19 = vector.load %arg4[%swap3A, %swap3A_18] : memref<6256x128xf32, #tpu.memory_space<vmem>>, vector<6256x128xf32>
    tpu.vector_store %arg4[%swap3A, %swap3A_18], %mul3A_17 {strides = array<i32>} : memref<6256x128xf32, #tpu.memory_space<vmem>>, vector<6256x128xf32>,
    return
  }
}

module attributes {stable_mosaic.version = 14 : i64} {
  func.func @body(%arg0: i32, %arg1: memref<368x128xf32, #tpu.memory_space<vmem>>, %arg2: memref<368x128xf32, #tpu.memory_space<vmem>>, %arg3: memref<368x128xf32, #tpu.memory_space<vmem>>, %arg4: memref<16x7xf32, #tpu.memory_space<vmem>>, %arg5: memref<1x7xf32, #tpu.memory_space<vmem>>, %arg6: memref<7x2944xf32, #tpu.memory_space<vmem>>) attributes {dimension_semantics = [#tpu.dimension_semantics<arbitrary>], iteration_bounds = array<i64: 17>, scalar_prefetch = 0 : i64, scratch_operands = 0 : i64, tpu.core_type = #tpu.core_type<tc>, window_params = [{transform_indices = @transform_0, window_bounds = array<i64: 368, 128>}, {transform_indices = @transform_1, window_bounds = array<i64: 368, 128>}, {transform_indices = @transform_2, window_bounds = array<i64: 368, 128>}, {pipeline_mode = #tpu.pipeline_mode<synchronous>, transform_indices = @transform_3, window_bounds = array<i64: 16, 7>}, {pipeline_mode = #tpu.pipeline_mode<synchronous>, transform_indices = @transform_4, window_bounds = array<i64: 1, 7>}, {transform_indices = @transform_5, window_bounds = array<i64: 7, 2944>}]} {
    %get3A = arith.constant 0 : index
    %get3A_0 = arith.constant 0 : index
    %get3A_1 = vector.load %arg1[%get3A, %get3A_0] : memref<368x128xf32, #tpu.memory_space<vmem>>, vector<368x128xf32>
    %get3A_2 = arith.constant 0 : index
    %get3A_3 = arith.constant 0 : index
    %get3A_4 = vector.load %arg2[%get3A_2, %get3A_3] : memref<368x128xf32, #tpu.memory_space<vmem>>, vector<368x128xf32>
    %add3A = arith.addf %get3A_1, %get3A_4 : vector<368x128xf32>
    %get3A_5 = arith.constant 0 : index
    %get3A_6 = arith.constant 0 : index
    %get3A_7 = vector.load %arg3[%get3A_5, %get3A_6] : memref<368x128xf32, #tpu.memory_space<vmem>>, vector<368x128xf32>
    %mul3A = arith.mulf %add3A, %get3A_7 : vector<368x128xf32>
    %slice3A = vector.extract_strided_slice %mul3A {offsets = [0, 0], sizes = [368, 16], strides = [1, 1]} : vector<368x128xf32> to vector<368x16xf32>
    %slice3A_8 = vector.extract_strided_slice %mul3A {offsets = [0, 16], sizes = [368, 16], strides = [1, 1]} : vector<368x128xf32> to vector<368x16xf32>
    %slice3A_9 = vector.extract_strided_slice %mul3A {offsets = [0, 32], sizes = [368, 16], strides = [1, 1]} : vector<368x128xf32> to vector<368x16xf32>
    %slice3A_10 = vector.extract_strided_slice %mul3A {offsets = [0, 48], sizes = [368, 16], strides = [1, 1]} : vector<368x128xf32> to vector<368x16xf32>
    %slice3A_11 = vector.extract_strided_slice %mul3A {offsets = [0, 64], sizes = [368, 16], strides = [1, 1]} : vector<368x128xf32> to vector<368x16xf32>
    %slice3A_12 = vector.extract_strided_slice %mul3A {offsets = [0, 80], sizes = [368, 16], strides = [1, 1]} : vector<368x128xf32> to vector<368x16xf32>
    %slice3A_13 = vector.extract_strided_slice %mul3A {offsets = [0, 96], sizes = [368, 16], strides = [1, 1]} : vector<368x128xf32> to vector<368x16xf32>
    %slice3A_14 = vector.extract_strided_slice %mul3A {offsets = [0, 112], sizes = [368, 16], strides = [1, 1]} : vector<368x128xf32> to vector<368x16xf32>
    %stack3A = vector.shape_cast %slice3A : vector<368x16xf32> to vector<368x1x16xf32>
    %stack3A_15 = vector.shape_cast %slice3A_8 : vector<368x16xf32> to vector<368x1x16xf32>
    %stack3A_16 = vector.shape_cast %slice3A_9 : vector<368x16xf32> to vector<368x1x16xf32>
    %stack3A_17 = vector.shape_cast %slice3A_10 : vector<368x16xf32> to vector<368x1x16xf32>
    %stack3A_18 = vector.shape_cast %slice3A_11 : vector<368x16xf32> to vector<368x1x16xf32>
    %stack3A_19 = vector.shape_cast %slice3A_12 : vector<368x16xf32> to vector<368x1x16xf32>
    %stack3A_20 = vector.shape_cast %slice3A_13 : vector<368x16xf32> to vector<368x1x16xf32>
    %stack3A_21 = vector.shape_cast %slice3A_14 : vector<368x16xf32> to vector<368x1x16xf32>
    %stack3A_22 = tpu.concatenate %stack3A, %stack3A_15, %stack3A_16, %stack3A_17, %stack3A_18, %stack3A_19, %stack3A_20, %stack3A_21 in 1 : vector<368x1x16xf32>, vector<368x1x16xf32>, vector<368x1x16xf32>, vector<368x1x16xf32>, vector<368x1x16xf32>, vector<368x1x16xf32>, vector<368x1x16xf32>, vector<368x1x16xf32> -> vector<368x8x16xf32>
    %reshape3A = vector.shape_cast %stack3A_22 : vector<368x8x16xf32> to vector<2944x16xf32>
    %get3A_23 = arith.constant 0 : index
    %get3A_24 = arith.constant 0 : index
    %get3A_25 = vector.load %arg4[%get3A_23, %get3A_24] : memref<16x7xf32, #tpu.memory_space<vmem>>, vector<16x7xf32>
    %dot_general3A = arith.constant dense<0.000000e+00> : vector<7x2944xf32>
    %dot_general3A_26 = tpu.matmul %get3A_25, %reshape3A, %dot_general3A {dimension_numbers = #tpu.dot_dimension_numbers<[0], [1], [1], [0], [0, 1, 1, 0], [], []>, transpose_lhs_hint = false} : vector<16x7xf32>, vector<2944x16xf32>, vector<7x2944xf32> -> vector<7x2944xf32>
    %get3A_27 = arith.constant 0 : index
    %get3A_28 = arith.constant 0 : index
    %get3A_29 = vector.load %arg5[%get3A_27, %get3A_28] : memref<1x7xf32, #tpu.memory_space<vmem>>, vector<1x7xf32>
    %reshape3A_30 = vector.shape_cast %get3A_29 : vector<1x7xf32> to vector<7x1xf32>
    %add3A_31 = vector.broadcast %reshape3A_30 : vector<7x1xf32> to vector<7x2944xf32>
    %add3A_32 = arith.addf %dot_general3A_26, %add3A_31 : vector<7x2944xf32>
    %swap3A = arith.constant 0 : index
    %swap3A_33 = arith.constant 0 : index
    %swap3A_34 = vector.load %arg6[%swap3A, %swap3A_33] : memref<7x2944xf32, #tpu.memory_space<vmem>>, vector<7x2944xf32>
    tpu.vector_store %arg6[%swap3A, %swap3A_33], %add3A_32 {strides = array<i32>} : memref<7x2944xf32, #tpu.memory_space<vmem>>, vector<7x2944xf32>,
    return
  }
  func.func @transform_0(%arg0: i32) -> (i32, i32) {
    %c0_i32 = arith.constant 0 : i32
    %c0_i32_0 = arith.constant 0 : i32
    return %arg0, %c0_i32 : i32, i32
  }
  func.func @transform_1(%arg0: i32) -> (i32, i32) {
    %add3A = arith.constant 17 : i32
    %add3A_0 = arith.addi %arg0, %add3A : i32
    %c0_i32 = arith.constant 0 : i32
    %c0_i32_1 = arith.constant 0 : i32
    return %add3A_0, %c0_i32 : i32, i32
  }
  func.func @transform_2(%arg0: i32) -> (i32, i32) {
    %c0_i32 = arith.constant 0 : i32
    %c0_i32_0 = arith.constant 0 : i32
    return %arg0, %c0_i32 : i32, i32
  }
  func.func @transform_3(%arg0: i32) -> (i32, i32) {
    %c0_i32 = arith.constant 0 : i32
    %c0_i32_0 = arith.constant 0 : i32
    %c0_i32_1 = arith.constant 0 : i32
    return %c0_i32, %c0_i32_0 : i32, i32
  }
  func.func @transform_4(%arg0: i32) -> (i32, i32) {
    %c0_i32 = arith.constant 0 : i32
    %c0_i32_0 = arith.constant 0 : i32
    %c0_i32_1 = arith.constant 0 : i32
    return %c0_i32, %c0_i32_0 : i32, i32
  }
  func.func @transform_5(%arg0: i32) -> (i32, i32) {
    %c0_i32 = arith.constant 0 : i32
    %c0_i32_0 = arith.constant 0 : i32
    return %c0_i32, %arg0 : i32, i32
  }
}

</mosaic_0001>

<sc_bundles>
// kernel: kernel.10.cloned.1.call-start
scs
__scs_entry_jumppad:
0x0: {  	(pc) =	sbr.rel $0x88, $3  }
0x1: {  	(tag) =	ssettag $0x0;
	lr =	simm.s32 $0x1  }
0x2: {  	[smem:$0x3F9B] =	sst lr;
	_ =	strace $0xD0000000  }
0x3: {  	_ = 	snop  }
0x4: {  	_ = 	snop  }
0x5: {  	_ = 	snop  }
0x6: {  	_ = 	snop  }
0x7: {  	_ = 	snop  }
__scs_overlays_trampoline_lowered:
0x8: {  	[smem:$0x3FAA] =	sst s0  }
0x9: {  	[smem:$0x3FAB] =	sst s1  }
0xa: {  	[smem:$0x3FAC] =	sst s2  }
0xb: {  	[smem:$0x3FAD] =	sst s3  }
0xc: {  	[smem:$0x3FAE] =	sst s4  }
0xd: {  	[smem:$0x3FAF] =	sst s5  }
0xe: {  	[smem:$0x3FB0] =	sst s6  }
0xf: {  	[smem:$0x3FB1] =	sst s7  }
0x10: {  	[smem:$0x3FB2] =	sst s8  }
0x11: {  	[smem:$0x3FB3] =	sst s9;
	s0 =	simm.s32 @!p0 $0x0  }
0x12: {  	s1 =	sld [smem:$0x3F99];
	s0 =	simm.s32 @p0 $0x1  }
0x13: {  	[smem:$0x3FB4] =	sst s0;
	s0 =	simm.s32 @!p1 $0x0  }
0x14: {  	s2 =	sld [smem:$0x3F98];
	s0 =	simm.s32 @p1 $0x1  }
0x15: {  	[smem:$0x3FB5] =	sst s0;
	s0 =	simm.s32 @!p2 $0x0  }
0x16: {  	s3 =	sld [smem:$0x3FDB];
	s0 =	simm.s32 @p2 $0x1  }
0x17: {  	s4 =	simm.s32 $0x1BF5;
	[smem:$0x3FB7] =	sst s0  }
0x18: {  	s0 =	sld [smem:$0x3F9A];
	_ =	swait.ge [sflag:s4], $0x0  }
0x19: {  	s7 =	sld [smem:$0x3F9B]  }
0x1a: {  	s8 =	sadd.s32 $0xFFFFE003, lr  }
0x1b: {  	s9 =	sadd.s32 $0xFFFFFEF7, lr;
	s5 =	simm.s32 $0xFFFFFFFF;
	p2 =	slt.u32 s8, $0xFFFFF086  }
0x1c: {  	p1 =	slt.u32 s9, $0xF7A;
	s5 =	simm.s32 @!p2 $0x0  }
0x1d: {  	s5 =	simm.s32 @p1 $0x1;
	p0 =	seq.s32 s7, s2  }
0x1e: {  	s7 =	smul.u32 @!p0 $0xF7A, s2;
	p2 =	seq.s32 @!p0 s5, $0x0  }
0x1f: {  	s9 =	smul.u32 $0xF7A, s1;
	s8 =	simm.s32 @!p0 $0x1BF5;
	p2 =	por !p2, p0  }
0x20: {  	[sflag:s8] =	ssyncset.s32 @!p0 $0xFFFFF086;
	s6 =	sadd.s32 @!p0 s3, s7;
	s7 =	simm.s32 @!p0 $0x108  }
0x21: {  	s3 =	sadd.s32 s3, s9;
	s6 =	sadd.s32 @!p0 $0x88, s6;
	s7 =	simm.s32 @p2 $0x1082  }
0x22: {  	[simem:s7], [sflag:s8] =	dma.local @!p0 [hbm:s6], $0xF7A  }
0x23: {  	s9 =	sor.u32 $0xD0000000, s2;
	s6 =	simm.s32 $0x108;
	_ =	swait.ge @!p0 [sflag:s8], $0x0  }
0x24: {  	s3 =	sadd.s32 $0x88, s3;
	s6 =	simm.s32 @!p1 $0x1082;
	[sflag:s4] =	ssyncset.s32 $0xFFFFF086  }
0x25: {  	[simem:s6], [sflag:s4] =	dma.local [hbm:s3], $0xF7A  }
0x26: {  	[smem:$0x3F9B] =	sst s1;
	(tag) =	ssettag s2;
	_ =	strace s9  }
0x27: {  	s1 =	sld [smem:$0x3FAB]  }
0x28: {  	s2 =	sld [smem:$0x3FAC]  }
0x29: {  	s4 =	sld [smem:$0x3FAE]  }
0x2a: {  	p0 =	seq.s32 s5, $0x0;
	s5 =	sld [smem:$0x3FAF]  }
0x2b: {  	s6 =	sld [smem:$0x3FB0]  }
0x2c: {  	s7 =	sld [smem:$0x3FB1]  }
0x2d: {  	s3 =	simm.s32 $0x108;
	s8 =	sld [smem:$0x3FB2]  }
0x2e: {  	s3 =	simm.s32 @!p0 $0x1082;
	s9 =	sld [smem:$0x3FB3]  }
0x2f: {  	lr =	sadd.s32 s0, s3;
	s0 =	sld [smem:$0x3FAA]  }
0x30: {  	s3 =	sld [smem:$0x3FAD]  }
0x31: {  	[smem:$0x3FB6] =	sst s10  }
0x32: {  	s10 =	sld [smem:$0x3FB4];
	_ =	sdelay $0x3  }
0x33: {  	p0 =	seq.s32 s10, $0x1;
	s10 =	sld [smem:$0x3FB6];
	_ =	sdelay $0x3  }
0x34: {  	[smem:$0x3FB6] =	sst s10  }
0x35: {  	s10 =	sld [smem:$0x3FB5];
	_ =	sdelay $0x3  }
0x36: {  	p1 =	seq.s32 s10, $0x1;
	s10 =	sld [smem:$0x3FB6];
	_ =	sdelay $0x3  }
0x37: {  	[smem:$0x3FB6] =	sst s10  }
0x38: {  	s10 =	sld [smem:$0x3FB7]  }
0x39: {  	_ = 	snop;
	(pc) =	sbr.ind lr, $3  }
0x3a: {  	_ = 	snop  }
0x3b: {  	_ = 	snop  }
0x3c: {  	p2 =	seq.s32 s10, $0x1;
	s10 =	sld [smem:$0x3FB6]  }
0x3d: {  	_ =	shalt  }
0x3e: {  	_ =	shalt  }
0x3f: {  	_ =	shalt  }
0x40: {  	_ =	shalt  }
0x41: {  	_ =	shalt  }
0x42: {  	_ =	shalt  }
0x43: {  	_ =	shalt  }
0x44: {  	_ =	shalt  }
0x45: {  	_ =	shalt  }
0x46: {  	_ =	shalt  }
0x47: {  	_ =	shalt  }
0x48: {  	_ =	shalt  }
0x49: {  	_ =	shalt  }
0x4a: {  	_ =	shalt  }
0x4b: {  	_ =	shalt  }
0x4c: {  	_ =	shalt  }
0x4d: {  	_ =	shalt  }
0x4e: {  	_ =	shalt  }
0x4f: {  	_ =	shalt  }
0x50: {  	_ =	shalt  }
0x51: {  	_ =	shalt  }
0x52: {  	_ =	shalt  }
0x53: {  	_ =	shalt  }
0x54: {  	_ =	shalt  }
0x55: {  	_ =	shalt  }
0x56: {  	_ =	shalt  }
0x57: {  	_ =	shalt  }
0x58: {  	_ =	shalt  }
0x59: {  	_ =	shalt  }
0x5a: {  	_ =	shalt  }
0x5b: {  	_ =	shalt  }
0x5c: {  	_ =	shalt  }
0x5d: {  	_ =	shalt  }
0x5e: {  	_ =	shalt  }
0x5f: {  	_ =	shalt  }
0x60: {  	_ =	shalt  }
0x61: {  	_ =	shalt  }
0x62: {  	_ =	shalt  }
0x63: {  	_ =	shalt  }
0x64: {  	_ =	shalt  }
0x65: {  	_ =	shalt  }
0x66: {  	_ =	shalt  }
0x67: {  	_ =	shalt  }
0x68: {  	_ =	shalt  }
0x69: {  	_ =	shalt  }
0x6a: {  	_ =	shalt  }
0x6b: {  	_ =	shalt  }
0x6c: {  	_ =	shalt  }
0x6d: {  	_ =	shalt  }
0x6e: {  	_ =	shalt  }
0x6f: {  	_ =	shalt  }
0x70: {  	_ =	shalt  }
0x71: {  	_ =	shalt  }
0x72: {  	_ =	shalt  }
0x73: {  	_ =	shalt  }
0x74: {  	_ =	shalt  }
0x75: {  	_ =	shalt  }
0x76: {  	_ =	shalt  }
0x77: {  	_ =	shalt  }
0x78: {  	_ =	shalt  }
0x79: {  	_ =	shalt  }
0x7a: {  	_ =	shalt  }
0x7b: {  	_ =	shalt  }
0x7c: {  	_ =	shalt  }
0x7d: {  	_ =	shalt  }
0x7e: {  	_ =	shalt  }
0x7f: {  	_ =	shalt  }
0x80: {  	_ =	shalt  }
0x81: {  	_ =	shalt  }
0x82: {  	_ =	shalt  }
0x83: {  	_ =	shalt  }
0x84: {  	_ =	shalt  }
0x85: {  	_ =	shalt  }
0x86: {  	_ =	shalt  }
0x87: {  	_ =	shalt  }
.Lfunc_end0:
.L_simem_size_0:
called_computation_lowered:
.L_overlay_start_0:
0x88: {  	s2 =	sld [smem:$0x3FD9]  }
0x89: {  	s3 =	sld [smem:$0x3FFE];
	_ =	sdelay $0x1  }
0x8a: {  	s1 =	srdreg.scid  }
0x8b: {  	s0 =	sand.u32 $0x1, s1  }
0x8c: {  	s17 =	sshll.u32 s0, $0xA;
	s2 =	sadd.s32 s3, s2  }
0x8d: {  	s2 =	sadd.s32 s2, s17  }
0x8e: {  	[smem:$0x3FC2] =	sst s2  }
0x8f: {  	_ = 	snop  }
0x90: {  	s2 =	sld [smem:$0x3FC8];
	(tm) =	ssettm $0x1  }
0x91: {  	s18 =	sld [smem:$0x3FFB];
	_ =	sdelay $0x3  }
0x92: {  	_ =	strace s18  }
0x93: {  	s3 =	sld [smem:$0x3FFC];
	_ =	sdelay $0x3  }
0x94: {  	_ =	strace s3  }
0x95: {  	s3 =	sld [smem:$0x3FFD];
	_ =	sdelay $0x3  }
0x96: {  	_ =	strace s3  }
0x97: {  	_ =	strace $0x8FFFFFFF  }
0x98: {  	s19 =	sld [smem:$0x3FDB];
	_ =	sdelay $0x1  }
0x99: {  	s4 =	simm.s32 $_scs_section_size  }
0x9a: {  	s5 =	simm.s32 $_size__tile_overlayer_lowered;
	s6 =	simm.s32 $_tile_overlayer_lowered  }
0x9b: {  	s22 =	simm.s32 $0x1BFF;
	s21 =	sshll.u32 s6, $0x1;
	s3 =	sadd.s32 s4, s19  }
0x9c: {  	s7 =	simm.s32 $0x0;
	s20 =	sshll.u32 s5, $0x1;
	s5 =	sadd.s32 s21, s3  }
0x9d: {  	[timem:s7], [sflag:s22] =	dma.local [hbm:s5], s20  }
0x9e: {  	_ =	swait.ge [sflag:s22], s20  }
0x9f: {  	s4 =	ssub.s32 $0x0, s20;
	[sflag:s22] =	ssyncset.done $0x0  }
0xa0: {  	[sflag:s22] =	ssyncadd.s32 s4;
	_ =	sdelay $0x1  }
0xa1: {  	s23 =	simm.s32 $0x1B8B  }
0xa2: {  	_ =	swait.ge [sflag:s23], $0x1  }
0xa3: {  	[sflag:s23] =	ssyncset.done $0x0  }
0xa4: {  	s25 =	simm.s32 $0x1B8E;
	s24 =	sld [smem:$0x3FFE];
	[sflag:s23] =	ssyncadd.s32 $0xFFFFFFFF  }
0xa5: {  	s26 =	simm.s32 $execute0_lowered;
	[smem:$0x3FD2] =	sst s25  }
0xa6: {  	s5 =	sshll.u32 s26, $0x1;
	_ =	strace $0x80000046;
	[dreg:$0x1] =	wrdreg $0xFFFFFFFF  }
0xa7: {  	s28 =	simm.s32 $_size_execute0_lowered;
	s3 =	sadd.s32 s3, s5;
	[dreg:$0x0] =	wrdreg $0x0  }
0xa8: {  	s5 =	sshll.u32 s28, $0x1;
	[dreg:$0x2] =	wrdreg s3  }
0xa9: {  	[dreg:$0x3] =	wrdreg s5  }
0xaa: {  	[dreg:$0x4] =	wrdreg $0xC0  }
0xab: {  	_ =	task [dreg:s7], $0x5FFFF  }
0xac: {  	[dreg:$0x1] =	wrdreg $0xFFFFFFFF  }
0xad: {  	[dreg:$0x0] =	wrdreg $0x60  }
0xae: {  	[dreg:$0x2] =	wrdreg s2  }
0xaf: {  	[dreg:$0x3] =	wrdreg s24  }
0xb0: {  	[dreg:$0x4] =	wrdreg $0x9  }
0xb1: {  	_ =	task.clear_ibuf [dreg:s7], $0x5FFFF;
	_ =	strace $0x90000046  }
0xb2: {  	s29 =	simm.s32 $0x9;
	_ =	strace $0x80000048  }
0xb3: {  	_ =	swait.ge [sflag:s29], $0x1  }
0xb4: {  	[sflag:s29] =	ssyncadd.s32 $0xFFFFFFFF  }
0xb5: {  	_ =	strace $0x90000048  }
0xb6: {  	_ =	sfence  }
0xb7: {  	s30 =	sld [smem:$0x0];
	_ =	sdelay $0x2  }
0xb8: {  	s31 =	sshll.u32 s1, $0xD;
	s1 =	sshrl.u32 s1, $0x2  }
0xb9: {  	s3 =	sand.u32 $0x4000, s31;
	s1 =	sadd.s32 s1, s30  }
0xba: {  	s0 =	sor.u32 s3, s0;
	s1 =	sshll.u32 s1, $0x11  }
0xbb: {  	s0 =	sor.u32 s1, s0  }
0xbc: {  	s0 =	sadd.s32 $0x8F2B, s0  }
0xbd: {  	[sflag:s0] =	ssyncadd.remote.s32 $0x1  }
0xbe: {  	_ =	sfence.sel $0xFFFF  }
0xbf: {  	[dreg:$0x0] =	wrdreg $0xFFFFFFFF;
	(pc) =	sbr.abs _section_cstart, $3  }
0xc0: {  	[dreg:$0x1] =	wrdreg $0xFFFFFFFF  }
0xc1: {  	_ =	task.clear_ibuf [dreg:s7], $0x2FFFF;
	_ =	strace $0x9FFFFFFF  }
0xc2: {  	(tm) =	ssettm $0x7FFFFFFF  }
0xc3: {  	_ =	shalt  }
tec
execute0_lowered:
.L_overlay_start_1:
0x0: {  	(tag) =	ssettag $0x1  }
0x1: {  	s1 =	srdreg.scid;
	s0 =	stileid.u32  }
0x2: {  	s2 =	rddreg [dreg:$0x0];
	s4 =	sand.u32 $0x1, s1;
	s30 =	sshll.u32 s0, $0x1  }
0x3: {  	s5 =	rddreg [dreg:$0x1];
	s3 =	simm.s32 $0x0;
	s9 =	sor.u32 s4, s30  }
0x4: {  	s11 =	simm.s32 $0x1;
	s12 =	simm.s32 $0xC380;
	s6 =	smul.u32 $0x1870, s9  }
0x5: {  	s13 =	simm.s32 $0x3;
	s14 =	simm.s32 $0x0;
	s7 =	smul.u32 $0x140, s9  }
.Ltmp0:
0x6: {  	[smem:$0x7FF] =	sst s3;
	s4 =	ssub.s32 $0x2, s4;
	(pc) =	sbr.rel .LBB2_1-.Ltmp0, $4  }
0x7: {  	s1 =	rddreg [dreg:$0x2];
	_ =	strace $0x80000047;
	s31 =	sshrl.u32 s4, $0x1  }
0x8: {  	s10 =	ssub.s32 s4, s31;
	s8 =	sadd.s32 s6, s5;
	s4 =	sadd.s32 s2, s7  }
0x9: {  	s5 =	sor.u32 $0x40, s9;
	s9 =	sor.u32 $0x20, s9;
	s6 =	sadd.s32 $0x2600, s8  }
0xa: {  	v0 =	vimm.f32 $0.0e+00;
	v1 =	vimm.f32 $1.000000000e+00;
	s7 =	sadd.s32 $0x33400, s8;
	s8 =	smax.u32 s10, $0x1;
	s10 =	simm.s32 $0x18700  }
.LBB2_9:
0xb: {  	[hbm4b:s6+s3] =	stream.linear.scatter [tilespmem:s3], [sflag:$0x3], $0xC380, $0x38;
	[tilespmem:$0x19B00] =	vst v63  }
0xc: {  	s14 =	sadd.s32 $0x1, s14;
	_ =	swait.ge [sflag:s13], $0xC380  }
0xd: {  	p0 =	sne.s32 s14, s8;
	[sflag:s13] =	ssyncset.done $0x0  }
.Ltmp1:
0xe: {  	[sflag:s13] =	ssyncadd.s32 $0xFFFF3C80;
	(pc) =	sbr.rel @!p0 .LBB2_10-.Ltmp1, $4  }
0xf: {  	[hbm4b:s7+s3] =	stream.linear.scatter [tilespmem:s12], [sflag:$0x3], $0xC380, $0x38;
	[tilespmem:$0x19B00] =	vst v63  }
0x10: {  	_ =	swait.ge [sflag:s13], $0xC380  }
0x11: {  	[sflag:s13] =	ssyncset.done $0x0  }
0x12: {  	[sflag:s13] =	ssyncadd.s32 $0xFFFF3C80  }
.LBB2_1:
0x13: {  	s15 =	simm.s32 $0x40;
	s16 =	simm.s32 $0x0  }
.LBB2_2:
0x14: {  	p0 =	sne.s32 s15, $0x30DC0;
	[tilespmem:s16+$0x0] =	vst v0;
	s17 =	smov.u32 s15;
	s15 =	sadd.s32 $0x40, s15  }
.Ltmp2:
0x15: {  	[tilespmem:s16+$0xC380] =	vst v0;
	(pc) =	sbr.rel @p0 .LBB2_2-.Ltmp2, $2  }
0x16: {  	_ =	sdelay $0x2  }
0x17: {  	s16 =	sshra.s32 s17, $0x2  }
.Ltmp3:
0x18: {  	(pc) =	sbr.rel .LBB2_4-.Ltmp3, $4  }
0x19: {  	_ = 	snop  }
0x1a: {  	[tilespmem:s16+$0x0] =	vst v0  }
0x1b: {  	[tilespmem:s16+$0xC380] =	vst v0;
	s15 =	simm.s32 $0x0  }
0x1c: {  	[tilespmem:s10], [sflag:$0x1] =	stream.linear.gather [hbm4b:s4+s15], $0xA00, $0x38;
	[tilespmem:$0x19B00] =	vst v63  }
.LBB2_8:
0x1d: {  	s15 =	sadd.s32 $0x1, s15  }
0x1e: {  	p0 =	sne.s32 s15, $0x14  }
.Ltmp4:
0x1f: {  	_ = 	snop;
	(pc) =	sbr.rel @!p0 .LBB2_9-.Ltmp4, $1  }
0x20: {  	_ =	sdelay $0x3  }
.LBB2_4:
0x21: {  	s16 =	sshll.u32 s15, $0x6  }
0x22: {  	s17 =	sor.u32 s9, s16  }
0x23: {  	_ =	swait.ge [sflag:s11], $0xA00;
	p0 =	sgt.u32 s17, $0x4E1  }
0x24: {  	[sflag:s11] =	ssyncset.done $0x0;
	s17 =	smul.u32 @!p0 $0x140, s17  }
0x25: {  	[sflag:s11] =	ssyncadd.s32 $0xFFFFF600  }
0x26: {  	s18 =	simm.s32 @!p0 $0x0;
	s19 =	simm.s32 @!p0 $0x19100;
	s17 =	sadd.s32 @!p0 s2, s17  }
0x27: {  	[tilespmem:s19], [sflag:$0x2] =	stream.linear.gather @!p0 [hbm4b:s17+s18], $0xA00, $0x38;
	[tilespmem:$0x19B00] =	vst v63  }
0x28: {  	s17 =	simm.s32 $0x0  }
.LBB2_5:
0x29: {  	s18 =	sshra.s32 s17, $0x2  }
0x2a: {  	v2 =	vld [tilespmem:s18+$0x18700];
	_ =	sdelay $0x7  }
0x2b: {  	[tilespmem:v2+s3+$0x0] =	vst.idx.add.f32.msk $0xffff, v1  }
0x2c: {  	v2 =	vld [tilespmem:s18+$0x18780];
	_ =	sdelay $0x7  }
0x2d: {  	[tilespmem:v2+s12+$0x0] =	vst.idx.add.f32.msk $0xffff, v1  }
0x2e: {  	v2 =	vld [tilespmem:s18+$0x18710];
	_ =	sdelay $0x7  }
0x2f: {  	[tilespmem:v2+s3+$0x0] =	vst.idx.add.f32.msk $0xffff, v1  }
0x30: {  	v2 =	vld [tilespmem:s18+$0x18790];
	_ =	sdelay $0x7  }
0x31: {  	[tilespmem:v2+s12+$0x0] =	vst.idx.add.f32.msk $0xffff, v1  }
0x32: {  	v2 =	vld [tilespmem:s18+$0x18720];
	_ =	sdelay $0x7  }
0x33: {  	[tilespmem:v2+s3+$0x0] =	vst.idx.add.f32.msk $0xffff, v1  }
0x34: {  	v2 =	vld [tilespmem:s18+$0x187A0];
	_ =	sdelay $0x7  }
0x35: {  	[tilespmem:v2+s12+$0x0] =	vst.idx.add.f32.msk $0xffff, v1  }
0x36: {  	v2 =	vld [tilespmem:s18+$0x18730];
	_ =	sdelay $0x7  }
0x37: {  	[tilespmem:v2+s3+$0x0] =	vst.idx.add.f32.msk $0xffff, v1  }
0x38: {  	v2 =	vld [tilespmem:s18+$0x187B0];
	_ =	sdelay $0x7  }
0x39: {  	[tilespmem:v2+s12+$0x0] =	vst.idx.add.f32.msk $0xffff, v1  }
0x3a: {  	v2 =	vld [tilespmem:s18+$0x18740];
	_ =	sdelay $0x7  }
0x3b: {  	[tilespmem:v2+s3+$0x0] =	vst.idx.add.f32.msk $0xffff, v1  }
0x3c: {  	v2 =	vld [tilespmem:s18+$0x187C0];
	_ =	sdelay $0x7  }
0x3d: {  	[tilespmem:v2+s12+$0x0] =	vst.idx.add.f32.msk $0xffff, v1  }
0x3e: {  	v2 =	vld [tilespmem:s18+$0x18750];
	_ =	sdelay $0x7  }
0x3f: {  	[tilespmem:v2+s3+$0x0] =	vst.idx.add.f32.msk $0xffff, v1  }
0x40: {  	v2 =	vld [tilespmem:s18+$0x187D0];
	_ =	sdelay $0x7  }
0x41: {  	[tilespmem:v2+s12+$0x0] =	vst.idx.add.f32.msk $0xffff, v1  }
0x42: {  	v2 =	vld [tilespmem:s18+$0x18760];
	_ =	sdelay $0x7  }
0x43: {  	[tilespmem:v2+s3+$0x0] =	vst.idx.add.f32.msk $0xffff, v1  }
0x44: {  	v2 =	vld [tilespmem:s18+$0x187E0];
	_ =	sdelay $0x7  }
0x45: {  	[tilespmem:v2+s12+$0x0] =	vst.idx.add.f32.msk $0xffff, v1  }
0x46: {  	v2 =	vld [tilespmem:s18+$0x18770];
	_ =	sdelay $0x7  }
0x47: {  	[tilespmem:v2+s3+$0x0] =	vst.idx.add.f32.msk $0xffff, v1  }
0x48: {  	v2 =	vld [tilespmem:s18+$0x187F0];
	_ =	sdelay $0x2  }
0x49: {  	p1 =	sne.s32 s17, $0x2400  }
.Ltmp5:
0x4a: {  	_ = 	snop;
	(pc) =	sbr.rel @p1 .LBB2_5-.Ltmp5, $2  }
0x4b: {  	_ =	sdelay $0x2  }
0x4c: {  	s17 =	sadd.s32 $0x400, s17;
	[tilespmem:v2+s12+$0x0] =	vst.idx.add.f32.msk $0xffff, v1  }
0x4d: {  	s16 =	sadd.s32 s5, s16  }
0x4e: {  	p1 =	sgt.u32 s16, $0x4E1  }
0x4f: {  	s17 =	simm.s32 @!p0 $0x2;
	s16 =	smul.u32 @!p1 $0x140, s16  }
.Ltmp6:
0x50: {  	_ =	swait.ge @!p0 [sflag:s17], $0xA00;
	(pc) =	sbr.rel @p0 .LBB2_8-.Ltmp6, $4  }
0x51: {  	[sflag:s17] =	ssyncset.done @!p0 $0x0;
	s18 =	simm.s32 @!p1 $0x18700  }
0x52: {  	[sflag:s17] =	ssyncadd.s32 @!p0 $0xFFFFF600;
	s17 =	simm.s32 @!p1 $0x0;
	s16 =	sadd.s32 @!p1 s2, s16  }
0x53: {  	[tilespmem:s18], [sflag:$0x1] =	stream.linear.gather @!p1 [hbm4b:s16+s17], $0xA00, $0x38;
	[tilespmem:$0x19B00] =	vst v63  }
0x54: {  	s16 =	simm.s32 $0x0  }
.LBB2_7:
0x55: {  	s17 =	sshra.s32 s16, $0x2  }
0x56: {  	v2 =	vld [tilespmem:s17+$0x19100];
	_ =	sdelay $0x7  }
0x57: {  	[tilespmem:v2+s3+$0x0] =	vst.idx.add.f32.msk $0xffff, v1  }
0x58: {  	v2 =	vld [tilespmem:s17+$0x19180];
	_ =	sdelay $0x7  }
0x59: {  	[tilespmem:v2+s12+$0x0] =	vst.idx.add.f32.msk $0xffff, v1  }
0x5a: {  	v2 =	vld [tilespmem:s17+$0x19110];
	_ =	sdelay $0x7  }
0x5b: {  	[tilespmem:v2+s3+$0x0] =	vst.idx.add.f32.msk $0xffff, v1  }
0x5c: {  	v2 =	vld [tilespmem:s17+$0x19190];
	_ =	sdelay $0x7  }
0x5d: {  	[tilespmem:v2+s12+$0x0] =	vst.idx.add.f32.msk $0xffff, v1  }
0x5e: {  	v2 =	vld [tilespmem:s17+$0x19120];
	_ =	sdelay $0x7  }
0x5f: {  	[tilespmem:v2+s3+$0x0] =	vst.idx.add.f32.msk $0xffff, v1  }
0x60: {  	v2 =	vld [tilespmem:s17+$0x191A0];
	_ =	sdelay $0x7  }
0x61: {  	[tilespmem:v2+s12+$0x0] =	vst.idx.add.f32.msk $0xffff, v1  }
0x62: {  	v2 =	vld [tilespmem:s17+$0x19130];
	_ =	sdelay $0x7  }
0x63: {  	[tilespmem:v2+s3+$0x0] =	vst.idx.add.f32.msk $0xffff, v1  }
0x64: {  	v2 =	vld [tilespmem:s17+$0x191B0];
	_ =	sdelay $0x7  }
0x65: {  	[tilespmem:v2+s12+$0x0] =	vst.idx.add.f32.msk $0xffff, v1  }
0x66: {  	v2 =	vld [tilespmem:s17+$0x19140];
	_ =	sdelay $0x7  }
0x67: {  	[tilespmem:v2+s3+$0x0] =	vst.idx.add.f32.msk $0xffff, v1  }
0x68: {  	v2 =	vld [tilespmem:s17+$0x191C0];
	_ =	sdelay $0x7  }
0x69: {  	[tilespmem:v2+s12+$0x0] =	vst.idx.add.f32.msk $0xffff, v1  }
0x6a: {  	v2 =	vld [tilespmem:s17+$0x19150];
	_ =	sdelay $0x7  }
0x6b: {  	[tilespmem:v2+s3+$0x0] =	vst.idx.add.f32.msk $0xffff, v1  }
0x6c: {  	v2 =	vld [tilespmem:s17+$0x191D0];
	_ =	sdelay $0x7  }
0x6d: {  	[tilespmem:v2+s12+$0x0] =	vst.idx.add.f32.msk $0xffff, v1  }
0x6e: {  	v2 =	vld [tilespmem:s17+$0x19160];
	_ =	sdelay $0x7  }
0x6f: {  	[tilespmem:v2+s3+$0x0] =	vst.idx.add.f32.msk $0xffff, v1  }
0x70: {  	v2 =	vld [tilespmem:s17+$0x191E0];
	_ =	sdelay $0x7  }
0x71: {  	[tilespmem:v2+s12+$0x0] =	vst.idx.add.f32.msk $0xffff, v1  }
0x72: {  	v2 =	vld [tilespmem:s17+$0x19170];
	_ =	sdelay $0x7  }
0x73: {  	[tilespmem:v2+s3+$0x0] =	vst.idx.add.f32.msk $0xffff, v1  }
0x74: {  	v2 =	vld [tilespmem:s17+$0x191F0];
	_ =	sdelay $0x2  }
0x75: {  	p0 =	sne.s32 s16, $0x2400  }
.Ltmp7:
0x76: {  	_ = 	snop;
	(pc) =	sbr.rel @p0 .LBB2_7-.Ltmp7, $2  }
0x77: {  	_ =	sdelay $0x2  }
0x78: {  	s16 =	sadd.s32 $0x400, s16;
	[tilespmem:v2+s12+$0x0] =	vst.idx.add.f32.msk $0xffff, v1  }
.Ltmp8:
0x79: {  	_ = 	snop;
	(pc) =	sbr.rel .LBB2_8-.Ltmp8, $1  }
0x7a: {  	_ =	sdelay $0x3  }
.LBB2_10:
0x7b: {  	_ =	sfence.sel $0x180000  }
0x7c: {  	[bflag:$0x0] =	sbarrier.arrive $0xFFFF  }
0x7d: {  	p0 =	sne.s32 s0, $0x0;
	_ =	strace $0x90000047  }
0x7e: {  	s0 =	sadd.s32 @!p0 $0x100000, s1;
	[bflag:$0x2] =	sbarrier.arrive $0xFFFF  }
0x7f: {  	[sflag:s0] =	ssyncadd.tile.s32 @!p0 $0x1;
	_ =	shalt  }
.Lfunc_end2:
_tile_overlayer_lowered:
.L_overlay_start_2:
0x80: {  	(tag) =	ssettag $0x2  }
0x81: {  	s0 =	rddreg [dreg:$0x0];
	s2 =	stileid.u32  }
0x82: {  	s1 =	rddreg [dreg:$0x1];
	p0 =	sne.s32 s2, $0x0  }
0x83: {  	s3 =	rddreg [dreg:$0x2];
	[bflag:$0x3] =	sbarrier.arrive $0xFFFF;
	s2 =	simm.s32 @!p0 $0x1C03  }
0x84: {  	[timem:s3], [sflag:s2] =	dma.local @!p0 [hbm:s0], s1  }
0x85: {  	s0 =	simm.s32 @!p0 $0x3  }
0x86: {  	_ =	swait.ge @!p0 [sflag:s0], s1  }
0x87: {  	s1 =	ssub.s32 @!p0 $0x0, s1;
	[sflag:s0] =	ssyncset.done @!p0 $0x0  }
0x88: {  	[sflag:s0] =	ssyncadd.s32 @!p0 s1  }
0x89: {  	[bflag:$0x3] =	sbarrier.arrive $0xFFFF  }
0x8a: {  	_ =	shalt  }

// kernel: kernel.13.cloned.1.call-start
scs
__scs_entry_jumppad:
0x0: {  	(pc) =	sbr.rel $0x88, $3  }
0x1: {  	(tag) =	ssettag $0x0;
	lr =	simm.s32 $0x1  }
0x2: {  	[smem:$0x3F9B] =	sst lr;
	_ =	strace $0xD0000000  }
0x3: {  	_ = 	snop  }
0x4: {  	_ = 	snop  }
0x5: {  	_ = 	snop  }
0x6: {  	_ = 	snop  }
0x7: {  	_ = 	snop  }
__scs_overlays_trampoline_lowered:
0x8: {  	[smem:$0x3FAA] =	sst s0  }
0x9: {  	[smem:$0x3FAB] =	sst s1  }
0xa: {  	[smem:$0x3FAC] =	sst s2  }
0xb: {  	[smem:$0x3FAD] =	sst s3  }
0xc: {  	[smem:$0x3FAE] =	sst s4  }
0xd: {  	[smem:$0x3FAF] =	sst s5  }
0xe: {  	[smem:$0x3FB0] =	sst s6  }
0xf: {  	[smem:$0x3FB1] =	sst s7  }
0x10: {  	[smem:$0x3FB2] =	sst s8  }
0x11: {  	[smem:$0x3FB3] =	sst s9;
	s0 =	simm.s32 @!p0 $0x0  }
0x12: {  	s1 =	sld [smem:$0x3F99];
	s0 =	simm.s32 @p0 $0x1  }
0x13: {  	[smem:$0x3FB4] =	sst s0;
	s0 =	simm.s32 @!p1 $0x0  }
0x14: {  	s2 =	sld [smem:$0x3F98];
	s0 =	simm.s32 @p1 $0x1  }
0x15: {  	[smem:$0x3FB5] =	sst s0;
	s0 =	simm.s32 @!p2 $0x0  }
0x16: {  	s3 =	sld [smem:$0x3FDB];
	s0 =	simm.s32 @p2 $0x1  }
0x17: {  	s4 =	simm.s32 $0x1BF5;
	[smem:$0x3FB7] =	sst s0  }
0x18: {  	s0 =	sld [smem:$0x3F9A];
	_ =	swait.ge [sflag:s4], $0x0  }
0x19: {  	s7 =	sld [smem:$0x3F9B]  }
0x1a: {  	s8 =	sadd.s32 $0xFFFFE003, lr  }
0x1b: {  	s9 =	sadd.s32 $0xFFFFFEF7, lr;
	s5 =	simm.s32 $0xFFFFFFFF;
	p2 =	slt.u32 s8, $0xFFFFF086  }
0x1c: {  	p1 =	slt.u32 s9, $0xF7A;
	s5 =	simm.s32 @!p2 $0x0  }
0x1d: {  	s5 =	simm.s32 @p1 $0x1;
	p0 =	seq.s32 s7, s2  }
0x1e: {  	s7 =	smul.u32 @!p0 $0xF7A, s2;
	p2 =	seq.s32 @!p0 s5, $0x0  }
0x1f: {  	s9 =	smul.u32 $0xF7A, s1;
	s8 =	simm.s32 @!p0 $0x1BF5;
	p2 =	por !p2, p0  }
0x20: {  	[sflag:s8] =	ssyncset.s32 @!p0 $0xFFFFF086;
	s6 =	sadd.s32 @!p0 s3, s7;
	s7 =	simm.s32 @!p0 $0x108  }
0x21: {  	s3 =	sadd.s32 s3, s9;
	s6 =	sadd.s32 @!p0 $0x88, s6;
	s7 =	simm.s32 @p2 $0x1082  }
0x22: {  	[simem:s7], [sflag:s8] =	dma.local @!p0 [hbm:s6], $0xF7A  }
0x23: {  	s9 =	sor.u32 $0xD0000000, s2;
	s6 =	simm.s32 $0x108;
	_ =	swait.ge @!p0 [sflag:s8], $0x0  }
0x24: {  	s3 =	sadd.s32 $0x88, s3;
	s6 =	simm.s32 @!p1 $0x1082;
	[sflag:s4] =	ssyncset.s32 $0xFFFFF086  }
0x25: {  	[simem:s6], [sflag:s4] =	dma.local [hbm:s3], $0xF7A  }
0x26: {  	[smem:$0x3F9B] =	sst s1;
	(tag) =	ssettag s2;
	_ =	strace s9  }
0x27: {  	s1 =	sld [smem:$0x3FAB]  }
0x28: {  	s2 =	sld [smem:$0x3FAC]  }
0x29: {  	s4 =	sld [smem:$0x3FAE]  }
0x2a: {  	p0 =	seq.s32 s5, $0x0;
	s5 =	sld [smem:$0x3FAF]  }
0x2b: {  	s6 =	sld [smem:$0x3FB0]  }
0x2c: {  	s7 =	sld [smem:$0x3FB1]  }
0x2d: {  	s3 =	simm.s32 $0x108;
	s8 =	sld [smem:$0x3FB2]  }
0x2e: {  	s3 =	simm.s32 @!p0 $0x1082;
	s9 =	sld [smem:$0x3FB3]  }
0x2f: {  	lr =	sadd.s32 s0, s3;
	s0 =	sld [smem:$0x3FAA]  }
0x30: {  	s3 =	sld [smem:$0x3FAD]  }
0x31: {  	[smem:$0x3FB6] =	sst s10  }
0x32: {  	s10 =	sld [smem:$0x3FB4];
	_ =	sdelay $0x3  }
0x33: {  	p0 =	seq.s32 s10, $0x1;
	s10 =	sld [smem:$0x3FB6];
	_ =	sdelay $0x3  }
0x34: {  	[smem:$0x3FB6] =	sst s10  }
0x35: {  	s10 =	sld [smem:$0x3FB5];
	_ =	sdelay $0x3  }
0x36: {  	p1 =	seq.s32 s10, $0x1;
	s10 =	sld [smem:$0x3FB6];
	_ =	sdelay $0x3  }
0x37: {  	[smem:$0x3FB6] =	sst s10  }
0x38: {  	s10 =	sld [smem:$0x3FB7]  }
0x39: {  	_ = 	snop;
	(pc) =	sbr.ind lr, $3  }
0x3a: {  	_ = 	snop  }
0x3b: {  	_ = 	snop  }
0x3c: {  	p2 =	seq.s32 s10, $0x1;
	s10 =	sld [smem:$0x3FB6]  }
0x3d: {  	_ =	shalt  }
0x3e: {  	_ =	shalt  }
0x3f: {  	_ =	shalt  }
0x40: {  	_ =	shalt  }
0x41: {  	_ =	shalt  }
0x42: {  	_ =	shalt  }
0x43: {  	_ =	shalt  }
0x44: {  	_ =	shalt  }
0x45: {  	_ =	shalt  }
0x46: {  	_ =	shalt  }
0x47: {  	_ =	shalt  }
0x48: {  	_ =	shalt  }
0x49: {  	_ =	shalt  }
0x4a: {  	_ =	shalt  }
0x4b: {  	_ =	shalt  }
0x4c: {  	_ =	shalt  }
0x4d: {  	_ =	shalt  }
0x4e: {  	_ =	shalt  }
0x4f: {  	_ =	shalt  }
0x50: {  	_ =	shalt  }
0x51: {  	_ =	shalt  }
0x52: {  	_ =	shalt  }
0x53: {  	_ =	shalt  }
0x54: {  	_ =	shalt  }
0x55: {  	_ =	shalt  }
0x56: {  	_ =	shalt  }
0x57: {  	_ =	shalt  }
0x58: {  	_ =	shalt  }
0x59: {  	_ =	shalt  }
0x5a: {  	_ =	shalt  }
0x5b: {  	_ =	shalt  }
0x5c: {  	_ =	shalt  }
0x5d: {  	_ =	shalt  }
0x5e: {  	_ =	shalt  }
0x5f: {  	_ =	shalt  }
0x60: {  	_ =	shalt  }
0x61: {  	_ =	shalt  }
0x62: {  	_ =	shalt  }
0x63: {  	_ =	shalt  }
0x64: {  	_ =	shalt  }
0x65: {  	_ =	shalt  }
0x66: {  	_ =	shalt  }
0x67: {  	_ =	shalt  }
0x68: {  	_ =	shalt  }
0x69: {  	_ =	shalt  }
0x6a: {  	_ =	shalt  }
0x6b: {  	_ =	shalt  }
0x6c: {  	_ =	shalt  }
0x6d: {  	_ =	shalt  }
0x6e: {  	_ =	shalt  }
0x6f: {  	_ =	shalt  }
0x70: {  	_ =	shalt  }
0x71: {  	_ =	shalt  }
0x72: {  	_ =	shalt  }
0x73: {  	_ =	shalt  }
0x74: {  	_ =	shalt  }
0x75: {  	_ =	shalt  }
0x76: {  	_ =	shalt  }
0x77: {  	_ =	shalt  }
0x78: {  	_ =	shalt  }
0x79: {  	_ =	shalt  }
0x7a: {  	_ =	shalt  }
0x7b: {  	_ =	shalt  }
0x7c: {  	_ =	shalt  }
0x7d: {  	_ =	shalt  }
0x7e: {  	_ =	shalt  }
0x7f: {  	_ =	shalt  }
0x80: {  	_ =	shalt  }
0x81: {  	_ =	shalt  }
0x82: {  	_ =	shalt  }
0x83: {  	_ =	shalt  }
0x84: {  	_ =	shalt  }
0x85: {  	_ =	shalt  }
0x86: {  	_ =	shalt  }
0x87: {  	_ =	shalt  }
.Lfunc_end0:
.L_simem_size_0:
called_computation.1_lowered:
.L_overlay_start_0:
0x88: {  	s2 =	sld [smem:$0x3FD9]  }
0x89: {  	s3 =	sld [smem:$0x3FFE];
	_ =	sdelay $0x1  }
0x8a: {  	s1 =	srdreg.scid  }
0x8b: {  	s0 =	sand.u32 $0x1, s1  }
0x8c: {  	s17 =	sshll.u32 s0, $0xA;
	s2 =	sadd.s32 s3, s2  }
0x8d: {  	s2 =	sadd.s32 s2, s17  }
0x8e: {  	[smem:$0x3FC2] =	sst s2  }
0x8f: {  	_ = 	snop  }
0x90: {  	s2 =	sld [smem:$0x3FC8];
	(tm) =	ssettm $0x1  }
0x91: {  	s18 =	sld [smem:$0x3FFB];
	_ =	sdelay $0x3  }
0x92: {  	_ =	strace s18  }
0x93: {  	s3 =	sld [smem:$0x3FFC];
	_ =	sdelay $0x3  }
0x94: {  	_ =	strace s3  }
0x95: {  	s3 =	sld [smem:$0x3FFD];
	_ =	sdelay $0x3  }
0x96: {  	_ =	strace s3  }
0x97: {  	_ =	strace $0x8FFFFFFF  }
0x98: {  	s19 =	sld [smem:$0x3FDB];
	_ =	sdelay $0x1  }
0x99: {  	s4 =	simm.s32 $_scs_section_size  }
0x9a: {  	s5 =	simm.s32 $_size__tile_overlayer_lowered;
	s6 =	simm.s32 $_tile_overlayer_lowered  }
0x9b: {  	s22 =	simm.s32 $0x1BFF;
	s21 =	sshll.u32 s6, $0x1;
	s3 =	sadd.s32 s4, s19  }
0x9c: {  	s7 =	simm.s32 $0x0;
	s20 =	sshll.u32 s5, $0x1;
	s5 =	sadd.s32 s21, s3  }
0x9d: {  	[timem:s7], [sflag:s22] =	dma.local [hbm:s5], s20  }
0x9e: {  	_ =	swait.ge [sflag:s22], s20  }
0x9f: {  	s4 =	ssub.s32 $0x0, s20;
	[sflag:s22] =	ssyncset.done $0x0  }
0xa0: {  	[sflag:s22] =	ssyncadd.s32 s4;
	_ =	sdelay $0x1  }
0xa1: {  	s23 =	simm.s32 $0x1B8B  }
0xa2: {  	_ =	swait.ge [sflag:s23], $0x1  }
0xa3: {  	[sflag:s23] =	ssyncset.done $0x0  }
0xa4: {  	s25 =	simm.s32 $0x1B8E;
	s24 =	sld [smem:$0x3FFE];
	[sflag:s23] =	ssyncadd.s32 $0xFFFFFFFF  }
0xa5: {  	s26 =	simm.s32 $execute0_lowered;
	[smem:$0x3FD2] =	sst s25  }
0xa6: {  	s5 =	sshll.u32 s26, $0x1;
	_ =	strace $0x80000049;
	[dreg:$0x1] =	wrdreg $0xFFFFFFFF  }
0xa7: {  	s28 =	simm.s32 $_size_execute0_lowered;
	s3 =	sadd.s32 s3, s5;
	[dreg:$0x0] =	wrdreg $0x0  }
0xa8: {  	s5 =	sshll.u32 s28, $0x1;
	[dreg:$0x2] =	wrdreg s3  }
0xa9: {  	[dreg:$0x3] =	wrdreg s5  }
0xaa: {  	[dreg:$0x4] =	wrdreg $0xC0  }
0xab: {  	_ =	task [dreg:s7], $0x5FFFF  }
0xac: {  	[dreg:$0x1] =	wrdreg $0xFFFFFFFF  }
0xad: {  	[dreg:$0x0] =	wrdreg $0x60  }
0xae: {  	[dreg:$0x2] =	wrdreg s24  }
0xaf: {  	[dreg:$0x3] =	wrdreg s2  }
0xb0: {  	[dreg:$0x4] =	wrdreg $0x0  }
0xb1: {  	[dreg:$0x5] =	wrdreg $0x9  }
0xb2: {  	_ =	task.clear_ibuf [dreg:s7], $0x6FFFF;
	_ =	strace $0x90000049  }
0xb3: {  	s29 =	simm.s32 $0x9;
	_ =	strace $0x8000004B  }
0xb4: {  	_ =	swait.ge [sflag:s29], $0x1  }
0xb5: {  	[sflag:s29] =	ssyncadd.s32 $0xFFFFFFFF  }
0xb6: {  	_ =	strace $0x9000004B  }
0xb7: {  	_ =	sfence  }
0xb8: {  	s30 =	sld [smem:$0x0];
	_ =	sdelay $0x2  }
0xb9: {  	s31 =	sshll.u32 s1, $0xD;
	s1 =	sshrl.u32 s1, $0x2  }
0xba: {  	s3 =	sand.u32 $0x4000, s31;
	s1 =	sadd.s32 s1, s30  }
0xbb: {  	s0 =	sor.u32 s3, s0;
	s1 =	sshll.u32 s1, $0x11  }
0xbc: {  	s0 =	sor.u32 s1, s0  }
0xbd: {  	s0 =	sadd.s32 $0x8F2B, s0  }
0xbe: {  	[sflag:s0] =	ssyncadd.remote.s32 $0x1  }
0xbf: {  	_ =	sfence.sel $0xFFFF  }
0xc0: {  	[dreg:$0x0] =	wrdreg $0xFFFFFFFF;
	(pc) =	sbr.abs _section_cstart, $3  }
0xc1: {  	[dreg:$0x1] =	wrdreg $0xFFFFFFFF  }
0xc2: {  	_ =	task.clear_ibuf [dreg:s7], $0x2FFFF;
	_ =	strace $0x9FFFFFFF  }
0xc3: {  	(tm) =	ssettm $0x7FFFFFFF  }
tec
execute0_lowered:
.L_overlay_start_1:
0x0: {  	(tag) =	ssettag $0x1  }
0x1: {  	s0 =	rddreg [dreg:$0x0]  }
0x2: {  	s2 =	rddreg [dreg:$0x1]  }
0x3: {  	s1 =	rddreg [dreg:$0x2];
	s3 =	srdreg.scid;
	s10 =	simm.s32 $0x0  }
0x4: {  	s11 =	stileid.u32;
	s25 =	simm.s32 $0xC480;
	s26 =	simm.s32 $0xC580  }
0x5: {  	s30 =	simm.s32 $0xC680;
	s12 =	simm.s32 $0xC980;
	s13 =	simm.s32 $0xCA80  }
0x6: {  	s14 =	simm.s32 $0xCB80;
	s15 =	simm.s32 $0xCC80;
	s17 =	simm.s32 $0xC400  }
0x7: {  	s18 =	simm.s32 $0xC380;
	s19 =	simm.s32 $0xC500;
	[smem:$0x7FF] =	sst s10  }
0x8: {  	s20 =	simm.s32 $0xC600;
	_ =	strace $0x8000004A;
	[dreg:$0x4] =	wrdreg s25  }
0x9: {  	s21 =	simm.s32 $0xC700;
	s28 =	simm.s32 $0x3;
	[dreg:$0x5] =	wrdreg s26  }
0xa: {  	s29 =	simm.s32 $0x5;
	s6 =	smul.u32 $0xC380, s11;
	[dreg:$0x6] =	wrdreg s30  }
0xb: {  	s3 =	sand.u32 $0x1, s3;
	s24 =	smul.u32 $0x30E00, s11;
	[dreg:$0x9] =	wrdreg s12  }
0xc: {  	s5 =	sshll.u32 s11, $0x1;
	s31 =	smul.u32 $0x280, s11;
	[dreg:$0xa] =	wrdreg s13  }
0xd: {  	p0 =	sne.s32 s11, $0x0;
	s11 =	simm.s32 $0x11F80;
	[dreg:$0xb] =	wrdreg s14  }
0xe: {  	s4 =	smul.u32 $0xC3800, s3;
	s7 =	ssub.s32 $0x2, s3;
	[dreg:$0xc] =	wrdreg s15  }
0xf: {  	s16 =	sor.u32 s3, s5;
	s5 =	sadd.s32 $0x2600, s0;
	[dreg:$0xd] =	wrdreg s17  }
0x10: {  	s3 =	smul.u32 $0x140, s3;
	s14 =	simm.s32 $0x1;
	[dreg:$0xe] =	wrdreg s19  }
0x11: {  	s15 =	simm.s32 $0x80;
	[dreg:$0xf] =	wrdreg s20;
	s19 =	simm.s32 $0xD780  }
0x12: {  	[dreg:$0x10] =	wrdreg s21;
	s13 =	simm.s32 $0xEF80;
	s25 =	simm.s32 $0xCB00  }
0x13: {  	s20 =	simm.s32 $0xF780;
	s26 =	simm.s32 $0xCC00;
	s21 =	simm.s32 $0xFF80  }
0x14: {  	s30 =	simm.s32 $0xCD00;
	s12 =	simm.s32 $0x10F80;
	[dreg:$0x14] =	wrdreg s25  }
0x15: {  	s8 =	sshrl.u32 s7, $0x1;
	s9 =	smul.u32 $0x140, s16;
	[dreg:$0x15] =	wrdreg s26  }
0x16: {  	[dreg:$0x16] =	wrdreg s30;
	s26 =	simm.s32 $0x10780;
	s4 =	sadd.s32 s6, s4  }
0x17: {  	s22 =	ssub.s32 s7, s8;
	s6 =	sadd.s32 s6, s1;
	s8 =	simm.s32 $0xC780  }
0x18: {  	s4 =	sshrl.u32 s4, $0x3;
	s23 =	sadd.s32 s2, s9;
	[dreg:$0x7] =	wrdreg s8  }
0x19: {  	s9 =	simm.s32 $0xC880;
	s2 =	sadd.s32 s31, s2;
	[dreg:$0x18] =	wrdreg s23  }
0x1a: {  	s8 =	simm.s32 $0xDF80;
	s31 =	sshrl.u32 s6, $0x3;
	[dreg:$0x8] =	wrdreg s9  }
0x1b: {  	s0 =	sadd.s32 s4, s0;
	s4 =	smax.u32 s22, $0x1;
	[dreg:$0x1d] =	wrdreg s31  }
0x1c: {  	s2 =	sadd.s32 s3, s2;
	s22 =	simm.s32 $0xC800;
	[dreg:$0x1a] =	wrdreg s4  }
0x1d: {  	s3 =	simm.s32 $0x17780;
	s23 =	simm.s32 $0xC900;
	[dreg:$0x11] =	wrdreg s22  }
0x1e: {  	s9 =	simm.s32 $0xE780;
	s0 =	sadd.s32 $0x1AE00, s0;
	[dreg:$0x12] =	wrdreg s23  }
0x1f: {  	s2 =	sadd.s32 $0x2800, s2;
	s4 =	simm.s32 $0x7;
	[dreg:$0x19] =	wrdreg s0  }
0x20: {  	s0 =	sshrl.u32 s24, $0x2;
	[dreg:$0x1c] =	wrdreg s2;
	s24 =	simm.s32 $0xCA00  }
0x21: {  	s22 =	simm.s32 $0x10780;
	s7 =	sadd.s32 s0, s1;
	[dreg:$0x13] =	wrdreg s24  }
0x22: {  	v0 =	vimm.f32 $0.0e+00;
	s23 =	simm.s32 $0x11780;
	s24 =	simm.s32 $0xFF80;
	[dreg:$0x1b] =	wrdreg s7  }
.LBB2_1:
0x23: {  	s0 =	simm.s32 $0x0  }
.LBB2_2:
0x24: {  	p1 =	sne.s32 s0, $0x21C0  }
.Ltmp0:
0x25: {  	_ = 	snop;
	(pc) =	sbr.rel @p1 .LBB2_2-.Ltmp0, $3  }
0x26: {  	_ =	sdelay $0x1  }
0x27: {  	s2 =	sshra.s32 s0, $0x2  }
0x28: {  	s0 =	sadd.s32 $0x40, s0;
	[tilespmem:s2+$0x17780] =	vst v0  }
0x29: {  	[dreg:$0x17] =	wrdreg s10;
	s0 =	sadd.s32 $0x0, s7  }
0x2a: {  	[spmem:s0] =	stream.linear.scatter [tilespmem:s3], [sflag:$0x7], $0x880, $0x38;
	[tilespmem:$0x18000] =	vst v63  }
0x2b: {  	s0 =	simm.s32 $0x2200;
	_ =	swait.ge [sflag:s4], $0x880  }
.LBB2_4:
0x2c: {  	s2 =	sshra.s32 s0, $0x2;
	[sflag:s4] =	ssyncset.done $0x0;
	p1 =	sne.s32 s0, $0x2EC00  }
.Ltmp1:
0x2d: {  	s2 =	sadd.s32 s2, s7;
	[sflag:s4] =	ssyncadd.s32 $0xFFFFF780;
	(pc) =	sbr.rel @p1 .LBB2_4-.Ltmp1, $3  }
0x2e: {  	[spmem:s2] =	stream.linear.scatter [tilespmem:s3], [sflag:$0x7], $0x880, $0x38;
	[tilespmem:$0x18000] =	vst v63  }
0x2f: {  	s0 =	sadd.s32 $0x2200, s0;
	_ =	sdelay $0x1  }
0x30: {  	_ =	swait.ge [sflag:s4], $0x880  }
0x31: {  	[sflag:s4] =	ssyncset.done $0x0  }
0x32: {  	[sflag:s4] =	ssyncadd.s32 $0xFFFFF780  }
0x33: {  	[bflag:$0x0] =	sbarrier.arrive $0xFFFF  }
0x34: {  	s0 =	simm.s32 $0x0;
	s2 =	rddreg [dreg:$0x18]  }
0x35: {  	[tilespmem:s18], [sflag:$0x1] =	stream.linear.gather [hbm4b:s2+s0], $0xA00, $0x38;
	[tilespmem:$0x18000] =	vst v63  }
0x36: {  	_ =	swait.ge [sflag:s14], $0xA00  }
0x37: {  	[sflag:s14] =	ssyncset.done $0x0  }
0x38: {  	[sflag:s14] =	ssyncadd.s32 $0xFFFFF600  }
0x39: {  	[tilespmem:s19], [sflag:$0x3] =	stream.indirect.gather [hbm4b:s5+s15], $0x10, s18, s15, $0xb8;
	[tilespmem:$0x18000] =	vst v63  }
0x3a: {  	s17 =	rddreg [dreg:$0x4]  }
0x3b: {  	[tilespmem:s8], [sflag:$0x3] =	stream.indirect.gather [hbm4b:s5+s15], $0x10, s17, s15, $0xb8;
	[tilespmem:$0x18000] =	vst v63  }
0x3c: {  	s25 =	rddreg [dreg:$0x5]  }
0x3d: {  	[tilespmem:s9], [sflag:$0x3] =	stream.indirect.gather [hbm4b:s5+s15], $0x10, s25, s15, $0xb8;
	[tilespmem:$0x18000] =	vst v63  }
0x3e: {  	s3 =	rddreg [dreg:$0x6]  }
0x3f: {  	[tilespmem:s13], [sflag:$0x3] =	stream.indirect.gather [hbm4b:s5+s15], $0x10, s3, s15, $0xb8;
	[tilespmem:$0x18000] =	vst v63  }
0x40: {  	s4 =	rddreg [dreg:$0x7]  }
0x41: {  	[tilespmem:s20], [sflag:$0x3] =	stream.indirect.gather [hbm4b:s5+s15], $0x10, s4, s15, $0xb8;
	[tilespmem:$0x18000] =	vst v63  }
0x42: {  	s6 =	rddreg [dreg:$0x8]  }
0x43: {  	[tilespmem:s21], [sflag:$0x3] =	stream.indirect.gather [hbm4b:s5+s15], $0x10, s6, s15, $0xb8;
	[tilespmem:$0x18000] =	vst v63  }
0x44: {  	s7 =	rddreg [dreg:$0x9]  }
0x45: {  	[tilespmem:s22], [sflag:$0x3] =	stream.indirect.gather [hbm4b:s5+s15], $0x10, s7, s15, $0xb8;
	[tilespmem:$0x18000] =	vst v63  }
0x46: {  	s10 =	rddreg [dreg:$0xa]  }
0x47: {  	[tilespmem:s12], [sflag:$0x3] =	stream.indirect.gather [hbm4b:s5+s15], $0x10, s10, s15, $0xb8;
	[tilespmem:$0x18000] =	vst v63  }
0x48: {  	p2 =	por $0x1, $0x1;
	s2 =	sadd.s32 $0x0, s16;
	s17 =	rddreg [dreg:$0xb]  }
0x49: {  	[tilespmem:s23], [sflag:$0x3] =	stream.indirect.gather [hbm4b:s5+s15], $0x10, s17, s15, $0xb8;
	[tilespmem:$0x18000] =	vst v63  }
0x4a: {  	s0 =	simm.s32 @!p2 $0x6;
	s25 =	rddreg [dreg:$0xc];
	s3 =	sadd.s32 $0x20, s2  }
0x4b: {  	[tilespmem:s11], [sflag:$0x3] =	stream.indirect.gather [hbm4b:s5+s15], $0x10, s25, s15, $0xb8;
	[tilespmem:$0x18000] =	vst v63  }
0x4c: {  	p1 =	sgt.u32 s3, $0x4E1;
	_ =	swait.ge @!p2 [sflag:s0], $0x5000  }
0x4d: {  	s3 =	simm.s32 @!p1 $0x0;
	[sflag:s0] =	ssyncset.done @!p2 $0x0  }
0x4e: {  	s4 =	simm.s32 @!p1 $0xCD80;
	s17 =	rddreg [dreg:$0x1c];
	[sflag:s0] =	ssyncadd.s32 @!p2 $0xFFFFB000  }
0x4f: {  	[tilespmem:s4], [sflag:$0x2] =	stream.linear.gather @!p1 [hbm4b:s17+s3], $0xA00, $0x38;
	[tilespmem:$0x18000] =	vst v63  }
0x50: {  	_ =	swait.ge [sflag:s28], $0x5000  }
0x51: {  	[sflag:s28] =	ssyncset.done $0x0  }
0x52: {  	s3 =	rddreg [dreg:$0xd];
	[sflag:s28] =	ssyncadd.s32 $0xFFFFB000  }
0x53: {  	[spmem:s1] =	stream.indirect.scatter.add.f32 [tilespmem:s19], [sflag:$0x5], $0x10, s3, s15, $0xb8;
	[tilespmem:$0x18000] =	vst v63  }
0x54: {  	s6 =	rddreg [dreg:$0xe]  }
0x55: {  	[spmem:s1] =	stream.indirect.scatter.add.f32 [tilespmem:s8], [sflag:$0x5], $0x10, s6, s15, $0xb8;
	[tilespmem:$0x18000] =	vst v63  }
0x56: {  	s7 =	rddreg [dreg:$0xf]  }
0x57: {  	[spmem:s1] =	stream.indirect.scatter.add.f32 [tilespmem:s9], [sflag:$0x5], $0x10, s7, s15, $0xb8;
	[tilespmem:$0x18000] =	vst v63  }
0x58: {  	s8 =	rddreg [dreg:$0x10]  }
0x59: {  	[spmem:s1] =	stream.indirect.scatter.add.f32 [tilespmem:s13], [sflag:$0x5], $0x10, s8, s15, $0xb8;
	[tilespmem:$0x18000] =	vst v63  }
0x5a: {  	s10 =	rddreg [dreg:$0x11]  }
0x5b: {  	[spmem:s1] =	stream.indirect.scatter.add.f32 [tilespmem:s20], [sflag:$0x5], $0x10, s10, s15, $0xb8;
	[tilespmem:$0x18000] =	vst v63  }
0x5c: {  	s13 =	rddreg [dreg:$0x12]  }
0x5d: {  	[spmem:s1] =	stream.indirect.scatter.add.f32 [tilespmem:s21], [sflag:$0x5], $0x10, s13, s15, $0xb8;
	[tilespmem:$0x18000] =	vst v63  }
0x5e: {  	s20 =	rddreg [dreg:$0x13]  }
0x5f: {  	[spmem:s1] =	stream.indirect.scatter.add.f32 [tilespmem:s22], [sflag:$0x5], $0x10, s20, s15, $0xb8;
	[tilespmem:$0x18000] =	vst v63  }
0x60: {  	s21 =	rddreg [dreg:$0x14]  }
0x61: {  	[spmem:s1] =	stream.indirect.scatter.add.f32 [tilespmem:s12], [sflag:$0x5], $0x10, s21, s15, $0xb8;
	[tilespmem:$0x18000] =	vst v63  }
0x62: {  	s22 =	rddreg [dreg:$0x15]  }
0x63: {  	[spmem:s1] =	stream.indirect.scatter.add.f32 [tilespmem:s23], [sflag:$0x5], $0x10, s22, s15, $0xb8;
	[tilespmem:$0x18000] =	vst v63  }
0x64: {  	s25 =	rddreg [dreg:$0x16];
	s6 =	simm.s32 @!p1 $0x2  }
0x65: {  	[spmem:s1] =	stream.indirect.scatter.add.f32 [tilespmem:s11], [sflag:$0x5], $0x10, s25, s15, $0xb8;
	[tilespmem:$0x18000] =	vst v63  }
0x66: {  	_ =	swait.ge @!p1 [sflag:s6], $0xA00  }
0x67: {  	[sflag:s6] =	ssyncset.done @!p1 $0x0  }
0x68: {  	s0 =	simm.s32 @!p1 $0x80;
	s3 =	simm.s32 @!p1 $0x12780;
	[sflag:s6] =	ssyncadd.s32 @!p1 $0xFFFFF600  }
0x69: {  	[tilespmem:s3], [sflag:$0x4] =	stream.indirect.gather @!p1 [hbm4b:s5+s0], $0x10, s4, s0, $0xb8;
	[tilespmem:$0x18000] =	vst v63  }
0x6a: {  	s7 =	simm.s32 @!p1 $0x12F80;
	s4 =	simm.s32 @!p1 $0xCE80  }
0x6b: {  	[tilespmem:s7], [sflag:$0x4] =	stream.indirect.gather @!p1 [hbm4b:s5+s0], $0x10, s4, s0, $0xb8;
	[tilespmem:$0x18000] =	vst v63  }
0x6c: {  	s8 =	simm.s32 @!p1 $0x13780;
	s4 =	simm.s32 @!p1 $0xCF80  }
0x6d: {  	[tilespmem:s8], [sflag:$0x4] =	stream.indirect.gather @!p1 [hbm4b:s5+s0], $0x10, s4, s0, $0xb8;
	[tilespmem:$0x18000] =	vst v63  }
0x6e: {  	s9 =	simm.s32 @!p1 $0x13F80;
	s4 =	simm.s32 @!p1 $0xD080  }
0x6f: {  	[tilespmem:s9], [sflag:$0x4] =	stream.indirect.gather @!p1 [hbm4b:s5+s0], $0x10, s4, s0, $0xb8;
	[tilespmem:$0x18000] =	vst v63  }
0x70: {  	s10 =	simm.s32 @!p1 $0x14780;
	s4 =	simm.s32 @!p1 $0xD180  }
0x71: {  	[tilespmem:s10], [sflag:$0x4] =	stream.indirect.gather @!p1 [hbm4b:s5+s0], $0x10, s4, s0, $0xb8;
	[tilespmem:$0x18000] =	vst v63  }
0x72: {  	s11 =	simm.s32 @!p1 $0x14F80;
	s4 =	simm.s32 @!p1 $0xD280  }
0x73: {  	[tilespmem:s11], [sflag:$0x4] =	stream.indirect.gather @!p1 [hbm4b:s5+s0], $0x10, s4, s0, $0xb8;
	[tilespmem:$0x18000] =	vst v63  }
0x74: {  	s13 =	simm.s32 @!p1 $0x15780;
	s4 =	simm.s32 @!p1 $0xD380  }
0x75: {  	[tilespmem:s13], [sflag:$0x4] =	stream.indirect.gather @!p1 [hbm4b:s5+s0], $0x10, s4, s0, $0xb8;
	[tilespmem:$0x18000] =	vst v63  }
0x76: {  	s25 =	simm.s32 @!p1 $0x15F80;
	s4 =	simm.s32 @!p1 $0xD480  }
0x77: {  	[tilespmem:s25], [sflag:$0x4] =	stream.indirect.gather @!p1 [hbm4b:s5+s0], $0x10, s4, s0, $0xb8;
	[tilespmem:$0x18000] =	vst v63  }
0x78: {  	s30 =	simm.s32 @!p1 $0x16780;
	s4 =	simm.s32 @!p1 $0xD580  }
0x79: {  	[tilespmem:s30], [sflag:$0x4] =	stream.indirect.gather @!p1 [hbm4b:s5+s0], $0x10, s4, s0, $0xb8;
	[tilespmem:$0x18000] =	vst v63  }
0x7a: {  	s2 =	sadd.s32 $0x40, s2;
	s6 =	simm.s32 @!p1 $0x16F80;
	s4 =	simm.s32 @!p1 $0xD680  }
0x7b: {  	[tilespmem:s6], [sflag:$0x4] =	stream.indirect.gather @!p1 [hbm4b:s5+s0], $0x10, s4, s0, $0xb8;
	[tilespmem:$0x18000] =	vst v63  }
0x7c: {  	p2 =	sgt.u32 s2, $0x4E1;
	_ =	swait.ge [sflag:s29], $0x5000  }
0x7d: {  	s2 =	sadd.s32 @!p2 $0x2800, s17;
	[sflag:s29] =	ssyncset.done $0x0  }
0x7e: {  	s31 =	simm.s32 @!p2 $0x0;
	s4 =	simm.s32 @!p2 $0xC380;
	[sflag:s29] =	ssyncadd.s32 $0xFFFFB000  }
0x7f: {  	[tilespmem:s4], [sflag:$0x1] =	stream.linear.gather @!p2 [hbm4b:s2+s31], $0xA00, $0x38;
	[tilespmem:$0x18000] =	vst v63  }
0x80: {  	s2 =	simm.s32 @!p1 $0x4  }
0x81: {  	_ =	swait.ge @!p1 [sflag:s2], $0x5000  }
0x82: {  	[sflag:s2] =	ssyncset.done @!p1 $0x0  }
0x83: {  	[sflag:s2] =	ssyncadd.s32 @!p1 $0xFFFFB000;
	s2 =	simm.s32 @!p1 $0xCE00  }
0x84: {  	[spmem:s1] =	stream.indirect.scatter.add.f32 @!p1 [tilespmem:s3], [sflag:$0x6], $0x10, s2, s0, $0xb8;
	[tilespmem:$0x18000] =	vst v63  }
0x85: {  	s2 =	simm.s32 @!p1 $0xCF00  }
0x86: {  	[spmem:s1] =	stream.indirect.scatter.add.f32 @!p1 [tilespmem:s7], [sflag:$0x6], $0x10, s2, s0, $0xb8;
	[tilespmem:$0x18000] =	vst v63  }
0x87: {  	s2 =	simm.s32 @!p1 $0xD000  }
0x88: {  	[spmem:s1] =	stream.indirect.scatter.add.f32 @!p1 [tilespmem:s8], [sflag:$0x6], $0x10, s2, s0, $0xb8;
	[tilespmem:$0x18000] =	vst v63  }
0x89: {  	s2 =	simm.s32 @!p1 $0xD100  }
0x8a: {  	[spmem:s1] =	stream.indirect.scatter.add.f32 @!p1 [tilespmem:s9], [sflag:$0x6], $0x10, s2, s0, $0xb8;
	[tilespmem:$0x18000] =	vst v63  }
0x8b: {  	s2 =	simm.s32 @!p1 $0xD200  }
0x8c: {  	[spmem:s1] =	stream.indirect.scatter.add.f32 @!p1 [tilespmem:s10], [sflag:$0x6], $0x10, s2, s0, $0xb8;
	[tilespmem:$0x18000] =	vst v63  }
0x8d: {  	s2 =	simm.s32 @!p1 $0xD300  }
0x8e: {  	[spmem:s1] =	stream.indirect.scatter.add.f32 @!p1 [tilespmem:s11], [sflag:$0x6], $0x10, s2, s0, $0xb8;
	[tilespmem:$0x18000] =	vst v63  }
0x8f: {  	s20 =	simm.s32 $0xDF80;
	s2 =	simm.s32 @!p1 $0xD400  }
0x90: {  	[spmem:s1] =	stream.indirect.scatter.add.f32 @!p1 [tilespmem:s13], [sflag:$0x6], $0x10, s2, s0, $0xb8;
	[tilespmem:$0x18000] =	vst v63  }
0x91: {  	s21 =	simm.s32 $0xE780;
	s12 =	simm.s32 $0x11F80;
	s2 =	simm.s32 @!p1 $0xD500  }
0x92: {  	[spmem:s1] =	stream.indirect.scatter.add.f32 @!p1 [tilespmem:s25], [sflag:$0x6], $0x10, s2, s0, $0xb8;
	[tilespmem:$0x18000] =	vst v63  }
0x93: {  	s23 =	simm.s32 $0x11780;
	s22 =	simm.s32 $0xEF80;
	s2 =	simm.s32 @!p1 $0xD600  }
0x94: {  	[spmem:s1] =	stream.indirect.scatter.add.f32 @!p1 [tilespmem:s30], [sflag:$0x6], $0x10, s2, s0, $0xb8;
	[tilespmem:$0x18000] =	vst v63  }
0x95: {  	s31 =	smov.u32 s17;
	s30 =	simm.s32 $0x40;
	s2 =	simm.s32 @!p1 $0xD700  }
.LBB2_6:
0x96: {  	[spmem:s1] =	stream.indirect.scatter.add.f32 @!p1 [tilespmem:s6], [sflag:$0x6], $0x10, s2, s0, $0xb8;
	[tilespmem:$0x18000] =	vst v63  }
0x97: {  	_ =	swait.ge [sflag:s14], $0xA00  }
0x98: {  	[sflag:s14] =	ssyncset.done $0x0  }
0x99: {  	[sflag:s14] =	ssyncadd.s32 $0xFFFFF600  }
0x9a: {  	[tilespmem:s19], [sflag:$0x3] =	stream.indirect.gather [hbm4b:s5+s15], $0x10, s18, s15, $0xb8;
	[tilespmem:$0x18000] =	vst v63  }
0x9b: {  	s7 =	rddreg [dreg:$0x4]  }
0x9c: {  	[tilespmem:s20], [sflag:$0x3] =	stream.indirect.gather [hbm4b:s5+s15], $0x10, s7, s15, $0xb8;
	[tilespmem:$0x18000] =	vst v63  }
0x9d: {  	s8 =	rddreg [dreg:$0x5]  }
0x9e: {  	[tilespmem:s21], [sflag:$0x3] =	stream.indirect.gather [hbm4b:s5+s15], $0x10, s8, s15, $0xb8;
	[tilespmem:$0x18000] =	vst v63  }
0x9f: {  	s9 =	rddreg [dreg:$0x6]  }
0xa0: {  	[tilespmem:s22], [sflag:$0x3] =	stream.indirect.gather [hbm4b:s5+s15], $0x10, s9, s15, $0xb8;
	[tilespmem:$0x18000] =	vst v63  }
0xa1: {  	s10 =	rddreg [dreg:$0x7];
	s8 =	simm.s32 $0xF780  }
0xa2: {  	[tilespmem:s8], [sflag:$0x3] =	stream.indirect.gather [hbm4b:s5+s15], $0x10, s10, s15, $0xb8;
	[tilespmem:$0x18000] =	vst v63  }
0xa3: {  	s11 =	rddreg [dreg:$0x8]  }
0xa4: {  	[tilespmem:s24], [sflag:$0x3] =	stream.indirect.gather [hbm4b:s5+s15], $0x10, s11, s15, $0xb8;
	[tilespmem:$0x18000] =	vst v63  }
0xa5: {  	s13 =	rddreg [dreg:$0x9]  }
0xa6: {  	[tilespmem:s26], [sflag:$0x3] =	stream.indirect.gather [hbm4b:s5+s15], $0x10, s13, s15, $0xb8;
	[tilespmem:$0x18000] =	vst v63  }
0xa7: {  	s3 =	smov.u32 s30;
	s17 =	rddreg [dreg:$0xa];
	s7 =	simm.s32 $0x10F80  }
0xa8: {  	[tilespmem:s7], [sflag:$0x3] =	stream.indirect.gather [hbm4b:s5+s15], $0x10, s17, s15, $0xb8;
	[tilespmem:$0x18000] =	vst v63  }
0xa9: {  	p3 =	seq.s32 s3, $0x0;
	s18 =	rddreg [dreg:$0xb]  }
0xaa: {  	[tilespmem:s23], [sflag:$0x3] =	stream.indirect.gather [hbm4b:s5+s15], $0x10, s18, s15, $0xb8;
	[tilespmem:$0x18000] =	vst v63  }
0xab: {  	s3 =	sadd.s32 s3, s16;
	s25 =	rddreg [dreg:$0xc];
	s0 =	simm.s32 @!p3 $0x6  }
0xac: {  	[tilespmem:s12], [sflag:$0x3] =	stream.indirect.gather [hbm4b:s5+s15], $0x10, s25, s15, $0xb8;
	[tilespmem:$0x18000] =	vst v63  }
0xad: {  	s4 =	sadd.s32 $0x20, s3;
	_ =	swait.ge @!p3 [sflag:s0], $0x5000  }
0xae: {  	s31 =	sadd.s32 $0x5000, s31;
	p1 =	sgt.u32 s4, $0x4E1;
	[sflag:s0] =	ssyncset.done @!p3 $0x0  }
0xaf: {  	s4 =	simm.s32 @!p1 $0x0;
	s2 =	simm.s32 @!p1 $0xCD80;
	[sflag:s0] =	ssyncadd.s32 @!p3 $0xFFFFB000  }
0xb0: {  	[tilespmem:s2], [sflag:$0x2] =	stream.linear.gather @!p1 [hbm4b:s31+s4], $0xA00, $0x38;
	[tilespmem:$0x18000] =	vst v63  }
0xb1: {  	_ =	swait.ge [sflag:s28], $0x5000  }
0xb2: {  	[sflag:s28] =	ssyncset.done $0x0  }
0xb3: {  	s4 =	rddreg [dreg:$0xd];
	[sflag:s28] =	ssyncadd.s32 $0xFFFFB000  }
0xb4: {  	[spmem:s1] =	stream.indirect.scatter.add.f32 [tilespmem:s19], [sflag:$0x5], $0x10, s4, s15, $0xb8;
	[tilespmem:$0x18000] =	vst v63  }
0xb5: {  	s6 =	rddreg [dreg:$0xe]  }
0xb6: {  	[spmem:s1] =	stream.indirect.scatter.add.f32 [tilespmem:s20], [sflag:$0x5], $0x10, s6, s15, $0xb8;
	[tilespmem:$0x18000] =	vst v63  }
0xb7: {  	s9 =	rddreg [dreg:$0xf]  }
0xb8: {  	[spmem:s1] =	stream.indirect.scatter.add.f32 [tilespmem:s21], [sflag:$0x5], $0x10, s9, s15, $0xb8;
	[tilespmem:$0x18000] =	vst v63  }
0xb9: {  	s10 =	rddreg [dreg:$0x10]  }
0xba: {  	[spmem:s1] =	stream.indirect.scatter.add.f32 [tilespmem:s22], [sflag:$0x5], $0x10, s10, s15, $0xb8;
	[tilespmem:$0x18000] =	vst v63  }
0xbb: {  	s11 =	rddreg [dreg:$0x11]  }
0xbc: {  	[spmem:s1] =	stream.indirect.scatter.add.f32 [tilespmem:s8], [sflag:$0x5], $0x10, s11, s15, $0xb8;
	[tilespmem:$0x18000] =	vst v63  }
0xbd: {  	s13 =	rddreg [dreg:$0x12]  }
0xbe: {  	[spmem:s1] =	stream.indirect.scatter.add.f32 [tilespmem:s24], [sflag:$0x5], $0x10, s13, s15, $0xb8;
	[tilespmem:$0x18000] =	vst v63  }
0xbf: {  	s17 =	rddreg [dreg:$0x13]  }
0xc0: {  	[spmem:s1] =	stream.indirect.scatter.add.f32 [tilespmem:s26], [sflag:$0x5], $0x10, s17, s15, $0xb8;
	[tilespmem:$0x18000] =	vst v63  }
0xc1: {  	s18 =	rddreg [dreg:$0x14]  }
0xc2: {  	[spmem:s1] =	stream.indirect.scatter.add.f32 [tilespmem:s7], [sflag:$0x5], $0x10, s18, s15, $0xb8;
	[tilespmem:$0x18000] =	vst v63  }
0xc3: {  	s19 =	rddreg [dreg:$0x15]  }
0xc4: {  	[spmem:s1] =	stream.indirect.scatter.add.f32 [tilespmem:s23], [sflag:$0x5], $0x10, s19, s15, $0xb8;
	[tilespmem:$0x18000] =	vst v63  }
0xc5: {  	s25 =	rddreg [dreg:$0x16];
	s4 =	simm.s32 @!p1 $0x2  }
0xc6: {  	[spmem:s1] =	stream.indirect.scatter.add.f32 [tilespmem:s12], [sflag:$0x5], $0x10, s25, s15, $0xb8;
	[tilespmem:$0x18000] =	vst v63  }
0xc7: {  	_ =	swait.ge @!p1 [sflag:s4], $0xA00  }
0xc8: {  	[sflag:s4] =	ssyncset.done @!p1 $0x0  }
0xc9: {  	s0 =	simm.s32 @!p1 $0x80;
	s7 =	simm.s32 @!p1 $0x12780;
	[sflag:s4] =	ssyncadd.s32 @!p1 $0xFFFFF600  }
0xca: {  	[tilespmem:s7], [sflag:$0x4] =	stream.indirect.gather @!p1 [hbm4b:s5+s0], $0x10, s2, s0, $0xb8;
	[tilespmem:$0x18000] =	vst v63  }
0xcb: {  	s8 =	simm.s32 @!p1 $0x12F80;
	s4 =	simm.s32 @!p1 $0xCE80  }
0xcc: {  	[tilespmem:s8], [sflag:$0x4] =	stream.indirect.gather @!p1 [hbm4b:s5+s0], $0x10, s4, s0, $0xb8;
	[tilespmem:$0x18000] =	vst v63  }
0xcd: {  	s25 =	simm.s32 @!p1 $0x13780;
	s2 =	simm.s32 @!p1 $0xCF80  }
0xce: {  	[tilespmem:s25], [sflag:$0x4] =	stream.indirect.gather @!p1 [hbm4b:s5+s0], $0x10, s2, s0, $0xb8;
	[tilespmem:$0x18000] =	vst v63  }
0xcf: {  	s10 =	simm.s32 @!p1 $0x13F80;
	s4 =	simm.s32 @!p1 $0xD080  }
0xd0: {  	[tilespmem:s10], [sflag:$0x4] =	stream.indirect.gather @!p1 [hbm4b:s5+s0], $0x10, s4, s0, $0xb8;
	[tilespmem:$0x18000] =	vst v63  }
0xd1: {  	s6 =	simm.s32 @!p1 $0xD180;
	s2 =	simm.s32 @!p1 $0x14780  }
0xd2: {  	[tilespmem:s2], [sflag:$0x4] =	stream.indirect.gather @!p1 [hbm4b:s5+s0], $0x10, s6, s0, $0xb8;
	[tilespmem:$0x18000] =	vst v63  }
0xd3: {  	s11 =	simm.s32 @!p1 $0x14F80;
	s4 =	simm.s32 @!p1 $0xD280  }
0xd4: {  	[tilespmem:s11], [sflag:$0x4] =	stream.indirect.gather @!p1 [hbm4b:s5+s0], $0x10, s4, s0, $0xb8;
	[tilespmem:$0x18000] =	vst v63  }
0xd5: {  	s13 =	simm.s32 @!p1 $0x15780;
	s6 =	simm.s32 @!p1 $0xD380  }
0xd6: {  	[tilespmem:s13], [sflag:$0x4] =	stream.indirect.gather @!p1 [hbm4b:s5+s0], $0x10, s6, s0, $0xb8;
	[tilespmem:$0x18000] =	vst v63  }
0xd7: {  	s19 =	smov.u32 s16;
	s16 =	simm.s32 @!p1 $0xD480;
	s4 =	simm.s32 @!p1 $0x15F80  }
0xd8: {  	[tilespmem:s4], [sflag:$0x4] =	stream.indirect.gather @!p1 [hbm4b:s5+s0], $0x10, s16, s0, $0xb8;
	[tilespmem:$0x18000] =	vst v63  }
0xd9: {  	s9 =	simm.s32 @!p1 $0x16780;
	s17 =	simm.s32 @!p1 $0xD580  }
0xda: {  	[tilespmem:s9], [sflag:$0x4] =	stream.indirect.gather @!p1 [hbm4b:s5+s0], $0x10, s17, s0, $0xb8;
	[tilespmem:$0x18000] =	vst v63  }
0xdb: {  	s3 =	sadd.s32 $0x40, s3;
	s6 =	simm.s32 @!p1 $0x16F80;
	s16 =	simm.s32 @!p1 $0xD680  }
0xdc: {  	[tilespmem:s6], [sflag:$0x4] =	stream.indirect.gather @!p1 [hbm4b:s5+s0], $0x10, s16, s0, $0xb8;
	[tilespmem:$0x18000] =	vst v63  }
0xdd: {  	p3 =	sgt.u32 s3, $0x4E1;
	_ =	swait.ge [sflag:s29], $0x5000  }
0xde: {  	s3 =	sadd.s32 @!p3 $0x2800, s31;
	s18 =	simm.s32 @!p1 $0x4;
	[sflag:s29] =	ssyncset.done $0x0  }
0xdf: {  	s17 =	simm.s32 @!p3 $0x0;
	s16 =	simm.s32 @!p3 $0xC380;
	[sflag:s29] =	ssyncadd.s32 $0xFFFFB000  }
0xe0: {  	[tilespmem:s16], [sflag:$0x1] =	stream.linear.gather @!p3 [hbm4b:s3+s17], $0xA00, $0x38;
	[tilespmem:$0x18000] =	vst v63  }
0xe1: {  	_ =	swait.ge @!p1 [sflag:s18], $0x5000  }
0xe2: {  	[sflag:s18] =	ssyncset.done @!p1 $0x0  }
0xe3: {  	s3 =	simm.s32 @!p1 $0xCE00;
	[sflag:s18] =	ssyncadd.s32 @!p1 $0xFFFFB000  }
0xe4: {  	[spmem:s1] =	stream.indirect.scatter.add.f32 @!p1 [tilespmem:s7], [sflag:$0x6], $0x10, s3, s0, $0xb8;
	[tilespmem:$0x18000] =	vst v63  }
0xe5: {  	s16 =	simm.s32 @!p1 $0xCF00  }
0xe6: {  	[spmem:s1] =	stream.indirect.scatter.add.f32 @!p1 [tilespmem:s8], [sflag:$0x6], $0x10, s16, s0, $0xb8;
	[tilespmem:$0x18000] =	vst v63  }
0xe7: {  	s3 =	simm.s32 @!p1 $0xD000  }
0xe8: {  	[spmem:s1] =	stream.indirect.scatter.add.f32 @!p1 [tilespmem:s25], [sflag:$0x6], $0x10, s3, s0, $0xb8;
	[tilespmem:$0x18000] =	vst v63  }
0xe9: {  	s7 =	simm.s32 @!p1 $0xD100  }
0xea: {  	[spmem:s1] =	stream.indirect.scatter.add.f32 @!p1 [tilespmem:s10], [sflag:$0x6], $0x10, s7, s0, $0xb8;
	[tilespmem:$0x18000] =	vst v63  }
0xeb: {  	s3 =	simm.s32 @!p1 $0xD200  }
0xec: {  	[spmem:s1] =	stream.indirect.scatter.add.f32 @!p1 [tilespmem:s2], [sflag:$0x6], $0x10, s3, s0, $0xb8;
	[tilespmem:$0x18000] =	vst v63  }
0xed: {  	s30 =	sadd.s32 $0x40, s30;
	s7 =	simm.s32 @!p1 $0xD300  }
0xee: {  	[spmem:s1] =	stream.indirect.scatter.add.f32 @!p1 [tilespmem:s11], [sflag:$0x6], $0x10, s7, s0, $0xb8;
	[tilespmem:$0x18000] =	vst v63  }
0xef: {  	p2 =	sne.s32 s30, $0x500;
	s2 =	simm.s32 @!p1 $0xD400  }
0xf0: {  	[spmem:s1] =	stream.indirect.scatter.add.f32 @!p1 [tilespmem:s13], [sflag:$0x6], $0x10, s2, s0, $0xb8;
	[tilespmem:$0x18000] =	vst v63  }
.Ltmp2:
0xf1: {  	_ = 	snop;
	(pc) =	sbr.rel @p2 .LBB2_6-.Ltmp2, $4  }
0xf2: {  	s18 =	simm.s32 $0xC380;
	s16 =	smov.u32 s19;
	s3 =	simm.s32 @!p1 $0xD500  }
0xf3: {  	[spmem:s1] =	stream.indirect.scatter.add.f32 @!p1 [tilespmem:s4], [sflag:$0x6], $0x10, s3, s0, $0xb8;
	[tilespmem:$0x18000] =	vst v63  }
0xf4: {  	s19 =	simm.s32 $0xD780;
	s7 =	simm.s32 @!p1 $0xD600;
	s2 =	simm.s32 @!p1 $0xD700  }
0xf5: {  	[spmem:s1] =	stream.indirect.scatter.add.f32 @!p1 [tilespmem:s9], [sflag:$0x6], $0x10, s7, s0, $0xb8;
	[tilespmem:$0x18000] =	vst v63  }
0xf6: {  	[spmem:s1] =	stream.indirect.scatter.add.f32 @!p1 [tilespmem:s6], [sflag:$0x6], $0x10, s2, s0, $0xb8;
	[tilespmem:$0x18000] =	vst v63  }
0xf7: {  	s0 =	simm.s32 @!p0 $0x6  }
0xf8: {  	_ =	swait.ge @!p0 [sflag:s0], $0x5000  }
0xf9: {  	[sflag:s0] =	ssyncset.done @!p0 $0x0  }
0xfa: {  	[sflag:s0] =	ssyncadd.s32 @!p0 $0xFFFFB000  }
0xfb: {  	s25 =	stileid.u32;
	[bflag:$0x0] =	sbarrier.arrive $0xFFFF  }
0xfc: {  	s0 =	sshll.u32 s25, $0x6;
	s30 =	rddreg [dreg:$0x19]  }
0xfd: {  	s4 =	simm.s32 $0x7;
	s0 =	sor.u32 $0x1C07, s0;
	s3 =	rddreg [dreg:$0x1d]  }
0xfe: {  	[hbm:s30], [sflag:s0] =	dma.local [spmem:s3], $0x1870  }
0xff: {  	_ =	swait.ge [sflag:s4], $0x1870  }
0x100: {  	s10 =	rddreg [dreg:$0x17]  }
0x101: {  	s31 =	rddreg [dreg:$0x1a];
	s10 =	sadd.s32 $0x1, s10  }
0x102: {  	p1 =	sne.s32 s10, s31  }
.Ltmp3:
0x103: {  	s8 =	simm.s32 $0xDF80;
	(pc) =	sbr.rel @p1 .LBB2_1-.Ltmp3, $4  }
0x104: {  	s9 =	simm.s32 $0xE780;
	s13 =	simm.s32 $0xEF80;
	s20 =	simm.s32 $0xF780  }
0x105: {  	s21 =	simm.s32 $0xFF80;
	s22 =	simm.s32 $0x10780;
	s12 =	simm.s32 $0x10F80  }
0x106: {  	s23 =	simm.s32 $0x11780;
	s11 =	simm.s32 $0x11F80;
	[sflag:s4] =	ssyncset.done $0x0  }
0x107: {  	s3 =	simm.s32 $0x17780;
	s7 =	rddreg [dreg:$0x1b];
	[sflag:s4] =	ssyncadd.s32 $0xFFFFE790  }
0x108: {  	_ =	sfence.sel $0x180000  }
0x109: {  	[bflag:$0x0] =	sbarrier.arrive $0xFFFF  }
0x10a: {  	_ =	strace $0x9000004A  }
0x10b: {  	[bflag:$0x2] =	sbarrier.arrive $0xFFFF  }
0x10c: {  	s0 =	rddreg [dreg:$0x3]  }
0x10d: {  	s0 =	sadd.s32 @!p0 $0x100000, s0  }
0x10e: {  	[sflag:s0] =	ssyncadd.tile.s32 @!p0 $0x1;
	_ =	shalt  }
.Lfunc_end2:
_tile_overlayer_lowered:
.L_overlay_start_2:
0x10f: {  	(tag) =	ssettag $0x2  }
0x110: {  	s0 =	rddreg [dreg:$0x0];
	s2 =	stileid.u32  }
0x111: {  	s1 =	rddreg [dreg:$0x1];
	p0 =	sne.s32 s2, $0x0  }
0x112: {  	s3 =	rddreg [dreg:$0x2];
	[bflag:$0x3] =	sbarrier.arrive $0xFFFF;
	s2 =	simm.s32 @!p0 $0x1C07  }
0x113: {  	[timem:s3], [sflag:s2] =	dma.local @!p0 [hbm:s0], s1  }
0x114: {  	s0 =	simm.s32 @!p0 $0x7  }
0x115: {  	_ =	swait.ge @!p0 [sflag:s0], s1  }
0x116: {  	s1 =	ssub.s32 @!p0 $0x0, s1;
	[sflag:s0] =	ssyncset.done @!p0 $0x0  }
0x117: {  	[sflag:s0] =	ssyncadd.s32 @!p0 s1  }
0x118: {  	[bflag:$0x3] =	sbarrier.arrive $0xFFFF  }
0x119: {  	_ =	shalt  }

// kernel: kernel.16.cloned.1.call-start
scs
__scs_entry_jumppad:
0x0: {  	(pc) =	sbr.rel $0x88, $3  }
0x1: {  	(tag) =	ssettag $0x0;
	lr =	simm.s32 $0x1  }
0x2: {  	[smem:$0x3F9B] =	sst lr;
	_ =	strace $0xD0000000  }
0x3: {  	_ = 	snop  }
0x4: {  	_ = 	snop  }
0x5: {  	_ = 	snop  }
0x6: {  	_ = 	snop  }
0x7: {  	_ = 	snop  }
__scs_overlays_trampoline_lowered:
0x8: {  	[smem:$0x3FAA] =	sst s0  }
0x9: {  	[smem:$0x3FAB] =	sst s1  }
0xa: {  	[smem:$0x3FAC] =	sst s2  }
0xb: {  	[smem:$0x3FAD] =	sst s3  }
0xc: {  	[smem:$0x3FAE] =	sst s4  }
0xd: {  	[smem:$0x3FAF] =	sst s5  }
0xe: {  	[smem:$0x3FB0] =	sst s6  }
0xf: {  	[smem:$0x3FB1] =	sst s7  }
0x10: {  	[smem:$0x3FB2] =	sst s8  }
0x11: {  	[smem:$0x3FB3] =	sst s9;
	s0 =	simm.s32 @!p0 $0x0  }
0x12: {  	s1 =	sld [smem:$0x3F99];
	s0 =	simm.s32 @p0 $0x1  }
0x13: {  	[smem:$0x3FB4] =	sst s0;
	s0 =	simm.s32 @!p1 $0x0  }
0x14: {  	s2 =	sld [smem:$0x3F98];
	s0 =	simm.s32 @p1 $0x1  }
0x15: {  	[smem:$0x3FB5] =	sst s0;
	s0 =	simm.s32 @!p2 $0x0  }
0x16: {  	s3 =	sld [smem:$0x3FDB];
	s0 =	simm.s32 @p2 $0x1  }
0x17: {  	s4 =	simm.s32 $0x1BF5;
	[smem:$0x3FB7] =	sst s0  }
0x18: {  	s0 =	sld [smem:$0x3F9A];
	_ =	swait.ge [sflag:s4], $0x0  }
0x19: {  	s7 =	sld [smem:$0x3F9B]  }
0x1a: {  	s8 =	sadd.s32 $0xFFFFE003, lr  }
0x1b: {  	s9 =	sadd.s32 $0xFFFFFEF7, lr;
	s5 =	simm.s32 $0xFFFFFFFF;
	p2 =	slt.u32 s8, $0xFFFFF086  }
0x1c: {  	p1 =	slt.u32 s9, $0xF7A;
	s5 =	simm.s32 @!p2 $0x0  }
0x1d: {  	s5 =	simm.s32 @p1 $0x1;
	p0 =	seq.s32 s7, s2  }
0x1e: {  	s7 =	smul.u32 @!p0 $0xF7A, s2;
	p2 =	seq.s32 @!p0 s5, $0x0  }
0x1f: {  	s9 =	smul.u32 $0xF7A, s1;
	s8 =	simm.s32 @!p0 $0x1BF5;
	p2 =	por !p2, p0  }
0x20: {  	[sflag:s8] =	ssyncset.s32 @!p0 $0xFFFFF086;
	s6 =	sadd.s32 @!p0 s3, s7;
	s7 =	simm.s32 @!p0 $0x108  }
0x21: {  	s3 =	sadd.s32 s3, s9;
	s6 =	sadd.s32 @!p0 $0x88, s6;
	s7 =	simm.s32 @p2 $0x1082  }
0x22: {  	[simem:s7], [sflag:s8] =	dma.local @!p0 [hbm:s6], $0xF7A  }
0x23: {  	s9 =	sor.u32 $0xD0000000, s2;
	s6 =	simm.s32 $0x108;
	_ =	swait.ge @!p0 [sflag:s8], $0x0  }
0x24: {  	s3 =	sadd.s32 $0x88, s3;
	s6 =	simm.s32 @!p1 $0x1082;
	[sflag:s4] =	ssyncset.s32 $0xFFFFF086  }
0x25: {  	[simem:s6], [sflag:s4] =	dma.local [hbm:s3], $0xF7A  }
0x26: {  	[smem:$0x3F9B] =	sst s1;
	(tag) =	ssettag s2;
	_ =	strace s9  }
0x27: {  	s1 =	sld [smem:$0x3FAB]  }
0x28: {  	s2 =	sld [smem:$0x3FAC]  }
0x29: {  	s4 =	sld [smem:$0x3FAE]  }
0x2a: {  	p0 =	seq.s32 s5, $0x0;
	s5 =	sld [smem:$0x3FAF]  }
0x2b: {  	s6 =	sld [smem:$0x3FB0]  }
0x2c: {  	s7 =	sld [smem:$0x3FB1]  }
0x2d: {  	s3 =	simm.s32 $0x108;
	s8 =	sld [smem:$0x3FB2]  }
0x2e: {  	s3 =	simm.s32 @!p0 $0x1082;
	s9 =	sld [smem:$0x3FB3]  }
0x2f: {  	lr =	sadd.s32 s0, s3;
	s0 =	sld [smem:$0x3FAA]  }
0x30: {  	s3 =	sld [smem:$0x3FAD]  }
0x31: {  	[smem:$0x3FB6] =	sst s10  }
0x32: {  	s10 =	sld [smem:$0x3FB4];
	_ =	sdelay $0x3  }
0x33: {  	p0 =	seq.s32 s10, $0x1;
	s10 =	sld [smem:$0x3FB6];
	_ =	sdelay $0x3  }
0x34: {  	[smem:$0x3FB6] =	sst s10  }
0x35: {  	s10 =	sld [smem:$0x3FB5];
	_ =	sdelay $0x3  }
0x36: {  	p1 =	seq.s32 s10, $0x1;
	s10 =	sld [smem:$0x3FB6];
	_ =	sdelay $0x3  }
0x37: {  	[smem:$0x3FB6] =	sst s10  }
0x38: {  	s10 =	sld [smem:$0x3FB7]  }
0x39: {  	_ = 	snop;
	(pc) =	sbr.ind lr, $3  }
0x3a: {  	_ = 	snop  }
0x3b: {  	_ = 	snop  }
0x3c: {  	p2 =	seq.s32 s10, $0x1;
	s10 =	sld [smem:$0x3FB6]  }
0x3d: {  	_ =	shalt  }
0x3e: {  	_ =	shalt  }
0x3f: {  	_ =	shalt  }
0x40: {  	_ =	shalt  }
0x41: {  	_ =	shalt  }
0x42: {  	_ =	shalt  }
0x43: {  	_ =	shalt  }
0x44: {  	_ =	shalt  }
0x45: {  	_ =	shalt  }
0x46: {  	_ =	shalt  }
0x47: {  	_ =	shalt  }
0x48: {  	_ =	shalt  }
0x49: {  	_ =	shalt  }
0x4a: {  	_ =	shalt  }
0x4b: {  	_ =	shalt  }
0x4c: {  	_ =	shalt  }
0x4d: {  	_ =	shalt  }
0x4e: {  	_ =	shalt  }
0x4f: {  	_ =	shalt  }
0x50: {  	_ =	shalt  }
0x51: {  	_ =	shalt  }
0x52: {  	_ =	shalt  }
0x53: {  	_ =	shalt  }
0x54: {  	_ =	shalt  }
0x55: {  	_ =	shalt  }
0x56: {  	_ =	shalt  }
0x57: {  	_ =	shalt  }
0x58: {  	_ =	shalt  }
0x59: {  	_ =	shalt  }
0x5a: {  	_ =	shalt  }
0x5b: {  	_ =	shalt  }
0x5c: {  	_ =	shalt  }
0x5d: {  	_ =	shalt  }
0x5e: {  	_ =	shalt  }
0x5f: {  	_ =	shalt  }
0x60: {  	_ =	shalt  }
0x61: {  	_ =	shalt  }
0x62: {  	_ =	shalt  }
0x63: {  	_ =	shalt  }
0x64: {  	_ =	shalt  }
0x65: {  	_ =	shalt  }
0x66: {  	_ =	shalt  }
0x67: {  	_ =	shalt  }
0x68: {  	_ =	shalt  }
0x69: {  	_ =	shalt  }
0x6a: {  	_ =	shalt  }
0x6b: {  	_ =	shalt  }
0x6c: {  	_ =	shalt  }
0x6d: {  	_ =	shalt  }
0x6e: {  	_ =	shalt  }
0x6f: {  	_ =	shalt  }
0x70: {  	_ =	shalt  }
0x71: {  	_ =	shalt  }
0x72: {  	_ =	shalt  }
0x73: {  	_ =	shalt  }
0x74: {  	_ =	shalt  }
0x75: {  	_ =	shalt  }
0x76: {  	_ =	shalt  }
0x77: {  	_ =	shalt  }
0x78: {  	_ =	shalt  }
0x79: {  	_ =	shalt  }
0x7a: {  	_ =	shalt  }
0x7b: {  	_ =	shalt  }
0x7c: {  	_ =	shalt  }
0x7d: {  	_ =	shalt  }
0x7e: {  	_ =	shalt  }
0x7f: {  	_ =	shalt  }
0x80: {  	_ =	shalt  }
0x81: {  	_ =	shalt  }
0x82: {  	_ =	shalt  }
0x83: {  	_ =	shalt  }
0x84: {  	_ =	shalt  }
0x85: {  	_ =	shalt  }
0x86: {  	_ =	shalt  }
0x87: {  	_ =	shalt  }
.Lfunc_end0:
.L_simem_size_0:
called_computation.2_lowered:
.L_overlay_start_0:
0x88: {  	s2 =	sld [smem:$0x3FD9]  }
0x89: {  	s3 =	sld [smem:$0x3FFE];
	_ =	sdelay $0x1  }
0x8a: {  	s1 =	srdreg.scid  }
0x8b: {  	s0 =	sand.u32 $0x1, s1  }
0x8c: {  	s17 =	sshll.u32 s0, $0xA;
	s2 =	sadd.s32 s3, s2  }
0x8d: {  	s2 =	sadd.s32 s2, s17  }
0x8e: {  	[smem:$0x3FC2] =	sst s2  }
0x8f: {  	_ = 	snop  }
0x90: {  	s2 =	sld [smem:$0x3FC8];
	(tm) =	ssettm $0x1  }
0x91: {  	s18 =	sld [smem:$0x3FFB];
	_ =	sdelay $0x3  }
0x92: {  	_ =	strace s18  }
0x93: {  	s3 =	sld [smem:$0x3FFC];
	_ =	sdelay $0x3  }
0x94: {  	_ =	strace s3  }
0x95: {  	s3 =	sld [smem:$0x3FFD];
	_ =	sdelay $0x3  }
0x96: {  	_ =	strace s3  }
0x97: {  	_ =	strace $0x8FFFFFFF  }
0x98: {  	s19 =	sld [smem:$0x3FDB];
	_ =	sdelay $0x1  }
0x99: {  	s4 =	simm.s32 $_scs_section_size  }
0x9a: {  	s5 =	simm.s32 $_size__tile_overlayer_lowered;
	s6 =	simm.s32 $_tile_overlayer_lowered  }
0x9b: {  	s22 =	simm.s32 $0x1BFF;
	s21 =	sshll.u32 s6, $0x1;
	s3 =	sadd.s32 s4, s19  }
0x9c: {  	s7 =	simm.s32 $0x0;
	s20 =	sshll.u32 s5, $0x1;
	s5 =	sadd.s32 s21, s3  }
0x9d: {  	[timem:s7], [sflag:s22] =	dma.local [hbm:s5], s20  }
0x9e: {  	_ =	swait.ge [sflag:s22], s20  }
0x9f: {  	s4 =	ssub.s32 $0x0, s20;
	[sflag:s22] =	ssyncset.done $0x0  }
0xa0: {  	[sflag:s22] =	ssyncadd.s32 s4;
	_ =	sdelay $0x1  }
0xa1: {  	s23 =	simm.s32 $0x1B8B  }
0xa2: {  	_ =	swait.ge [sflag:s23], $0x1  }
0xa3: {  	[sflag:s23] =	ssyncset.done $0x0  }
0xa4: {  	s25 =	simm.s32 $0x1B8E;
	s24 =	sld [smem:$0x3FFE];
	[sflag:s23] =	ssyncadd.s32 $0xFFFFFFFF  }
0xa5: {  	s26 =	simm.s32 $execute0_lowered;
	[smem:$0x3FD2] =	sst s25  }
0xa6: {  	s5 =	sshll.u32 s26, $0x1;
	_ =	strace $0x8000004C;
	[dreg:$0x1] =	wrdreg $0xFFFFFFFF  }
0xa7: {  	s28 =	simm.s32 $_size_execute0_lowered;
	s3 =	sadd.s32 s3, s5;
	[dreg:$0x0] =	wrdreg $0x0  }
0xa8: {  	s5 =	sshll.u32 s28, $0x1;
	[dreg:$0x2] =	wrdreg s3  }
0xa9: {  	[dreg:$0x3] =	wrdreg s5  }
0xaa: {  	[dreg:$0x4] =	wrdreg $0xC0  }
0xab: {  	_ =	task [dreg:s7], $0x5FFFF  }
0xac: {  	[dreg:$0x1] =	wrdreg $0xFFFFFFFF  }
0xad: {  	[dreg:$0x0] =	wrdreg $0x60  }
0xae: {  	[dreg:$0x2] =	wrdreg s24  }
0xaf: {  	[dreg:$0x3] =	wrdreg s2  }
0xb0: {  	[dreg:$0x4] =	wrdreg $0x0  }
0xb1: {  	[dreg:$0x5] =	wrdreg $0x9  }
0xb2: {  	_ =	task.clear_ibuf [dreg:s7], $0x6FFFF;
	_ =	strace $0x9000004C  }
0xb3: {  	s29 =	simm.s32 $0x9;
	_ =	strace $0x8000004E  }
0xb4: {  	_ =	swait.ge [sflag:s29], $0x1  }
0xb5: {  	[sflag:s29] =	ssyncadd.s32 $0xFFFFFFFF  }
0xb6: {  	_ =	strace $0x9000004E  }
0xb7: {  	_ =	sfence  }
0xb8: {  	s30 =	sld [smem:$0x0];
	_ =	sdelay $0x2  }
0xb9: {  	s31 =	sshll.u32 s1, $0xD;
	s1 =	sshrl.u32 s1, $0x2  }
0xba: {  	s3 =	sand.u32 $0x4000, s31;
	s1 =	sadd.s32 s1, s30  }
0xbb: {  	s0 =	sor.u32 s3, s0;
	s1 =	sshll.u32 s1, $0x11  }
0xbc: {  	s0 =	sor.u32 s1, s0  }
0xbd: {  	s0 =	sadd.s32 $0x8F2B, s0  }
0xbe: {  	[sflag:s0] =	ssyncadd.remote.s32 $0x1  }
0xbf: {  	_ =	sfence.sel $0xFFFF  }
0xc0: {  	[dreg:$0x0] =	wrdreg $0xFFFFFFFF;
	(pc) =	sbr.abs _section_cstart, $3  }
0xc1: {  	[dreg:$0x1] =	wrdreg $0xFFFFFFFF  }
0xc2: {  	_ =	task.clear_ibuf [dreg:s7], $0x2FFFF;
	_ =	strace $0x9FFFFFFF  }
0xc3: {  	(tm) =	ssettm $0x7FFFFFFF  }
tec
execute0_lowered:
.L_overlay_start_1:
0x0: {  	(tag) =	ssettag $0x1  }
0x1: {  	s0 =	rddreg [dreg:$0x0]  }
0x2: {  	s2 =	rddreg [dreg:$0x1]  }
0x3: {  	s1 =	rddreg [dreg:$0x2];
	s3 =	srdreg.scid;
	s10 =	simm.s32 $0x0  }
0x4: {  	s11 =	stileid.u32;
	s25 =	simm.s32 $0xC480;
	s26 =	simm.s32 $0xC580  }
0x5: {  	s30 =	simm.s32 $0xC680;
	s12 =	simm.s32 $0xC980;
	s13 =	simm.s32 $0xCA80  }
0x6: {  	s14 =	simm.s32 $0xCB80;
	s15 =	simm.s32 $0xCC80;
	s17 =	simm.s32 $0xC400  }
0x7: {  	s18 =	simm.s32 $0xC380;
	s19 =	simm.s32 $0xC500;
	[smem:$0x7FF] =	sst s10  }
0x8: {  	s20 =	simm.s32 $0xC600;
	_ =	strace $0x8000004D;
	[dreg:$0x4] =	wrdreg s25  }
0x9: {  	s21 =	simm.s32 $0xC700;
	s28 =	simm.s32 $0x3;
	[dreg:$0x5] =	wrdreg s26  }
0xa: {  	s29 =	simm.s32 $0x5;
	s6 =	smul.u32 $0xC380, s11;
	[dreg:$0x6] =	wrdreg s30  }
0xb: {  	s3 =	sand.u32 $0x1, s3;
	s24 =	smul.u32 $0x30E00, s11;
	[dreg:$0x9] =	wrdreg s12  }
0xc: {  	s5 =	sshll.u32 s11, $0x1;
	s31 =	smul.u32 $0x280, s11;
	[dreg:$0xa] =	wrdreg s13  }
0xd: {  	p0 =	sne.s32 s11, $0x0;
	s11 =	simm.s32 $0x11F80;
	[dreg:$0xb] =	wrdreg s14  }
0xe: {  	s4 =	smul.u32 $0xC3800, s3;
	s7 =	ssub.s32 $0x2, s3;
	[dreg:$0xc] =	wrdreg s15  }
0xf: {  	s16 =	sor.u32 s3, s5;
	s5 =	sadd.s32 $0x2600, s0;
	[dreg:$0xd] =	wrdreg s17  }
0x10: {  	s3 =	smul.u32 $0x140, s3;
	s14 =	simm.s32 $0x1;
	[dreg:$0xe] =	wrdreg s19  }
0x11: {  	s15 =	simm.s32 $0x80;
	[dreg:$0xf] =	wrdreg s20;
	s19 =	simm.s32 $0xD780  }
0x12: {  	[dreg:$0x10] =	wrdreg s21;
	s13 =	simm.s32 $0xEF80;
	s25 =	simm.s32 $0xCB00  }
0x13: {  	s20 =	simm.s32 $0xF780;
	s26 =	simm.s32 $0xCC00;
	s21 =	simm.s32 $0xFF80  }
0x14: {  	s30 =	simm.s32 $0xCD00;
	s12 =	simm.s32 $0x10F80;
	[dreg:$0x14] =	wrdreg s25  }
0x15: {  	s8 =	sshrl.u32 s7, $0x1;
	s9 =	smul.u32 $0x140, s16;
	[dreg:$0x15] =	wrdreg s26  }
0x16: {  	[dreg:$0x16] =	wrdreg s30;
	s26 =	simm.s32 $0x10780;
	s4 =	sadd.s32 s6, s4  }
0x17: {  	s22 =	ssub.s32 s7, s8;
	s6 =	sadd.s32 s6, s1;
	s8 =	simm.s32 $0xC780  }
0x18: {  	s4 =	sshrl.u32 s4, $0x3;
	s23 =	sadd.s32 s2, s9;
	[dreg:$0x7] =	wrdreg s8  }
0x19: {  	s9 =	simm.s32 $0xC880;
	s2 =	sadd.s32 s31, s2;
	[dreg:$0x18] =	wrdreg s23  }
0x1a: {  	s8 =	simm.s32 $0xDF80;
	s31 =	sshrl.u32 s6, $0x3;
	[dreg:$0x8] =	wrdreg s9  }
0x1b: {  	s0 =	sadd.s32 s4, s0;
	s4 =	smax.u32 s22, $0x1;
	[dreg:$0x1d] =	wrdreg s31  }
0x1c: {  	s2 =	sadd.s32 s3, s2;
	s22 =	simm.s32 $0xC800;
	[dreg:$0x1a] =	wrdreg s4  }
0x1d: {  	s3 =	simm.s32 $0x17780;
	s23 =	simm.s32 $0xC900;
	[dreg:$0x11] =	wrdreg s22  }
0x1e: {  	s9 =	simm.s32 $0xE780;
	s0 =	sadd.s32 $0x1AE00, s0;
	[dreg:$0x12] =	wrdreg s23  }
0x1f: {  	s2 =	sadd.s32 $0x2800, s2;
	s4 =	simm.s32 $0x7;
	[dreg:$0x19] =	wrdreg s0  }
0x20: {  	s0 =	sshrl.u32 s24, $0x2;
	[dreg:$0x1c] =	wrdreg s2;
	s24 =	simm.s32 $0xCA00  }
0x21: {  	s22 =	simm.s32 $0x10780;
	s7 =	sadd.s32 s0, s1;
	[dreg:$0x13] =	wrdreg s24  }
0x22: {  	v0 =	vimm.f32 $0.0e+00;
	s23 =	simm.s32 $0x11780;
	s24 =	simm.s32 $0xFF80;
	[dreg:$0x1b] =	wrdreg s7  }
.LBB2_1:
0x23: {  	s0 =	simm.s32 $0x0  }
.LBB2_2:
0x24: {  	p1 =	sne.s32 s0, $0x21C0  }
.Ltmp0:
0x25: {  	_ = 	snop;
	(pc) =	sbr.rel @p1 .LBB2_2-.Ltmp0, $3  }
0x26: {  	_ =	sdelay $0x1  }
0x27: {  	s2 =	sshra.s32 s0, $0x2  }
0x28: {  	s0 =	sadd.s32 $0x40, s0;
	[tilespmem:s2+$0x17780] =	vst v0  }
0x29: {  	[dreg:$0x17] =	wrdreg s10;
	s0 =	sadd.s32 $0x0, s7  }
0x2a: {  	[spmem:s0] =	stream.linear.scatter [tilespmem:s3], [sflag:$0x7], $0x880, $0x38;
	[tilespmem:$0x18000] =	vst v63  }
0x2b: {  	s0 =	simm.s32 $0x2200;
	_ =	swait.ge [sflag:s4], $0x880  }
.LBB2_4:
0x2c: {  	s2 =	sshra.s32 s0, $0x2;
	[sflag:s4] =	ssyncset.done $0x0;
	p1 =	sne.s32 s0, $0x2EC00  }
.Ltmp1:
0x2d: {  	s2 =	sadd.s32 s2, s7;
	[sflag:s4] =	ssyncadd.s32 $0xFFFFF780;
	(pc) =	sbr.rel @p1 .LBB2_4-.Ltmp1, $3  }
0x2e: {  	[spmem:s2] =	stream.linear.scatter [tilespmem:s3], [sflag:$0x7], $0x880, $0x38;
	[tilespmem:$0x18000] =	vst v63  }
0x2f: {  	s0 =	sadd.s32 $0x2200, s0;
	_ =	sdelay $0x1  }
0x30: {  	_ =	swait.ge [sflag:s4], $0x880  }
0x31: {  	[sflag:s4] =	ssyncset.done $0x0  }
0x32: {  	[sflag:s4] =	ssyncadd.s32 $0xFFFFF780  }
0x33: {  	[bflag:$0x0] =	sbarrier.arrive $0xFFFF  }
0x34: {  	s0 =	simm.s32 $0x0;
	s2 =	rddreg [dreg:$0x18]  }
0x35: {  	[tilespmem:s18], [sflag:$0x1] =	stream.linear.gather [hbm4b:s2+s0], $0xA00, $0x38;
	[tilespmem:$0x18000] =	vst v63  }
0x36: {  	_ =	swait.ge [sflag:s14], $0xA00  }
0x37: {  	[sflag:s14] =	ssyncset.done $0x0  }
0x38: {  	[sflag:s14] =	ssyncadd.s32 $0xFFFFF600  }
0x39: {  	[tilespmem:s19], [sflag:$0x3] =	stream.indirect.gather [hbm4b:s5+s15], $0x10, s18, s15, $0xb8;
	[tilespmem:$0x18000] =	vst v63  }
0x3a: {  	s17 =	rddreg [dreg:$0x4]  }
0x3b: {  	[tilespmem:s8], [sflag:$0x3] =	stream.indirect.gather [hbm4b:s5+s15], $0x10, s17, s15, $0xb8;
	[tilespmem:$0x18000] =	vst v63  }
0x3c: {  	s25 =	rddreg [dreg:$0x5]  }
0x3d: {  	[tilespmem:s9], [sflag:$0x3] =	stream.indirect.gather [hbm4b:s5+s15], $0x10, s25, s15, $0xb8;
	[tilespmem:$0x18000] =	vst v63  }
0x3e: {  	s3 =	rddreg [dreg:$0x6]  }
0x3f: {  	[tilespmem:s13], [sflag:$0x3] =	stream.indirect.gather [hbm4b:s5+s15], $0x10, s3, s15, $0xb8;
	[tilespmem:$0x18000] =	vst v63  }
0x40: {  	s4 =	rddreg [dreg:$0x7]  }
0x41: {  	[tilespmem:s20], [sflag:$0x3] =	stream.indirect.gather [hbm4b:s5+s15], $0x10, s4, s15, $0xb8;
	[tilespmem:$0x18000] =	vst v63  }
0x42: {  	s6 =	rddreg [dreg:$0x8]  }
0x43: {  	[tilespmem:s21], [sflag:$0x3] =	stream.indirect.gather [hbm4b:s5+s15], $0x10, s6, s15, $0xb8;
	[tilespmem:$0x18000] =	vst v63  }
0x44: {  	s7 =	rddreg [dreg:$0x9]  }
0x45: {  	[tilespmem:s22], [sflag:$0x3] =	stream.indirect.gather [hbm4b:s5+s15], $0x10, s7, s15, $0xb8;
	[tilespmem:$0x18000] =	vst v63  }
0x46: {  	s10 =	rddreg [dreg:$0xa]  }
0x47: {  	[tilespmem:s12], [sflag:$0x3] =	stream.indirect.gather [hbm4b:s5+s15], $0x10, s10, s15, $0xb8;
	[tilespmem:$0x18000] =	vst v63  }
0x48: {  	p2 =	por $0x1, $0x1;
	s2 =	sadd.s32 $0x0, s16;
	s17 =	rddreg [dreg:$0xb]  }
0x49: {  	[tilespmem:s23], [sflag:$0x3] =	stream.indirect.gather [hbm4b:s5+s15], $0x10, s17, s15, $0xb8;
	[tilespmem:$0x18000] =	vst v63  }
0x4a: {  	s0 =	simm.s32 @!p2 $0x6;
	s25 =	rddreg [dreg:$0xc];
	s3 =	sadd.s32 $0x20, s2  }
0x4b: {  	[tilespmem:s11], [sflag:$0x3] =	stream.indirect.gather [hbm4b:s5+s15], $0x10, s25, s15, $0xb8;
	[tilespmem:$0x18000] =	vst v63  }
0x4c: {  	p1 =	sgt.u32 s3, $0x4E1;
	_ =	swait.ge @!p2 [sflag:s0], $0x5000  }
0x4d: {  	s3 =	simm.s32 @!p1 $0x0;
	[sflag:s0] =	ssyncset.done @!p2 $0x0  }
0x4e: {  	s4 =	simm.s32 @!p1 $0xCD80;
	s17 =	rddreg [dreg:$0x1c];
	[sflag:s0] =	ssyncadd.s32 @!p2 $0xFFFFB000  }
0x4f: {  	[tilespmem:s4], [sflag:$0x2] =	stream.linear.gather @!p1 [hbm4b:s17+s3], $0xA00, $0x38;
	[tilespmem:$0x18000] =	vst v63  }
0x50: {  	_ =	swait.ge [sflag:s28], $0x5000  }
0x51: {  	[sflag:s28] =	ssyncset.done $0x0  }
0x52: {  	s3 =	rddreg [dreg:$0xd];
	[sflag:s28] =	ssyncadd.s32 $0xFFFFB000  }
0x53: {  	[spmem:s1] =	stream.indirect.scatter.add.f32 [tilespmem:s19], [sflag:$0x5], $0x10, s3, s15, $0xb8;
	[tilespmem:$0x18000] =	vst v63  }
0x54: {  	s6 =	rddreg [dreg:$0xe]  }
0x55: {  	[spmem:s1] =	stream.indirect.scatter.add.f32 [tilespmem:s8], [sflag:$0x5], $0x10, s6, s15, $0xb8;
	[tilespmem:$0x18000] =	vst v63  }
0x56: {  	s7 =	rddreg [dreg:$0xf]  }
0x57: {  	[spmem:s1] =	stream.indirect.scatter.add.f32 [tilespmem:s9], [sflag:$0x5], $0x10, s7, s15, $0xb8;
	[tilespmem:$0x18000] =	vst v63  }
0x58: {  	s8 =	rddreg [dreg:$0x10]  }
0x59: {  	[spmem:s1] =	stream.indirect.scatter.add.f32 [tilespmem:s13], [sflag:$0x5], $0x10, s8, s15, $0xb8;
	[tilespmem:$0x18000] =	vst v63  }
0x5a: {  	s10 =	rddreg [dreg:$0x11]  }
0x5b: {  	[spmem:s1] =	stream.indirect.scatter.add.f32 [tilespmem:s20], [sflag:$0x5], $0x10, s10, s15, $0xb8;
	[tilespmem:$0x18000] =	vst v63  }
0x5c: {  	s13 =	rddreg [dreg:$0x12]  }
0x5d: {  	[spmem:s1] =	stream.indirect.scatter.add.f32 [tilespmem:s21], [sflag:$0x5], $0x10, s13, s15, $0xb8;
	[tilespmem:$0x18000] =	vst v63  }
0x5e: {  	s20 =	rddreg [dreg:$0x13]  }
0x5f: {  	[spmem:s1] =	stream.indirect.scatter.add.f32 [tilespmem:s22], [sflag:$0x5], $0x10, s20, s15, $0xb8;
	[tilespmem:$0x18000] =	vst v63  }
0x60: {  	s21 =	rddreg [dreg:$0x14]  }
0x61: {  	[spmem:s1] =	stream.indirect.scatter.add.f32 [tilespmem:s12], [sflag:$0x5], $0x10, s21, s15, $0xb8;
	[tilespmem:$0x18000] =	vst v63  }
0x62: {  	s22 =	rddreg [dreg:$0x15]  }
0x63: {  	[spmem:s1] =	stream.indirect.scatter.add.f32 [tilespmem:s23], [sflag:$0x5], $0x10, s22, s15, $0xb8;
	[tilespmem:$0x18000] =	vst v63  }
0x64: {  	s25 =	rddreg [dreg:$0x16];
	s6 =	simm.s32 @!p1 $0x2  }
0x65: {  	[spmem:s1] =	stream.indirect.scatter.add.f32 [tilespmem:s11], [sflag:$0x5], $0x10, s25, s15, $0xb8;
	[tilespmem:$0x18000] =	vst v63  }
0x66: {  	_ =	swait.ge @!p1 [sflag:s6], $0xA00  }
0x67: {  	[sflag:s6] =	ssyncset.done @!p1 $0x0  }
0x68: {  	s0 =	simm.s32 @!p1 $0x80;
	s3 =	simm.s32 @!p1 $0x12780;
	[sflag:s6] =	ssyncadd.s32 @!p1 $0xFFFFF600  }
0x69: {  	[tilespmem:s3], [sflag:$0x4] =	stream.indirect.gather @!p1 [hbm4b:s5+s0], $0x10, s4, s0, $0xb8;
	[tilespmem:$0x18000] =	vst v63  }
0x6a: {  	s7 =	simm.s32 @!p1 $0x12F80;
	s4 =	simm.s32 @!p1 $0xCE80  }
0x6b: {  	[tilespmem:s7], [sflag:$0x4] =	stream.indirect.gather @!p1 [hbm4b:s5+s0], $0x10, s4, s0, $0xb8;
	[tilespmem:$0x18000] =	vst v63  }
0x6c: {  	s8 =	simm.s32 @!p1 $0x13780;
	s4 =	simm.s32 @!p1 $0xCF80  }
0x6d: {  	[tilespmem:s8], [sflag:$0x4] =	stream.indirect.gather @!p1 [hbm4b:s5+s0], $0x10, s4, s0, $0xb8;
	[tilespmem:$0x18000] =	vst v63  }
0x6e: {  	s9 =	simm.s32 @!p1 $0x13F80;
	s4 =	simm.s32 @!p1 $0xD080  }
0x6f: {  	[tilespmem:s9], [sflag:$0x4] =	stream.indirect.gather @!p1 [hbm4b:s5+s0], $0x10, s4, s0, $0xb8;
	[tilespmem:$0x18000] =	vst v63  }
0x70: {  	s10 =	simm.s32 @!p1 $0x14780;
	s4 =	simm.s32 @!p1 $0xD180  }
0x71: {  	[tilespmem:s10], [sflag:$0x4] =	stream.indirect.gather @!p1 [hbm4b:s5+s0], $0x10, s4, s0, $0xb8;
	[tilespmem:$0x18000] =	vst v63  }
0x72: {  	s11 =	simm.s32 @!p1 $0x14F80;
	s4 =	simm.s32 @!p1 $0xD280  }
0x73: {  	[tilespmem:s11], [sflag:$0x4] =	stream.indirect.gather @!p1 [hbm4b:s5+s0], $0x10, s4, s0, $0xb8;
	[tilespmem:$0x18000] =	vst v63  }
0x74: {  	s13 =	simm.s32 @!p1 $0x15780;
	s4 =	simm.s32 @!p1 $0xD380  }
0x75: {  	[tilespmem:s13], [sflag:$0x4] =	stream.indirect.gather @!p1 [hbm4b:s5+s0], $0x10, s4, s0, $0xb8;
	[tilespmem:$0x18000] =	vst v63  }
0x76: {  	s25 =	simm.s32 @!p1 $0x15F80;
	s4 =	simm.s32 @!p1 $0xD480  }
0x77: {  	[tilespmem:s25], [sflag:$0x4] =	stream.indirect.gather @!p1 [hbm4b:s5+s0], $0x10, s4, s0, $0xb8;
	[tilespmem:$0x18000] =	vst v63  }
0x78: {  	s30 =	simm.s32 @!p1 $0x16780;
	s4 =	simm.s32 @!p1 $0xD580  }
0x79: {  	[tilespmem:s30], [sflag:$0x4] =	stream.indirect.gather @!p1 [hbm4b:s5+s0], $0x10, s4, s0, $0xb8;
	[tilespmem:$0x18000] =	vst v63  }
0x7a: {  	s2 =	sadd.s32 $0x40, s2;
	s6 =	simm.s32 @!p1 $0x16F80;
	s4 =	simm.s32 @!p1 $0xD680  }
0x7b: {  	[tilespmem:s6], [sflag:$0x4] =	stream.indirect.gather @!p1 [hbm4b:s5+s0], $0x10, s4, s0, $0xb8;
	[tilespmem:$0x18000] =	vst v63  }
0x7c: {  	p2 =	sgt.u32 s2, $0x4E1;
	_ =	swait.ge [sflag:s29], $0x5000  }
0x7d: {  	s2 =	sadd.s32 @!p2 $0x2800, s17;
	[sflag:s29] =	ssyncset.done $0x0  }
0x7e: {  	s31 =	simm.s32 @!p2 $0x0;
	s4 =	simm.s32 @!p2 $0xC380;
	[sflag:s29] =	ssyncadd.s32 $0xFFFFB000  }
0x7f: {  	[tilespmem:s4], [sflag:$0x1] =	stream.linear.gather @!p2 [hbm4b:s2+s31], $0xA00, $0x38;
	[tilespmem:$0x18000] =	vst v63  }
0x80: {  	s2 =	simm.s32 @!p1 $0x4  }
0x81: {  	_ =	swait.ge @!p1 [sflag:s2], $0x5000  }
0x82: {  	[sflag:s2] =	ssyncset.done @!p1 $0x0  }
0x83: {  	[sflag:s2] =	ssyncadd.s32 @!p1 $0xFFFFB000;
	s2 =	simm.s32 @!p1 $0xCE00  }
0x84: {  	[spmem:s1] =	stream.indirect.scatter.add.f32 @!p1 [tilespmem:s3], [sflag:$0x6], $0x10, s2, s0, $0xb8;
	[tilespmem:$0x18000] =	vst v63  }
0x85: {  	s2 =	simm.s32 @!p1 $0xCF00  }
0x86: {  	[spmem:s1] =	stream.indirect.scatter.add.f32 @!p1 [tilespmem:s7], [sflag:$0x6], $0x10, s2, s0, $0xb8;
	[tilespmem:$0x18000] =	vst v63  }
0x87: {  	s2 =	simm.s32 @!p1 $0xD000  }
0x88: {  	[spmem:s1] =	stream.indirect.scatter.add.f32 @!p1 [tilespmem:s8], [sflag:$0x6], $0x10, s2, s0, $0xb8;
	[tilespmem:$0x18000] =	vst v63  }
0x89: {  	s2 =	simm.s32 @!p1 $0xD100  }
0x8a: {  	[spmem:s1] =	stream.indirect.scatter.add.f32 @!p1 [tilespmem:s9], [sflag:$0x6], $0x10, s2, s0, $0xb8;
	[tilespmem:$0x18000] =	vst v63  }
0x8b: {  	s2 =	simm.s32 @!p1 $0xD200  }
0x8c: {  	[spmem:s1] =	stream.indirect.scatter.add.f32 @!p1 [tilespmem:s10], [sflag:$0x6], $0x10, s2, s0, $0xb8;
	[tilespmem:$0x18000] =	vst v63  }
0x8d: {  	s2 =	simm.s32 @!p1 $0xD300  }
0x8e: {  	[spmem:s1] =	stream.indirect.scatter.add.f32 @!p1 [tilespmem:s11], [sflag:$0x6], $0x10, s2, s0, $0xb8;
	[tilespmem:$0x18000] =	vst v63  }
0x8f: {  	s20 =	simm.s32 $0xDF80;
	s2 =	simm.s32 @!p1 $0xD400  }
0x90: {  	[spmem:s1] =	stream.indirect.scatter.add.f32 @!p1 [tilespmem:s13], [sflag:$0x6], $0x10, s2, s0, $0xb8;
	[tilespmem:$0x18000] =	vst v63  }
0x91: {  	s21 =	simm.s32 $0xE780;
	s12 =	simm.s32 $0x11F80;
	s2 =	simm.s32 @!p1 $0xD500  }
0x92: {  	[spmem:s1] =	stream.indirect.scatter.add.f32 @!p1 [tilespmem:s25], [sflag:$0x6], $0x10, s2, s0, $0xb8;
	[tilespmem:$0x18000] =	vst v63  }
0x93: {  	s23 =	simm.s32 $0x11780;
	s22 =	simm.s32 $0xEF80;
	s2 =	simm.s32 @!p1 $0xD600  }
0x94: {  	[spmem:s1] =	stream.indirect.scatter.add.f32 @!p1 [tilespmem:s30], [sflag:$0x6], $0x10, s2, s0, $0xb8;
	[tilespmem:$0x18000] =	vst v63  }
0x95: {  	s31 =	smov.u32 s17;
	s30 =	simm.s32 $0x40;
	s2 =	simm.s32 @!p1 $0xD700  }
.LBB2_6:
0x96: {  	[spmem:s1] =	stream.indirect.scatter.add.f32 @!p1 [tilespmem:s6], [sflag:$0x6], $0x10, s2, s0, $0xb8;
	[tilespmem:$0x18000] =	vst v63  }
0x97: {  	_ =	swait.ge [sflag:s14], $0xA00  }
0x98: {  	[sflag:s14] =	ssyncset.done $0x0  }
0x99: {  	[sflag:s14] =	ssyncadd.s32 $0xFFFFF600  }
0x9a: {  	[tilespmem:s19], [sflag:$0x3] =	stream.indirect.gather [hbm4b:s5+s15], $0x10, s18, s15, $0xb8;
	[tilespmem:$0x18000] =	vst v63  }
0x9b: {  	s7 =	rddreg [dreg:$0x4]  }
0x9c: {  	[tilespmem:s20], [sflag:$0x3] =	stream.indirect.gather [hbm4b:s5+s15], $0x10, s7, s15, $0xb8;
	[tilespmem:$0x18000] =	vst v63  }
0x9d: {  	s8 =	rddreg [dreg:$0x5]  }
0x9e: {  	[tilespmem:s21], [sflag:$0x3] =	stream.indirect.gather [hbm4b:s5+s15], $0x10, s8, s15, $0xb8;
	[tilespmem:$0x18000] =	vst v63  }
0x9f: {  	s9 =	rddreg [dreg:$0x6]  }
0xa0: {  	[tilespmem:s22], [sflag:$0x3] =	stream.indirect.gather [hbm4b:s5+s15], $0x10, s9, s15, $0xb8;
	[tilespmem:$0x18000] =	vst v63  }
0xa1: {  	s10 =	rddreg [dreg:$0x7];
	s8 =	simm.s32 $0xF780  }
0xa2: {  	[tilespmem:s8], [sflag:$0x3] =	stream.indirect.gather [hbm4b:s5+s15], $0x10, s10, s15, $0xb8;
	[tilespmem:$0x18000] =	vst v63  }
0xa3: {  	s11 =	rddreg [dreg:$0x8]  }
0xa4: {  	[tilespmem:s24], [sflag:$0x3] =	stream.indirect.gather [hbm4b:s5+s15], $0x10, s11, s15, $0xb8;
	[tilespmem:$0x18000] =	vst v63  }
0xa5: {  	s13 =	rddreg [dreg:$0x9]  }
0xa6: {  	[tilespmem:s26], [sflag:$0x3] =	stream.indirect.gather [hbm4b:s5+s15], $0x10, s13, s15, $0xb8;
	[tilespmem:$0x18000] =	vst v63  }
0xa7: {  	s3 =	smov.u32 s30;
	s17 =	rddreg [dreg:$0xa];
	s7 =	simm.s32 $0x10F80  }
0xa8: {  	[tilespmem:s7], [sflag:$0x3] =	stream.indirect.gather [hbm4b:s5+s15], $0x10, s17, s15, $0xb8;
	[tilespmem:$0x18000] =	vst v63  }
0xa9: {  	p3 =	seq.s32 s3, $0x0;
	s18 =	rddreg [dreg:$0xb]  }
0xaa: {  	[tilespmem:s23], [sflag:$0x3] =	stream.indirect.gather [hbm4b:s5+s15], $0x10, s18, s15, $0xb8;
	[tilespmem:$0x18000] =	vst v63  }
0xab: {  	s3 =	sadd.s32 s3, s16;
	s25 =	rddreg [dreg:$0xc];
	s0 =	simm.s32 @!p3 $0x6  }
0xac: {  	[tilespmem:s12], [sflag:$0x3] =	stream.indirect.gather [hbm4b:s5+s15], $0x10, s25, s15, $0xb8;
	[tilespmem:$0x18000] =	vst v63  }
0xad: {  	s4 =	sadd.s32 $0x20, s3;
	_ =	swait.ge @!p3 [sflag:s0], $0x5000  }
0xae: {  	s31 =	sadd.s32 $0x5000, s31;
	p1 =	sgt.u32 s4, $0x4E1;
	[sflag:s0] =	ssyncset.done @!p3 $0x0  }
0xaf: {  	s4 =	simm.s32 @!p1 $0x0;
	s2 =	simm.s32 @!p1 $0xCD80;
	[sflag:s0] =	ssyncadd.s32 @!p3 $0xFFFFB000  }
0xb0: {  	[tilespmem:s2], [sflag:$0x2] =	stream.linear.gather @!p1 [hbm4b:s31+s4], $0xA00, $0x38;
	[tilespmem:$0x18000] =	vst v63  }
0xb1: {  	_ =	swait.ge [sflag:s28], $0x5000  }
0xb2: {  	[sflag:s28] =	ssyncset.done $0x0  }
0xb3: {  	s4 =	rddreg [dreg:$0xd];
	[sflag:s28] =	ssyncadd.s32 $0xFFFFB000  }
0xb4: {  	[spmem:s1] =	stream.indirect.scatter.add.f32 [tilespmem:s19], [sflag:$0x5], $0x10, s4, s15, $0xb8;
	[tilespmem:$0x18000] =	vst v63  }
0xb5: {  	s6 =	rddreg [dreg:$0xe]  }
0xb6: {  	[spmem:s1] =	stream.indirect.scatter.add.f32 [tilespmem:s20], [sflag:$0x5], $0x10, s6, s15, $0xb8;
	[tilespmem:$0x18000] =	vst v63  }
0xb7: {  	s9 =	rddreg [dreg:$0xf]  }
0xb8: {  	[spmem:s1] =	stream.indirect.scatter.add.f32 [tilespmem:s21], [sflag:$0x5], $0x10, s9, s15, $0xb8;
	[tilespmem:$0x18000] =	vst v63  }
0xb9: {  	s10 =	rddreg [dreg:$0x10]  }
0xba: {  	[spmem:s1] =	stream.indirect.scatter.add.f32 [tilespmem:s22], [sflag:$0x5], $0x10, s10, s15, $0xb8;
	[tilespmem:$0x18000] =	vst v63  }
0xbb: {  	s11 =	rddreg [dreg:$0x11]  }
0xbc: {  	[spmem:s1] =	stream.indirect.scatter.add.f32 [tilespmem:s8], [sflag:$0x5], $0x10, s11, s15, $0xb8;
	[tilespmem:$0x18000] =	vst v63  }
0xbd: {  	s13 =	rddreg [dreg:$0x12]  }
0xbe: {  	[spmem:s1] =	stream.indirect.scatter.add.f32 [tilespmem:s24], [sflag:$0x5], $0x10, s13, s15, $0xb8;
	[tilespmem:$0x18000] =	vst v63  }
0xbf: {  	s17 =	rddreg [dreg:$0x13]  }
0xc0: {  	[spmem:s1] =	stream.indirect.scatter.add.f32 [tilespmem:s26], [sflag:$0x5], $0x10, s17, s15, $0xb8;
	[tilespmem:$0x18000] =	vst v63  }
0xc1: {  	s18 =	rddreg [dreg:$0x14]  }
0xc2: {  	[spmem:s1] =	stream.indirect.scatter.add.f32 [tilespmem:s7], [sflag:$0x5], $0x10, s18, s15, $0xb8;
	[tilespmem:$0x18000] =	vst v63  }
0xc3: {  	s19 =	rddreg [dreg:$0x15]  }
0xc4: {  	[spmem:s1] =	stream.indirect.scatter.add.f32 [tilespmem:s23], [sflag:$0x5], $0x10, s19, s15, $0xb8;
	[tilespmem:$0x18000] =	vst v63  }
0xc5: {  	s25 =	rddreg [dreg:$0x16];
	s4 =	simm.s32 @!p1 $0x2  }
0xc6: {  	[spmem:s1] =	stream.indirect.scatter.add.f32 [tilespmem:s12], [sflag:$0x5], $0x10, s25, s15, $0xb8;
	[tilespmem:$0x18000] =	vst v63  }
0xc7: {  	_ =	swait.ge @!p1 [sflag:s4], $0xA00  }
0xc8: {  	[sflag:s4] =	ssyncset.done @!p1 $0x0  }
0xc9: {  	s0 =	simm.s32 @!p1 $0x80;
	s7 =	simm.s32 @!p1 $0x12780;
	[sflag:s4] =	ssyncadd.s32 @!p1 $0xFFFFF600  }
0xca: {  	[tilespmem:s7], [sflag:$0x4] =	stream.indirect.gather @!p1 [hbm4b:s5+s0], $0x10, s2, s0, $0xb8;
	[tilespmem:$0x18000] =	vst v63  }
0xcb: {  	s8 =	simm.s32 @!p1 $0x12F80;
	s4 =	simm.s32 @!p1 $0xCE80  }
0xcc: {  	[tilespmem:s8], [sflag:$0x4] =	stream.indirect.gather @!p1 [hbm4b:s5+s0], $0x10, s4, s0, $0xb8;
	[tilespmem:$0x18000] =	vst v63  }
0xcd: {  	s25 =	simm.s32 @!p1 $0x13780;
	s2 =	simm.s32 @!p1 $0xCF80  }
0xce: {  	[tilespmem:s25], [sflag:$0x4] =	stream.indirect.gather @!p1 [hbm4b:s5+s0], $0x10, s2, s0, $0xb8;
	[tilespmem:$0x18000] =	vst v63  }
0xcf: {  	s10 =	simm.s32 @!p1 $0x13F80;
	s4 =	simm.s32 @!p1 $0xD080  }
0xd0: {  	[tilespmem:s10], [sflag:$0x4] =	stream.indirect.gather @!p1 [hbm4b:s5+s0], $0x10, s4, s0, $0xb8;
	[tilespmem:$0x18000] =	vst v63  }
0xd1: {  	s6 =	simm.s32 @!p1 $0xD180;
	s2 =	simm.s32 @!p1 $0x14780  }
0xd2: {  	[tilespmem:s2], [sflag:$0x4] =	stream.indirect.gather @!p1 [hbm4b:s5+s0], $0x10, s6, s0, $0xb8;
	[tilespmem:$0x18000] =	vst v63  }
0xd3: {  	s11 =	simm.s32 @!p1 $0x14F80;
	s4 =	simm.s32 @!p1 $0xD280  }
0xd4: {  	[tilespmem:s11], [sflag:$0x4] =	stream.indirect.gather @!p1 [hbm4b:s5+s0], $0x10, s4, s0, $0xb8;
	[tilespmem:$0x18000] =	vst v63  }
0xd5: {  	s13 =	simm.s32 @!p1 $0x15780;
	s6 =	simm.s32 @!p1 $0xD380  }
0xd6: {  	[tilespmem:s13], [sflag:$0x4] =	stream.indirect.gather @!p1 [hbm4b:s5+s0], $0x10, s6, s0, $0xb8;
	[tilespmem:$0x18000] =	vst v63  }
0xd7: {  	s19 =	smov.u32 s16;
	s16 =	simm.s32 @!p1 $0xD480;
	s4 =	simm.s32 @!p1 $0x15F80  }
0xd8: {  	[tilespmem:s4], [sflag:$0x4] =	stream.indirect.gather @!p1 [hbm4b:s5+s0], $0x10, s16, s0, $0xb8;
	[tilespmem:$0x18000] =	vst v63  }
0xd9: {  	s9 =	simm.s32 @!p1 $0x16780;
	s17 =	simm.s32 @!p1 $0xD580  }
0xda: {  	[tilespmem:s9], [sflag:$0x4] =	stream.indirect.gather @!p1 [hbm4b:s5+s0], $0x10, s17, s0, $0xb8;
	[tilespmem:$0x18000] =	vst v63  }
0xdb: {  	s3 =	sadd.s32 $0x40, s3;
	s6 =	simm.s32 @!p1 $0x16F80;
	s16 =	simm.s32 @!p1 $0xD680  }
0xdc: {  	[tilespmem:s6], [sflag:$0x4] =	stream.indirect.gather @!p1 [hbm4b:s5+s0], $0x10, s16, s0, $0xb8;
	[tilespmem:$0x18000] =	vst v63  }
0xdd: {  	p3 =	sgt.u32 s3, $0x4E1;
	_ =	swait.ge [sflag:s29], $0x5000  }
0xde: {  	s3 =	sadd.s32 @!p3 $0x2800, s31;
	s18 =	simm.s32 @!p1 $0x4;
	[sflag:s29] =	ssyncset.done $0x0  }
0xdf: {  	s17 =	simm.s32 @!p3 $0x0;
	s16 =	simm.s32 @!p3 $0xC380;
	[sflag:s29] =	ssyncadd.s32 $0xFFFFB000  }
0xe0: {  	[tilespmem:s16], [sflag:$0x1] =	stream.linear.gather @!p3 [hbm4b:s3+s17], $0xA00, $0x38;
	[tilespmem:$0x18000] =	vst v63  }
0xe1: {  	_ =	swait.ge @!p1 [sflag:s18], $0x5000  }
0xe2: {  	[sflag:s18] =	ssyncset.done @!p1 $0x0  }
0xe3: {  	s3 =	simm.s32 @!p1 $0xCE00;
	[sflag:s18] =	ssyncadd.s32 @!p1 $0xFFFFB000  }
0xe4: {  	[spmem:s1] =	stream.indirect.scatter.add.f32 @!p1 [tilespmem:s7], [sflag:$0x6], $0x10, s3, s0, $0xb8;
	[tilespmem:$0x18000] =	vst v63  }
0xe5: {  	s16 =	simm.s32 @!p1 $0xCF00  }
0xe6: {  	[spmem:s1] =	stream.indirect.scatter.add.f32 @!p1 [tilespmem:s8], [sflag:$0x6], $0x10, s16, s0, $0xb8;
	[tilespmem:$0x18000] =	vst v63  }
0xe7: {  	s3 =	simm.s32 @!p1 $0xD000  }
0xe8: {  	[spmem:s1] =	stream.indirect.scatter.add.f32 @!p1 [tilespmem:s25], [sflag:$0x6], $0x10, s3, s0, $0xb8;
	[tilespmem:$0x18000] =	vst v63  }
0xe9: {  	s7 =	simm.s32 @!p1 $0xD100  }
0xea: {  	[spmem:s1] =	stream.indirect.scatter.add.f32 @!p1 [tilespmem:s10], [sflag:$0x6], $0x10, s7, s0, $0xb8;
	[tilespmem:$0x18000] =	vst v63  }
0xeb: {  	s3 =	simm.s32 @!p1 $0xD200  }
0xec: {  	[spmem:s1] =	stream.indirect.scatter.add.f32 @!p1 [tilespmem:s2], [sflag:$0x6], $0x10, s3, s0, $0xb8;
	[tilespmem:$0x18000] =	vst v63  }
0xed: {  	s30 =	sadd.s32 $0x40, s30;
	s7 =	simm.s32 @!p1 $0xD300  }
0xee: {  	[spmem:s1] =	stream.indirect.scatter.add.f32 @!p1 [tilespmem:s11], [sflag:$0x6], $0x10, s7, s0, $0xb8;
	[tilespmem:$0x18000] =	vst v63  }
0xef: {  	p2 =	sne.s32 s30, $0x500;
	s2 =	simm.s32 @!p1 $0xD400  }
0xf0: {  	[spmem:s1] =	stream.indirect.scatter.add.f32 @!p1 [tilespmem:s13], [sflag:$0x6], $0x10, s2, s0, $0xb8;
	[tilespmem:$0x18000] =	vst v63  }
.Ltmp2:
0xf1: {  	_ = 	snop;
	(pc) =	sbr.rel @p2 .LBB2_6-.Ltmp2, $4  }
0xf2: {  	s18 =	simm.s32 $0xC380;
	s16 =	smov.u32 s19;
	s3 =	simm.s32 @!p1 $0xD500  }
0xf3: {  	[spmem:s1] =	stream.indirect.scatter.add.f32 @!p1 [tilespmem:s4], [sflag:$0x6], $0x10, s3, s0, $0xb8;
	[tilespmem:$0x18000] =	vst v63  }
0xf4: {  	s19 =	simm.s32 $0xD780;
	s7 =	simm.s32 @!p1 $0xD600;
	s2 =	simm.s32 @!p1 $0xD700  }
0xf5: {  	[spmem:s1] =	stream.indirect.scatter.add.f32 @!p1 [tilespmem:s9], [sflag:$0x6], $0x10, s7, s0, $0xb8;
	[tilespmem:$0x18000] =	vst v63  }
0xf6: {  	[spmem:s1] =	stream.indirect.scatter.add.f32 @!p1 [tilespmem:s6], [sflag:$0x6], $0x10, s2, s0, $0xb8;
	[tilespmem:$0x18000] =	vst v63  }
0xf7: {  	s0 =	simm.s32 @!p0 $0x6  }
0xf8: {  	_ =	swait.ge @!p0 [sflag:s0], $0x5000  }
0xf9: {  	[sflag:s0] =	ssyncset.done @!p0 $0x0  }
0xfa: {  	[sflag:s0] =	ssyncadd.s32 @!p0 $0xFFFFB000  }
0xfb: {  	s25 =	stileid.u32;
	[bflag:$0x0] =	sbarrier.arrive $0xFFFF  }
0xfc: {  	s0 =	sshll.u32 s25, $0x6;
	s30 =	rddreg [dreg:$0x19]  }
0xfd: {  	s4 =	simm.s32 $0x7;
	s0 =	sor.u32 $0x1C07, s0;
	s3 =	rddreg [dreg:$0x1d]  }
0xfe: {  	[hbm:s30], [sflag:s0] =	dma.local [spmem:s3], $0x1870  }
0xff: {  	_ =	swait.ge [sflag:s4], $0x1870  }
0x100: {  	s10 =	rddreg [dreg:$0x17]  }
0x101: {  	s31 =	rddreg [dreg:$0x1a];
	s10 =	sadd.s32 $0x1, s10  }
0x102: {  	p1 =	sne.s32 s10, s31  }
.Ltmp3:
0x103: {  	s8 =	simm.s32 $0xDF80;
	(pc) =	sbr.rel @p1 .LBB2_1-.Ltmp3, $4  }
0x104: {  	s9 =	simm.s32 $0xE780;
	s13 =	simm.s32 $0xEF80;
	s20 =	simm.s32 $0xF780  }
0x105: {  	s21 =	simm.s32 $0xFF80;
	s22 =	simm.s32 $0x10780;
	s12 =	simm.s32 $0x10F80  }
0x106: {  	s23 =	simm.s32 $0x11780;
	s11 =	simm.s32 $0x11F80;
	[sflag:s4] =	ssyncset.done $0x0  }
0x107: {  	s3 =	simm.s32 $0x17780;
	s7 =	rddreg [dreg:$0x1b];
	[sflag:s4] =	ssyncadd.s32 $0xFFFFE790  }
0x108: {  	_ =	sfence.sel $0x180000  }
0x109: {  	[bflag:$0x0] =	sbarrier.arrive $0xFFFF  }
0x10a: {  	_ =	strace $0x9000004D  }
0x10b: {  	[bflag:$0x2] =	sbarrier.arrive $0xFFFF  }
0x10c: {  	s0 =	rddreg [dreg:$0x3]  }
0x10d: {  	s0 =	sadd.s32 @!p0 $0x100000, s0  }
0x10e: {  	[sflag:s0] =	ssyncadd.tile.s32 @!p0 $0x1;
	_ =	shalt  }
.Lfunc_end2:
_tile_overlayer_lowered:
.L_overlay_start_2:
0x10f: {  	(tag) =	ssettag $0x2  }
0x110: {  	s0 =	rddreg [dreg:$0x0];
	s2 =	stileid.u32  }
0x111: {  	s1 =	rddreg [dreg:$0x1];
	p0 =	sne.s32 s2, $0x0  }
0x112: {  	s3 =	rddreg [dreg:$0x2];
	[bflag:$0x3] =	sbarrier.arrive $0xFFFF;
	s2 =	simm.s32 @!p0 $0x1C07  }
0x113: {  	[timem:s3], [sflag:s2] =	dma.local @!p0 [hbm:s0], s1  }
0x114: {  	s0 =	simm.s32 @!p0 $0x7  }
0x115: {  	_ =	swait.ge @!p0 [sflag:s0], s1  }
0x116: {  	s1 =	ssub.s32 @!p0 $0x0, s1;
	[sflag:s0] =	ssyncset.done @!p0 $0x0  }
0x117: {  	[sflag:s0] =	ssyncadd.s32 @!p0 s1  }
0x118: {  	[bflag:$0x3] =	sbarrier.arrive $0xFFFF  }
0x119: {  	_ =	shalt  }

</sc_bundles>
